<compile_context>
chip_gen: v7x
topology: tpu7x:2x2x1
jax: 0.10.2.dev20260603
libtpu: 0.0.44.dev20260713+nightly
codegen_flags: <defaults>
</compile_context>

<pallas_src>
import functools

import jax
import jax.numpy as jnp
from jax import lax
from jax.experimental import pallas as pl
from jax.experimental.pallas import tpu as pltpu
from jax.experimental.pallas import tpu_sc as plsc

C = 2048
K = 1024
NROW = 2 * C
S = 4096
NW = 32
CHUNK = 8
NCHUNK = 8
NBUF = 2
RCH = 256


def _rank_lt_k(b_row, b_col):
    cols = []
    for ci in range(C // RCH):
        bi = lax.slice(b_col, (ci * RCH, 0), ((ci + 1) * RCH, 1))
        fi = lax.broadcasted_iota(jnp.int32, (RCH, C), 0) + ci * RCH
        fj = lax.broadcasted_iota(jnp.int32, (RCH, C), 1)
        beat = (b_row > bi) | ((b_row == bi) & (fj < fi))
        rank = jnp.sum(beat.astype(jnp.int32), axis=1, keepdims=True)
        cols.append((rank < K).astype(jnp.int32))
    return jnp.concatenate(cols, axis=0)


def _inclusive_cumsum(m_col):
    m_row = jnp.transpose(m_col)
    outs = []
    for ci in range(C // RCH):
        fi = lax.broadcasted_iota(jnp.int32, (RCH, C), 0) + ci * RCH
        fj = lax.broadcasted_iota(jnp.int32, (RCH, C), 1)
        tri = (fj <= fi).astype(jnp.int32)
        outs.append(jnp.sum(tri * m_row, axis=1, keepdims=True))
    return jnp.concatenate(outs, axis=0)


def _compact(m_col):
    pos = _inclusive_cumsum(m_col) - 1
    ks = lax.broadcasted_iota(jnp.int32, (C, K), 1)
    fi = lax.broadcasted_iota(jnp.int32, (C, K), 0)
    onehot = (pos == ks) & (m_col == 1)
    return jnp.sum(jnp.where(onehot, fi, 0), axis=0, keepdims=True)


def _index_kernel(b1r_ref, b1c_ref, b2r_ref, b2c_ref, src_ref, dst_ref):
    b1r = jnp.abs(b1r_ref[...])
    b1c = jnp.abs(b1c_ref[...])
    b2r = jnp.abs(b2r_ref[...])
    b2c = jnp.abs(b2c_ref[...])

    id1 = _rank_lt_k(b1r, b1c)
    id2 = _rank_lt_k(b2r, b2c)

    i1t = _compact(id1)
    i1f = _compact(1 - id1)
    i2t = _compact(id2)
    i2f = _compact(1 - id2)

    src_ref[...] = jnp.concatenate(
        [i1t, i1t + C, i2f, i2f + C, i2t, i2t + C, i1f, i1f + C], axis=0)
    dst_ref[...] = jnp.concatenate(
        [i1t, i1t + C, i1f, i1f + C, i2t, i2t + C, i2f, i2f + C], axis=0)


def _build_rows(bn1, bn2):
    return pl.pallas_call(
        _index_kernel,
        out_shape=(jax.ShapeDtypeStruct((8, K), jnp.int32),
                   jax.ShapeDtypeStruct((8, K), jnp.int32)),
    )(bn1.reshape(1, C), bn1.reshape(C, 1),
      bn2.reshape(1, C), bn2.reshape(C, 1))


@functools.cache
def _make_exchange_sc():
    mesh = plsc.VectorSubcoreMesh(core_axis_name="c", subcore_axis_name="s")
    return pl.kernel(
        _exchange_sc_body,
        out_type=(jax.ShapeDtypeStruct((NROW, S), jnp.float32),
                  jax.ShapeDtypeStruct((NROW, S), jnp.float32)),
        mesh=mesh,
        scratch_types=[
            pltpu.VMEM((4, NCHUNK, CHUNK), jnp.int32),
            pltpu.VMEM((4, NCHUNK, CHUNK), jnp.int32),
            pltpu.VMEM((NBUF, CHUNK, S), jnp.float32),
            pltpu.SemaphoreType.DMA,
            pltpu.SemaphoreType.DMA,
            pltpu.SemaphoreType.DMA,
            pltpu.SemaphoreType.DMA,
            pltpu.SemaphoreType.DMA,
            pltpu.SemaphoreType.DMA,
            pltpu.SemaphoreType.DMA,
        ],
    )


def _exchange_sc_body(x1h, x2h, srch, dsth, y1h, y2h,
                      sidx, didx, bufring, *sems):
    wid = lax.axis_index("s") * 2 + lax.axis_index("c")
    sub = wid % 16
    half = wid // 16
    isem = sems[2 * NBUF]
    icps = []
    for g in range(4):
        icps.append(pltpu.async_copy(srch.at[2 * g + half, sub],
                                     sidx.at[g], isem))
        icps.append(pltpu.async_copy(dsth.at[2 * g + half, sub],
                                     didx.at[g], isem))
    for cp in icps:
        cp.wait()

    srcs = (x1h, x2h, x2h, x1h)
    dsts = (y1h, y1h, y2h, y2h)
    gsems = sems[:NBUF]
    ssems = sems[NBUF:2 * NBUF]

    def gather(g, j, b):
        pltpu.async_copy(srcs[g].at[sidx.at[g, j]], bufring.at[b], gsems[b])

    def gather_wait(g, j, b):
        pltpu.make_async_copy(srcs[g].at[sidx.at[g, j]], bufring.at[b],
                              gsems[b]).wait()

    def scatter(g, j, b):
        pltpu.async_copy(bufring.at[b], dsts[g].at[didx.at[g, j]], ssems[b])

    def scatter_wait(g, j, b):
        pltpu.make_async_copy(bufring.at[b], dsts[g].at[didx.at[g, j]],
                              ssems[b]).wait()

    for g in range(4):
        gather(g, 0, 0)
        gather(g, 1, 1)

        def body(p, carry, g=g):
            j = 2 * p
            gather_wait(g, j, 0)
            scatter(g, j, 0)
            scatter_wait(g, j, 0)
            gather(g, j + 2, 0)
            gather_wait(g, j + 1, 1)
            scatter(g, j + 1, 1)
            scatter_wait(g, j + 1, 1)
            gather(g, j + 3, 1)
            return carry

        lax.fori_loop(0, (NCHUNK - 2) // 2, body, 0)
        gather_wait(g, NCHUNK - 2, 0)
        scatter(g, NCHUNK - 2, 0)
        gather_wait(g, NCHUNK - 1, 1)
        scatter(g, NCHUNK - 1, 1)
        scatter_wait(g, NCHUNK - 2, 0)
        scatter_wait(g, NCHUNK - 1, 1)


def kernel(x1, x2, bn1, bn2):
    B = x1.shape[0]
    src_rows, dst_rows = _build_rows(bn1, bn2)
    src_w = src_rows.reshape(8, 16, NCHUNK, CHUNK)
    dst_w = dst_rows.reshape(8, 16, NCHUNK, CHUNK)
    y1, y2 = _make_exchange_sc()(x1.reshape(NROW, S), x2.reshape(NROW, S),
                                 src_w, dst_w)
    return y1.reshape(B, C, S), y2.reshape(B, C, S)

# --- scband reference (transcript-rebuilt; emitter-appended) ---
"""Pipeline reference for scband-exchange-2104533975589 (READ-ONLY COPY).

The authoritative reference and input builder live on the scoring server;
editing this copy changes nothing except your own understanding.
"""

import jax, jax.numpy as jnp
import numpy as np

EXCHANGE_RATIO = 0.5
B, C, S = 2, 2048, 4096


def setup_inputs(seed: int = 0) -> dict:
    key = jax.random.key(seed)
    k1, k2, k3, k4 = jax.random.split(key, 4)
    x1 = jax.random.normal(k1, (B, C, S), dtype=jnp.float32)
    x2 = jax.random.normal(k2, (B, C, S), dtype=jnp.float32)
    bn1 = jax.random.normal(k3, (C,), dtype=jnp.float32)
    bn2 = jax.random.normal(k4, (C,), dtype=jnp.float32)
    return {"x1": x1, "x2": x2, "bn1": bn1, "bn2": bn2}


def reference(x1, x2, bn1, bn2):
    C_ = bn1.shape[0]
    topk = int(C_ * (1.0 - EXCHANGE_RATIO))
    nfalse = C_ - topk
    b1 = jnp.abs(bn1)
    b2 = jnp.abs(bn2)
    _, ind1 = jax.lax.top_k(b1, topk)
    id1 = jnp.zeros((C_,), dtype=bool).at[ind1].set(True)
    _, ind2 = jax.lax.top_k(b2, topk)
    id2 = jnp.zeros((C_,), dtype=bool).at[ind2].set(True)
    # boolean mask indexing in torch gathers/scatters in ascending index order
    idx1_t = jnp.nonzero(id1, size=topk)[0]
    idx1_f = jnp.nonzero(~id1, size=nfalse)[0]
    idx2_t = jnp.nonzero(id2, size=topk)[0]
    idx2_f = jnp.nonzero(~id2, size=nfalse)[0]
    y1 = jnp.zeros_like(x1)
    y1 = y1.at[:, idx1_t, :].set(x1[:, idx1_t, :])
    y1 = y1.at[:, idx1_f, :].set(x2[:, idx2_f, :])
    y2 = jnp.zeros_like(x2)
    y2 = y2.at[:, idx2_t, :].set(x2[:, idx2_t, :])
    y2 = y2.at[:, idx2_f, :].set(x1[:, idx1_f, :])
    return (y1, y2)

if __name__ == "__main__":
    import jax
    _d = setup_inputs()
    print(jax.jit(kernel)(*tuple(_d.values())))

</pallas_src>

<mosaic_0001>
#map = affine_map<(d0, d1) -> (0, 0)>
#map1 = affine_map<(d0, d1) -> (0, 0, 0, 0)>
module attributes {stable_mosaic.version = 14 : i64} {
  func.func @_exchange_sc_body(%arg0: i32, %arg1: i32, %arg2: memref<4096x4096xf32, #tpu.memory_space<hbm>>, %arg3: memref<4096x4096xf32, #tpu.memory_space<hbm>>, %arg4: memref<8x16x8x8xi32, #tpu.memory_space<hbm>>, %arg5: memref<8x16x8x8xi32, #tpu.memory_space<hbm>>, %arg6: memref<4096x4096xf32, #tpu.memory_space<hbm>>, %arg7: memref<4096x4096xf32, #tpu.memory_space<hbm>>, %arg8: memref<4x8x8xi32, #tpu.memory_space<vmem>>, %arg9: memref<4x8x8xi32, #tpu.memory_space<vmem>>, %arg10: memref<2x8x4096xf32, #tpu.memory_space<vmem>>, %arg11: memref<!tpu.dma_semaphore, #tpu.memory_space<semaphore_mem>>, %arg12: memref<!tpu.dma_semaphore, #tpu.memory_space<semaphore_mem>>, %arg13: memref<!tpu.dma_semaphore, #tpu.memory_space<semaphore_mem>>, %arg14: memref<!tpu.dma_semaphore, #tpu.memory_space<semaphore_mem>>, %arg15: memref<!tpu.dma_semaphore, #tpu.memory_space<semaphore_mem>>, %arg16: memref<!tpu.dma_semaphore, #tpu.memory_space<semaphore_mem>>, %arg17: memref<!tpu.dma_semaphore, #tpu.memory_space<semaphore_mem>>) attributes {dimension_semantics = [#tpu.dimension_semantics<core_parallel>, #tpu.dimension_semantics<subcore_parallel>], iteration_bounds = array<i64: 2, 16>, scalar_prefetch = 0 : i64, scratch_operands = 10 : i64, tpu.core_type = #tpu.core_type<sc_vector_subcore>, window_params = [{transform_indices = #map}, {transform_indices = #map}, {transform_indices = #map1}, {transform_indices = #map1}, {transform_indices = #map}, {transform_indices = #map}]} {
    %mul3A = arith.constant 2 : i32
    %mul3A_0 = arith.muli %arg1, %mul3A : i32
    %add3A = arith.addi %mul3A_0, %arg0 : i32
    %jit3A = arith.constant 16 : i32
    %eq3A = arith.constant 0 : i32
    %eq3A_1 = arith.cmpi eq, %jit3A, %eq3A : i32
    %jit3A_2 = arith.constant 1 : i32
    %select_n3A = arith.select %eq3A_1, %jit3A_2, %jit3A : i32
    %rem3A = arith.remsi %add3A, %select_n3A : i32
    %ne3A = arith.constant 0 : i32
    %ne3A_3 = arith.cmpi ne, %rem3A, %ne3A : i32
    %lt3A = arith.constant 0 : i32
    %lt3A_4 = arith.cmpi slt, %rem3A, %lt3A : i32
    %lt3A_5 = arith.constant 0 : i32
    %lt3A_6 = arith.cmpi slt, %select_n3A, %lt3A_5 : i32
    %ne3A_7 = arith.xori %lt3A_4, %lt3A_6 : i1
    %and3A = arith.andi %ne3A_7, %ne3A_3 : i1
    %add3A_8 = arith.addi %rem3A, %select_n3A : i32
    %select_n3A_9 = arith.select %and3A, %add3A_8, %rem3A : i32
    %jit3A_10 = arith.constant 16 : i32
    %div3A = arith.divsi %add3A, %jit3A_10 : i32
    %sign3A = arith.constant 0 : i32
    %sign3A_11 = arith.cmpi sgt, %add3A, %sign3A : i32
    %sign3A_12 = arith.extui %sign3A_11 : i1 to i32
    %sign3A_13 = arith.constant 0 : i32
    %sign3A_14 = arith.cmpi slt, %add3A, %sign3A_13 : i32
    %sign3A_15 = arith.extui %sign3A_14 : i1 to i32
    %sign3A_16 = arith.subi %sign3A_12, %sign3A_15 : i32
    %sign3A_17 = arith.constant 0 : i32
    %sign3A_18 = arith.cmpi sgt, %jit3A_10, %sign3A_17 : i32
    %sign3A_19 = arith.extui %sign3A_18 : i1 to i32
    %sign3A_20 = arith.constant 0 : i32
    %sign3A_21 = arith.cmpi slt, %jit3A_10, %sign3A_20 : i32
    %sign3A_22 = arith.extui %sign3A_21 : i1 to i32
    %sign3A_23 = arith.subi %sign3A_19, %sign3A_22 : i32
    %ne3A_24 = arith.cmpi ne, %sign3A_16, %sign3A_23 : i32
    %rem3A_25 = arith.remsi %add3A, %jit3A_10 : i32
    %ne3A_26 = arith.constant 0 : i32
    %ne3A_27 = arith.cmpi ne, %rem3A_25, %ne3A_26 : i32
    %and3A_28 = arith.andi %ne3A_24, %ne3A_27 : i1
    %sub3A = arith.constant 1 : i32
    %sub3A_29 = arith.subi %div3A, %sub3A : i32
    %select_n3A_30 = arith.select %and3A_28, %sub3A_29, %div3A : i32
    %add3A_31 = arith.constant 0 : i32
    %add3A_32 = arith.addi %add3A_31, %select_n3A_30 : i32
    %dma_start3A = arith.constant 0 : i32
    %dma_start3A_33 = arith.constant 0 : i32
    %dma_start3A_34 = arith.constant 0 : i32
    %dma_start3A_35 = tpu.memref_slice %arg8[%dma_start3A, %dma_start3A_33, %dma_start3A_34] : memref<4x8x8xi32, #tpu.memory_space<vmem>> -> memref<1x8x8xi32, #tpu.memory_space<vmem>>
    %dma_start3A_36 = tpu.memref_squeeze %dma_start3A_35 : memref<1x8x8xi32, #tpu.memory_space<vmem>> -> memref<8x8xi32, #tpu.memory_space<vmem>>
    %dma_start3A_37 = arith.constant 0 : i32
    %dma_start3A_38 = arith.constant 0 : i32
    %dma_start3A_39 = tpu.memref_slice %arg4[%add3A_32, %select_n3A_9, %dma_start3A_37, %dma_start3A_38] : memref<8x16x8x8xi32, #tpu.memory_space<hbm>> -> memref<1x1x8x8xi32, #tpu.memory_space<hbm>>
    %dma_start3A_40 = tpu.memref_squeeze %dma_start3A_39 : memref<1x1x8x8xi32, #tpu.memory_space<hbm>> -> memref<8x8xi32, #tpu.memory_space<hbm>>
    %dma_start3A_41 = arith.constant 0 : i32
    %dma_start3A_42 = arith.constant 0 : i32
    %dma_start3A_43 = tpu.memref_slice %arg8[%dma_start3A, %dma_start3A_41, %dma_start3A_42] : memref<4x8x8xi32, #tpu.memory_space<vmem>> -> memref<1x8x8xi32, #tpu.memory_space<vmem>>
    %dma_start3A_44 = tpu.memref_squeeze %dma_start3A_43 : memref<1x8x8xi32, #tpu.memory_space<vmem>> -> memref<8x8xi32, #tpu.memory_space<vmem>>
    %dma_start3A_45 = arith.constant 0 : i32
    %dma_start3A_46 = arith.constant 0 : i32
    %dma_start3A_47 = tpu.memref_slice %arg4[%add3A_32, %select_n3A_9, %dma_start3A_45, %dma_start3A_46] : memref<8x16x8x8xi32, #tpu.memory_space<hbm>> -> memref<1x1x8x8xi32, #tpu.memory_space<hbm>>
    %dma_start3A_48 = tpu.memref_squeeze %dma_start3A_47 : memref<1x1x8x8xi32, #tpu.memory_space<hbm>> -> memref<8x8xi32, #tpu.memory_space<hbm>>
    tpu.enqueue_dma source(%dma_start3A_48 : memref<8x8xi32, #tpu.memory_space<hbm>>) target(%dma_start3A_44 : memref<8x8xi32, #tpu.memory_space<vmem>>) target_semaphore(%arg15 : memref<!tpu.dma_semaphore, #tpu.memory_space<semaphore_mem>>)
    %add3A_49 = arith.constant 0 : i32
    %add3A_50 = arith.addi %add3A_49, %select_n3A_30 : i32
    %dma_start3A_51 = arith.constant 0 : i32
    %dma_start3A_52 = arith.constant 0 : i32
    %dma_start3A_53 = arith.constant 0 : i32
    %dma_start3A_54 = tpu.memref_slice %arg9[%dma_start3A_51, %dma_start3A_52, %dma_start3A_53] : memref<4x8x8xi32, #tpu.memory_space<vmem>> -> memref<1x8x8xi32, #tpu.memory_space<vmem>>
    %dma_start3A_55 = tpu.memref_squeeze %dma_start3A_54 : memref<1x8x8xi32, #tpu.memory_space<vmem>> -> memref<8x8xi32, #tpu.memory_space<vmem>>
    %dma_start3A_56 = arith.constant 0 : i32
    %dma_start3A_57 = arith.constant 0 : i32
    %dma_start3A_58 = tpu.memref_slice %arg5[%add3A_50, %select_n3A_9, %dma_start3A_56, %dma_start3A_57] : memref<8x16x8x8xi32, #tpu.memory_space<hbm>> -> memref<1x1x8x8xi32, #tpu.memory_space<hbm>>
    %dma_start3A_59 = tpu.memref_squeeze %dma_start3A_58 : memref<1x1x8x8xi32, #tpu.memory_space<hbm>> -> memref<8x8xi32, #tpu.memory_space<hbm>>
    %dma_start3A_60 = arith.constant 0 : i32
    %dma_start3A_61 = arith.constant 0 : i32
    %dma_start3A_62 = tpu.memref_slice %arg9[%dma_start3A_51, %dma_start3A_60, %dma_start3A_61] : memref<4x8x8xi32, #tpu.memory_space<vmem>> -> memref<1x8x8xi32, #tpu.memory_space<vmem>>
    %dma_start3A_63 = tpu.memref_squeeze %dma_start3A_62 : memref<1x8x8xi32, #tpu.memory_space<vmem>> -> memref<8x8xi32, #tpu.memory_space<vmem>>
    %dma_start3A_64 = arith.constant 0 : i32
    %dma_start3A_65 = arith.constant 0 : i32
    %dma_start3A_66 = tpu.memref_slice %arg5[%add3A_50, %select_n3A_9, %dma_start3A_64, %dma_start3A_65] : memref<8x16x8x8xi32, #tpu.memory_space<hbm>> -> memref<1x1x8x8xi32, #tpu.memory_space<hbm>>
    %dma_start3A_67 = tpu.memref_squeeze %dma_start3A_66 : memref<1x1x8x8xi32, #tpu.memory_space<hbm>> -> memref<8x8xi32, #tpu.memory_space<hbm>>
    tpu.enqueue_dma source(%dma_start3A_67 : memref<8x8xi32, #tpu.memory_space<hbm>>) target(%dma_start3A_63 : memref<8x8xi32, #tpu.memory_space<vmem>>) target_semaphore(%arg15 : memref<!tpu.dma_semaphore, #tpu.memory_space<semaphore_mem>>)
    %add3A_68 = arith.constant 2 : i32
    %add3A_69 = arith.addi %add3A_68, %select_n3A_30 : i32
    %dma_start3A_70 = arith.constant 1 : i32
    %dma_start3A_71 = arith.constant 0 : i32
    %dma_start3A_72 = arith.constant 0 : i32
    %dma_start3A_73 = tpu.memref_slice %arg8[%dma_start3A_70, %dma_start3A_71, %dma_start3A_72] : memref<4x8x8xi32, #tpu.memory_space<vmem>> -> memref<1x8x8xi32, #tpu.memory_space<vmem>>
    %dma_start3A_74 = tpu.memref_squeeze %dma_start3A_73 : memref<1x8x8xi32, #tpu.memory_space<vmem>> -> memref<8x8xi32, #tpu.memory_space<vmem>>
    %dma_start3A_75 = arith.constant 0 : i32
    %dma_start3A_76 = arith.constant 0 : i32
    %dma_start3A_77 = tpu.memref_slice %arg4[%add3A_69, %select_n3A_9, %dma_start3A_75, %dma_start3A_76] : memref<8x16x8x8xi32, #tpu.memory_space<hbm>> -> memref<1x1x8x8xi32, #tpu.memory_space<hbm>>
    %dma_start3A_78 = tpu.memref_squeeze %dma_start3A_77 : memref<1x1x8x8xi32, #tpu.memory_space<hbm>> -> memref<8x8xi32, #tpu.memory_space<hbm>>
    %dma_start3A_79 = arith.constant 0 : i32
    %dma_start3A_80 = arith.constant 0 : i32
    %dma_start3A_81 = tpu.memref_slice %arg8[%dma_start3A_70, %dma_start3A_79, %dma_start3A_80] : memref<4x8x8xi32, #tpu.memory_space<vmem>> -> memref<1x8x8xi32, #tpu.memory_space<vmem>>
    %dma_start3A_82 = tpu.memref_squeeze %dma_start3A_81 : memref<1x8x8xi32, #tpu.memory_space<vmem>> -> memref<8x8xi32, #tpu.memory_space<vmem>>
    %dma_start3A_83 = arith.constant 0 : i32
    %dma_start3A_84 = arith.constant 0 : i32
    %dma_start3A_85 = tpu.memref_slice %arg4[%add3A_69, %select_n3A_9, %dma_start3A_83, %dma_start3A_84] : memref<8x16x8x8xi32, #tpu.memory_space<hbm>> -> memref<1x1x8x8xi32, #tpu.memory_space<hbm>>
    %dma_start3A_86 = tpu.memref_squeeze %dma_start3A_85 : memref<1x1x8x8xi32, #tpu.memory_space<hbm>> -> memref<8x8xi32, #tpu.memory_space<hbm>>
    tpu.enqueue_dma source(%dma_start3A_86 : memref<8x8xi32, #tpu.memory_space<hbm>>) target(%dma_start3A_82 : memref<8x8xi32, #tpu.memory_space<vmem>>) target_semaphore(%arg15 : memref<!tpu.dma_semaphore, #tpu.memory_space<semaphore_mem>>)
    %add3A_87 = arith.constant 2 : i32
    %add3A_88 = arith.addi %add3A_87, %select_n3A_30 : i32
    %dma_start3A_89 = arith.constant 1 : i32
    %dma_start3A_90 = arith.constant 0 : i32
    %dma_start3A_91 = arith.constant 0 : i32
    %dma_start3A_92 = tpu.memref_slice %arg9[%dma_start3A_89, %dma_start3A_90, %dma_start3A_91] : memref<4x8x8xi32, #tpu.memory_space<vmem>> -> memref<1x8x8xi32, #tpu.memory_space<vmem>>
    %dma_start3A_93 = tpu.memref_squeeze %dma_start3A_92 : memref<1x8x8xi32, #tpu.memory_space<vmem>> -> memref<8x8xi32, #tpu.memory_space<vmem>>
    %dma_start3A_94 = arith.constant 0 : i32
    %dma_start3A_95 = arith.constant 0 : i32
    %dma_start3A_96 = tpu.memref_slice %arg5[%add3A_88, %select_n3A_9, %dma_start3A_94, %dma_start3A_95] : memref<8x16x8x8xi32, #tpu.memory_space<hbm>> -> memref<1x1x8x8xi32, #tpu.memory_space<hbm>>
    %dma_start3A_97 = tpu.memref_squeeze %dma_start3A_96 : memref<1x1x8x8xi32, #tpu.memory_space<hbm>> -> memref<8x8xi32, #tpu.memory_space<hbm>>
    %dma_start3A_98 = arith.constant 0 : i32
    %dma_start3A_99 = arith.constant 0 : i32
    %dma_start3A_100 = tpu.memref_slice %arg9[%dma_start3A_89, %dma_start3A_98, %dma_start3A_99] : memref<4x8x8xi32, #tpu.memory_space<vmem>> -> memref<1x8x8xi32, #tpu.memory_space<vmem>>
    %dma_start3A_101 = tpu.memref_squeeze %dma_start3A_100 : memref<1x8x8xi32, #tpu.memory_space<vmem>> -> memref<8x8xi32, #tpu.memory_space<vmem>>
    %dma_start3A_102 = arith.constant 0 : i32
    %dma_start3A_103 = arith.constant 0 : i32
    %dma_start3A_104 = tpu.memref_slice %arg5[%add3A_88, %select_n3A_9, %dma_start3A_102, %dma_start3A_103] : memref<8x16x8x8xi32, #tpu.memory_space<hbm>> -> memref<1x1x8x8xi32, #tpu.memory_space<hbm>>
    %dma_start3A_105 = tpu.memref_squeeze %dma_start3A_104 : memref<1x1x8x8xi32, #tpu.memory_space<hbm>> -> memref<8x8xi32, #tpu.memory_space<hbm>>
    tpu.enqueue_dma source(%dma_start3A_105 : memref<8x8xi32, #tpu.memory_space<hbm>>) target(%dma_start3A_101 : memref<8x8xi32, #tpu.memory_space<vmem>>) target_semaphore(%arg15 : memref<!tpu.dma_semaphore, #tpu.memory_space<semaphore_mem>>)
    %add3A_106 = arith.constant 4 : i32
    %add3A_107 = arith.addi %add3A_106, %select_n3A_30 : i32
    %dma_start3A_108 = arith.constant 2 : i32
    %dma_start3A_109 = arith.constant 0 : i32
    %dma_start3A_110 = arith.constant 0 : i32
    %dma_start3A_111 = tpu.memref_slice %arg8[%dma_start3A_108, %dma_start3A_109, %dma_start3A_110] : memref<4x8x8xi32, #tpu.memory_space<vmem>> -> memref<1x8x8xi32, #tpu.memory_space<vmem>>
    %dma_start3A_112 = tpu.memref_squeeze %dma_start3A_111 : memref<1x8x8xi32, #tpu.memory_space<vmem>> -> memref<8x8xi32, #tpu.memory_space<vmem>>
    %dma_start3A_113 = arith.constant 0 : i32
    %dma_start3A_114 = arith.constant 0 : i32
    %dma_start3A_115 = tpu.memref_slice %arg4[%add3A_107, %select_n3A_9, %dma_start3A_113, %dma_start3A_114] : memref<8x16x8x8xi32, #tpu.memory_space<hbm>> -> memref<1x1x8x8xi32, #tpu.memory_space<hbm>>
    %dma_start3A_116 = tpu.memref_squeeze %dma_start3A_115 : memref<1x1x8x8xi32, #tpu.memory_space<hbm>> -> memref<8x8xi32, #tpu.memory_space<hbm>>
    %dma_start3A_117 = arith.constant 0 : i32
    %dma_start3A_118 = arith.constant 0 : i32
    %dma_start3A_119 = tpu.memref_slice %arg8[%dma_start3A_108, %dma_start3A_117, %dma_start3A_118] : memref<4x8x8xi32, #tpu.memory_space<vmem>> -> memref<1x8x8xi32, #tpu.memory_space<vmem>>
    %dma_start3A_120 = tpu.memref_squeeze %dma_start3A_119 : memref<1x8x8xi32, #tpu.memory_space<vmem>> -> memref<8x8xi32, #tpu.memory_space<vmem>>
    %dma_start3A_121 = arith.constant 0 : i32
    %dma_start3A_122 = arith.constant 0 : i32
    %dma_start3A_123 = tpu.memref_slice %arg4[%add3A_107, %select_n3A_9, %dma_start3A_121, %dma_start3A_122] : memref<8x16x8x8xi32, #tpu.memory_space<hbm>> -> memref<1x1x8x8xi32, #tpu.memory_space<hbm>>
    %dma_start3A_124 = tpu.memref_squeeze %dma_start3A_123 : memref<1x1x8x8xi32, #tpu.memory_space<hbm>> -> memref<8x8xi32, #tpu.memory_space<hbm>>
    tpu.enqueue_dma source(%dma_start3A_124 : memref<8x8xi32, #tpu.memory_space<hbm>>) target(%dma_start3A_120 : memref<8x8xi32, #tpu.memory_space<vmem>>) target_semaphore(%arg15 : memref<!tpu.dma_semaphore, #tpu.memory_space<semaphore_mem>>)
    %add3A_125 = arith.constant 4 : i32
    %add3A_126 = arith.addi %add3A_125, %select_n3A_30 : i32
    %dma_start3A_127 = arith.constant 2 : i32
    %dma_start3A_128 = arith.constant 0 : i32
    %dma_start3A_129 = arith.constant 0 : i32
    %dma_start3A_130 = tpu.memref_slice %arg9[%dma_start3A_127, %dma_start3A_128, %dma_start3A_129] : memref<4x8x8xi32, #tpu.memory_space<vmem>> -> memref<1x8x8xi32, #tpu.memory_space<vmem>>
    %dma_start3A_131 = tpu.memref_squeeze %dma_start3A_130 : memref<1x8x8xi32, #tpu.memory_space<vmem>> -> memref<8x8xi32, #tpu.memory_space<vmem>>
    %dma_start3A_132 = arith.constant 0 : i32
    %dma_start3A_133 = arith.constant 0 : i32
    %dma_start3A_134 = tpu.memref_slice %arg5[%add3A_126, %select_n3A_9, %dma_start3A_132, %dma_start3A_133] : memref<8x16x8x8xi32, #tpu.memory_space<hbm>> -> memref<1x1x8x8xi32, #tpu.memory_space<hbm>>
    %dma_start3A_135 = tpu.memref_squeeze %dma_start3A_134 : memref<1x1x8x8xi32, #tpu.memory_space<hbm>> -> memref<8x8xi32, #tpu.memory_space<hbm>>
    %dma_start3A_136 = arith.constant 0 : i32
    %dma_start3A_137 = arith.constant 0 : i32
    %dma_start3A_138 = tpu.memref_slice %arg9[%dma_start3A_127, %dma_start3A_136, %dma_start3A_137] : memref<4x8x8xi32, #tpu.memory_space<vmem>> -> memref<1x8x8xi32, #tpu.memory_space<vmem>>
    %dma_start3A_139 = tpu.memref_squeeze %dma_start3A_138 : memref<1x8x8xi32, #tpu.memory_space<vmem>> -> memref<8x8xi32, #tpu.memory_space<vmem>>
    %dma_start3A_140 = arith.constant 0 : i32
    %dma_start3A_141 = arith.constant 0 : i32
    %dma_start3A_142 = tpu.memref_slice %arg5[%add3A_126, %select_n3A_9, %dma_start3A_140, %dma_start3A_141] : memref<8x16x8x8xi32, #tpu.memory_space<hbm>> -> memref<1x1x8x8xi32, #tpu.memory_space<hbm>>
    %dma_start3A_143 = tpu.memref_squeeze %dma_start3A_142 : memref<1x1x8x8xi32, #tpu.memory_space<hbm>> -> memref<8x8xi32, #tpu.memory_space<hbm>>
    tpu.enqueue_dma source(%dma_start3A_143 : memref<8x8xi32, #tpu.memory_space<hbm>>) target(%dma_start3A_139 : memref<8x8xi32, #tpu.memory_space<vmem>>) target_semaphore(%arg15 : memref<!tpu.dma_semaphore, #tpu.memory_space<semaphore_mem>>)
    %add3A_144 = arith.constant 6 : i32
    %add3A_145 = arith.addi %add3A_144, %select_n3A_30 : i32
    %dma_start3A_146 = arith.constant 3 : i32
    %dma_start3A_147 = arith.constant 0 : i32
    %dma_start3A_148 = arith.constant 0 : i32
    %dma_start3A_149 = tpu.memref_slice %arg8[%dma_start3A_146, %dma_start3A_147, %dma_start3A_148] : memref<4x8x8xi32, #tpu.memory_space<vmem>> -> memref<1x8x8xi32, #tpu.memory_space<vmem>>
    %dma_start3A_150 = tpu.memref_squeeze %dma_start3A_149 : memref<1x8x8xi32, #tpu.memory_space<vmem>> -> memref<8x8xi32, #tpu.memory_space<vmem>>
    %dma_start3A_151 = arith.constant 0 : i32
    %dma_start3A_152 = arith.constant 0 : i32
    %dma_start3A_153 = tpu.memref_slice %arg4[%add3A_145, %select_n3A_9, %dma_start3A_151, %dma_start3A_152] : memref<8x16x8x8xi32, #tpu.memory_space<hbm>> -> memref<1x1x8x8xi32, #tpu.memory_space<hbm>>
    %dma_start3A_154 = tpu.memref_squeeze %dma_start3A_153 : memref<1x1x8x8xi32, #tpu.memory_space<hbm>> -> memref<8x8xi32, #tpu.memory_space<hbm>>
    %dma_start3A_155 = arith.constant 0 : i32
    %dma_start3A_156 = arith.constant 0 : i32
    %dma_start3A_157 = tpu.memref_slice %arg8[%dma_start3A_146, %dma_start3A_155, %dma_start3A_156] : memref<4x8x8xi32, #tpu.memory_space<vmem>> -> memref<1x8x8xi32, #tpu.memory_space<vmem>>
    %dma_start3A_158 = tpu.memref_squeeze %dma_start3A_157 : memref<1x8x8xi32, #tpu.memory_space<vmem>> -> memref<8x8xi32, #tpu.memory_space<vmem>>
    %dma_start3A_159 = arith.constant 0 : i32
    %dma_start3A_160 = arith.constant 0 : i32
    %dma_start3A_161 = tpu.memref_slice %arg4[%add3A_145, %select_n3A_9, %dma_start3A_159, %dma_start3A_160] : memref<8x16x8x8xi32, #tpu.memory_space<hbm>> -> memref<1x1x8x8xi32, #tpu.memory_space<hbm>>
    %dma_start3A_162 = tpu.memref_squeeze %dma_start3A_161 : memref<1x1x8x8xi32, #tpu.memory_space<hbm>> -> memref<8x8xi32, #tpu.memory_space<hbm>>
    tpu.enqueue_dma source(%dma_start3A_162 : memref<8x8xi32, #tpu.memory_space<hbm>>) target(%dma_start3A_158 : memref<8x8xi32, #tpu.memory_space<vmem>>) target_semaphore(%arg15 : memref<!tpu.dma_semaphore, #tpu.memory_space<semaphore_mem>>)
    %add3A_163 = arith.constant 6 : i32
    %add3A_164 = arith.addi %add3A_163, %select_n3A_30 : i32
    %dma_start3A_165 = arith.constant 3 : i32
    %dma_start3A_166 = arith.constant 0 : i32
    %dma_start3A_167 = arith.constant 0 : i32
    %dma_start3A_168 = tpu.memref_slice %arg9[%dma_start3A_165, %dma_start3A_166, %dma_start3A_167] : memref<4x8x8xi32, #tpu.memory_space<vmem>> -> memref<1x8x8xi32, #tpu.memory_space<vmem>>
    %dma_start3A_169 = tpu.memref_squeeze %dma_start3A_168 : memref<1x8x8xi32, #tpu.memory_space<vmem>> -> memref<8x8xi32, #tpu.memory_space<vmem>>
    %dma_start3A_170 = arith.constant 0 : i32
    %dma_start3A_171 = arith.constant 0 : i32
    %dma_start3A_172 = tpu.memref_slice %arg5[%add3A_164, %select_n3A_9, %dma_start3A_170, %dma_start3A_171] : memref<8x16x8x8xi32, #tpu.memory_space<hbm>> -> memref<1x1x8x8xi32, #tpu.memory_space<hbm>>
    %dma_start3A_173 = tpu.memref_squeeze %dma_start3A_172 : memref<1x1x8x8xi32, #tpu.memory_space<hbm>> -> memref<8x8xi32, #tpu.memory_space<hbm>>
    %dma_start3A_174 = arith.constant 0 : i32
    %dma_start3A_175 = arith.constant 0 : i32
    %dma_start3A_176 = tpu.memref_slice %arg9[%dma_start3A_165, %dma_start3A_174, %dma_start3A_175] : memref<4x8x8xi32, #tpu.memory_space<vmem>> -> memref<1x8x8xi32, #tpu.memory_space<vmem>>
    %dma_start3A_177 = tpu.memref_squeeze %dma_start3A_176 : memref<1x8x8xi32, #tpu.memory_space<vmem>> -> memref<8x8xi32, #tpu.memory_space<vmem>>
    %dma_start3A_178 = arith.constant 0 : i32
    %dma_start3A_179 = arith.constant 0 : i32
    %dma_start3A_180 = tpu.memref_slice %arg5[%add3A_164, %select_n3A_9, %dma_start3A_178, %dma_start3A_179] : memref<8x16x8x8xi32, #tpu.memory_space<hbm>> -> memref<1x1x8x8xi32, #tpu.memory_space<hbm>>
    %dma_start3A_181 = tpu.memref_squeeze %dma_start3A_180 : memref<1x1x8x8xi32, #tpu.memory_space<hbm>> -> memref<8x8xi32, #tpu.memory_space<hbm>>
    tpu.enqueue_dma source(%dma_start3A_181 : memref<8x8xi32, #tpu.memory_space<hbm>>) target(%dma_start3A_177 : memref<8x8xi32, #tpu.memory_space<vmem>>) target_semaphore(%arg15 : memref<!tpu.dma_semaphore, #tpu.memory_space<semaphore_mem>>)
    %dma_wait3A = arith.constant 0 : i32
    %dma_wait3A_182 = arith.constant 0 : i32
    %dma_wait3A_183 = arith.constant 0 : i32
    %dma_wait3A_184 = tpu.memref_slice %arg8[%dma_wait3A, %dma_wait3A_182, %dma_wait3A_183] : memref<4x8x8xi32, #tpu.memory_space<vmem>> -> memref<1x8x8xi32, #tpu.memory_space<vmem>>
    %dma_wait3A_185 = tpu.memref_squeeze %dma_wait3A_184 : memref<1x8x8xi32, #tpu.memory_space<vmem>> -> memref<8x8xi32, #tpu.memory_space<vmem>>
    %dma_wait3A_186 = arith.constant 0 : i32
    %dma_wait3A_187 = arith.constant 0 : i32
    %dma_wait3A_188 = tpu.memref_slice %arg4[%add3A_32, %select_n3A_9, %dma_wait3A_186, %dma_wait3A_187] : memref<8x16x8x8xi32, #tpu.memory_space<hbm>> -> memref<1x1x8x8xi32, #tpu.memory_space<hbm>>
    %dma_wait3A_189 = tpu.memref_squeeze %dma_wait3A_188 : memref<1x1x8x8xi32, #tpu.memory_space<hbm>> -> memref<8x8xi32, #tpu.memory_space<hbm>>
    %dma_wait3A_190 = arith.constant 0 : i32
    %dma_wait3A_191 = arith.constant 0 : i32
    %dma_wait3A_192 = tpu.memref_slice %arg8[%dma_wait3A, %dma_wait3A_190, %dma_wait3A_191] : memref<4x8x8xi32, #tpu.memory_space<vmem>> -> memref<1x8x8xi32, #tpu.memory_space<vmem>>
    %dma_wait3A_193 = tpu.memref_squeeze %dma_wait3A_192 : memref<1x8x8xi32, #tpu.memory_space<vmem>> -> memref<8x8xi32, #tpu.memory_space<vmem>>
    %dma_wait3A_194 = arith.constant 0 : i32
    %dma_wait3A_195 = arith.constant 0 : i32
    %dma_wait3A_196 = tpu.memref_slice %arg4[%add3A_32, %select_n3A_9, %dma_wait3A_194, %dma_wait3A_195] : memref<8x16x8x8xi32, #tpu.memory_space<hbm>> -> memref<1x1x8x8xi32, #tpu.memory_space<hbm>>
    %dma_wait3A_197 = tpu.memref_squeeze %dma_wait3A_196 : memref<1x1x8x8xi32, #tpu.memory_space<hbm>> -> memref<8x8xi32, #tpu.memory_space<hbm>>
    tpu.wait_dma2 semaphore(%arg15 : memref<!tpu.dma_semaphore, #tpu.memory_space<semaphore_mem>>) src(%dma_wait3A_197 : memref<8x8xi32, #tpu.memory_space<hbm>>) dst(%dma_wait3A_193 : memref<8x8xi32, #tpu.memory_space<vmem>>)
    %dma_wait3A_198 = arith.constant 0 : i32
    %dma_wait3A_199 = arith.constant 0 : i32
    %dma_wait3A_200 = arith.constant 0 : i32
    %dma_wait3A_201 = tpu.memref_slice %arg9[%dma_wait3A_198, %dma_wait3A_199, %dma_wait3A_200] : memref<4x8x8xi32, #tpu.memory_space<vmem>> -> memref<1x8x8xi32, #tpu.memory_space<vmem>>
    %dma_wait3A_202 = tpu.memref_squeeze %dma_wait3A_201 : memref<1x8x8xi32, #tpu.memory_space<vmem>> -> memref<8x8xi32, #tpu.memory_space<vmem>>
    %dma_wait3A_203 = arith.constant 0 : i32
    %dma_wait3A_204 = arith.constant 0 : i32
    %dma_wait3A_205 = tpu.memref_slice %arg5[%add3A_50, %select_n3A_9, %dma_wait3A_203, %dma_wait3A_204] : memref<8x16x8x8xi32, #tpu.memory_space<hbm>> -> memref<1x1x8x8xi32, #tpu.memory_space<hbm>>
    %dma_wait3A_206 = tpu.memref_squeeze %dma_wait3A_205 : memref<1x1x8x8xi32, #tpu.memory_space<hbm>> -> memref<8x8xi32, #tpu.memory_space<hbm>>
    %dma_wait3A_207 = arith.constant 0 : i32
    %dma_wait3A_208 = arith.constant 0 : i32
    %dma_wait3A_209 = tpu.memref_slice %arg9[%dma_wait3A_198, %dma_wait3A_207, %dma_wait3A_208] : memref<4x8x8xi32, #tpu.memory_space<vmem>> -> memref<1x8x8xi32, #tpu.memory_space<vmem>>
    %dma_wait3A_210 = tpu.memref_squeeze %dma_wait3A_209 : memref<1x8x8xi32, #tpu.memory_space<vmem>> -> memref<8x8xi32, #tpu.memory_space<vmem>>
    %dma_wait3A_211 = arith.constant 0 : i32
    %dma_wait3A_212 = arith.constant 0 : i32
    %dma_wait3A_213 = tpu.memref_slice %arg5[%add3A_50, %select_n3A_9, %dma_wait3A_211, %dma_wait3A_212] : memref<8x16x8x8xi32, #tpu.memory_space<hbm>> -> memref<1x1x8x8xi32, #tpu.memory_space<hbm>>
    %dma_wait3A_214 = tpu.memref_squeeze %dma_wait3A_213 : memref<1x1x8x8xi32, #tpu.memory_space<hbm>> -> memref<8x8xi32, #tpu.memory_space<hbm>>
    tpu.wait_dma2 semaphore(%arg15 : memref<!tpu.dma_semaphore, #tpu.memory_space<semaphore_mem>>) src(%dma_wait3A_214 : memref<8x8xi32, #tpu.memory_space<hbm>>) dst(%dma_wait3A_210 : memref<8x8xi32, #tpu.memory_space<vmem>>)
    %dma_wait3A_215 = arith.constant 1 : i32
    %dma_wait3A_216 = arith.constant 0 : i32
    %dma_wait3A_217 = arith.constant 0 : i32
    %dma_wait3A_218 = tpu.memref_slice %arg8[%dma_wait3A_215, %dma_wait3A_216, %dma_wait3A_217] : memref<4x8x8xi32, #tpu.memory_space<vmem>> -> memref<1x8x8xi32, #tpu.memory_space<vmem>>
    %dma_wait3A_219 = tpu.memref_squeeze %dma_wait3A_218 : memref<1x8x8xi32, #tpu.memory_space<vmem>> -> memref<8x8xi32, #tpu.memory_space<vmem>>
    %dma_wait3A_220 = arith.constant 0 : i32
    %dma_wait3A_221 = arith.constant 0 : i32
    %dma_wait3A_222 = tpu.memref_slice %arg4[%add3A_69, %select_n3A_9, %dma_wait3A_220, %dma_wait3A_221] : memref<8x16x8x8xi32, #tpu.memory_space<hbm>> -> memref<1x1x8x8xi32, #tpu.memory_space<hbm>>
    %dma_wait3A_223 = tpu.memref_squeeze %dma_wait3A_222 : memref<1x1x8x8xi32, #tpu.memory_space<hbm>> -> memref<8x8xi32, #tpu.memory_space<hbm>>
    %dma_wait3A_224 = arith.constant 0 : i32
    %dma_wait3A_225 = arith.constant 0 : i32
    %dma_wait3A_226 = tpu.memref_slice %arg8[%dma_wait3A_215, %dma_wait3A_224, %dma_wait3A_225] : memref<4x8x8xi32, #tpu.memory_space<vmem>> -> memref<1x8x8xi32, #tpu.memory_space<vmem>>
    %dma_wait3A_227 = tpu.memref_squeeze %dma_wait3A_226 : memref<1x8x8xi32, #tpu.memory_space<vmem>> -> memref<8x8xi32, #tpu.memory_space<vmem>>
    %dma_wait3A_228 = arith.constant 0 : i32
    %dma_wait3A_229 = arith.constant 0 : i32
    %dma_wait3A_230 = tpu.memref_slice %arg4[%add3A_69, %select_n3A_9, %dma_wait3A_228, %dma_wait3A_229] : memref<8x16x8x8xi32, #tpu.memory_space<hbm>> -> memref<1x1x8x8xi32, #tpu.memory_space<hbm>>
    %dma_wait3A_231 = tpu.memref_squeeze %dma_wait3A_230 : memref<1x1x8x8xi32, #tpu.memory_space<hbm>> -> memref<8x8xi32, #tpu.memory_space<hbm>>
    tpu.wait_dma2 semaphore(%arg15 : memref<!tpu.dma_semaphore, #tpu.memory_space<semaphore_mem>>) src(%dma_wait3A_231 : memref<8x8xi32, #tpu.memory_space<hbm>>) dst(%dma_wait3A_227 : memref<8x8xi32, #tpu.memory_space<vmem>>)
    %dma_wait3A_232 = arith.constant 1 : i32
    %dma_wait3A_233 = arith.constant 0 : i32
    %dma_wait3A_234 = arith.constant 0 : i32
    %dma_wait3A_235 = tpu.memref_slice %arg9[%dma_wait3A_232, %dma_wait3A_233, %dma_wait3A_234] : memref<4x8x8xi32, #tpu.memory_space<vmem>> -> memref<1x8x8xi32, #tpu.memory_space<vmem>>
    %dma_wait3A_236 = tpu.memref_squeeze %dma_wait3A_235 : memref<1x8x8xi32, #tpu.memory_space<vmem>> -> memref<8x8xi32, #tpu.memory_space<vmem>>
    %dma_wait3A_237 = arith.constant 0 : i32
    %dma_wait3A_238 = arith.constant 0 : i32
    %dma_wait3A_239 = tpu.memref_slice %arg5[%add3A_88, %select_n3A_9, %dma_wait3A_237, %dma_wait3A_238] : memref<8x16x8x8xi32, #tpu.memory_space<hbm>> -> memref<1x1x8x8xi32, #tpu.memory_space<hbm>>
    %dma_wait3A_240 = tpu.memref_squeeze %dma_wait3A_239 : memref<1x1x8x8xi32, #tpu.memory_space<hbm>> -> memref<8x8xi32, #tpu.memory_space<hbm>>
    %dma_wait3A_241 = arith.constant 0 : i32
    %dma_wait3A_242 = arith.constant 0 : i32
    %dma_wait3A_243 = tpu.memref_slice %arg9[%dma_wait3A_232, %dma_wait3A_241, %dma_wait3A_242] : memref<4x8x8xi32, #tpu.memory_space<vmem>> -> memref<1x8x8xi32, #tpu.memory_space<vmem>>
    %dma_wait3A_244 = tpu.memref_squeeze %dma_wait3A_243 : memref<1x8x8xi32, #tpu.memory_space<vmem>> -> memref<8x8xi32, #tpu.memory_space<vmem>>
    %dma_wait3A_245 = arith.constant 0 : i32
    %dma_wait3A_246 = arith.constant 0 : i32
    %dma_wait3A_247 = tpu.memref_slice %arg5[%add3A_88, %select_n3A_9, %dma_wait3A_245, %dma_wait3A_246] : memref<8x16x8x8xi32, #tpu.memory_space<hbm>> -> memref<1x1x8x8xi32, #tpu.memory_space<hbm>>
    %dma_wait3A_248 = tpu.memref_squeeze %dma_wait3A_247 : memref<1x1x8x8xi32, #tpu.memory_space<hbm>> -> memref<8x8xi32, #tpu.memory_space<hbm>>
    tpu.wait_dma2 semaphore(%arg15 : memref<!tpu.dma_semaphore, #tpu.memory_space<semaphore_mem>>) src(%dma_wait3A_248 : memref<8x8xi32, #tpu.memory_space<hbm>>) dst(%dma_wait3A_244 : memref<8x8xi32, #tpu.memory_space<vmem>>)
    %dma_wait3A_249 = arith.constant 2 : i32
    %dma_wait3A_250 = arith.constant 0 : i32
    %dma_wait3A_251 = arith.constant 0 : i32
    %dma_wait3A_252 = tpu.memref_slice %arg8[%dma_wait3A_249, %dma_wait3A_250, %dma_wait3A_251] : memref<4x8x8xi32, #tpu.memory_space<vmem>> -> memref<1x8x8xi32, #tpu.memory_space<vmem>>
    %dma_wait3A_253 = tpu.memref_squeeze %dma_wait3A_252 : memref<1x8x8xi32, #tpu.memory_space<vmem>> -> memref<8x8xi32, #tpu.memory_space<vmem>>
    %dma_wait3A_254 = arith.constant 0 : i32
    %dma_wait3A_255 = arith.constant 0 : i32
    %dma_wait3A_256 = tpu.memref_slice %arg4[%add3A_107, %select_n3A_9, %dma_wait3A_254, %dma_wait3A_255] : memref<8x16x8x8xi32, #tpu.memory_space<hbm>> -> memref<1x1x8x8xi32, #tpu.memory_space<hbm>>
    %dma_wait3A_257 = tpu.memref_squeeze %dma_wait3A_256 : memref<1x1x8x8xi32, #tpu.memory_space<hbm>> -> memref<8x8xi32, #tpu.memory_space<hbm>>
    %dma_wait3A_258 = arith.constant 0 : i32
    %dma_wait3A_259 = arith.constant 0 : i32
    %dma_wait3A_260 = tpu.memref_slice %arg8[%dma_wait3A_249, %dma_wait3A_258, %dma_wait3A_259] : memref<4x8x8xi32, #tpu.memory_space<vmem>> -> memref<1x8x8xi32, #tpu.memory_space<vmem>>
    %dma_wait3A_261 = tpu.memref_squeeze %dma_wait3A_260 : memref<1x8x8xi32, #tpu.memory_space<vmem>> -> memref<8x8xi32, #tpu.memory_space<vmem>>
    %dma_wait3A_262 = arith.constant 0 : i32
    %dma_wait3A_263 = arith.constant 0 : i32
    %dma_wait3A_264 = tpu.memref_slice %arg4[%add3A_107, %select_n3A_9, %dma_wait3A_262, %dma_wait3A_263] : memref<8x16x8x8xi32, #tpu.memory_space<hbm>> -> memref<1x1x8x8xi32, #tpu.memory_space<hbm>>
    %dma_wait3A_265 = tpu.memref_squeeze %dma_wait3A_264 : memref<1x1x8x8xi32, #tpu.memory_space<hbm>> -> memref<8x8xi32, #tpu.memory_space<hbm>>
    tpu.wait_dma2 semaphore(%arg15 : memref<!tpu.dma_semaphore, #tpu.memory_space<semaphore_mem>>) src(%dma_wait3A_265 : memref<8x8xi32, #tpu.memory_space<hbm>>) dst(%dma_wait3A_261 : memref<8x8xi32, #tpu.memory_space<vmem>>)
    %dma_wait3A_266 = arith.constant 2 : i32
    %dma_wait3A_267 = arith.constant 0 : i32
    %dma_wait3A_268 = arith.constant 0 : i32
    %dma_wait3A_269 = tpu.memref_slice %arg9[%dma_wait3A_266, %dma_wait3A_267, %dma_wait3A_268] : memref<4x8x8xi32, #tpu.memory_space<vmem>> -> memref<1x8x8xi32, #tpu.memory_space<vmem>>
    %dma_wait3A_270 = tpu.memref_squeeze %dma_wait3A_269 : memref<1x8x8xi32, #tpu.memory_space<vmem>> -> memref<8x8xi32, #tpu.memory_space<vmem>>
    %dma_wait3A_271 = arith.constant 0 : i32
    %dma_wait3A_272 = arith.constant 0 : i32
    %dma_wait3A_273 = tpu.memref_slice %arg5[%add3A_126, %select_n3A_9, %dma_wait3A_271, %dma_wait3A_272] : memref<8x16x8x8xi32, #tpu.memory_space<hbm>> -> memref<1x1x8x8xi32, #tpu.memory_space<hbm>>
    %dma_wait3A_274 = tpu.memref_squeeze %dma_wait3A_273 : memref<1x1x8x8xi32, #tpu.memory_space<hbm>> -> memref<8x8xi32, #tpu.memory_space<hbm>>
    %dma_wait3A_275 = arith.constant 0 : i32
    %dma_wait3A_276 = arith.constant 0 : i32
    %dma_wait3A_277 = tpu.memref_slice %arg9[%dma_wait3A_266, %dma_wait3A_275, %dma_wait3A_276] : memref<4x8x8xi32, #tpu.memory_space<vmem>> -> memref<1x8x8xi32, #tpu.memory_space<vmem>>
    %dma_wait3A_278 = tpu.memref_squeeze %dma_wait3A_277 : memref<1x8x8xi32, #tpu.memory_space<vmem>> -> memref<8x8xi32, #tpu.memory_space<vmem>>
    %dma_wait3A_279 = arith.constant 0 : i32
    %dma_wait3A_280 = arith.constant 0 : i32
    %dma_wait3A_281 = tpu.memref_slice %arg5[%add3A_126, %select_n3A_9, %dma_wait3A_279, %dma_wait3A_280] : memref<8x16x8x8xi32, #tpu.memory_space<hbm>> -> memref<1x1x8x8xi32, #tpu.memory_space<hbm>>
    %dma_wait3A_282 = tpu.memref_squeeze %dma_wait3A_281 : memref<1x1x8x8xi32, #tpu.memory_space<hbm>> -> memref<8x8xi32, #tpu.memory_space<hbm>>
    tpu.wait_dma2 semaphore(%arg15 : memref<!tpu.dma_semaphore, #tpu.memory_space<semaphore_mem>>) src(%dma_wait3A_282 : memref<8x8xi32, #tpu.memory_space<hbm>>) dst(%dma_wait3A_278 : memref<8x8xi32, #tpu.memory_space<vmem>>)
    %dma_wait3A_283 = arith.constant 3 : i32
    %dma_wait3A_284 = arith.constant 0 : i32
    %dma_wait3A_285 = arith.constant 0 : i32
    %dma_wait3A_286 = tpu.memref_slice %arg8[%dma_wait3A_283, %dma_wait3A_284, %dma_wait3A_285] : memref<4x8x8xi32, #tpu.memory_space<vmem>> -> memref<1x8x8xi32, #tpu.memory_space<vmem>>
    %dma_wait3A_287 = tpu.memref_squeeze %dma_wait3A_286 : memref<1x8x8xi32, #tpu.memory_space<vmem>> -> memref<8x8xi32, #tpu.memory_space<vmem>>
    %dma_wait3A_288 = arith.constant 0 : i32
    %dma_wait3A_289 = arith.constant 0 : i32
    %dma_wait3A_290 = tpu.memref_slice %arg4[%add3A_145, %select_n3A_9, %dma_wait3A_288, %dma_wait3A_289] : memref<8x16x8x8xi32, #tpu.memory_space<hbm>> -> memref<1x1x8x8xi32, #tpu.memory_space<hbm>>
    %dma_wait3A_291 = tpu.memref_squeeze %dma_wait3A_290 : memref<1x1x8x8xi32, #tpu.memory_space<hbm>> -> memref<8x8xi32, #tpu.memory_space<hbm>>
    %dma_wait3A_292 = arith.constant 0 : i32
    %dma_wait3A_293 = arith.constant 0 : i32
    %dma_wait3A_294 = tpu.memref_slice %arg8[%dma_wait3A_283, %dma_wait3A_292, %dma_wait3A_293] : memref<4x8x8xi32, #tpu.memory_space<vmem>> -> memref<1x8x8xi32, #tpu.memory_space<vmem>>
    %dma_wait3A_295 = tpu.memref_squeeze %dma_wait3A_294 : memref<1x8x8xi32, #tpu.memory_space<vmem>> -> memref<8x8xi32, #tpu.memory_space<vmem>>
    %dma_wait3A_296 = arith.constant 0 : i32
    %dma_wait3A_297 = arith.constant 0 : i32
    %dma_wait3A_298 = tpu.memref_slice %arg4[%add3A_145, %select_n3A_9, %dma_wait3A_296, %dma_wait3A_297] : memref<8x16x8x8xi32, #tpu.memory_space<hbm>> -> memref<1x1x8x8xi32, #tpu.memory_space<hbm>>
    %dma_wait3A_299 = tpu.memref_squeeze %dma_wait3A_298 : memref<1x1x8x8xi32, #tpu.memory_space<hbm>> -> memref<8x8xi32, #tpu.memory_space<hbm>>
    tpu.wait_dma2 semaphore(%arg15 : memref<!tpu.dma_semaphore, #tpu.memory_space<semaphore_mem>>) src(%dma_wait3A_299 : memref<8x8xi32, #tpu.memory_space<hbm>>) dst(%dma_wait3A_295 : memref<8x8xi32, #tpu.memory_space<vmem>>)
    %dma_wait3A_300 = arith.constant 3 : i32
    %dma_wait3A_301 = arith.constant 0 : i32
    %dma_wait3A_302 = arith.constant 0 : i32
    %dma_wait3A_303 = tpu.memref_slice %arg9[%dma_wait3A_300, %dma_wait3A_301, %dma_wait3A_302] : memref<4x8x8xi32, #tpu.memory_space<vmem>> -> memref<1x8x8xi32, #tpu.memory_space<vmem>>
    %dma_wait3A_304 = tpu.memref_squeeze %dma_wait3A_303 : memref<1x8x8xi32, #tpu.memory_space<vmem>> -> memref<8x8xi32, #tpu.memory_space<vmem>>
    %dma_wait3A_305 = arith.constant 0 : i32
    %dma_wait3A_306 = arith.constant 0 : i32
    %dma_wait3A_307 = tpu.memref_slice %arg5[%add3A_164, %select_n3A_9, %dma_wait3A_305, %dma_wait3A_306] : memref<8x16x8x8xi32, #tpu.memory_space<hbm>> -> memref<1x1x8x8xi32, #tpu.memory_space<hbm>>
    %dma_wait3A_308 = tpu.memref_squeeze %dma_wait3A_307 : memref<1x1x8x8xi32, #tpu.memory_space<hbm>> -> memref<8x8xi32, #tpu.memory_space<hbm>>
    %dma_wait3A_309 = arith.constant 0 : i32
    %dma_wait3A_310 = arith.constant 0 : i32
    %dma_wait3A_311 = tpu.memref_slice %arg9[%dma_wait3A_300, %dma_wait3A_309, %dma_wait3A_310] : memref<4x8x8xi32, #tpu.memory_space<vmem>> -> memref<1x8x8xi32, #tpu.memory_space<vmem>>
    %dma_wait3A_312 = tpu.memref_squeeze %dma_wait3A_311 : memref<1x8x8xi32, #tpu.memory_space<vmem>> -> memref<8x8xi32, #tpu.memory_space<vmem>>
    %dma_wait3A_313 = arith.constant 0 : i32
    %dma_wait3A_314 = arith.constant 0 : i32
    %dma_wait3A_315 = tpu.memref_slice %arg5[%add3A_164, %select_n3A_9, %dma_wait3A_313, %dma_wait3A_314] : memref<8x16x8x8xi32, #tpu.memory_space<hbm>> -> memref<1x1x8x8xi32, #tpu.memory_space<hbm>>
    %dma_wait3A_316 = tpu.memref_squeeze %dma_wait3A_315 : memref<1x1x8x8xi32, #tpu.memory_space<hbm>> -> memref<8x8xi32, #tpu.memory_space<hbm>>
    tpu.wait_dma2 semaphore(%arg15 : memref<!tpu.dma_semaphore, #tpu.memory_space<semaphore_mem>>) src(%dma_wait3A_316 : memref<8x8xi32, #tpu.memory_space<hbm>>) dst(%dma_wait3A_312 : memref<8x8xi32, #tpu.memory_space<vmem>>)
    %dma_start3A_317 = arith.constant 0 : i32
    %dma_start3A_318 = arith.constant 0 : i32
    %dma_start3A_319 = arith.constant 0 : i32
    %dma_start3A_320 = arith.constant 0 : i32
    %dma_start3A_321 = arith.constant 0 : i32
    %dma_start3A_322 = tpu.memref_slice %arg10[%dma_start3A_319, %dma_start3A_320, %dma_start3A_321] : memref<2x8x4096xf32, #tpu.memory_space<vmem>> -> memref<1x8x4096xf32, #tpu.memory_space<vmem>>
    %dma_start3A_323 = tpu.memref_squeeze %dma_start3A_322 : memref<1x8x4096xf32, #tpu.memory_space<vmem>> -> memref<8x4096xf32, #tpu.memory_space<vmem>>
    %dma_start3A_324 = arith.constant 0 : i32
    %dma_start3A_325 = tpu.memref_slice %arg8[%dma_start3A_317, %dma_start3A_318, %dma_start3A_324] : memref<4x8x8xi32, #tpu.memory_space<vmem>> -> memref<1x1x8xi32, #tpu.memory_space<vmem>>
    %dma_start3A_326 = tpu.memref_squeeze %dma_start3A_325 : memref<1x1x8xi32, #tpu.memory_space<vmem>> -> memref<8xi32, #tpu.memory_space<vmem>>
    %dma_start3A_327 = arith.constant 0 : i32
    %dma_start3A_328 = arith.constant 0 : i32
    %dma_start3A_329 = tpu.memref_slice %arg2[%dma_start3A_327, %dma_start3A_328] : memref<4096x4096xf32, #tpu.memory_space<hbm>> -> memref<4096x4096xf32, #tpu.memory_space<hbm>>
    tpu.enqueue_indirect_dma source(%dma_start3A_329 : memref<4096x4096xf32, #tpu.memory_space<hbm>>) target(%dma_start3A_323 : memref<8x4096xf32, #tpu.memory_space<vmem>>) offsets(%dma_start3A_326 : memref<8xi32, #tpu.memory_space<vmem>>) semaphore(%arg11 : memref<!tpu.dma_semaphore, #tpu.memory_space<semaphore_mem>>)
    %dma_start3A_330 = arith.constant 0 : i32
    %dma_start3A_331 = arith.constant 1 : i32
    %dma_start3A_332 = arith.constant 1 : i32
    %dma_start3A_333 = arith.constant 0 : i32
    %dma_start3A_334 = arith.constant 0 : i32
    %dma_start3A_335 = tpu.memref_slice %arg10[%dma_start3A_332, %dma_start3A_333, %dma_start3A_334] : memref<2x8x4096xf32, #tpu.memory_space<vmem>> -> memref<1x8x4096xf32, #tpu.memory_space<vmem>>
    %dma_start3A_336 = tpu.memref_squeeze %dma_start3A_335 : memref<1x8x4096xf32, #tpu.memory_space<vmem>> -> memref<8x4096xf32, #tpu.memory_space<vmem>>
    %dma_start3A_337 = arith.constant 0 : i32
    %dma_start3A_338 = tpu.memref_slice %arg8[%dma_start3A_330, %dma_start3A_331, %dma_start3A_337] : memref<4x8x8xi32, #tpu.memory_space<vmem>> -> memref<1x1x8xi32, #tpu.memory_space<vmem>>
    %dma_start3A_339 = tpu.memref_squeeze %dma_start3A_338 : memref<1x1x8xi32, #tpu.memory_space<vmem>> -> memref<8xi32, #tpu.memory_space<vmem>>
    %dma_start3A_340 = arith.constant 0 : i32
    %dma_start3A_341 = arith.constant 0 : i32
    %dma_start3A_342 = tpu.memref_slice %arg2[%dma_start3A_340, %dma_start3A_341] : memref<4096x4096xf32, #tpu.memory_space<hbm>> -> memref<4096x4096xf32, #tpu.memory_space<hbm>>
    tpu.enqueue_indirect_dma source(%dma_start3A_342 : memref<4096x4096xf32, #tpu.memory_space<hbm>>) target(%dma_start3A_336 : memref<8x4096xf32, #tpu.memory_space<vmem>>) offsets(%dma_start3A_339 : memref<8xi32, #tpu.memory_space<vmem>>) semaphore(%arg12 : memref<!tpu.dma_semaphore, #tpu.memory_space<semaphore_mem>>)
    %scan3A = arith.constant 0 : i32
    %scan3A_343 = arith.constant 0 : i32
    %scan3A_344 = arith.constant 3 : i32
    %scan3A_345 = arith.addi %scan3A_343, %scan3A_344 : i32
    %scan3A_346 = arith.constant 1 : i32
    scf.for %scan3A_756 = %scan3A_343 to %scan3A_345 step %scan3A_346  : i32 {
      %mul3A_757 = arith.constant 2 : i32
      %mul3A_758 = arith.muli %mul3A_757, %scan3A_756 : i32
      %dma_wait3A_759 = arith.constant 0 : i32
      %dma_wait3A_760 = arith.constant 0 : i32
      %dma_wait3A_761 = arith.constant 0 : i32
      %dma_wait3A_762 = arith.constant 0 : i32
      %dma_wait3A_763 = tpu.memref_slice %arg10[%dma_wait3A_760, %dma_wait3A_761, %dma_wait3A_762] : memref<2x8x4096xf32, #tpu.memory_space<vmem>> -> memref<1x8x4096xf32, #tpu.memory_space<vmem>>
      %dma_wait3A_764 = tpu.memref_squeeze %dma_wait3A_763 : memref<1x8x4096xf32, #tpu.memory_space<vmem>> -> memref<8x4096xf32, #tpu.memory_space<vmem>>
      %dma_wait3A_765 = arith.constant 0 : i32
      %dma_wait3A_766 = tpu.memref_slice %arg8[%dma_wait3A_759, %mul3A_758, %dma_wait3A_765] : memref<4x8x8xi32, #tpu.memory_space<vmem>> -> memref<1x1x8xi32, #tpu.memory_space<vmem>>
      %dma_wait3A_767 = tpu.memref_squeeze %dma_wait3A_766 : memref<1x1x8xi32, #tpu.memory_space<vmem>> -> memref<8xi32, #tpu.memory_space<vmem>>
      %dma_wait3A_768 = arith.constant 0 : i32
      %dma_wait3A_769 = arith.constant 0 : i32
      %dma_wait3A_770 = tpu.memref_slice %arg2[%dma_wait3A_768, %dma_wait3A_769] : memref<4096x4096xf32, #tpu.memory_space<hbm>> -> memref<4096x4096xf32, #tpu.memory_space<hbm>>
      tpu.wait_indirect_dma semaphore(%arg11 : memref<!tpu.dma_semaphore, #tpu.memory_space<semaphore_mem>>) src(%dma_wait3A_770 : memref<4096x4096xf32, #tpu.memory_space<hbm>>) dst(%dma_wait3A_764 : memref<8x4096xf32, #tpu.memory_space<vmem>>)
      %dma_start3A_771 = arith.constant 0 : i32
      %dma_start3A_772 = arith.constant 0 : i32
      %dma_start3A_773 = arith.constant 0 : i32
      %dma_start3A_774 = arith.constant 0 : i32
      %dma_start3A_775 = tpu.memref_slice %arg10[%dma_start3A_771, %dma_start3A_773, %dma_start3A_774] : memref<2x8x4096xf32, #tpu.memory_space<vmem>> -> memref<1x8x4096xf32, #tpu.memory_space<vmem>>
      %dma_start3A_776 = tpu.memref_squeeze %dma_start3A_775 : memref<1x8x4096xf32, #tpu.memory_space<vmem>> -> memref<8x4096xf32, #tpu.memory_space<vmem>>
      %dma_start3A_777 = arith.constant 0 : i32
      %dma_start3A_778 = tpu.memref_slice %arg9[%dma_start3A_772, %mul3A_758, %dma_start3A_777] : memref<4x8x8xi32, #tpu.memory_space<vmem>> -> memref<1x1x8xi32, #tpu.memory_space<vmem>>
      %dma_start3A_779 = tpu.memref_squeeze %dma_start3A_778 : memref<1x1x8xi32, #tpu.memory_space<vmem>> -> memref<8xi32, #tpu.memory_space<vmem>>
      %dma_start3A_780 = arith.constant 0 : i32
      %dma_start3A_781 = arith.constant 0 : i32
      %dma_start3A_782 = tpu.memref_slice %arg6[%dma_start3A_780, %dma_start3A_781] : memref<4096x4096xf32, #tpu.memory_space<hbm>> -> memref<4096x4096xf32, #tpu.memory_space<hbm>>
      tpu.enqueue_indirect_dma source(%dma_start3A_776 : memref<8x4096xf32, #tpu.memory_space<vmem>>) target(%dma_start3A_782 : memref<4096x4096xf32, #tpu.memory_space<hbm>>) offsets(%dma_start3A_779 : memref<8xi32, #tpu.memory_space<vmem>>) semaphore(%arg13 : memref<!tpu.dma_semaphore, #tpu.memory_space<semaphore_mem>>)
      %dma_wait3A_783 = arith.constant 0 : i32
      %dma_wait3A_784 = arith.constant 0 : i32
      %dma_wait3A_785 = arith.constant 0 : i32
      %dma_wait3A_786 = arith.constant 0 : i32
      %dma_wait3A_787 = tpu.memref_slice %arg10[%dma_wait3A_783, %dma_wait3A_785, %dma_wait3A_786] : memref<2x8x4096xf32, #tpu.memory_space<vmem>> -> memref<1x8x4096xf32, #tpu.memory_space<vmem>>
      %dma_wait3A_788 = tpu.memref_squeeze %dma_wait3A_787 : memref<1x8x4096xf32, #tpu.memory_space<vmem>> -> memref<8x4096xf32, #tpu.memory_space<vmem>>
      %dma_wait3A_789 = arith.constant 0 : i32
      %dma_wait3A_790 = tpu.memref_slice %arg9[%dma_wait3A_784, %mul3A_758, %dma_wait3A_789] : memref<4x8x8xi32, #tpu.memory_space<vmem>> -> memref<1x1x8xi32, #tpu.memory_space<vmem>>
      %dma_wait3A_791 = tpu.memref_squeeze %dma_wait3A_790 : memref<1x1x8xi32, #tpu.memory_space<vmem>> -> memref<8xi32, #tpu.memory_space<vmem>>
      %dma_wait3A_792 = arith.constant 0 : i32
      %dma_wait3A_793 = arith.constant 0 : i32
      %dma_wait3A_794 = tpu.memref_slice %arg6[%dma_wait3A_792, %dma_wait3A_793] : memref<4096x4096xf32, #tpu.memory_space<hbm>> -> memref<4096x4096xf32, #tpu.memory_space<hbm>>
      tpu.wait_indirect_dma semaphore(%arg13 : memref<!tpu.dma_semaphore, #tpu.memory_space<semaphore_mem>>) src(%dma_wait3A_788 : memref<8x4096xf32, #tpu.memory_space<vmem>>) dst(%dma_wait3A_794 : memref<4096x4096xf32, #tpu.memory_space<hbm>>)
      %add3A_795 = arith.constant 2 : i32
      %add3A_796 = arith.addi %mul3A_758, %add3A_795 : i32
      %dma_start3A_797 = arith.constant 0 : i32
      %dma_start3A_798 = arith.constant 0 : i32
      %dma_start3A_799 = arith.constant 0 : i32
      %dma_start3A_800 = arith.constant 0 : i32
      %dma_start3A_801 = tpu.memref_slice %arg10[%dma_start3A_798, %dma_start3A_799, %dma_start3A_800] : memref<2x8x4096xf32, #tpu.memory_space<vmem>> -> memref<1x8x4096xf32, #tpu.memory_space<vmem>>
      %dma_start3A_802 = tpu.memref_squeeze %dma_start3A_801 : memref<1x8x4096xf32, #tpu.memory_space<vmem>> -> memref<8x4096xf32, #tpu.memory_space<vmem>>
      %dma_start3A_803 = arith.constant 0 : i32
      %dma_start3A_804 = tpu.memref_slice %arg8[%dma_start3A_797, %add3A_796, %dma_start3A_803] : memref<4x8x8xi32, #tpu.memory_space<vmem>> -> memref<1x1x8xi32, #tpu.memory_space<vmem>>
      %dma_start3A_805 = tpu.memref_squeeze %dma_start3A_804 : memref<1x1x8xi32, #tpu.memory_space<vmem>> -> memref<8xi32, #tpu.memory_space<vmem>>
      %dma_start3A_806 = arith.constant 0 : i32
      %dma_start3A_807 = arith.constant 0 : i32
      %dma_start3A_808 = tpu.memref_slice %arg2[%dma_start3A_806, %dma_start3A_807] : memref<4096x4096xf32, #tpu.memory_space<hbm>> -> memref<4096x4096xf32, #tpu.memory_space<hbm>>
      tpu.enqueue_indirect_dma source(%dma_start3A_808 : memref<4096x4096xf32, #tpu.memory_space<hbm>>) target(%dma_start3A_802 : memref<8x4096xf32, #tpu.memory_space<vmem>>) offsets(%dma_start3A_805 : memref<8xi32, #tpu.memory_space<vmem>>) semaphore(%arg11 : memref<!tpu.dma_semaphore, #tpu.memory_space<semaphore_mem>>)
      %add3A_809 = arith.constant 1 : i32
      %add3A_810 = arith.addi %mul3A_758, %add3A_809 : i32
      %dma_wait3A_811 = arith.constant 0 : i32
      %dma_wait3A_812 = arith.constant 1 : i32
      %dma_wait3A_813 = arith.constant 0 : i32
      %dma_wait3A_814 = arith.constant 0 : i32
      %dma_wait3A_815 = tpu.memref_slice %arg10[%dma_wait3A_812, %dma_wait3A_813, %dma_wait3A_814] : memref<2x8x4096xf32, #tpu.memory_space<vmem>> -> memref<1x8x4096xf32, #tpu.memory_space<vmem>>
      %dma_wait3A_816 = tpu.memref_squeeze %dma_wait3A_815 : memref<1x8x4096xf32, #tpu.memory_space<vmem>> -> memref<8x4096xf32, #tpu.memory_space<vmem>>
      %dma_wait3A_817 = arith.constant 0 : i32
      %dma_wait3A_818 = tpu.memref_slice %arg8[%dma_wait3A_811, %add3A_810, %dma_wait3A_817] : memref<4x8x8xi32, #tpu.memory_space<vmem>> -> memref<1x1x8xi32, #tpu.memory_space<vmem>>
      %dma_wait3A_819 = tpu.memref_squeeze %dma_wait3A_818 : memref<1x1x8xi32, #tpu.memory_space<vmem>> -> memref<8xi32, #tpu.memory_space<vmem>>
      %dma_wait3A_820 = arith.constant 0 : i32
      %dma_wait3A_821 = arith.constant 0 : i32
      %dma_wait3A_822 = tpu.memref_slice %arg2[%dma_wait3A_820, %dma_wait3A_821] : memref<4096x4096xf32, #tpu.memory_space<hbm>> -> memref<4096x4096xf32, #tpu.memory_space<hbm>>
      tpu.wait_indirect_dma semaphore(%arg12 : memref<!tpu.dma_semaphore, #tpu.memory_space<semaphore_mem>>) src(%dma_wait3A_822 : memref<4096x4096xf32, #tpu.memory_space<hbm>>) dst(%dma_wait3A_816 : memref<8x4096xf32, #tpu.memory_space<vmem>>)
      %add3A_823 = arith.constant 1 : i32
      %add3A_824 = arith.addi %mul3A_758, %add3A_823 : i32
      %dma_start3A_825 = arith.constant 1 : i32
      %dma_start3A_826 = arith.constant 0 : i32
      %dma_start3A_827 = arith.constant 0 : i32
      %dma_start3A_828 = arith.constant 0 : i32
      %dma_start3A_829 = tpu.memref_slice %arg10[%dma_start3A_825, %dma_start3A_827, %dma_start3A_828] : memref<2x8x4096xf32, #tpu.memory_space<vmem>> -> memref<1x8x4096xf32, #tpu.memory_space<vmem>>
      %dma_start3A_830 = tpu.memref_squeeze %dma_start3A_829 : memref<1x8x4096xf32, #tpu.memory_space<vmem>> -> memref<8x4096xf32, #tpu.memory_space<vmem>>
      %dma_start3A_831 = arith.constant 0 : i32
      %dma_start3A_832 = tpu.memref_slice %arg9[%dma_start3A_826, %add3A_824, %dma_start3A_831] : memref<4x8x8xi32, #tpu.memory_space<vmem>> -> memref<1x1x8xi32, #tpu.memory_space<vmem>>
      %dma_start3A_833 = tpu.memref_squeeze %dma_start3A_832 : memref<1x1x8xi32, #tpu.memory_space<vmem>> -> memref<8xi32, #tpu.memory_space<vmem>>
      %dma_start3A_834 = arith.constant 0 : i32
      %dma_start3A_835 = arith.constant 0 : i32
      %dma_start3A_836 = tpu.memref_slice %arg6[%dma_start3A_834, %dma_start3A_835] : memref<4096x4096xf32, #tpu.memory_space<hbm>> -> memref<4096x4096xf32, #tpu.memory_space<hbm>>
      tpu.enqueue_indirect_dma source(%dma_start3A_830 : memref<8x4096xf32, #tpu.memory_space<vmem>>) target(%dma_start3A_836 : memref<4096x4096xf32, #tpu.memory_space<hbm>>) offsets(%dma_start3A_833 : memref<8xi32, #tpu.memory_space<vmem>>) semaphore(%arg14 : memref<!tpu.dma_semaphore, #tpu.memory_space<semaphore_mem>>)
      %add3A_837 = arith.constant 1 : i32
      %add3A_838 = arith.addi %mul3A_758, %add3A_837 : i32
      %dma_wait3A_839 = arith.constant 1 : i32
      %dma_wait3A_840 = arith.constant 0 : i32
      %dma_wait3A_841 = arith.constant 0 : i32
      %dma_wait3A_842 = arith.constant 0 : i32
      %dma_wait3A_843 = tpu.memref_slice %arg10[%dma_wait3A_839, %dma_wait3A_841, %dma_wait3A_842] : memref<2x8x4096xf32, #tpu.memory_space<vmem>> -> memref<1x8x4096xf32, #tpu.memory_space<vmem>>
      %dma_wait3A_844 = tpu.memref_squeeze %dma_wait3A_843 : memref<1x8x4096xf32, #tpu.memory_space<vmem>> -> memref<8x4096xf32, #tpu.memory_space<vmem>>
      %dma_wait3A_845 = arith.constant 0 : i32
      %dma_wait3A_846 = tpu.memref_slice %arg9[%dma_wait3A_840, %add3A_838, %dma_wait3A_845] : memref<4x8x8xi32, #tpu.memory_space<vmem>> -> memref<1x1x8xi32, #tpu.memory_space<vmem>>
      %dma_wait3A_847 = tpu.memref_squeeze %dma_wait3A_846 : memref<1x1x8xi32, #tpu.memory_space<vmem>> -> memref<8xi32, #tpu.memory_space<vmem>>
      %dma_wait3A_848 = arith.constant 0 : i32
      %dma_wait3A_849 = arith.constant 0 : i32
      %dma_wait3A_850 = tpu.memref_slice %arg6[%dma_wait3A_848, %dma_wait3A_849] : memref<4096x4096xf32, #tpu.memory_space<hbm>> -> memref<4096x4096xf32, #tpu.memory_space<hbm>>
      tpu.wait_indirect_dma semaphore(%arg14 : memref<!tpu.dma_semaphore, #tpu.memory_space<semaphore_mem>>) src(%dma_wait3A_844 : memref<8x4096xf32, #tpu.memory_space<vmem>>) dst(%dma_wait3A_850 : memref<4096x4096xf32, #tpu.memory_space<hbm>>)
      %add3A_851 = arith.constant 3 : i32
      %add3A_852 = arith.addi %mul3A_758, %add3A_851 : i32
      %dma_start3A_853 = arith.constant 0 : i32
      %dma_start3A_854 = arith.constant 1 : i32
      %dma_start3A_855 = arith.constant 0 : i32
      %dma_start3A_856 = arith.constant 0 : i32
      %dma_start3A_857 = tpu.memref_slice %arg10[%dma_start3A_854, %dma_start3A_855, %dma_start3A_856] : memref<2x8x4096xf32, #tpu.memory_space<vmem>> -> memref<1x8x4096xf32, #tpu.memory_space<vmem>>
      %dma_start3A_858 = tpu.memref_squeeze %dma_start3A_857 : memref<1x8x4096xf32, #tpu.memory_space<vmem>> -> memref<8x4096xf32, #tpu.memory_space<vmem>>
      %dma_start3A_859 = arith.constant 0 : i32
      %dma_start3A_860 = tpu.memref_slice %arg8[%dma_start3A_853, %add3A_852, %dma_start3A_859] : memref<4x8x8xi32, #tpu.memory_space<vmem>> -> memref<1x1x8xi32, #tpu.memory_space<vmem>>
      %dma_start3A_861 = tpu.memref_squeeze %dma_start3A_860 : memref<1x1x8xi32, #tpu.memory_space<vmem>> -> memref<8xi32, #tpu.memory_space<vmem>>
      %dma_start3A_862 = arith.constant 0 : i32
      %dma_start3A_863 = arith.constant 0 : i32
      %dma_start3A_864 = tpu.memref_slice %arg2[%dma_start3A_862, %dma_start3A_863] : memref<4096x4096xf32, #tpu.memory_space<hbm>> -> memref<4096x4096xf32, #tpu.memory_space<hbm>>
      tpu.enqueue_indirect_dma source(%dma_start3A_864 : memref<4096x4096xf32, #tpu.memory_space<hbm>>) target(%dma_start3A_858 : memref<8x4096xf32, #tpu.memory_space<vmem>>) offsets(%dma_start3A_861 : memref<8xi32, #tpu.memory_space<vmem>>) semaphore(%arg12 : memref<!tpu.dma_semaphore, #tpu.memory_space<semaphore_mem>>)
    }
    %scan3A_347 = arith.constant 3 : i32
    %dma_wait3A_348 = arith.constant 0 : i32
    %dma_wait3A_349 = arith.constant 6 : i32
    %dma_wait3A_350 = arith.constant 0 : i32
    %dma_wait3A_351 = arith.constant 0 : i32
    %dma_wait3A_352 = arith.constant 0 : i32
    %dma_wait3A_353 = tpu.memref_slice %arg10[%dma_wait3A_350, %dma_wait3A_351, %dma_wait3A_352] : memref<2x8x4096xf32, #tpu.memory_space<vmem>> -> memref<1x8x4096xf32, #tpu.memory_space<vmem>>
    %dma_wait3A_354 = tpu.memref_squeeze %dma_wait3A_353 : memref<1x8x4096xf32, #tpu.memory_space<vmem>> -> memref<8x4096xf32, #tpu.memory_space<vmem>>
    %dma_wait3A_355 = arith.constant 0 : i32
    %dma_wait3A_356 = tpu.memref_slice %arg8[%dma_wait3A_348, %dma_wait3A_349, %dma_wait3A_355] : memref<4x8x8xi32, #tpu.memory_space<vmem>> -> memref<1x1x8xi32, #tpu.memory_space<vmem>>
    %dma_wait3A_357 = tpu.memref_squeeze %dma_wait3A_356 : memref<1x1x8xi32, #tpu.memory_space<vmem>> -> memref<8xi32, #tpu.memory_space<vmem>>
    %dma_wait3A_358 = arith.constant 0 : i32
    %dma_wait3A_359 = arith.constant 0 : i32
    %dma_wait3A_360 = tpu.memref_slice %arg2[%dma_wait3A_358, %dma_wait3A_359] : memref<4096x4096xf32, #tpu.memory_space<hbm>> -> memref<4096x4096xf32, #tpu.memory_space<hbm>>
    tpu.wait_indirect_dma semaphore(%arg11 : memref<!tpu.dma_semaphore, #tpu.memory_space<semaphore_mem>>) src(%dma_wait3A_360 : memref<4096x4096xf32, #tpu.memory_space<hbm>>) dst(%dma_wait3A_354 : memref<8x4096xf32, #tpu.memory_space<vmem>>)
    %dma_start3A_361 = arith.constant 0 : i32
    %dma_start3A_362 = arith.constant 0 : i32
    %dma_start3A_363 = arith.constant 6 : i32
    %dma_start3A_364 = arith.constant 0 : i32
    %dma_start3A_365 = arith.constant 0 : i32
    %dma_start3A_366 = tpu.memref_slice %arg10[%dma_start3A_361, %dma_start3A_364, %dma_start3A_365] : memref<2x8x4096xf32, #tpu.memory_space<vmem>> -> memref<1x8x4096xf32, #tpu.memory_space<vmem>>
    %dma_start3A_367 = tpu.memref_squeeze %dma_start3A_366 : memref<1x8x4096xf32, #tpu.memory_space<vmem>> -> memref<8x4096xf32, #tpu.memory_space<vmem>>
    %dma_start3A_368 = arith.constant 0 : i32
    %dma_start3A_369 = tpu.memref_slice %arg9[%dma_start3A_362, %dma_start3A_363, %dma_start3A_368] : memref<4x8x8xi32, #tpu.memory_space<vmem>> -> memref<1x1x8xi32, #tpu.memory_space<vmem>>
    %dma_start3A_370 = tpu.memref_squeeze %dma_start3A_369 : memref<1x1x8xi32, #tpu.memory_space<vmem>> -> memref<8xi32, #tpu.memory_space<vmem>>
    %dma_start3A_371 = arith.constant 0 : i32
    %dma_start3A_372 = arith.constant 0 : i32
    %dma_start3A_373 = tpu.memref_slice %arg6[%dma_start3A_371, %dma_start3A_372] : memref<4096x4096xf32, #tpu.memory_space<hbm>> -> memref<4096x4096xf32, #tpu.memory_space<hbm>>
    tpu.enqueue_indirect_dma source(%dma_start3A_367 : memref<8x4096xf32, #tpu.memory_space<vmem>>) target(%dma_start3A_373 : memref<4096x4096xf32, #tpu.memory_space<hbm>>) offsets(%dma_start3A_370 : memref<8xi32, #tpu.memory_space<vmem>>) semaphore(%arg13 : memref<!tpu.dma_semaphore, #tpu.memory_space<semaphore_mem>>)
    %dma_wait3A_374 = arith.constant 0 : i32
    %dma_wait3A_375 = arith.constant 7 : i32
    %dma_wait3A_376 = arith.constant 1 : i32
    %dma_wait3A_377 = arith.constant 0 : i32
    %dma_wait3A_378 = arith.constant 0 : i32
    %dma_wait3A_379 = tpu.memref_slice %arg10[%dma_wait3A_376, %dma_wait3A_377, %dma_wait3A_378] : memref<2x8x4096xf32, #tpu.memory_space<vmem>> -> memref<1x8x4096xf32, #tpu.memory_space<vmem>>
    %dma_wait3A_380 = tpu.memref_squeeze %dma_wait3A_379 : memref<1x8x4096xf32, #tpu.memory_space<vmem>> -> memref<8x4096xf32, #tpu.memory_space<vmem>>
    %dma_wait3A_381 = arith.constant 0 : i32
    %dma_wait3A_382 = tpu.memref_slice %arg8[%dma_wait3A_374, %dma_wait3A_375, %dma_wait3A_381] : memref<4x8x8xi32, #tpu.memory_space<vmem>> -> memref<1x1x8xi32, #tpu.memory_space<vmem>>
    %dma_wait3A_383 = tpu.memref_squeeze %dma_wait3A_382 : memref<1x1x8xi32, #tpu.memory_space<vmem>> -> memref<8xi32, #tpu.memory_space<vmem>>
    %dma_wait3A_384 = arith.constant 0 : i32
    %dma_wait3A_385 = arith.constant 0 : i32
    %dma_wait3A_386 = tpu.memref_slice %arg2[%dma_wait3A_384, %dma_wait3A_385] : memref<4096x4096xf32, #tpu.memory_space<hbm>> -> memref<4096x4096xf32, #tpu.memory_space<hbm>>
    tpu.wait_indirect_dma semaphore(%arg12 : memref<!tpu.dma_semaphore, #tpu.memory_space<semaphore_mem>>) src(%dma_wait3A_386 : memref<4096x4096xf32, #tpu.memory_space<hbm>>) dst(%dma_wait3A_380 : memref<8x4096xf32, #tpu.memory_space<vmem>>)
    %dma_start3A_387 = arith.constant 1 : i32
    %dma_start3A_388 = arith.constant 0 : i32
    %dma_start3A_389 = arith.constant 7 : i32
    %dma_start3A_390 = arith.constant 0 : i32
    %dma_start3A_391 = arith.constant 0 : i32
    %dma_start3A_392 = tpu.memref_slice %arg10[%dma_start3A_387, %dma_start3A_390, %dma_start3A_391] : memref<2x8x4096xf32, #tpu.memory_space<vmem>> -> memref<1x8x4096xf32, #tpu.memory_space<vmem>>
    %dma_start3A_393 = tpu.memref_squeeze %dma_start3A_392 : memref<1x8x4096xf32, #tpu.memory_space<vmem>> -> memref<8x4096xf32, #tpu.memory_space<vmem>>
    %dma_start3A_394 = arith.constant 0 : i32
    %dma_start3A_395 = tpu.memref_slice %arg9[%dma_start3A_388, %dma_start3A_389, %dma_start3A_394] : memref<4x8x8xi32, #tpu.memory_space<vmem>> -> memref<1x1x8xi32, #tpu.memory_space<vmem>>
    %dma_start3A_396 = tpu.memref_squeeze %dma_start3A_395 : memref<1x1x8xi32, #tpu.memory_space<vmem>> -> memref<8xi32, #tpu.memory_space<vmem>>
    %dma_start3A_397 = arith.constant 0 : i32
    %dma_start3A_398 = arith.constant 0 : i32
    %dma_start3A_399 = tpu.memref_slice %arg6[%dma_start3A_397, %dma_start3A_398] : memref<4096x4096xf32, #tpu.memory_space<hbm>> -> memref<4096x4096xf32, #tpu.memory_space<hbm>>
    tpu.enqueue_indirect_dma source(%dma_start3A_393 : memref<8x4096xf32, #tpu.memory_space<vmem>>) target(%dma_start3A_399 : memref<4096x4096xf32, #tpu.memory_space<hbm>>) offsets(%dma_start3A_396 : memref<8xi32, #tpu.memory_space<vmem>>) semaphore(%arg14 : memref<!tpu.dma_semaphore, #tpu.memory_space<semaphore_mem>>)
    %dma_wait3A_400 = arith.constant 0 : i32
    %dma_wait3A_401 = arith.constant 0 : i32
    %dma_wait3A_402 = arith.constant 6 : i32
    %dma_wait3A_403 = arith.constant 0 : i32
    %dma_wait3A_404 = arith.constant 0 : i32
    %dma_wait3A_405 = tpu.memref_slice %arg10[%dma_wait3A_400, %dma_wait3A_403, %dma_wait3A_404] : memref<2x8x4096xf32, #tpu.memory_space<vmem>> -> memref<1x8x4096xf32, #tpu.memory_space<vmem>>
    %dma_wait3A_406 = tpu.memref_squeeze %dma_wait3A_405 : memref<1x8x4096xf32, #tpu.memory_space<vmem>> -> memref<8x4096xf32, #tpu.memory_space<vmem>>
    %dma_wait3A_407 = arith.constant 0 : i32
    %dma_wait3A_408 = tpu.memref_slice %arg9[%dma_wait3A_401, %dma_wait3A_402, %dma_wait3A_407] : memref<4x8x8xi32, #tpu.memory_space<vmem>> -> memref<1x1x8xi32, #tpu.memory_space<vmem>>
    %dma_wait3A_409 = tpu.memref_squeeze %dma_wait3A_408 : memref<1x1x8xi32, #tpu.memory_space<vmem>> -> memref<8xi32, #tpu.memory_space<vmem>>
    %dma_wait3A_410 = arith.constant 0 : i32
    %dma_wait3A_411 = arith.constant 0 : i32
    %dma_wait3A_412 = tpu.memref_slice %arg6[%dma_wait3A_410, %dma_wait3A_411] : memref<4096x4096xf32, #tpu.memory_space<hbm>> -> memref<4096x4096xf32, #tpu.memory_space<hbm>>
    tpu.wait_indirect_dma semaphore(%arg13 : memref<!tpu.dma_semaphore, #tpu.memory_space<semaphore_mem>>) src(%dma_wait3A_406 : memref<8x4096xf32, #tpu.memory_space<vmem>>) dst(%dma_wait3A_412 : memref<4096x4096xf32, #tpu.memory_space<hbm>>)
    %dma_wait3A_413 = arith.constant 1 : i32
    %dma_wait3A_414 = arith.constant 0 : i32
    %dma_wait3A_415 = arith.constant 7 : i32
    %dma_wait3A_416 = arith.constant 0 : i32
    %dma_wait3A_417 = arith.constant 0 : i32
    %dma_wait3A_418 = tpu.memref_slice %arg10[%dma_wait3A_413, %dma_wait3A_416, %dma_wait3A_417] : memref<2x8x4096xf32, #tpu.memory_space<vmem>> -> memref<1x8x4096xf32, #tpu.memory_space<vmem>>
    %dma_wait3A_419 = tpu.memref_squeeze %dma_wait3A_418 : memref<1x8x4096xf32, #tpu.memory_space<vmem>> -> memref<8x4096xf32, #tpu.memory_space<vmem>>
    %dma_wait3A_420 = arith.constant 0 : i32
    %dma_wait3A_421 = tpu.memref_slice %arg9[%dma_wait3A_414, %dma_wait3A_415, %dma_wait3A_420] : memref<4x8x8xi32, #tpu.memory_space<vmem>> -> memref<1x1x8xi32, #tpu.memory_space<vmem>>
    %dma_wait3A_422 = tpu.memref_squeeze %dma_wait3A_421 : memref<1x1x8xi32, #tpu.memory_space<vmem>> -> memref<8xi32, #tpu.memory_space<vmem>>
    %dma_wait3A_423 = arith.constant 0 : i32
    %dma_wait3A_424 = arith.constant 0 : i32
    %dma_wait3A_425 = tpu.memref_slice %arg6[%dma_wait3A_423, %dma_wait3A_424] : memref<4096x4096xf32, #tpu.memory_space<hbm>> -> memref<4096x4096xf32, #tpu.memory_space<hbm>>
    tpu.wait_indirect_dma semaphore(%arg14 : memref<!tpu.dma_semaphore, #tpu.memory_space<semaphore_mem>>) src(%dma_wait3A_419 : memref<8x4096xf32, #tpu.memory_space<vmem>>) dst(%dma_wait3A_425 : memref<4096x4096xf32, #tpu.memory_space<hbm>>)
    %dma_start3A_426 = arith.constant 1 : i32
    %dma_start3A_427 = arith.constant 0 : i32
    %dma_start3A_428 = arith.constant 0 : i32
    %dma_start3A_429 = arith.constant 0 : i32
    %dma_start3A_430 = arith.constant 0 : i32
    %dma_start3A_431 = tpu.memref_slice %arg10[%dma_start3A_428, %dma_start3A_429, %dma_start3A_430] : memref<2x8x4096xf32, #tpu.memory_space<vmem>> -> memref<1x8x4096xf32, #tpu.memory_space<vmem>>
    %dma_start3A_432 = tpu.memref_squeeze %dma_start3A_431 : memref<1x8x4096xf32, #tpu.memory_space<vmem>> -> memref<8x4096xf32, #tpu.memory_space<vmem>>
    %dma_start3A_433 = arith.constant 0 : i32
    %dma_start3A_434 = tpu.memref_slice %arg8[%dma_start3A_426, %dma_start3A_427, %dma_start3A_433] : memref<4x8x8xi32, #tpu.memory_space<vmem>> -> memref<1x1x8xi32, #tpu.memory_space<vmem>>
    %dma_start3A_435 = tpu.memref_squeeze %dma_start3A_434 : memref<1x1x8xi32, #tpu.memory_space<vmem>> -> memref<8xi32, #tpu.memory_space<vmem>>
    %dma_start3A_436 = arith.constant 0 : i32
    %dma_start3A_437 = arith.constant 0 : i32
    %dma_start3A_438 = tpu.memref_slice %arg3[%dma_start3A_436, %dma_start3A_437] : memref<4096x4096xf32, #tpu.memory_space<hbm>> -> memref<4096x4096xf32, #tpu.memory_space<hbm>>
    tpu.enqueue_indirect_dma source(%dma_start3A_438 : memref<4096x4096xf32, #tpu.memory_space<hbm>>) target(%dma_start3A_432 : memref<8x4096xf32, #tpu.memory_space<vmem>>) offsets(%dma_start3A_435 : memref<8xi32, #tpu.memory_space<vmem>>) semaphore(%arg11 : memref<!tpu.dma_semaphore, #tpu.memory_space<semaphore_mem>>)
    %dma_start3A_439 = arith.constant 1 : i32
    %dma_start3A_440 = arith.constant 1 : i32
    %dma_start3A_441 = arith.constant 1 : i32
    %dma_start3A_442 = arith.constant 0 : i32
    %dma_start3A_443 = arith.constant 0 : i32
    %dma_start3A_444 = tpu.memref_slice %arg10[%dma_start3A_441, %dma_start3A_442, %dma_start3A_443] : memref<2x8x4096xf32, #tpu.memory_space<vmem>> -> memref<1x8x4096xf32, #tpu.memory_space<vmem>>
    %dma_start3A_445 = tpu.memref_squeeze %dma_start3A_444 : memref<1x8x4096xf32, #tpu.memory_space<vmem>> -> memref<8x4096xf32, #tpu.memory_space<vmem>>
    %dma_start3A_446 = arith.constant 0 : i32
    %dma_start3A_447 = tpu.memref_slice %arg8[%dma_start3A_439, %dma_start3A_440, %dma_start3A_446] : memref<4x8x8xi32, #tpu.memory_space<vmem>> -> memref<1x1x8xi32, #tpu.memory_space<vmem>>
    %dma_start3A_448 = tpu.memref_squeeze %dma_start3A_447 : memref<1x1x8xi32, #tpu.memory_space<vmem>> -> memref<8xi32, #tpu.memory_space<vmem>>
    %dma_start3A_449 = arith.constant 0 : i32
    %dma_start3A_450 = arith.constant 0 : i32
    %dma_start3A_451 = tpu.memref_slice %arg3[%dma_start3A_449, %dma_start3A_450] : memref<4096x4096xf32, #tpu.memory_space<hbm>> -> memref<4096x4096xf32, #tpu.memory_space<hbm>>
    tpu.enqueue_indirect_dma source(%dma_start3A_451 : memref<4096x4096xf32, #tpu.memory_space<hbm>>) target(%dma_start3A_445 : memref<8x4096xf32, #tpu.memory_space<vmem>>) offsets(%dma_start3A_448 : memref<8xi32, #tpu.memory_space<vmem>>) semaphore(%arg12 : memref<!tpu.dma_semaphore, #tpu.memory_space<semaphore_mem>>)
    %scan3A_452 = arith.constant 0 : i32
    %scan3A_453 = arith.constant 0 : i32
    %scan3A_454 = arith.constant 3 : i32
    %scan3A_455 = arith.addi %scan3A_453, %scan3A_454 : i32
    %scan3A_456 = arith.constant 1 : i32
    scf.for %scan3A_756 = %scan3A_453 to %scan3A_455 step %scan3A_456  : i32 {
      %mul3A_757 = arith.constant 2 : i32
      %mul3A_758 = arith.muli %mul3A_757, %scan3A_756 : i32
      %dma_wait3A_759 = arith.constant 1 : i32
      %dma_wait3A_760 = arith.constant 0 : i32
      %dma_wait3A_761 = arith.constant 0 : i32
      %dma_wait3A_762 = arith.constant 0 : i32
      %dma_wait3A_763 = tpu.memref_slice %arg10[%dma_wait3A_760, %dma_wait3A_761, %dma_wait3A_762] : memref<2x8x4096xf32, #tpu.memory_space<vmem>> -> memref<1x8x4096xf32, #tpu.memory_space<vmem>>
      %dma_wait3A_764 = tpu.memref_squeeze %dma_wait3A_763 : memref<1x8x4096xf32, #tpu.memory_space<vmem>> -> memref<8x4096xf32, #tpu.memory_space<vmem>>
      %dma_wait3A_765 = arith.constant 0 : i32
      %dma_wait3A_766 = tpu.memref_slice %arg8[%dma_wait3A_759, %mul3A_758, %dma_wait3A_765] : memref<4x8x8xi32, #tpu.memory_space<vmem>> -> memref<1x1x8xi32, #tpu.memory_space<vmem>>
      %dma_wait3A_767 = tpu.memref_squeeze %dma_wait3A_766 : memref<1x1x8xi32, #tpu.memory_space<vmem>> -> memref<8xi32, #tpu.memory_space<vmem>>
      %dma_wait3A_768 = arith.constant 0 : i32
      %dma_wait3A_769 = arith.constant 0 : i32
      %dma_wait3A_770 = tpu.memref_slice %arg3[%dma_wait3A_768, %dma_wait3A_769] : memref<4096x4096xf32, #tpu.memory_space<hbm>> -> memref<4096x4096xf32, #tpu.memory_space<hbm>>
      tpu.wait_indirect_dma semaphore(%arg11 : memref<!tpu.dma_semaphore, #tpu.memory_space<semaphore_mem>>) src(%dma_wait3A_770 : memref<4096x4096xf32, #tpu.memory_space<hbm>>) dst(%dma_wait3A_764 : memref<8x4096xf32, #tpu.memory_space<vmem>>)
      %dma_start3A_771 = arith.constant 0 : i32
      %dma_start3A_772 = arith.constant 1 : i32
      %dma_start3A_773 = arith.constant 0 : i32
      %dma_start3A_774 = arith.constant 0 : i32
      %dma_start3A_775 = tpu.memref_slice %arg10[%dma_start3A_771, %dma_start3A_773, %dma_start3A_774] : memref<2x8x4096xf32, #tpu.memory_space<vmem>> -> memref<1x8x4096xf32, #tpu.memory_space<vmem>>
      %dma_start3A_776 = tpu.memref_squeeze %dma_start3A_775 : memref<1x8x4096xf32, #tpu.memory_space<vmem>> -> memref<8x4096xf32, #tpu.memory_space<vmem>>
      %dma_start3A_777 = arith.constant 0 : i32
      %dma_start3A_778 = tpu.memref_slice %arg9[%dma_start3A_772, %mul3A_758, %dma_start3A_777] : memref<4x8x8xi32, #tpu.memory_space<vmem>> -> memref<1x1x8xi32, #tpu.memory_space<vmem>>
      %dma_start3A_779 = tpu.memref_squeeze %dma_start3A_778 : memref<1x1x8xi32, #tpu.memory_space<vmem>> -> memref<8xi32, #tpu.memory_space<vmem>>
      %dma_start3A_780 = arith.constant 0 : i32
      %dma_start3A_781 = arith.constant 0 : i32
      %dma_start3A_782 = tpu.memref_slice %arg6[%dma_start3A_780, %dma_start3A_781] : memref<4096x4096xf32, #tpu.memory_space<hbm>> -> memref<4096x4096xf32, #tpu.memory_space<hbm>>
      tpu.enqueue_indirect_dma source(%dma_start3A_776 : memref<8x4096xf32, #tpu.memory_space<vmem>>) target(%dma_start3A_782 : memref<4096x4096xf32, #tpu.memory_space<hbm>>) offsets(%dma_start3A_779 : memref<8xi32, #tpu.memory_space<vmem>>) semaphore(%arg13 : memref<!tpu.dma_semaphore, #tpu.memory_space<semaphore_mem>>)
      %dma_wait3A_783 = arith.constant 0 : i32
      %dma_wait3A_784 = arith.constant 1 : i32
      %dma_wait3A_785 = arith.constant 0 : i32
      %dma_wait3A_786 = arith.constant 0 : i32
      %dma_wait3A_787 = tpu.memref_slice %arg10[%dma_wait3A_783, %dma_wait3A_785, %dma_wait3A_786] : memref<2x8x4096xf32, #tpu.memory_space<vmem>> -> memref<1x8x4096xf32, #tpu.memory_space<vmem>>
      %dma_wait3A_788 = tpu.memref_squeeze %dma_wait3A_787 : memref<1x8x4096xf32, #tpu.memory_space<vmem>> -> memref<8x4096xf32, #tpu.memory_space<vmem>>
      %dma_wait3A_789 = arith.constant 0 : i32
      %dma_wait3A_790 = tpu.memref_slice %arg9[%dma_wait3A_784, %mul3A_758, %dma_wait3A_789] : memref<4x8x8xi32, #tpu.memory_space<vmem>> -> memref<1x1x8xi32, #tpu.memory_space<vmem>>
      %dma_wait3A_791 = tpu.memref_squeeze %dma_wait3A_790 : memref<1x1x8xi32, #tpu.memory_space<vmem>> -> memref<8xi32, #tpu.memory_space<vmem>>
      %dma_wait3A_792 = arith.constant 0 : i32
      %dma_wait3A_793 = arith.constant 0 : i32
      %dma_wait3A_794 = tpu.memref_slice %arg6[%dma_wait3A_792, %dma_wait3A_793] : memref<4096x4096xf32, #tpu.memory_space<hbm>> -> memref<4096x4096xf32, #tpu.memory_space<hbm>>
      tpu.wait_indirect_dma semaphore(%arg13 : memref<!tpu.dma_semaphore, #tpu.memory_space<semaphore_mem>>) src(%dma_wait3A_788 : memref<8x4096xf32, #tpu.memory_space<vmem>>) dst(%dma_wait3A_794 : memref<4096x4096xf32, #tpu.memory_space<hbm>>)
      %add3A_795 = arith.constant 2 : i32
      %add3A_796 = arith.addi %mul3A_758, %add3A_795 : i32
      %dma_start3A_797 = arith.constant 1 : i32
      %dma_start3A_798 = arith.constant 0 : i32
      %dma_start3A_799 = arith.constant 0 : i32
      %dma_start3A_800 = arith.constant 0 : i32
      %dma_start3A_801 = tpu.memref_slice %arg10[%dma_start3A_798, %dma_start3A_799, %dma_start3A_800] : memref<2x8x4096xf32, #tpu.memory_space<vmem>> -> memref<1x8x4096xf32, #tpu.memory_space<vmem>>
      %dma_start3A_802 = tpu.memref_squeeze %dma_start3A_801 : memref<1x8x4096xf32, #tpu.memory_space<vmem>> -> memref<8x4096xf32, #tpu.memory_space<vmem>>
      %dma_start3A_803 = arith.constant 0 : i32
      %dma_start3A_804 = tpu.memref_slice %arg8[%dma_start3A_797, %add3A_796, %dma_start3A_803] : memref<4x8x8xi32, #tpu.memory_space<vmem>> -> memref<1x1x8xi32, #tpu.memory_space<vmem>>
      %dma_start3A_805 = tpu.memref_squeeze %dma_start3A_804 : memref<1x1x8xi32, #tpu.memory_space<vmem>> -> memref<8xi32, #tpu.memory_space<vmem>>
      %dma_start3A_806 = arith.constant 0 : i32
      %dma_start3A_807 = arith.constant 0 : i32
      %dma_start3A_808 = tpu.memref_slice %arg3[%dma_start3A_806, %dma_start3A_807] : memref<4096x4096xf32, #tpu.memory_space<hbm>> -> memref<4096x4096xf32, #tpu.memory_space<hbm>>
      tpu.enqueue_indirect_dma source(%dma_start3A_808 : memref<4096x4096xf32, #tpu.memory_space<hbm>>) target(%dma_start3A_802 : memref<8x4096xf32, #tpu.memory_space<vmem>>) offsets(%dma_start3A_805 : memref<8xi32, #tpu.memory_space<vmem>>) semaphore(%arg11 : memref<!tpu.dma_semaphore, #tpu.memory_space<semaphore_mem>>)
      %add3A_809 = arith.constant 1 : i32
      %add3A_810 = arith.addi %mul3A_758, %add3A_809 : i32
      %dma_wait3A_811 = arith.constant 1 : i32
      %dma_wait3A_812 = arith.constant 1 : i32
      %dma_wait3A_813 = arith.constant 0 : i32
      %dma_wait3A_814 = arith.constant 0 : i32
      %dma_wait3A_815 = tpu.memref_slice %arg10[%dma_wait3A_812, %dma_wait3A_813, %dma_wait3A_814] : memref<2x8x4096xf32, #tpu.memory_space<vmem>> -> memref<1x8x4096xf32, #tpu.memory_space<vmem>>
      %dma_wait3A_816 = tpu.memref_squeeze %dma_wait3A_815 : memref<1x8x4096xf32, #tpu.memory_space<vmem>> -> memref<8x4096xf32, #tpu.memory_space<vmem>>
      %dma_wait3A_817 = arith.constant 0 : i32
      %dma_wait3A_818 = tpu.memref_slice %arg8[%dma_wait3A_811, %add3A_810, %dma_wait3A_817] : memref<4x8x8xi32, #tpu.memory_space<vmem>> -> memref<1x1x8xi32, #tpu.memory_space<vmem>>
      %dma_wait3A_819 = tpu.memref_squeeze %dma_wait3A_818 : memref<1x1x8xi32, #tpu.memory_space<vmem>> -> memref<8xi32, #tpu.memory_space<vmem>>
      %dma_wait3A_820 = arith.constant 0 : i32
      %dma_wait3A_821 = arith.constant 0 : i32
      %dma_wait3A_822 = tpu.memref_slice %arg3[%dma_wait3A_820, %dma_wait3A_821] : memref<4096x4096xf32, #tpu.memory_space<hbm>> -> memref<4096x4096xf32, #tpu.memory_space<hbm>>
      tpu.wait_indirect_dma semaphore(%arg12 : memref<!tpu.dma_semaphore, #tpu.memory_space<semaphore_mem>>) src(%dma_wait3A_822 : memref<4096x4096xf32, #tpu.memory_space<hbm>>) dst(%dma_wait3A_816 : memref<8x4096xf32, #tpu.memory_space<vmem>>)
      %add3A_823 = arith.constant 1 : i32
      %add3A_824 = arith.addi %mul3A_758, %add3A_823 : i32
      %dma_start3A_825 = arith.constant 1 : i32
      %dma_start3A_826 = arith.constant 1 : i32
      %dma_start3A_827 = arith.constant 0 : i32
      %dma_start3A_828 = arith.constant 0 : i32
      %dma_start3A_829 = tpu.memref_slice %arg10[%dma_start3A_825, %dma_start3A_827, %dma_start3A_828] : memref<2x8x4096xf32, #tpu.memory_space<vmem>> -> memref<1x8x4096xf32, #tpu.memory_space<vmem>>
      %dma_start3A_830 = tpu.memref_squeeze %dma_start3A_829 : memref<1x8x4096xf32, #tpu.memory_space<vmem>> -> memref<8x4096xf32, #tpu.memory_space<vmem>>
      %dma_start3A_831 = arith.constant 0 : i32
      %dma_start3A_832 = tpu.memref_slice %arg9[%dma_start3A_826, %add3A_824, %dma_start3A_831] : memref<4x8x8xi32, #tpu.memory_space<vmem>> -> memref<1x1x8xi32, #tpu.memory_space<vmem>>
      %dma_start3A_833 = tpu.memref_squeeze %dma_start3A_832 : memref<1x1x8xi32, #tpu.memory_space<vmem>> -> memref<8xi32, #tpu.memory_space<vmem>>
      %dma_start3A_834 = arith.constant 0 : i32
      %dma_start3A_835 = arith.constant 0 : i32
      %dma_start3A_836 = tpu.memref_slice %arg6[%dma_start3A_834, %dma_start3A_835] : memref<4096x4096xf32, #tpu.memory_space<hbm>> -> memref<4096x4096xf32, #tpu.memory_space<hbm>>
      tpu.enqueue_indirect_dma source(%dma_start3A_830 : memref<8x4096xf32, #tpu.memory_space<vmem>>) target(%dma_start3A_836 : memref<4096x4096xf32, #tpu.memory_space<hbm>>) offsets(%dma_start3A_833 : memref<8xi32, #tpu.memory_space<vmem>>) semaphore(%arg14 : memref<!tpu.dma_semaphore, #tpu.memory_space<semaphore_mem>>)
      %add3A_837 = arith.constant 1 : i32
      %add3A_838 = arith.addi %mul3A_758, %add3A_837 : i32
      %dma_wait3A_839 = arith.constant 1 : i32
      %dma_wait3A_840 = arith.constant 1 : i32
      %dma_wait3A_841 = arith.constant 0 : i32
      %dma_wait3A_842 = arith.constant 0 : i32
      %dma_wait3A_843 = tpu.memref_slice %arg10[%dma_wait3A_839, %dma_wait3A_841, %dma_wait3A_842] : memref<2x8x4096xf32, #tpu.memory_space<vmem>> -> memref<1x8x4096xf32, #tpu.memory_space<vmem>>
      %dma_wait3A_844 = tpu.memref_squeeze %dma_wait3A_843 : memref<1x8x4096xf32, #tpu.memory_space<vmem>> -> memref<8x4096xf32, #tpu.memory_space<vmem>>
      %dma_wait3A_845 = arith.constant 0 : i32
      %dma_wait3A_846 = tpu.memref_slice %arg9[%dma_wait3A_840, %add3A_838, %dma_wait3A_845] : memref<4x8x8xi32, #tpu.memory_space<vmem>> -> memref<1x1x8xi32, #tpu.memory_space<vmem>>
      %dma_wait3A_847 = tpu.memref_squeeze %dma_wait3A_846 : memref<1x1x8xi32, #tpu.memory_space<vmem>> -> memref<8xi32, #tpu.memory_space<vmem>>
      %dma_wait3A_848 = arith.constant 0 : i32
      %dma_wait3A_849 = arith.constant 0 : i32
      %dma_wait3A_850 = tpu.memref_slice %arg6[%dma_wait3A_848, %dma_wait3A_849] : memref<4096x4096xf32, #tpu.memory_space<hbm>> -> memref<4096x4096xf32, #tpu.memory_space<hbm>>
      tpu.wait_indirect_dma semaphore(%arg14 : memref<!tpu.dma_semaphore, #tpu.memory_space<semaphore_mem>>) src(%dma_wait3A_844 : memref<8x4096xf32, #tpu.memory_space<vmem>>) dst(%dma_wait3A_850 : memref<4096x4096xf32, #tpu.memory_space<hbm>>)
      %add3A_851 = arith.constant 3 : i32
      %add3A_852 = arith.addi %mul3A_758, %add3A_851 : i32
      %dma_start3A_853 = arith.constant 1 : i32
      %dma_start3A_854 = arith.constant 1 : i32
      %dma_start3A_855 = arith.constant 0 : i32
      %dma_start3A_856 = arith.constant 0 : i32
      %dma_start3A_857 = tpu.memref_slice %arg10[%dma_start3A_854, %dma_start3A_855, %dma_start3A_856] : memref<2x8x4096xf32, #tpu.memory_space<vmem>> -> memref<1x8x4096xf32, #tpu.memory_space<vmem>>
      %dma_start3A_858 = tpu.memref_squeeze %dma_start3A_857 : memref<1x8x4096xf32, #tpu.memory_space<vmem>> -> memref<8x4096xf32, #tpu.memory_space<vmem>>
      %dma_start3A_859 = arith.constant 0 : i32
      %dma_start3A_860 = tpu.memref_slice %arg8[%dma_start3A_853, %add3A_852, %dma_start3A_859] : memref<4x8x8xi32, #tpu.memory_space<vmem>> -> memref<1x1x8xi32, #tpu.memory_space<vmem>>
      %dma_start3A_861 = tpu.memref_squeeze %dma_start3A_860 : memref<1x1x8xi32, #tpu.memory_space<vmem>> -> memref<8xi32, #tpu.memory_space<vmem>>
      %dma_start3A_862 = arith.constant 0 : i32
      %dma_start3A_863 = arith.constant 0 : i32
      %dma_start3A_864 = tpu.memref_slice %arg3[%dma_start3A_862, %dma_start3A_863] : memref<4096x4096xf32, #tpu.memory_space<hbm>> -> memref<4096x4096xf32, #tpu.memory_space<hbm>>
      tpu.enqueue_indirect_dma source(%dma_start3A_864 : memref<4096x4096xf32, #tpu.memory_space<hbm>>) target(%dma_start3A_858 : memref<8x4096xf32, #tpu.memory_space<vmem>>) offsets(%dma_start3A_861 : memref<8xi32, #tpu.memory_space<vmem>>) semaphore(%arg12 : memref<!tpu.dma_semaphore, #tpu.memory_space<semaphore_mem>>)
    }
    %scan3A_457 = arith.constant 3 : i32
    %dma_wait3A_458 = arith.constant 1 : i32
    %dma_wait3A_459 = arith.constant 6 : i32
    %dma_wait3A_460 = arith.constant 0 : i32
    %dma_wait3A_461 = arith.constant 0 : i32
    %dma_wait3A_462 = arith.constant 0 : i32
    %dma_wait3A_463 = tpu.memref_slice %arg10[%dma_wait3A_460, %dma_wait3A_461, %dma_wait3A_462] : memref<2x8x4096xf32, #tpu.memory_space<vmem>> -> memref<1x8x4096xf32, #tpu.memory_space<vmem>>
    %dma_wait3A_464 = tpu.memref_squeeze %dma_wait3A_463 : memref<1x8x4096xf32, #tpu.memory_space<vmem>> -> memref<8x4096xf32, #tpu.memory_space<vmem>>
    %dma_wait3A_465 = arith.constant 0 : i32
    %dma_wait3A_466 = tpu.memref_slice %arg8[%dma_wait3A_458, %dma_wait3A_459, %dma_wait3A_465] : memref<4x8x8xi32, #tpu.memory_space<vmem>> -> memref<1x1x8xi32, #tpu.memory_space<vmem>>
    %dma_wait3A_467 = tpu.memref_squeeze %dma_wait3A_466 : memref<1x1x8xi32, #tpu.memory_space<vmem>> -> memref<8xi32, #tpu.memory_space<vmem>>
    %dma_wait3A_468 = arith.constant 0 : i32
    %dma_wait3A_469 = arith.constant 0 : i32
    %dma_wait3A_470 = tpu.memref_slice %arg3[%dma_wait3A_468, %dma_wait3A_469] : memref<4096x4096xf32, #tpu.memory_space<hbm>> -> memref<4096x4096xf32, #tpu.memory_space<hbm>>
    tpu.wait_indirect_dma semaphore(%arg11 : memref<!tpu.dma_semaphore, #tpu.memory_space<semaphore_mem>>) src(%dma_wait3A_470 : memref<4096x4096xf32, #tpu.memory_space<hbm>>) dst(%dma_wait3A_464 : memref<8x4096xf32, #tpu.memory_space<vmem>>)
    %dma_start3A_471 = arith.constant 0 : i32
    %dma_start3A_472 = arith.constant 1 : i32
    %dma_start3A_473 = arith.constant 6 : i32
    %dma_start3A_474 = arith.constant 0 : i32
    %dma_start3A_475 = arith.constant 0 : i32
    %dma_start3A_476 = tpu.memref_slice %arg10[%dma_start3A_471, %dma_start3A_474, %dma_start3A_475] : memref<2x8x4096xf32, #tpu.memory_space<vmem>> -> memref<1x8x4096xf32, #tpu.memory_space<vmem>>
    %dma_start3A_477 = tpu.memref_squeeze %dma_start3A_476 : memref<1x8x4096xf32, #tpu.memory_space<vmem>> -> memref<8x4096xf32, #tpu.memory_space<vmem>>
    %dma_start3A_478 = arith.constant 0 : i32
    %dma_start3A_479 = tpu.memref_slice %arg9[%dma_start3A_472, %dma_start3A_473, %dma_start3A_478] : memref<4x8x8xi32, #tpu.memory_space<vmem>> -> memref<1x1x8xi32, #tpu.memory_space<vmem>>
    %dma_start3A_480 = tpu.memref_squeeze %dma_start3A_479 : memref<1x1x8xi32, #tpu.memory_space<vmem>> -> memref<8xi32, #tpu.memory_space<vmem>>
    %dma_start3A_481 = arith.constant 0 : i32
    %dma_start3A_482 = arith.constant 0 : i32
    %dma_start3A_483 = tpu.memref_slice %arg6[%dma_start3A_481, %dma_start3A_482] : memref<4096x4096xf32, #tpu.memory_space<hbm>> -> memref<4096x4096xf32, #tpu.memory_space<hbm>>
    tpu.enqueue_indirect_dma source(%dma_start3A_477 : memref<8x4096xf32, #tpu.memory_space<vmem>>) target(%dma_start3A_483 : memref<4096x4096xf32, #tpu.memory_space<hbm>>) offsets(%dma_start3A_480 : memref<8xi32, #tpu.memory_space<vmem>>) semaphore(%arg13 : memref<!tpu.dma_semaphore, #tpu.memory_space<semaphore_mem>>)
    %dma_wait3A_484 = arith.constant 1 : i32
    %dma_wait3A_485 = arith.constant 7 : i32
    %dma_wait3A_486 = arith.constant 1 : i32
    %dma_wait3A_487 = arith.constant 0 : i32
    %dma_wait3A_488 = arith.constant 0 : i32
    %dma_wait3A_489 = tpu.memref_slice %arg10[%dma_wait3A_486, %dma_wait3A_487, %dma_wait3A_488] : memref<2x8x4096xf32, #tpu.memory_space<vmem>> -> memref<1x8x4096xf32, #tpu.memory_space<vmem>>
    %dma_wait3A_490 = tpu.memref_squeeze %dma_wait3A_489 : memref<1x8x4096xf32, #tpu.memory_space<vmem>> -> memref<8x4096xf32, #tpu.memory_space<vmem>>
    %dma_wait3A_491 = arith.constant 0 : i32
    %dma_wait3A_492 = tpu.memref_slice %arg8[%dma_wait3A_484, %dma_wait3A_485, %dma_wait3A_491] : memref<4x8x8xi32, #tpu.memory_space<vmem>> -> memref<1x1x8xi32, #tpu.memory_space<vmem>>
    %dma_wait3A_493 = tpu.memref_squeeze %dma_wait3A_492 : memref<1x1x8xi32, #tpu.memory_space<vmem>> -> memref<8xi32, #tpu.memory_space<vmem>>
    %dma_wait3A_494 = arith.constant 0 : i32
    %dma_wait3A_495 = arith.constant 0 : i32
    %dma_wait3A_496 = tpu.memref_slice %arg3[%dma_wait3A_494, %dma_wait3A_495] : memref<4096x4096xf32, #tpu.memory_space<hbm>> -> memref<4096x4096xf32, #tpu.memory_space<hbm>>
    tpu.wait_indirect_dma semaphore(%arg12 : memref<!tpu.dma_semaphore, #tpu.memory_space<semaphore_mem>>) src(%dma_wait3A_496 : memref<4096x4096xf32, #tpu.memory_space<hbm>>) dst(%dma_wait3A_490 : memref<8x4096xf32, #tpu.memory_space<vmem>>)
    %dma_start3A_497 = arith.constant 1 : i32
    %dma_start3A_498 = arith.constant 1 : i32
    %dma_start3A_499 = arith.constant 7 : i32
    %dma_start3A_500 = arith.constant 0 : i32
    %dma_start3A_501 = arith.constant 0 : i32
    %dma_start3A_502 = tpu.memref_slice %arg10[%dma_start3A_497, %dma_start3A_500, %dma_start3A_501] : memref<2x8x4096xf32, #tpu.memory_space<vmem>> -> memref<1x8x4096xf32, #tpu.memory_space<vmem>>
    %dma_start3A_503 = tpu.memref_squeeze %dma_start3A_502 : memref<1x8x4096xf32, #tpu.memory_space<vmem>> -> memref<8x4096xf32, #tpu.memory_space<vmem>>
    %dma_start3A_504 = arith.constant 0 : i32
    %dma_start3A_505 = tpu.memref_slice %arg9[%dma_start3A_498, %dma_start3A_499, %dma_start3A_504] : memref<4x8x8xi32, #tpu.memory_space<vmem>> -> memref<1x1x8xi32, #tpu.memory_space<vmem>>
    %dma_start3A_506 = tpu.memref_squeeze %dma_start3A_505 : memref<1x1x8xi32, #tpu.memory_space<vmem>> -> memref<8xi32, #tpu.memory_space<vmem>>
    %dma_start3A_507 = arith.constant 0 : i32
    %dma_start3A_508 = arith.constant 0 : i32
    %dma_start3A_509 = tpu.memref_slice %arg6[%dma_start3A_507, %dma_start3A_508] : memref<4096x4096xf32, #tpu.memory_space<hbm>> -> memref<4096x4096xf32, #tpu.memory_space<hbm>>
    tpu.enqueue_indirect_dma source(%dma_start3A_503 : memref<8x4096xf32, #tpu.memory_space<vmem>>) target(%dma_start3A_509 : memref<4096x4096xf32, #tpu.memory_space<hbm>>) offsets(%dma_start3A_506 : memref<8xi32, #tpu.memory_space<vmem>>) semaphore(%arg14 : memref<!tpu.dma_semaphore, #tpu.memory_space<semaphore_mem>>)
    %dma_wait3A_510 = arith.constant 0 : i32
    %dma_wait3A_511 = arith.constant 1 : i32
    %dma_wait3A_512 = arith.constant 6 : i32
    %dma_wait3A_513 = arith.constant 0 : i32
    %dma_wait3A_514 = arith.constant 0 : i32
    %dma_wait3A_515 = tpu.memref_slice %arg10[%dma_wait3A_510, %dma_wait3A_513, %dma_wait3A_514] : memref<2x8x4096xf32, #tpu.memory_space<vmem>> -> memref<1x8x4096xf32, #tpu.memory_space<vmem>>
    %dma_wait3A_516 = tpu.memref_squeeze %dma_wait3A_515 : memref<1x8x4096xf32, #tpu.memory_space<vmem>> -> memref<8x4096xf32, #tpu.memory_space<vmem>>
    %dma_wait3A_517 = arith.constant 0 : i32
    %dma_wait3A_518 = tpu.memref_slice %arg9[%dma_wait3A_511, %dma_wait3A_512, %dma_wait3A_517] : memref<4x8x8xi32, #tpu.memory_space<vmem>> -> memref<1x1x8xi32, #tpu.memory_space<vmem>>
    %dma_wait3A_519 = tpu.memref_squeeze %dma_wait3A_518 : memref<1x1x8xi32, #tpu.memory_space<vmem>> -> memref<8xi32, #tpu.memory_space<vmem>>
    %dma_wait3A_520 = arith.constant 0 : i32
    %dma_wait3A_521 = arith.constant 0 : i32
    %dma_wait3A_522 = tpu.memref_slice %arg6[%dma_wait3A_520, %dma_wait3A_521] : memref<4096x4096xf32, #tpu.memory_space<hbm>> -> memref<4096x4096xf32, #tpu.memory_space<hbm>>
    tpu.wait_indirect_dma semaphore(%arg13 : memref<!tpu.dma_semaphore, #tpu.memory_space<semaphore_mem>>) src(%dma_wait3A_516 : memref<8x4096xf32, #tpu.memory_space<vmem>>) dst(%dma_wait3A_522 : memref<4096x4096xf32, #tpu.memory_space<hbm>>)
    %dma_wait3A_523 = arith.constant 1 : i32
    %dma_wait3A_524 = arith.constant 1 : i32
    %dma_wait3A_525 = arith.constant 7 : i32
    %dma_wait3A_526 = arith.constant 0 : i32
    %dma_wait3A_527 = arith.constant 0 : i32
    %dma_wait3A_528 = tpu.memref_slice %arg10[%dma_wait3A_523, %dma_wait3A_526, %dma_wait3A_527] : memref<2x8x4096xf32, #tpu.memory_space<vmem>> -> memref<1x8x4096xf32, #tpu.memory_space<vmem>>
    %dma_wait3A_529 = tpu.memref_squeeze %dma_wait3A_528 : memref<1x8x4096xf32, #tpu.memory_space<vmem>> -> memref<8x4096xf32, #tpu.memory_space<vmem>>
    %dma_wait3A_530 = arith.constant 0 : i32
    %dma_wait3A_531 = tpu.memref_slice %arg9[%dma_wait3A_524, %dma_wait3A_525, %dma_wait3A_530] : memref<4x8x8xi32, #tpu.memory_space<vmem>> -> memref<1x1x8xi32, #tpu.memory_space<vmem>>
    %dma_wait3A_532 = tpu.memref_squeeze %dma_wait3A_531 : memref<1x1x8xi32, #tpu.memory_space<vmem>> -> memref<8xi32, #tpu.memory_space<vmem>>
    %dma_wait3A_533 = arith.constant 0 : i32
    %dma_wait3A_534 = arith.constant 0 : i32
    %dma_wait3A_535 = tpu.memref_slice %arg6[%dma_wait3A_533, %dma_wait3A_534] : memref<4096x4096xf32, #tpu.memory_space<hbm>> -> memref<4096x4096xf32, #tpu.memory_space<hbm>>
    tpu.wait_indirect_dma semaphore(%arg14 : memref<!tpu.dma_semaphore, #tpu.memory_space<semaphore_mem>>) src(%dma_wait3A_529 : memref<8x4096xf32, #tpu.memory_space<vmem>>) dst(%dma_wait3A_535 : memref<4096x4096xf32, #tpu.memory_space<hbm>>)
    %dma_start3A_536 = arith.constant 2 : i32
    %dma_start3A_537 = arith.constant 0 : i32
    %dma_start3A_538 = arith.constant 0 : i32
    %dma_start3A_539 = arith.constant 0 : i32
    %dma_start3A_540 = arith.constant 0 : i32
    %dma_start3A_541 = tpu.memref_slice %arg10[%dma_start3A_538, %dma_start3A_539, %dma_start3A_540] : memref<2x8x4096xf32, #tpu.memory_space<vmem>> -> memref<1x8x4096xf32, #tpu.memory_space<vmem>>
    %dma_start3A_542 = tpu.memref_squeeze %dma_start3A_541 : memref<1x8x4096xf32, #tpu.memory_space<vmem>> -> memref<8x4096xf32, #tpu.memory_space<vmem>>
    %dma_start3A_543 = arith.constant 0 : i32
    %dma_start3A_544 = tpu.memref_slice %arg8[%dma_start3A_536, %dma_start3A_537, %dma_start3A_543] : memref<4x8x8xi32, #tpu.memory_space<vmem>> -> memref<1x1x8xi32, #tpu.memory_space<vmem>>
    %dma_start3A_545 = tpu.memref_squeeze %dma_start3A_544 : memref<1x1x8xi32, #tpu.memory_space<vmem>> -> memref<8xi32, #tpu.memory_space<vmem>>
    %dma_start3A_546 = arith.constant 0 : i32
    %dma_start3A_547 = arith.constant 0 : i32
    %dma_start3A_548 = tpu.memref_slice %arg3[%dma_start3A_546, %dma_start3A_547] : memref<4096x4096xf32, #tpu.memory_space<hbm>> -> memref<4096x4096xf32, #tpu.memory_space<hbm>>
    tpu.enqueue_indirect_dma source(%dma_start3A_548 : memref<4096x4096xf32, #tpu.memory_space<hbm>>) target(%dma_start3A_542 : memref<8x4096xf32, #tpu.memory_space<vmem>>) offsets(%dma_start3A_545 : memref<8xi32, #tpu.memory_space<vmem>>) semaphore(%arg11 : memref<!tpu.dma_semaphore, #tpu.memory_space<semaphore_mem>>)
    %dma_start3A_549 = arith.constant 2 : i32
    %dma_start3A_550 = arith.constant 1 : i32
    %dma_start3A_551 = arith.constant 1 : i32
    %dma_start3A_552 = arith.constant 0 : i32
    %dma_start3A_553 = arith.constant 0 : i32
    %dma_start3A_554 = tpu.memref_slice %arg10[%dma_start3A_551, %dma_start3A_552, %dma_start3A_553] : memref<2x8x4096xf32, #tpu.memory_space<vmem>> -> memref<1x8x4096xf32, #tpu.memory_space<vmem>>
    %dma_start3A_555 = tpu.memref_squeeze %dma_start3A_554 : memref<1x8x4096xf32, #tpu.memory_space<vmem>> -> memref<8x4096xf32, #tpu.memory_space<vmem>>
    %dma_start3A_556 = arith.constant 0 : i32
    %dma_start3A_557 = tpu.memref_slice %arg8[%dma_start3A_549, %dma_start3A_550, %dma_start3A_556] : memref<4x8x8xi32, #tpu.memory_space<vmem>> -> memref<1x1x8xi32, #tpu.memory_space<vmem>>
    %dma_start3A_558 = tpu.memref_squeeze %dma_start3A_557 : memref<1x1x8xi32, #tpu.memory_space<vmem>> -> memref<8xi32, #tpu.memory_space<vmem>>
    %dma_start3A_559 = arith.constant 0 : i32
    %dma_start3A_560 = arith.constant 0 : i32
    %dma_start3A_561 = tpu.memref_slice %arg3[%dma_start3A_559, %dma_start3A_560] : memref<4096x4096xf32, #tpu.memory_space<hbm>> -> memref<4096x4096xf32, #tpu.memory_space<hbm>>
    tpu.enqueue_indirect_dma source(%dma_start3A_561 : memref<4096x4096xf32, #tpu.memory_space<hbm>>) target(%dma_start3A_555 : memref<8x4096xf32, #tpu.memory_space<vmem>>) offsets(%dma_start3A_558 : memref<8xi32, #tpu.memory_space<vmem>>) semaphore(%arg12 : memref<!tpu.dma_semaphore, #tpu.memory_space<semaphore_mem>>)
    %scan3A_562 = arith.constant 0 : i32
    %scan3A_563 = arith.constant 0 : i32
    %scan3A_564 = arith.constant 3 : i32
    %scan3A_565 = arith.addi %scan3A_563, %scan3A_564 : i32
    %scan3A_566 = arith.constant 1 : i32
    scf.for %scan3A_756 = %scan3A_563 to %scan3A_565 step %scan3A_566  : i32 {
      %mul3A_757 = arith.constant 2 : i32
      %mul3A_758 = arith.muli %mul3A_757, %scan3A_756 : i32
      %dma_wait3A_759 = arith.constant 2 : i32
      %dma_wait3A_760 = arith.constant 0 : i32
      %dma_wait3A_761 = arith.constant 0 : i32
      %dma_wait3A_762 = arith.constant 0 : i32
      %dma_wait3A_763 = tpu.memref_slice %arg10[%dma_wait3A_760, %dma_wait3A_761, %dma_wait3A_762] : memref<2x8x4096xf32, #tpu.memory_space<vmem>> -> memref<1x8x4096xf32, #tpu.memory_space<vmem>>
      %dma_wait3A_764 = tpu.memref_squeeze %dma_wait3A_763 : memref<1x8x4096xf32, #tpu.memory_space<vmem>> -> memref<8x4096xf32, #tpu.memory_space<vmem>>
      %dma_wait3A_765 = arith.constant 0 : i32
      %dma_wait3A_766 = tpu.memref_slice %arg8[%dma_wait3A_759, %mul3A_758, %dma_wait3A_765] : memref<4x8x8xi32, #tpu.memory_space<vmem>> -> memref<1x1x8xi32, #tpu.memory_space<vmem>>
      %dma_wait3A_767 = tpu.memref_squeeze %dma_wait3A_766 : memref<1x1x8xi32, #tpu.memory_space<vmem>> -> memref<8xi32, #tpu.memory_space<vmem>>
      %dma_wait3A_768 = arith.constant 0 : i32
      %dma_wait3A_769 = arith.constant 0 : i32
      %dma_wait3A_770 = tpu.memref_slice %arg3[%dma_wait3A_768, %dma_wait3A_769] : memref<4096x4096xf32, #tpu.memory_space<hbm>> -> memref<4096x4096xf32, #tpu.memory_space<hbm>>
      tpu.wait_indirect_dma semaphore(%arg11 : memref<!tpu.dma_semaphore, #tpu.memory_space<semaphore_mem>>) src(%dma_wait3A_770 : memref<4096x4096xf32, #tpu.memory_space<hbm>>) dst(%dma_wait3A_764 : memref<8x4096xf32, #tpu.memory_space<vmem>>)
      %dma_start3A_771 = arith.constant 0 : i32
      %dma_start3A_772 = arith.constant 2 : i32
      %dma_start3A_773 = arith.constant 0 : i32
      %dma_start3A_774 = arith.constant 0 : i32
      %dma_start3A_775 = tpu.memref_slice %arg10[%dma_start3A_771, %dma_start3A_773, %dma_start3A_774] : memref<2x8x4096xf32, #tpu.memory_space<vmem>> -> memref<1x8x4096xf32, #tpu.memory_space<vmem>>
      %dma_start3A_776 = tpu.memref_squeeze %dma_start3A_775 : memref<1x8x4096xf32, #tpu.memory_space<vmem>> -> memref<8x4096xf32, #tpu.memory_space<vmem>>
      %dma_start3A_777 = arith.constant 0 : i32
      %dma_start3A_778 = tpu.memref_slice %arg9[%dma_start3A_772, %mul3A_758, %dma_start3A_777] : memref<4x8x8xi32, #tpu.memory_space<vmem>> -> memref<1x1x8xi32, #tpu.memory_space<vmem>>
      %dma_start3A_779 = tpu.memref_squeeze %dma_start3A_778 : memref<1x1x8xi32, #tpu.memory_space<vmem>> -> memref<8xi32, #tpu.memory_space<vmem>>
      %dma_start3A_780 = arith.constant 0 : i32
      %dma_start3A_781 = arith.constant 0 : i32
      %dma_start3A_782 = tpu.memref_slice %arg7[%dma_start3A_780, %dma_start3A_781] : memref<4096x4096xf32, #tpu.memory_space<hbm>> -> memref<4096x4096xf32, #tpu.memory_space<hbm>>
      tpu.enqueue_indirect_dma source(%dma_start3A_776 : memref<8x4096xf32, #tpu.memory_space<vmem>>) target(%dma_start3A_782 : memref<4096x4096xf32, #tpu.memory_space<hbm>>) offsets(%dma_start3A_779 : memref<8xi32, #tpu.memory_space<vmem>>) semaphore(%arg13 : memref<!tpu.dma_semaphore, #tpu.memory_space<semaphore_mem>>)
      %dma_wait3A_783 = arith.constant 0 : i32
      %dma_wait3A_784 = arith.constant 2 : i32
      %dma_wait3A_785 = arith.constant 0 : i32
      %dma_wait3A_786 = arith.constant 0 : i32
      %dma_wait3A_787 = tpu.memref_slice %arg10[%dma_wait3A_783, %dma_wait3A_785, %dma_wait3A_786] : memref<2x8x4096xf32, #tpu.memory_space<vmem>> -> memref<1x8x4096xf32, #tpu.memory_space<vmem>>
      %dma_wait3A_788 = tpu.memref_squeeze %dma_wait3A_787 : memref<1x8x4096xf32, #tpu.memory_space<vmem>> -> memref<8x4096xf32, #tpu.memory_space<vmem>>
      %dma_wait3A_789 = arith.constant 0 : i32
      %dma_wait3A_790 = tpu.memref_slice %arg9[%dma_wait3A_784, %mul3A_758, %dma_wait3A_789] : memref<4x8x8xi32, #tpu.memory_space<vmem>> -> memref<1x1x8xi32, #tpu.memory_space<vmem>>
      %dma_wait3A_791 = tpu.memref_squeeze %dma_wait3A_790 : memref<1x1x8xi32, #tpu.memory_space<vmem>> -> memref<8xi32, #tpu.memory_space<vmem>>
      %dma_wait3A_792 = arith.constant 0 : i32
      %dma_wait3A_793 = arith.constant 0 : i32
      %dma_wait3A_794 = tpu.memref_slice %arg7[%dma_wait3A_792, %dma_wait3A_793] : memref<4096x4096xf32, #tpu.memory_space<hbm>> -> memref<4096x4096xf32, #tpu.memory_space<hbm>>
      tpu.wait_indirect_dma semaphore(%arg13 : memref<!tpu.dma_semaphore, #tpu.memory_space<semaphore_mem>>) src(%dma_wait3A_788 : memref<8x4096xf32, #tpu.memory_space<vmem>>) dst(%dma_wait3A_794 : memref<4096x4096xf32, #tpu.memory_space<hbm>>)
      %add3A_795 = arith.constant 2 : i32
      %add3A_796 = arith.addi %mul3A_758, %add3A_795 : i32
      %dma_start3A_797 = arith.constant 2 : i32
      %dma_start3A_798 = arith.constant 0 : i32
      %dma_start3A_799 = arith.constant 0 : i32
      %dma_start3A_800 = arith.constant 0 : i32
      %dma_start3A_801 = tpu.memref_slice %arg10[%dma_start3A_798, %dma_start3A_799, %dma_start3A_800] : memref<2x8x4096xf32, #tpu.memory_space<vmem>> -> memref<1x8x4096xf32, #tpu.memory_space<vmem>>
      %dma_start3A_802 = tpu.memref_squeeze %dma_start3A_801 : memref<1x8x4096xf32, #tpu.memory_space<vmem>> -> memref<8x4096xf32, #tpu.memory_space<vmem>>
      %dma_start3A_803 = arith.constant 0 : i32
      %dma_start3A_804 = tpu.memref_slice %arg8[%dma_start3A_797, %add3A_796, %dma_start3A_803] : memref<4x8x8xi32, #tpu.memory_space<vmem>> -> memref<1x1x8xi32, #tpu.memory_space<vmem>>
      %dma_start3A_805 = tpu.memref_squeeze %dma_start3A_804 : memref<1x1x8xi32, #tpu.memory_space<vmem>> -> memref<8xi32, #tpu.memory_space<vmem>>
      %dma_start3A_806 = arith.constant 0 : i32
      %dma_start3A_807 = arith.constant 0 : i32
      %dma_start3A_808 = tpu.memref_slice %arg3[%dma_start3A_806, %dma_start3A_807] : memref<4096x4096xf32, #tpu.memory_space<hbm>> -> memref<4096x4096xf32, #tpu.memory_space<hbm>>
      tpu.enqueue_indirect_dma source(%dma_start3A_808 : memref<4096x4096xf32, #tpu.memory_space<hbm>>) target(%dma_start3A_802 : memref<8x4096xf32, #tpu.memory_space<vmem>>) offsets(%dma_start3A_805 : memref<8xi32, #tpu.memory_space<vmem>>) semaphore(%arg11 : memref<!tpu.dma_semaphore, #tpu.memory_space<semaphore_mem>>)
      %add3A_809 = arith.constant 1 : i32
      %add3A_810 = arith.addi %mul3A_758, %add3A_809 : i32
      %dma_wait3A_811 = arith.constant 2 : i32
      %dma_wait3A_812 = arith.constant 1 : i32
      %dma_wait3A_813 = arith.constant 0 : i32
      %dma_wait3A_814 = arith.constant 0 : i32
      %dma_wait3A_815 = tpu.memref_slice %arg10[%dma_wait3A_812, %dma_wait3A_813, %dma_wait3A_814] : memref<2x8x4096xf32, #tpu.memory_space<vmem>> -> memref<1x8x4096xf32, #tpu.memory_space<vmem>>
      %dma_wait3A_816 = tpu.memref_squeeze %dma_wait3A_815 : memref<1x8x4096xf32, #tpu.memory_space<vmem>> -> memref<8x4096xf32, #tpu.memory_space<vmem>>
      %dma_wait3A_817 = arith.constant 0 : i32
      %dma_wait3A_818 = tpu.memref_slice %arg8[%dma_wait3A_811, %add3A_810, %dma_wait3A_817] : memref<4x8x8xi32, #tpu.memory_space<vmem>> -> memref<1x1x8xi32, #tpu.memory_space<vmem>>
      %dma_wait3A_819 = tpu.memref_squeeze %dma_wait3A_818 : memref<1x1x8xi32, #tpu.memory_space<vmem>> -> memref<8xi32, #tpu.memory_space<vmem>>
      %dma_wait3A_820 = arith.constant 0 : i32
      %dma_wait3A_821 = arith.constant 0 : i32
      %dma_wait3A_822 = tpu.memref_slice %arg3[%dma_wait3A_820, %dma_wait3A_821] : memref<4096x4096xf32, #tpu.memory_space<hbm>> -> memref<4096x4096xf32, #tpu.memory_space<hbm>>
      tpu.wait_indirect_dma semaphore(%arg12 : memref<!tpu.dma_semaphore, #tpu.memory_space<semaphore_mem>>) src(%dma_wait3A_822 : memref<4096x4096xf32, #tpu.memory_space<hbm>>) dst(%dma_wait3A_816 : memref<8x4096xf32, #tpu.memory_space<vmem>>)
      %add3A_823 = arith.constant 1 : i32
      %add3A_824 = arith.addi %mul3A_758, %add3A_823 : i32
      %dma_start3A_825 = arith.constant 1 : i32
      %dma_start3A_826 = arith.constant 2 : i32
      %dma_start3A_827 = arith.constant 0 : i32
      %dma_start3A_828 = arith.constant 0 : i32
      %dma_start3A_829 = tpu.memref_slice %arg10[%dma_start3A_825, %dma_start3A_827, %dma_start3A_828] : memref<2x8x4096xf32, #tpu.memory_space<vmem>> -> memref<1x8x4096xf32, #tpu.memory_space<vmem>>
      %dma_start3A_830 = tpu.memref_squeeze %dma_start3A_829 : memref<1x8x4096xf32, #tpu.memory_space<vmem>> -> memref<8x4096xf32, #tpu.memory_space<vmem>>
      %dma_start3A_831 = arith.constant 0 : i32
      %dma_start3A_832 = tpu.memref_slice %arg9[%dma_start3A_826, %add3A_824, %dma_start3A_831] : memref<4x8x8xi32, #tpu.memory_space<vmem>> -> memref<1x1x8xi32, #tpu.memory_space<vmem>>
      %dma_start3A_833 = tpu.memref_squeeze %dma_start3A_832 : memref<1x1x8xi32, #tpu.memory_space<vmem>> -> memref<8xi32, #tpu.memory_space<vmem>>
      %dma_start3A_834 = arith.constant 0 : i32
      %dma_start3A_835 = arith.constant 0 : i32
      %dma_start3A_836 = tpu.memref_slice %arg7[%dma_start3A_834, %dma_start3A_835] : memref<4096x4096xf32, #tpu.memory_space<hbm>> -> memref<4096x4096xf32, #tpu.memory_space<hbm>>
      tpu.enqueue_indirect_dma source(%dma_start3A_830 : memref<8x4096xf32, #tpu.memory_space<vmem>>) target(%dma_start3A_836 : memref<4096x4096xf32, #tpu.memory_space<hbm>>) offsets(%dma_start3A_833 : memref<8xi32, #tpu.memory_space<vmem>>) semaphore(%arg14 : memref<!tpu.dma_semaphore, #tpu.memory_space<semaphore_mem>>)
      %add3A_837 = arith.constant 1 : i32
      %add3A_838 = arith.addi %mul3A_758, %add3A_837 : i32
      %dma_wait3A_839 = arith.constant 1 : i32
      %dma_wait3A_840 = arith.constant 2 : i32
      %dma_wait3A_841 = arith.constant 0 : i32
      %dma_wait3A_842 = arith.constant 0 : i32
      %dma_wait3A_843 = tpu.memref_slice %arg10[%dma_wait3A_839, %dma_wait3A_841, %dma_wait3A_842] : memref<2x8x4096xf32, #tpu.memory_space<vmem>> -> memref<1x8x4096xf32, #tpu.memory_space<vmem>>
      %dma_wait3A_844 = tpu.memref_squeeze %dma_wait3A_843 : memref<1x8x4096xf32, #tpu.memory_space<vmem>> -> memref<8x4096xf32, #tpu.memory_space<vmem>>
      %dma_wait3A_845 = arith.constant 0 : i32
      %dma_wait3A_846 = tpu.memref_slice %arg9[%dma_wait3A_840, %add3A_838, %dma_wait3A_845] : memref<4x8x8xi32, #tpu.memory_space<vmem>> -> memref<1x1x8xi32, #tpu.memory_space<vmem>>
      %dma_wait3A_847 = tpu.memref_squeeze %dma_wait3A_846 : memref<1x1x8xi32, #tpu.memory_space<vmem>> -> memref<8xi32, #tpu.memory_space<vmem>>
      %dma_wait3A_848 = arith.constant 0 : i32
      %dma_wait3A_849 = arith.constant 0 : i32
      %dma_wait3A_850 = tpu.memref_slice %arg7[%dma_wait3A_848, %dma_wait3A_849] : memref<4096x4096xf32, #tpu.memory_space<hbm>> -> memref<4096x4096xf32, #tpu.memory_space<hbm>>
      tpu.wait_indirect_dma semaphore(%arg14 : memref<!tpu.dma_semaphore, #tpu.memory_space<semaphore_mem>>) src(%dma_wait3A_844 : memref<8x4096xf32, #tpu.memory_space<vmem>>) dst(%dma_wait3A_850 : memref<4096x4096xf32, #tpu.memory_space<hbm>>)
      %add3A_851 = arith.constant 3 : i32
      %add3A_852 = arith.addi %mul3A_758, %add3A_851 : i32
      %dma_start3A_853 = arith.constant 2 : i32
      %dma_start3A_854 = arith.constant 1 : i32
      %dma_start3A_855 = arith.constant 0 : i32
      %dma_start3A_856 = arith.constant 0 : i32
      %dma_start3A_857 = tpu.memref_slice %arg10[%dma_start3A_854, %dma_start3A_855, %dma_start3A_856] : memref<2x8x4096xf32, #tpu.memory_space<vmem>> -> memref<1x8x4096xf32, #tpu.memory_space<vmem>>
      %dma_start3A_858 = tpu.memref_squeeze %dma_start3A_857 : memref<1x8x4096xf32, #tpu.memory_space<vmem>> -> memref<8x4096xf32, #tpu.memory_space<vmem>>
      %dma_start3A_859 = arith.constant 0 : i32
      %dma_start3A_860 = tpu.memref_slice %arg8[%dma_start3A_853, %add3A_852, %dma_start3A_859] : memref<4x8x8xi32, #tpu.memory_space<vmem>> -> memref<1x1x8xi32, #tpu.memory_space<vmem>>
      %dma_start3A_861 = tpu.memref_squeeze %dma_start3A_860 : memref<1x1x8xi32, #tpu.memory_space<vmem>> -> memref<8xi32, #tpu.memory_space<vmem>>
      %dma_start3A_862 = arith.constant 0 : i32
      %dma_start3A_863 = arith.constant 0 : i32
      %dma_start3A_864 = tpu.memref_slice %arg3[%dma_start3A_862, %dma_start3A_863] : memref<4096x4096xf32, #tpu.memory_space<hbm>> -> memref<4096x4096xf32, #tpu.memory_space<hbm>>
      tpu.enqueue_indirect_dma source(%dma_start3A_864 : memref<4096x4096xf32, #tpu.memory_space<hbm>>) target(%dma_start3A_858 : memref<8x4096xf32, #tpu.memory_space<vmem>>) offsets(%dma_start3A_861 : memref<8xi32, #tpu.memory_space<vmem>>) semaphore(%arg12 : memref<!tpu.dma_semaphore, #tpu.memory_space<semaphore_mem>>)
    }
    %scan3A_567 = arith.constant 3 : i32
    %dma_wait3A_568 = arith.constant 2 : i32
    %dma_wait3A_569 = arith.constant 6 : i32
    %dma_wait3A_570 = arith.constant 0 : i32
    %dma_wait3A_571 = arith.constant 0 : i32
    %dma_wait3A_572 = arith.constant 0 : i32
    %dma_wait3A_573 = tpu.memref_slice %arg10[%dma_wait3A_570, %dma_wait3A_571, %dma_wait3A_572] : memref<2x8x4096xf32, #tpu.memory_space<vmem>> -> memref<1x8x4096xf32, #tpu.memory_space<vmem>>
    %dma_wait3A_574 = tpu.memref_squeeze %dma_wait3A_573 : memref<1x8x4096xf32, #tpu.memory_space<vmem>> -> memref<8x4096xf32, #tpu.memory_space<vmem>>
    %dma_wait3A_575 = arith.constant 0 : i32
    %dma_wait3A_576 = tpu.memref_slice %arg8[%dma_wait3A_568, %dma_wait3A_569, %dma_wait3A_575] : memref<4x8x8xi32, #tpu.memory_space<vmem>> -> memref<1x1x8xi32, #tpu.memory_space<vmem>>
    %dma_wait3A_577 = tpu.memref_squeeze %dma_wait3A_576 : memref<1x1x8xi32, #tpu.memory_space<vmem>> -> memref<8xi32, #tpu.memory_space<vmem>>
    %dma_wait3A_578 = arith.constant 0 : i32
    %dma_wait3A_579 = arith.constant 0 : i32
    %dma_wait3A_580 = tpu.memref_slice %arg3[%dma_wait3A_578, %dma_wait3A_579] : memref<4096x4096xf32, #tpu.memory_space<hbm>> -> memref<4096x4096xf32, #tpu.memory_space<hbm>>
    tpu.wait_indirect_dma semaphore(%arg11 : memref<!tpu.dma_semaphore, #tpu.memory_space<semaphore_mem>>) src(%dma_wait3A_580 : memref<4096x4096xf32, #tpu.memory_space<hbm>>) dst(%dma_wait3A_574 : memref<8x4096xf32, #tpu.memory_space<vmem>>)
    %dma_start3A_581 = arith.constant 0 : i32
    %dma_start3A_582 = arith.constant 2 : i32
    %dma_start3A_583 = arith.constant 6 : i32
    %dma_start3A_584 = arith.constant 0 : i32
    %dma_start3A_585 = arith.constant 0 : i32
    %dma_start3A_586 = tpu.memref_slice %arg10[%dma_start3A_581, %dma_start3A_584, %dma_start3A_585] : memref<2x8x4096xf32, #tpu.memory_space<vmem>> -> memref<1x8x4096xf32, #tpu.memory_space<vmem>>
    %dma_start3A_587 = tpu.memref_squeeze %dma_start3A_586 : memref<1x8x4096xf32, #tpu.memory_space<vmem>> -> memref<8x4096xf32, #tpu.memory_space<vmem>>
    %dma_start3A_588 = arith.constant 0 : i32
    %dma_start3A_589 = tpu.memref_slice %arg9[%dma_start3A_582, %dma_start3A_583, %dma_start3A_588] : memref<4x8x8xi32, #tpu.memory_space<vmem>> -> memref<1x1x8xi32, #tpu.memory_space<vmem>>
    %dma_start3A_590 = tpu.memref_squeeze %dma_start3A_589 : memref<1x1x8xi32, #tpu.memory_space<vmem>> -> memref<8xi32, #tpu.memory_space<vmem>>
    %dma_start3A_591 = arith.constant 0 : i32
    %dma_start3A_592 = arith.constant 0 : i32
    %dma_start3A_593 = tpu.memref_slice %arg7[%dma_start3A_591, %dma_start3A_592] : memref<4096x4096xf32, #tpu.memory_space<hbm>> -> memref<4096x4096xf32, #tpu.memory_space<hbm>>
    tpu.enqueue_indirect_dma source(%dma_start3A_587 : memref<8x4096xf32, #tpu.memory_space<vmem>>) target(%dma_start3A_593 : memref<4096x4096xf32, #tpu.memory_space<hbm>>) offsets(%dma_start3A_590 : memref<8xi32, #tpu.memory_space<vmem>>) semaphore(%arg13 : memref<!tpu.dma_semaphore, #tpu.memory_space<semaphore_mem>>)
    %dma_wait3A_594 = arith.constant 2 : i32
    %dma_wait3A_595 = arith.constant 7 : i32
    %dma_wait3A_596 = arith.constant 1 : i32
    %dma_wait3A_597 = arith.constant 0 : i32
    %dma_wait3A_598 = arith.constant 0 : i32
    %dma_wait3A_599 = tpu.memref_slice %arg10[%dma_wait3A_596, %dma_wait3A_597, %dma_wait3A_598] : memref<2x8x4096xf32, #tpu.memory_space<vmem>> -> memref<1x8x4096xf32, #tpu.memory_space<vmem>>
    %dma_wait3A_600 = tpu.memref_squeeze %dma_wait3A_599 : memref<1x8x4096xf32, #tpu.memory_space<vmem>> -> memref<8x4096xf32, #tpu.memory_space<vmem>>
    %dma_wait3A_601 = arith.constant 0 : i32
    %dma_wait3A_602 = tpu.memref_slice %arg8[%dma_wait3A_594, %dma_wait3A_595, %dma_wait3A_601] : memref<4x8x8xi32, #tpu.memory_space<vmem>> -> memref<1x1x8xi32, #tpu.memory_space<vmem>>
    %dma_wait3A_603 = tpu.memref_squeeze %dma_wait3A_602 : memref<1x1x8xi32, #tpu.memory_space<vmem>> -> memref<8xi32, #tpu.memory_space<vmem>>
    %dma_wait3A_604 = arith.constant 0 : i32
    %dma_wait3A_605 = arith.constant 0 : i32
    %dma_wait3A_606 = tpu.memref_slice %arg3[%dma_wait3A_604, %dma_wait3A_605] : memref<4096x4096xf32, #tpu.memory_space<hbm>> -> memref<4096x4096xf32, #tpu.memory_space<hbm>>
    tpu.wait_indirect_dma semaphore(%arg12 : memref<!tpu.dma_semaphore, #tpu.memory_space<semaphore_mem>>) src(%dma_wait3A_606 : memref<4096x4096xf32, #tpu.memory_space<hbm>>) dst(%dma_wait3A_600 : memref<8x4096xf32, #tpu.memory_space<vmem>>)
    %dma_start3A_607 = arith.constant 1 : i32
    %dma_start3A_608 = arith.constant 2 : i32
    %dma_start3A_609 = arith.constant 7 : i32
    %dma_start3A_610 = arith.constant 0 : i32
    %dma_start3A_611 = arith.constant 0 : i32
    %dma_start3A_612 = tpu.memref_slice %arg10[%dma_start3A_607, %dma_start3A_610, %dma_start3A_611] : memref<2x8x4096xf32, #tpu.memory_space<vmem>> -> memref<1x8x4096xf32, #tpu.memory_space<vmem>>
    %dma_start3A_613 = tpu.memref_squeeze %dma_start3A_612 : memref<1x8x4096xf32, #tpu.memory_space<vmem>> -> memref<8x4096xf32, #tpu.memory_space<vmem>>
    %dma_start3A_614 = arith.constant 0 : i32
    %dma_start3A_615 = tpu.memref_slice %arg9[%dma_start3A_608, %dma_start3A_609, %dma_start3A_614] : memref<4x8x8xi32, #tpu.memory_space<vmem>> -> memref<1x1x8xi32, #tpu.memory_space<vmem>>
    %dma_start3A_616 = tpu.memref_squeeze %dma_start3A_615 : memref<1x1x8xi32, #tpu.memory_space<vmem>> -> memref<8xi32, #tpu.memory_space<vmem>>
    %dma_start3A_617 = arith.constant 0 : i32
    %dma_start3A_618 = arith.constant 0 : i32
    %dma_start3A_619 = tpu.memref_slice %arg7[%dma_start3A_617, %dma_start3A_618] : memref<4096x4096xf32, #tpu.memory_space<hbm>> -> memref<4096x4096xf32, #tpu.memory_space<hbm>>
    tpu.enqueue_indirect_dma source(%dma_start3A_613 : memref<8x4096xf32, #tpu.memory_space<vmem>>) target(%dma_start3A_619 : memref<4096x4096xf32, #tpu.memory_space<hbm>>) offsets(%dma_start3A_616 : memref<8xi32, #tpu.memory_space<vmem>>) semaphore(%arg14 : memref<!tpu.dma_semaphore, #tpu.memory_space<semaphore_mem>>)
    %dma_wait3A_620 = arith.constant 0 : i32
    %dma_wait3A_621 = arith.constant 2 : i32
    %dma_wait3A_622 = arith.constant 6 : i32
    %dma_wait3A_623 = arith.constant 0 : i32
    %dma_wait3A_624 = arith.constant 0 : i32
    %dma_wait3A_625 = tpu.memref_slice %arg10[%dma_wait3A_620, %dma_wait3A_623, %dma_wait3A_624] : memref<2x8x4096xf32, #tpu.memory_space<vmem>> -> memref<1x8x4096xf32, #tpu.memory_space<vmem>>
    %dma_wait3A_626 = tpu.memref_squeeze %dma_wait3A_625 : memref<1x8x4096xf32, #tpu.memory_space<vmem>> -> memref<8x4096xf32, #tpu.memory_space<vmem>>
    %dma_wait3A_627 = arith.constant 0 : i32
    %dma_wait3A_628 = tpu.memref_slice %arg9[%dma_wait3A_621, %dma_wait3A_622, %dma_wait3A_627] : memref<4x8x8xi32, #tpu.memory_space<vmem>> -> memref<1x1x8xi32, #tpu.memory_space<vmem>>
    %dma_wait3A_629 = tpu.memref_squeeze %dma_wait3A_628 : memref<1x1x8xi32, #tpu.memory_space<vmem>> -> memref<8xi32, #tpu.memory_space<vmem>>
    %dma_wait3A_630 = arith.constant 0 : i32
    %dma_wait3A_631 = arith.constant 0 : i32
    %dma_wait3A_632 = tpu.memref_slice %arg7[%dma_wait3A_630, %dma_wait3A_631] : memref<4096x4096xf32, #tpu.memory_space<hbm>> -> memref<4096x4096xf32, #tpu.memory_space<hbm>>
    tpu.wait_indirect_dma semaphore(%arg13 : memref<!tpu.dma_semaphore, #tpu.memory_space<semaphore_mem>>) src(%dma_wait3A_626 : memref<8x4096xf32, #tpu.memory_space<vmem>>) dst(%dma_wait3A_632 : memref<4096x4096xf32, #tpu.memory_space<hbm>>)
    %dma_wait3A_633 = arith.constant 1 : i32
    %dma_wait3A_634 = arith.constant 2 : i32
    %dma_wait3A_635 = arith.constant 7 : i32
    %dma_wait3A_636 = arith.constant 0 : i32
    %dma_wait3A_637 = arith.constant 0 : i32
    %dma_wait3A_638 = tpu.memref_slice %arg10[%dma_wait3A_633, %dma_wait3A_636, %dma_wait3A_637] : memref<2x8x4096xf32, #tpu.memory_space<vmem>> -> memref<1x8x4096xf32, #tpu.memory_space<vmem>>
    %dma_wait3A_639 = tpu.memref_squeeze %dma_wait3A_638 : memref<1x8x4096xf32, #tpu.memory_space<vmem>> -> memref<8x4096xf32, #tpu.memory_space<vmem>>
    %dma_wait3A_640 = arith.constant 0 : i32
    %dma_wait3A_641 = tpu.memref_slice %arg9[%dma_wait3A_634, %dma_wait3A_635, %dma_wait3A_640] : memref<4x8x8xi32, #tpu.memory_space<vmem>> -> memref<1x1x8xi32, #tpu.memory_space<vmem>>
    %dma_wait3A_642 = tpu.memref_squeeze %dma_wait3A_641 : memref<1x1x8xi32, #tpu.memory_space<vmem>> -> memref<8xi32, #tpu.memory_space<vmem>>
    %dma_wait3A_643 = arith.constant 0 : i32
    %dma_wait3A_644 = arith.constant 0 : i32
    %dma_wait3A_645 = tpu.memref_slice %arg7[%dma_wait3A_643, %dma_wait3A_644] : memref<4096x4096xf32, #tpu.memory_space<hbm>> -> memref<4096x4096xf32, #tpu.memory_space<hbm>>
    tpu.wait_indirect_dma semaphore(%arg14 : memref<!tpu.dma_semaphore, #tpu.memory_space<semaphore_mem>>) src(%dma_wait3A_639 : memref<8x4096xf32, #tpu.memory_space<vmem>>) dst(%dma_wait3A_645 : memref<4096x4096xf32, #tpu.memory_space<hbm>>)
    %dma_start3A_646 = arith.constant 3 : i32
    %dma_start3A_647 = arith.constant 0 : i32
    %dma_start3A_648 = arith.constant 0 : i32
    %dma_start3A_649 = arith.constant 0 : i32
    %dma_start3A_650 = arith.constant 0 : i32
    %dma_start3A_651 = tpu.memref_slice %arg10[%dma_start3A_648, %dma_start3A_649, %dma_start3A_650] : memref<2x8x4096xf32, #tpu.memory_space<vmem>> -> memref<1x8x4096xf32, #tpu.memory_space<vmem>>
    %dma_start3A_652 = tpu.memref_squeeze %dma_start3A_651 : memref<1x8x4096xf32, #tpu.memory_space<vmem>> -> memref<8x4096xf32, #tpu.memory_space<vmem>>
    %dma_start3A_653 = arith.constant 0 : i32
    %dma_start3A_654 = tpu.memref_slice %arg8[%dma_start3A_646, %dma_start3A_647, %dma_start3A_653] : memref<4x8x8xi32, #tpu.memory_space<vmem>> -> memref<1x1x8xi32, #tpu.memory_space<vmem>>
    %dma_start3A_655 = tpu.memref_squeeze %dma_start3A_654 : memref<1x1x8xi32, #tpu.memory_space<vmem>> -> memref<8xi32, #tpu.memory_space<vmem>>
    %dma_start3A_656 = arith.constant 0 : i32
    %dma_start3A_657 = arith.constant 0 : i32
    %dma_start3A_658 = tpu.memref_slice %arg2[%dma_start3A_656, %dma_start3A_657] : memref<4096x4096xf32, #tpu.memory_space<hbm>> -> memref<4096x4096xf32, #tpu.memory_space<hbm>>
    tpu.enqueue_indirect_dma source(%dma_start3A_658 : memref<4096x4096xf32, #tpu.memory_space<hbm>>) target(%dma_start3A_652 : memref<8x4096xf32, #tpu.memory_space<vmem>>) offsets(%dma_start3A_655 : memref<8xi32, #tpu.memory_space<vmem>>) semaphore(%arg11 : memref<!tpu.dma_semaphore, #tpu.memory_space<semaphore_mem>>)
    %dma_start3A_659 = arith.constant 3 : i32
    %dma_start3A_660 = arith.constant 1 : i32
    %dma_start3A_661 = arith.constant 1 : i32
    %dma_start3A_662 = arith.constant 0 : i32
    %dma_start3A_663 = arith.constant 0 : i32
    %dma_start3A_664 = tpu.memref_slice %arg10[%dma_start3A_661, %dma_start3A_662, %dma_start3A_663] : memref<2x8x4096xf32, #tpu.memory_space<vmem>> -> memref<1x8x4096xf32, #tpu.memory_space<vmem>>
    %dma_start3A_665 = tpu.memref_squeeze %dma_start3A_664 : memref<1x8x4096xf32, #tpu.memory_space<vmem>> -> memref<8x4096xf32, #tpu.memory_space<vmem>>
    %dma_start3A_666 = arith.constant 0 : i32
    %dma_start3A_667 = tpu.memref_slice %arg8[%dma_start3A_659, %dma_start3A_660, %dma_start3A_666] : memref<4x8x8xi32, #tpu.memory_space<vmem>> -> memref<1x1x8xi32, #tpu.memory_space<vmem>>
    %dma_start3A_668 = tpu.memref_squeeze %dma_start3A_667 : memref<1x1x8xi32, #tpu.memory_space<vmem>> -> memref<8xi32, #tpu.memory_space<vmem>>
    %dma_start3A_669 = arith.constant 0 : i32
    %dma_start3A_670 = arith.constant 0 : i32
    %dma_start3A_671 = tpu.memref_slice %arg2[%dma_start3A_669, %dma_start3A_670] : memref<4096x4096xf32, #tpu.memory_space<hbm>> -> memref<4096x4096xf32, #tpu.memory_space<hbm>>
    tpu.enqueue_indirect_dma source(%dma_start3A_671 : memref<4096x4096xf32, #tpu.memory_space<hbm>>) target(%dma_start3A_665 : memref<8x4096xf32, #tpu.memory_space<vmem>>) offsets(%dma_start3A_668 : memref<8xi32, #tpu.memory_space<vmem>>) semaphore(%arg12 : memref<!tpu.dma_semaphore, #tpu.memory_space<semaphore_mem>>)
    %scan3A_672 = arith.constant 0 : i32
    %scan3A_673 = arith.constant 0 : i32
    %scan3A_674 = arith.constant 3 : i32
    %scan3A_675 = arith.addi %scan3A_673, %scan3A_674 : i32
    %scan3A_676 = arith.constant 1 : i32
    scf.for %scan3A_756 = %scan3A_673 to %scan3A_675 step %scan3A_676  : i32 {
      %mul3A_757 = arith.constant 2 : i32
      %mul3A_758 = arith.muli %mul3A_757, %scan3A_756 : i32
      %dma_wait3A_759 = arith.constant 3 : i32
      %dma_wait3A_760 = arith.constant 0 : i32
      %dma_wait3A_761 = arith.constant 0 : i32
      %dma_wait3A_762 = arith.constant 0 : i32
      %dma_wait3A_763 = tpu.memref_slice %arg10[%dma_wait3A_760, %dma_wait3A_761, %dma_wait3A_762] : memref<2x8x4096xf32, #tpu.memory_space<vmem>> -> memref<1x8x4096xf32, #tpu.memory_space<vmem>>
      %dma_wait3A_764 = tpu.memref_squeeze %dma_wait3A_763 : memref<1x8x4096xf32, #tpu.memory_space<vmem>> -> memref<8x4096xf32, #tpu.memory_space<vmem>>
      %dma_wait3A_765 = arith.constant 0 : i32
      %dma_wait3A_766 = tpu.memref_slice %arg8[%dma_wait3A_759, %mul3A_758, %dma_wait3A_765] : memref<4x8x8xi32, #tpu.memory_space<vmem>> -> memref<1x1x8xi32, #tpu.memory_space<vmem>>
      %dma_wait3A_767 = tpu.memref_squeeze %dma_wait3A_766 : memref<1x1x8xi32, #tpu.memory_space<vmem>> -> memref<8xi32, #tpu.memory_space<vmem>>
      %dma_wait3A_768 = arith.constant 0 : i32
      %dma_wait3A_769 = arith.constant 0 : i32
      %dma_wait3A_770 = tpu.memref_slice %arg2[%dma_wait3A_768, %dma_wait3A_769] : memref<4096x4096xf32, #tpu.memory_space<hbm>> -> memref<4096x4096xf32, #tpu.memory_space<hbm>>
      tpu.wait_indirect_dma semaphore(%arg11 : memref<!tpu.dma_semaphore, #tpu.memory_space<semaphore_mem>>) src(%dma_wait3A_770 : memref<4096x4096xf32, #tpu.memory_space<hbm>>) dst(%dma_wait3A_764 : memref<8x4096xf32, #tpu.memory_space<vmem>>)
      %dma_start3A_771 = arith.constant 0 : i32
      %dma_start3A_772 = arith.constant 3 : i32
      %dma_start3A_773 = arith.constant 0 : i32
      %dma_start3A_774 = arith.constant 0 : i32
      %dma_start3A_775 = tpu.memref_slice %arg10[%dma_start3A_771, %dma_start3A_773, %dma_start3A_774] : memref<2x8x4096xf32, #tpu.memory_space<vmem>> -> memref<1x8x4096xf32, #tpu.memory_space<vmem>>
      %dma_start3A_776 = tpu.memref_squeeze %dma_start3A_775 : memref<1x8x4096xf32, #tpu.memory_space<vmem>> -> memref<8x4096xf32, #tpu.memory_space<vmem>>
      %dma_start3A_777 = arith.constant 0 : i32
      %dma_start3A_778 = tpu.memref_slice %arg9[%dma_start3A_772, %mul3A_758, %dma_start3A_777] : memref<4x8x8xi32, #tpu.memory_space<vmem>> -> memref<1x1x8xi32, #tpu.memory_space<vmem>>
      %dma_start3A_779 = tpu.memref_squeeze %dma_start3A_778 : memref<1x1x8xi32, #tpu.memory_space<vmem>> -> memref<8xi32, #tpu.memory_space<vmem>>
      %dma_start3A_780 = arith.constant 0 : i32
      %dma_start3A_781 = arith.constant 0 : i32
      %dma_start3A_782 = tpu.memref_slice %arg7[%dma_start3A_780, %dma_start3A_781] : memref<4096x4096xf32, #tpu.memory_space<hbm>> -> memref<4096x4096xf32, #tpu.memory_space<hbm>>
      tpu.enqueue_indirect_dma source(%dma_start3A_776 : memref<8x4096xf32, #tpu.memory_space<vmem>>) target(%dma_start3A_782 : memref<4096x4096xf32, #tpu.memory_space<hbm>>) offsets(%dma_start3A_779 : memref<8xi32, #tpu.memory_space<vmem>>) semaphore(%arg13 : memref<!tpu.dma_semaphore, #tpu.memory_space<semaphore_mem>>)
      %dma_wait3A_783 = arith.constant 0 : i32
      %dma_wait3A_784 = arith.constant 3 : i32
      %dma_wait3A_785 = arith.constant 0 : i32
      %dma_wait3A_786 = arith.constant 0 : i32
      %dma_wait3A_787 = tpu.memref_slice %arg10[%dma_wait3A_783, %dma_wait3A_785, %dma_wait3A_786] : memref<2x8x4096xf32, #tpu.memory_space<vmem>> -> memref<1x8x4096xf32, #tpu.memory_space<vmem>>
      %dma_wait3A_788 = tpu.memref_squeeze %dma_wait3A_787 : memref<1x8x4096xf32, #tpu.memory_space<vmem>> -> memref<8x4096xf32, #tpu.memory_space<vmem>>
      %dma_wait3A_789 = arith.constant 0 : i32
      %dma_wait3A_790 = tpu.memref_slice %arg9[%dma_wait3A_784, %mul3A_758, %dma_wait3A_789] : memref<4x8x8xi32, #tpu.memory_space<vmem>> -> memref<1x1x8xi32, #tpu.memory_space<vmem>>
      %dma_wait3A_791 = tpu.memref_squeeze %dma_wait3A_790 : memref<1x1x8xi32, #tpu.memory_space<vmem>> -> memref<8xi32, #tpu.memory_space<vmem>>
      %dma_wait3A_792 = arith.constant 0 : i32
      %dma_wait3A_793 = arith.constant 0 : i32
      %dma_wait3A_794 = tpu.memref_slice %arg7[%dma_wait3A_792, %dma_wait3A_793] : memref<4096x4096xf32, #tpu.memory_space<hbm>> -> memref<4096x4096xf32, #tpu.memory_space<hbm>>
      tpu.wait_indirect_dma semaphore(%arg13 : memref<!tpu.dma_semaphore, #tpu.memory_space<semaphore_mem>>) src(%dma_wait3A_788 : memref<8x4096xf32, #tpu.memory_space<vmem>>) dst(%dma_wait3A_794 : memref<4096x4096xf32, #tpu.memory_space<hbm>>)
      %add3A_795 = arith.constant 2 : i32
      %add3A_796 = arith.addi %mul3A_758, %add3A_795 : i32
      %dma_start3A_797 = arith.constant 3 : i32
      %dma_start3A_798 = arith.constant 0 : i32
      %dma_start3A_799 = arith.constant 0 : i32
      %dma_start3A_800 = arith.constant 0 : i32
      %dma_start3A_801 = tpu.memref_slice %arg10[%dma_start3A_798, %dma_start3A_799, %dma_start3A_800] : memref<2x8x4096xf32, #tpu.memory_space<vmem>> -> memref<1x8x4096xf32, #tpu.memory_space<vmem>>
      %dma_start3A_802 = tpu.memref_squeeze %dma_start3A_801 : memref<1x8x4096xf32, #tpu.memory_space<vmem>> -> memref<8x4096xf32, #tpu.memory_space<vmem>>
      %dma_start3A_803 = arith.constant 0 : i32
      %dma_start3A_804 = tpu.memref_slice %arg8[%dma_start3A_797, %add3A_796, %dma_start3A_803] : memref<4x8x8xi32, #tpu.memory_space<vmem>> -> memref<1x1x8xi32, #tpu.memory_space<vmem>>
      %dma_start3A_805 = tpu.memref_squeeze %dma_start3A_804 : memref<1x1x8xi32, #tpu.memory_space<vmem>> -> memref<8xi32, #tpu.memory_space<vmem>>
      %dma_start3A_806 = arith.constant 0 : i32
      %dma_start3A_807 = arith.constant 0 : i32
      %dma_start3A_808 = tpu.memref_slice %arg2[%dma_start3A_806, %dma_start3A_807] : memref<4096x4096xf32, #tpu.memory_space<hbm>> -> memref<4096x4096xf32, #tpu.memory_space<hbm>>
      tpu.enqueue_indirect_dma source(%dma_start3A_808 : memref<4096x4096xf32, #tpu.memory_space<hbm>>) target(%dma_start3A_802 : memref<8x4096xf32, #tpu.memory_space<vmem>>) offsets(%dma_start3A_805 : memref<8xi32, #tpu.memory_space<vmem>>) semaphore(%arg11 : memref<!tpu.dma_semaphore, #tpu.memory_space<semaphore_mem>>)
      %add3A_809 = arith.constant 1 : i32
      %add3A_810 = arith.addi %mul3A_758, %add3A_809 : i32
      %dma_wait3A_811 = arith.constant 3 : i32
      %dma_wait3A_812 = arith.constant 1 : i32
      %dma_wait3A_813 = arith.constant 0 : i32
      %dma_wait3A_814 = arith.constant 0 : i32
      %dma_wait3A_815 = tpu.memref_slice %arg10[%dma_wait3A_812, %dma_wait3A_813, %dma_wait3A_814] : memref<2x8x4096xf32, #tpu.memory_space<vmem>> -> memref<1x8x4096xf32, #tpu.memory_space<vmem>>
      %dma_wait3A_816 = tpu.memref_squeeze %dma_wait3A_815 : memref<1x8x4096xf32, #tpu.memory_space<vmem>> -> memref<8x4096xf32, #tpu.memory_space<vmem>>
      %dma_wait3A_817 = arith.constant 0 : i32
      %dma_wait3A_818 = tpu.memref_slice %arg8[%dma_wait3A_811, %add3A_810, %dma_wait3A_817] : memref<4x8x8xi32, #tpu.memory_space<vmem>> -> memref<1x1x8xi32, #tpu.memory_space<vmem>>
      %dma_wait3A_819 = tpu.memref_squeeze %dma_wait3A_818 : memref<1x1x8xi32, #tpu.memory_space<vmem>> -> memref<8xi32, #tpu.memory_space<vmem>>
      %dma_wait3A_820 = arith.constant 0 : i32
      %dma_wait3A_821 = arith.constant 0 : i32
      %dma_wait3A_822 = tpu.memref_slice %arg2[%dma_wait3A_820, %dma_wait3A_821] : memref<4096x4096xf32, #tpu.memory_space<hbm>> -> memref<4096x4096xf32, #tpu.memory_space<hbm>>
      tpu.wait_indirect_dma semaphore(%arg12 : memref<!tpu.dma_semaphore, #tpu.memory_space<semaphore_mem>>) src(%dma_wait3A_822 : memref<4096x4096xf32, #tpu.memory_space<hbm>>) dst(%dma_wait3A_816 : memref<8x4096xf32, #tpu.memory_space<vmem>>)
      %add3A_823 = arith.constant 1 : i32
      %add3A_824 = arith.addi %mul3A_758, %add3A_823 : i32
      %dma_start3A_825 = arith.constant 1 : i32
      %dma_start3A_826 = arith.constant 3 : i32
      %dma_start3A_827 = arith.constant 0 : i32
      %dma_start3A_828 = arith.constant 0 : i32
      %dma_start3A_829 = tpu.memref_slice %arg10[%dma_start3A_825, %dma_start3A_827, %dma_start3A_828] : memref<2x8x4096xf32, #tpu.memory_space<vmem>> -> memref<1x8x4096xf32, #tpu.memory_space<vmem>>
      %dma_start3A_830 = tpu.memref_squeeze %dma_start3A_829 : memref<1x8x4096xf32, #tpu.memory_space<vmem>> -> memref<8x4096xf32, #tpu.memory_space<vmem>>
      %dma_start3A_831 = arith.constant 0 : i32
      %dma_start3A_832 = tpu.memref_slice %arg9[%dma_start3A_826, %add3A_824, %dma_start3A_831] : memref<4x8x8xi32, #tpu.memory_space<vmem>> -> memref<1x1x8xi32, #tpu.memory_space<vmem>>
      %dma_start3A_833 = tpu.memref_squeeze %dma_start3A_832 : memref<1x1x8xi32, #tpu.memory_space<vmem>> -> memref<8xi32, #tpu.memory_space<vmem>>
      %dma_start3A_834 = arith.constant 0 : i32
      %dma_start3A_835 = arith.constant 0 : i32
      %dma_start3A_836 = tpu.memref_slice %arg7[%dma_start3A_834, %dma_start3A_835] : memref<4096x4096xf32, #tpu.memory_space<hbm>> -> memref<4096x4096xf32, #tpu.memory_space<hbm>>
      tpu.enqueue_indirect_dma source(%dma_start3A_830 : memref<8x4096xf32, #tpu.memory_space<vmem>>) target(%dma_start3A_836 : memref<4096x4096xf32, #tpu.memory_space<hbm>>) offsets(%dma_start3A_833 : memref<8xi32, #tpu.memory_space<vmem>>) semaphore(%arg14 : memref<!tpu.dma_semaphore, #tpu.memory_space<semaphore_mem>>)
      %add3A_837 = arith.constant 1 : i32
      %add3A_838 = arith.addi %mul3A_758, %add3A_837 : i32
      %dma_wait3A_839 = arith.constant 1 : i32
      %dma_wait3A_840 = arith.constant 3 : i32
      %dma_wait3A_841 = arith.constant 0 : i32
      %dma_wait3A_842 = arith.constant 0 : i32
      %dma_wait3A_843 = tpu.memref_slice %arg10[%dma_wait3A_839, %dma_wait3A_841, %dma_wait3A_842] : memref<2x8x4096xf32, #tpu.memory_space<vmem>> -> memref<1x8x4096xf32, #tpu.memory_space<vmem>>
      %dma_wait3A_844 = tpu.memref_squeeze %dma_wait3A_843 : memref<1x8x4096xf32, #tpu.memory_space<vmem>> -> memref<8x4096xf32, #tpu.memory_space<vmem>>
      %dma_wait3A_845 = arith.constant 0 : i32
      %dma_wait3A_846 = tpu.memref_slice %arg9[%dma_wait3A_840, %add3A_838, %dma_wait3A_845] : memref<4x8x8xi32, #tpu.memory_space<vmem>> -> memref<1x1x8xi32, #tpu.memory_space<vmem>>
      %dma_wait3A_847 = tpu.memref_squeeze %dma_wait3A_846 : memref<1x1x8xi32, #tpu.memory_space<vmem>> -> memref<8xi32, #tpu.memory_space<vmem>>
      %dma_wait3A_848 = arith.constant 0 : i32
      %dma_wait3A_849 = arith.constant 0 : i32
      %dma_wait3A_850 = tpu.memref_slice %arg7[%dma_wait3A_848, %dma_wait3A_849] : memref<4096x4096xf32, #tpu.memory_space<hbm>> -> memref<4096x4096xf32, #tpu.memory_space<hbm>>
      tpu.wait_indirect_dma semaphore(%arg14 : memref<!tpu.dma_semaphore, #tpu.memory_space<semaphore_mem>>) src(%dma_wait3A_844 : memref<8x4096xf32, #tpu.memory_space<vmem>>) dst(%dma_wait3A_850 : memref<4096x4096xf32, #tpu.memory_space<hbm>>)
      %add3A_851 = arith.constant 3 : i32
      %add3A_852 = arith.addi %mul3A_758, %add3A_851 : i32
      %dma_start3A_853 = arith.constant 3 : i32
      %dma_start3A_854 = arith.constant 1 : i32
      %dma_start3A_855 = arith.constant 0 : i32
      %dma_start3A_856 = arith.constant 0 : i32
      %dma_start3A_857 = tpu.memref_slice %arg10[%dma_start3A_854, %dma_start3A_855, %dma_start3A_856] : memref<2x8x4096xf32, #tpu.memory_space<vmem>> -> memref<1x8x4096xf32, #tpu.memory_space<vmem>>
      %dma_start3A_858 = tpu.memref_squeeze %dma_start3A_857 : memref<1x8x4096xf32, #tpu.memory_space<vmem>> -> memref<8x4096xf32, #tpu.memory_space<vmem>>
      %dma_start3A_859 = arith.constant 0 : i32
      %dma_start3A_860 = tpu.memref_slice %arg8[%dma_start3A_853, %add3A_852, %dma_start3A_859] : memref<4x8x8xi32, #tpu.memory_space<vmem>> -> memref<1x1x8xi32, #tpu.memory_space<vmem>>
      %dma_start3A_861 = tpu.memref_squeeze %dma_start3A_860 : memref<1x1x8xi32, #tpu.memory_space<vmem>> -> memref<8xi32, #tpu.memory_space<vmem>>
      %dma_start3A_862 = arith.constant 0 : i32
      %dma_start3A_863 = arith.constant 0 : i32
      %dma_start3A_864 = tpu.memref_slice %arg2[%dma_start3A_862, %dma_start3A_863] : memref<4096x4096xf32, #tpu.memory_space<hbm>> -> memref<4096x4096xf32, #tpu.memory_space<hbm>>
      tpu.enqueue_indirect_dma source(%dma_start3A_864 : memref<4096x4096xf32, #tpu.memory_space<hbm>>) target(%dma_start3A_858 : memref<8x4096xf32, #tpu.memory_space<vmem>>) offsets(%dma_start3A_861 : memref<8xi32, #tpu.memory_space<vmem>>) semaphore(%arg12 : memref<!tpu.dma_semaphore, #tpu.memory_space<semaphore_mem>>)
    }
    %scan3A_677 = arith.constant 3 : i32
    %dma_wait3A_678 = arith.constant 3 : i32
    %dma_wait3A_679 = arith.constant 6 : i32
    %dma_wait3A_680 = arith.constant 0 : i32
    %dma_wait3A_681 = arith.constant 0 : i32
    %dma_wait3A_682 = arith.constant 0 : i32
    %dma_wait3A_683 = tpu.memref_slice %arg10[%dma_wait3A_680, %dma_wait3A_681, %dma_wait3A_682] : memref<2x8x4096xf32, #tpu.memory_space<vmem>> -> memref<1x8x4096xf32, #tpu.memory_space<vmem>>
    %dma_wait3A_684 = tpu.memref_squeeze %dma_wait3A_683 : memref<1x8x4096xf32, #tpu.memory_space<vmem>> -> memref<8x4096xf32, #tpu.memory_space<vmem>>
    %dma_wait3A_685 = arith.constant 0 : i32
    %dma_wait3A_686 = tpu.memref_slice %arg8[%dma_wait3A_678, %dma_wait3A_679, %dma_wait3A_685] : memref<4x8x8xi32, #tpu.memory_space<vmem>> -> memref<1x1x8xi32, #tpu.memory_space<vmem>>
    %dma_wait3A_687 = tpu.memref_squeeze %dma_wait3A_686 : memref<1x1x8xi32, #tpu.memory_space<vmem>> -> memref<8xi32, #tpu.memory_space<vmem>>
    %dma_wait3A_688 = arith.constant 0 : i32
    %dma_wait3A_689 = arith.constant 0 : i32
    %dma_wait3A_690 = tpu.memref_slice %arg2[%dma_wait3A_688, %dma_wait3A_689] : memref<4096x4096xf32, #tpu.memory_space<hbm>> -> memref<4096x4096xf32, #tpu.memory_space<hbm>>
    tpu.wait_indirect_dma semaphore(%arg11 : memref<!tpu.dma_semaphore, #tpu.memory_space<semaphore_mem>>) src(%dma_wait3A_690 : memref<4096x4096xf32, #tpu.memory_space<hbm>>) dst(%dma_wait3A_684 : memref<8x4096xf32, #tpu.memory_space<vmem>>)
    %dma_start3A_691 = arith.constant 0 : i32
    %dma_start3A_692 = arith.constant 3 : i32
    %dma_start3A_693 = arith.constant 6 : i32
    %dma_start3A_694 = arith.constant 0 : i32
    %dma_start3A_695 = arith.constant 0 : i32
    %dma_start3A_696 = tpu.memref_slice %arg10[%dma_start3A_691, %dma_start3A_694, %dma_start3A_695] : memref<2x8x4096xf32, #tpu.memory_space<vmem>> -> memref<1x8x4096xf32, #tpu.memory_space<vmem>>
    %dma_start3A_697 = tpu.memref_squeeze %dma_start3A_696 : memref<1x8x4096xf32, #tpu.memory_space<vmem>> -> memref<8x4096xf32, #tpu.memory_space<vmem>>
    %dma_start3A_698 = arith.constant 0 : i32
    %dma_start3A_699 = tpu.memref_slice %arg9[%dma_start3A_692, %dma_start3A_693, %dma_start3A_698] : memref<4x8x8xi32, #tpu.memory_space<vmem>> -> memref<1x1x8xi32, #tpu.memory_space<vmem>>
    %dma_start3A_700 = tpu.memref_squeeze %dma_start3A_699 : memref<1x1x8xi32, #tpu.memory_space<vmem>> -> memref<8xi32, #tpu.memory_space<vmem>>
    %dma_start3A_701 = arith.constant 0 : i32
    %dma_start3A_702 = arith.constant 0 : i32
    %dma_start3A_703 = tpu.memref_slice %arg7[%dma_start3A_701, %dma_start3A_702] : memref<4096x4096xf32, #tpu.memory_space<hbm>> -> memref<4096x4096xf32, #tpu.memory_space<hbm>>
    tpu.enqueue_indirect_dma source(%dma_start3A_697 : memref<8x4096xf32, #tpu.memory_space<vmem>>) target(%dma_start3A_703 : memref<4096x4096xf32, #tpu.memory_space<hbm>>) offsets(%dma_start3A_700 : memref<8xi32, #tpu.memory_space<vmem>>) semaphore(%arg13 : memref<!tpu.dma_semaphore, #tpu.memory_space<semaphore_mem>>)
    %dma_wait3A_704 = arith.constant 3 : i32
    %dma_wait3A_705 = arith.constant 7 : i32
    %dma_wait3A_706 = arith.constant 1 : i32
    %dma_wait3A_707 = arith.constant 0 : i32
    %dma_wait3A_708 = arith.constant 0 : i32
    %dma_wait3A_709 = tpu.memref_slice %arg10[%dma_wait3A_706, %dma_wait3A_707, %dma_wait3A_708] : memref<2x8x4096xf32, #tpu.memory_space<vmem>> -> memref<1x8x4096xf32, #tpu.memory_space<vmem>>
    %dma_wait3A_710 = tpu.memref_squeeze %dma_wait3A_709 : memref<1x8x4096xf32, #tpu.memory_space<vmem>> -> memref<8x4096xf32, #tpu.memory_space<vmem>>
    %dma_wait3A_711 = arith.constant 0 : i32
    %dma_wait3A_712 = tpu.memref_slice %arg8[%dma_wait3A_704, %dma_wait3A_705, %dma_wait3A_711] : memref<4x8x8xi32, #tpu.memory_space<vmem>> -> memref<1x1x8xi32, #tpu.memory_space<vmem>>
    %dma_wait3A_713 = tpu.memref_squeeze %dma_wait3A_712 : memref<1x1x8xi32, #tpu.memory_space<vmem>> -> memref<8xi32, #tpu.memory_space<vmem>>
    %dma_wait3A_714 = arith.constant 0 : i32
    %dma_wait3A_715 = arith.constant 0 : i32
    %dma_wait3A_716 = tpu.memref_slice %arg2[%dma_wait3A_714, %dma_wait3A_715] : memref<4096x4096xf32, #tpu.memory_space<hbm>> -> memref<4096x4096xf32, #tpu.memory_space<hbm>>
    tpu.wait_indirect_dma semaphore(%arg12 : memref<!tpu.dma_semaphore, #tpu.memory_space<semaphore_mem>>) src(%dma_wait3A_716 : memref<4096x4096xf32, #tpu.memory_space<hbm>>) dst(%dma_wait3A_710 : memref<8x4096xf32, #tpu.memory_space<vmem>>)
    %dma_start3A_717 = arith.constant 1 : i32
    %dma_start3A_718 = arith.constant 3 : i32
    %dma_start3A_719 = arith.constant 7 : i32
    %dma_start3A_720 = arith.constant 0 : i32
    %dma_start3A_721 = arith.constant 0 : i32
    %dma_start3A_722 = tpu.memref_slice %arg10[%dma_start3A_717, %dma_start3A_720, %dma_start3A_721] : memref<2x8x4096xf32, #tpu.memory_space<vmem>> -> memref<1x8x4096xf32, #tpu.memory_space<vmem>>
    %dma_start3A_723 = tpu.memref_squeeze %dma_start3A_722 : memref<1x8x4096xf32, #tpu.memory_space<vmem>> -> memref<8x4096xf32, #tpu.memory_space<vmem>>
    %dma_start3A_724 = arith.constant 0 : i32
    %dma_start3A_725 = tpu.memref_slice %arg9[%dma_start3A_718, %dma_start3A_719, %dma_start3A_724] : memref<4x8x8xi32, #tpu.memory_space<vmem>> -> memref<1x1x8xi32, #tpu.memory_space<vmem>>
    %dma_start3A_726 = tpu.memref_squeeze %dma_start3A_725 : memref<1x1x8xi32, #tpu.memory_space<vmem>> -> memref<8xi32, #tpu.memory_space<vmem>>
    %dma_start3A_727 = arith.constant 0 : i32
    %dma_start3A_728 = arith.constant 0 : i32
    %dma_start3A_729 = tpu.memref_slice %arg7[%dma_start3A_727, %dma_start3A_728] : memref<4096x4096xf32, #tpu.memory_space<hbm>> -> memref<4096x4096xf32, #tpu.memory_space<hbm>>
    tpu.enqueue_indirect_dma source(%dma_start3A_723 : memref<8x4096xf32, #tpu.memory_space<vmem>>) target(%dma_start3A_729 : memref<4096x4096xf32, #tpu.memory_space<hbm>>) offsets(%dma_start3A_726 : memref<8xi32, #tpu.memory_space<vmem>>) semaphore(%arg14 : memref<!tpu.dma_semaphore, #tpu.memory_space<semaphore_mem>>)
    %dma_wait3A_730 = arith.constant 0 : i32
    %dma_wait3A_731 = arith.constant 3 : i32
    %dma_wait3A_732 = arith.constant 6 : i32
    %dma_wait3A_733 = arith.constant 0 : i32
    %dma_wait3A_734 = arith.constant 0 : i32
    %dma_wait3A_735 = tpu.memref_slice %arg10[%dma_wait3A_730, %dma_wait3A_733, %dma_wait3A_734] : memref<2x8x4096xf32, #tpu.memory_space<vmem>> -> memref<1x8x4096xf32, #tpu.memory_space<vmem>>
    %dma_wait3A_736 = tpu.memref_squeeze %dma_wait3A_735 : memref<1x8x4096xf32, #tpu.memory_space<vmem>> -> memref<8x4096xf32, #tpu.memory_space<vmem>>
    %dma_wait3A_737 = arith.constant 0 : i32
    %dma_wait3A_738 = tpu.memref_slice %arg9[%dma_wait3A_731, %dma_wait3A_732, %dma_wait3A_737] : memref<4x8x8xi32, #tpu.memory_space<vmem>> -> memref<1x1x8xi32, #tpu.memory_space<vmem>>
    %dma_wait3A_739 = tpu.memref_squeeze %dma_wait3A_738 : memref<1x1x8xi32, #tpu.memory_space<vmem>> -> memref<8xi32, #tpu.memory_space<vmem>>
    %dma_wait3A_740 = arith.constant 0 : i32
    %dma_wait3A_741 = arith.constant 0 : i32
    %dma_wait3A_742 = tpu.memref_slice %arg7[%dma_wait3A_740, %dma_wait3A_741] : memref<4096x4096xf32, #tpu.memory_space<hbm>> -> memref<4096x4096xf32, #tpu.memory_space<hbm>>
    tpu.wait_indirect_dma semaphore(%arg13 : memref<!tpu.dma_semaphore, #tpu.memory_space<semaphore_mem>>) src(%dma_wait3A_736 : memref<8x4096xf32, #tpu.memory_space<vmem>>) dst(%dma_wait3A_742 : memref<4096x4096xf32, #tpu.memory_space<hbm>>)
    %dma_wait3A_743 = arith.constant 1 : i32
    %dma_wait3A_744 = arith.constant 3 : i32
    %dma_wait3A_745 = arith.constant 7 : i32
    %dma_wait3A_746 = arith.constant 0 : i32
    %dma_wait3A_747 = arith.constant 0 : i32
    %dma_wait3A_748 = tpu.memref_slice %arg10[%dma_wait3A_743, %dma_wait3A_746, %dma_wait3A_747] : memref<2x8x4096xf32, #tpu.memory_space<vmem>> -> memref<1x8x4096xf32, #tpu.memory_space<vmem>>
    %dma_wait3A_749 = tpu.memref_squeeze %dma_wait3A_748 : memref<1x8x4096xf32, #tpu.memory_space<vmem>> -> memref<8x4096xf32, #tpu.memory_space<vmem>>
    %dma_wait3A_750 = arith.constant 0 : i32
    %dma_wait3A_751 = tpu.memref_slice %arg9[%dma_wait3A_744, %dma_wait3A_745, %dma_wait3A_750] : memref<4x8x8xi32, #tpu.memory_space<vmem>> -> memref<1x1x8xi32, #tpu.memory_space<vmem>>
    %dma_wait3A_752 = tpu.memref_squeeze %dma_wait3A_751 : memref<1x1x8xi32, #tpu.memory_space<vmem>> -> memref<8xi32, #tpu.memory_space<vmem>>
    %dma_wait3A_753 = arith.constant 0 : i32
    %dma_wait3A_754 = arith.constant 0 : i32
    %dma_wait3A_755 = tpu.memref_slice %arg7[%dma_wait3A_753, %dma_wait3A_754] : memref<4096x4096xf32, #tpu.memory_space<hbm>> -> memref<4096x4096xf32, #tpu.memory_space<hbm>>
    tpu.wait_indirect_dma semaphore(%arg14 : memref<!tpu.dma_semaphore, #tpu.memory_space<semaphore_mem>>) src(%dma_wait3A_749 : memref<8x4096xf32, #tpu.memory_space<vmem>>) dst(%dma_wait3A_755 : memref<4096x4096xf32, #tpu.memory_space<hbm>>)
    return
  }
}

module attributes {stable_mosaic.version = 14 : i64} {
  func.func @_index_kernel(%arg0: memref<1x2048xf32, #tpu.memory_space<vmem>>, %arg1: memref<2048x1xf32, #tpu.memory_space<vmem>>, %arg2: memref<1x2048xf32, #tpu.memory_space<vmem>>, %arg3: memref<2048x1xf32, #tpu.memory_space<vmem>>, %arg4: memref<8x1024xi32, #tpu.memory_space<vmem>>, %arg5: memref<8x1024xi32, #tpu.memory_space<vmem>>) attributes {dimension_semantics = [], scalar_prefetch = 0 : i64, scratch_operands = 0 : i64, tpu.core_type = #tpu.core_type<tc>} {
    %get3A = arith.constant 0 : index
    %get3A_0 = arith.constant 0 : index
    %get3A_1 = vector.load %arg0[%get3A, %get3A_0] : memref<1x2048xf32, #tpu.memory_space<vmem>>, vector<1x2048xf32>
    %abs3A = math.absf %get3A_1 : vector<1x2048xf32>
    %get3A_2 = arith.constant 0 : index
    %get3A_3 = arith.constant 0 : index
    %get3A_4 = vector.load %arg1[%get3A_2, %get3A_3] : memref<2048x1xf32, #tpu.memory_space<vmem>>, vector<2048x1xf32>
    %abs3A_5 = math.absf %get3A_4 : vector<2048x1xf32>
    %get3A_6 = arith.constant 0 : index
    %get3A_7 = arith.constant 0 : index
    %get3A_8 = vector.load %arg2[%get3A_6, %get3A_7] : memref<1x2048xf32, #tpu.memory_space<vmem>>, vector<1x2048xf32>
    %abs3A_9 = math.absf %get3A_8 : vector<1x2048xf32>
    %get3A_10 = arith.constant 0 : index
    %get3A_11 = arith.constant 0 : index
    %get3A_12 = vector.load %arg3[%get3A_10, %get3A_11] : memref<2048x1xf32, #tpu.memory_space<vmem>>, vector<2048x1xf32>
    %abs3A_13 = math.absf %get3A_12 : vector<2048x1xf32>
    %slice3A = vector.extract_strided_slice %abs3A_5 {offsets = [0, 0], sizes = [256, 1], strides = [1, 1]} : vector<2048x1xf32> to vector<256x1xf32>
    %iota3A = tpu.iota {dimensions = array<i32: 0>} : vector<256x2048xi32>
    %add3A = arith.constant 0 : i32
    %add3A_14 = vector.broadcast %add3A : i32 to vector<256x2048xi32>
    %add3A_15 = arith.addi %iota3A, %add3A_14 : vector<256x2048xi32>
    %iota3A_16 = tpu.iota {dimensions = array<i32: 1>} : vector<256x2048xi32>
    %gt3A = vector.broadcast %abs3A : vector<1x2048xf32> to vector<256x2048xf32>
    %gt3A_17 = vector.broadcast %slice3A : vector<256x1xf32> to vector<256x2048xf32>
    %gt3A_18 = arith.cmpf ogt, %gt3A, %gt3A_17 : vector<256x2048xf32>
    %eq3A = vector.broadcast %abs3A : vector<1x2048xf32> to vector<256x2048xf32>
    %eq3A_19 = vector.broadcast %slice3A : vector<256x1xf32> to vector<256x2048xf32>
    %eq3A_20 = arith.cmpf oeq, %eq3A, %eq3A_19 : vector<256x2048xf32>
    %lt3A = arith.cmpi slt, %iota3A_16, %add3A_15 : vector<256x2048xi32>
    %and3A = arith.andi %eq3A_20, %lt3A : vector<256x2048xi1>
    %or3A = arith.ori %gt3A_18, %and3A : vector<256x2048xi1>
    %convert_element_type3A = arith.extui %or3A : vector<256x2048xi1> to vector<256x2048xi32>
    %reduce_sum3A = arith.constant dense<0> : vector<256xi32>
    %reduce_sum3A_21 = vector.multi_reduction <add>, %convert_element_type3A, %reduce_sum3A [1] : vector<256x2048xi32> to vector<256xi32>
    %broadcast_in_dim3A = vector.shape_cast %reduce_sum3A_21 : vector<256xi32> to vector<256x1xi32>
    %lt3A_22 = arith.constant 1024 : i32
    %lt3A_23 = vector.broadcast %lt3A_22 : i32 to vector<256x1xi32>
    %lt3A_24 = arith.cmpi slt, %broadcast_in_dim3A, %lt3A_23 : vector<256x1xi32>
    %convert_element_type3A_25 = arith.extui %lt3A_24 : vector<256x1xi1> to vector<256x1xi32>
    %slice3A_26 = vector.extract_strided_slice %abs3A_5 {offsets = [256, 0], sizes = [256, 1], strides = [1, 1]} : vector<2048x1xf32> to vector<256x1xf32>
    %iota3A_27 = tpu.iota {dimensions = array<i32: 0>} : vector<256x2048xi32>
    %add3A_28 = arith.constant 256 : i32
    %add3A_29 = vector.broadcast %add3A_28 : i32 to vector<256x2048xi32>
    %add3A_30 = arith.addi %iota3A_27, %add3A_29 : vector<256x2048xi32>
    %iota3A_31 = tpu.iota {dimensions = array<i32: 1>} : vector<256x2048xi32>
    %gt3A_32 = vector.broadcast %abs3A : vector<1x2048xf32> to vector<256x2048xf32>
    %gt3A_33 = vector.broadcast %slice3A_26 : vector<256x1xf32> to vector<256x2048xf32>
    %gt3A_34 = arith.cmpf ogt, %gt3A_32, %gt3A_33 : vector<256x2048xf32>
    %eq3A_35 = vector.broadcast %abs3A : vector<1x2048xf32> to vector<256x2048xf32>
    %eq3A_36 = vector.broadcast %slice3A_26 : vector<256x1xf32> to vector<256x2048xf32>
    %eq3A_37 = arith.cmpf oeq, %eq3A_35, %eq3A_36 : vector<256x2048xf32>
    %lt3A_38 = arith.cmpi slt, %iota3A_31, %add3A_30 : vector<256x2048xi32>
    %and3A_39 = arith.andi %eq3A_37, %lt3A_38 : vector<256x2048xi1>
    %or3A_40 = arith.ori %gt3A_34, %and3A_39 : vector<256x2048xi1>
    %convert_element_type3A_41 = arith.extui %or3A_40 : vector<256x2048xi1> to vector<256x2048xi32>
    %reduce_sum3A_42 = arith.constant dense<0> : vector<256xi32>
    %reduce_sum3A_43 = vector.multi_reduction <add>, %convert_element_type3A_41, %reduce_sum3A_42 [1] : vector<256x2048xi32> to vector<256xi32>
    %broadcast_in_dim3A_44 = vector.shape_cast %reduce_sum3A_43 : vector<256xi32> to vector<256x1xi32>
    %lt3A_45 = arith.constant 1024 : i32
    %lt3A_46 = vector.broadcast %lt3A_45 : i32 to vector<256x1xi32>
    %lt3A_47 = arith.cmpi slt, %broadcast_in_dim3A_44, %lt3A_46 : vector<256x1xi32>
    %convert_element_type3A_48 = arith.extui %lt3A_47 : vector<256x1xi1> to vector<256x1xi32>
    %slice3A_49 = vector.extract_strided_slice %abs3A_5 {offsets = [512, 0], sizes = [256, 1], strides = [1, 1]} : vector<2048x1xf32> to vector<256x1xf32>
    %iota3A_50 = tpu.iota {dimensions = array<i32: 0>} : vector<256x2048xi32>
    %add3A_51 = arith.constant 512 : i32
    %add3A_52 = vector.broadcast %add3A_51 : i32 to vector<256x2048xi32>
    %add3A_53 = arith.addi %iota3A_50, %add3A_52 : vector<256x2048xi32>
    %iota3A_54 = tpu.iota {dimensions = array<i32: 1>} : vector<256x2048xi32>
    %gt3A_55 = vector.broadcast %abs3A : vector<1x2048xf32> to vector<256x2048xf32>
    %gt3A_56 = vector.broadcast %slice3A_49 : vector<256x1xf32> to vector<256x2048xf32>
    %gt3A_57 = arith.cmpf ogt, %gt3A_55, %gt3A_56 : vector<256x2048xf32>
    %eq3A_58 = vector.broadcast %abs3A : vector<1x2048xf32> to vector<256x2048xf32>
    %eq3A_59 = vector.broadcast %slice3A_49 : vector<256x1xf32> to vector<256x2048xf32>
    %eq3A_60 = arith.cmpf oeq, %eq3A_58, %eq3A_59 : vector<256x2048xf32>
    %lt3A_61 = arith.cmpi slt, %iota3A_54, %add3A_53 : vector<256x2048xi32>
    %and3A_62 = arith.andi %eq3A_60, %lt3A_61 : vector<256x2048xi1>
    %or3A_63 = arith.ori %gt3A_57, %and3A_62 : vector<256x2048xi1>
    %convert_element_type3A_64 = arith.extui %or3A_63 : vector<256x2048xi1> to vector<256x2048xi32>
    %reduce_sum3A_65 = arith.constant dense<0> : vector<256xi32>
    %reduce_sum3A_66 = vector.multi_reduction <add>, %convert_element_type3A_64, %reduce_sum3A_65 [1] : vector<256x2048xi32> to vector<256xi32>
    %broadcast_in_dim3A_67 = vector.shape_cast %reduce_sum3A_66 : vector<256xi32> to vector<256x1xi32>
    %lt3A_68 = arith.constant 1024 : i32
    %lt3A_69 = vector.broadcast %lt3A_68 : i32 to vector<256x1xi32>
    %lt3A_70 = arith.cmpi slt, %broadcast_in_dim3A_67, %lt3A_69 : vector<256x1xi32>
    %convert_element_type3A_71 = arith.extui %lt3A_70 : vector<256x1xi1> to vector<256x1xi32>
    %slice3A_72 = vector.extract_strided_slice %abs3A_5 {offsets = [768, 0], sizes = [256, 1], strides = [1, 1]} : vector<2048x1xf32> to vector<256x1xf32>
    %iota3A_73 = tpu.iota {dimensions = array<i32: 0>} : vector<256x2048xi32>
    %add3A_74 = arith.constant 768 : i32
    %add3A_75 = vector.broadcast %add3A_74 : i32 to vector<256x2048xi32>
    %add3A_76 = arith.addi %iota3A_73, %add3A_75 : vector<256x2048xi32>
    %iota3A_77 = tpu.iota {dimensions = array<i32: 1>} : vector<256x2048xi32>
    %gt3A_78 = vector.broadcast %abs3A : vector<1x2048xf32> to vector<256x2048xf32>
    %gt3A_79 = vector.broadcast %slice3A_72 : vector<256x1xf32> to vector<256x2048xf32>
    %gt3A_80 = arith.cmpf ogt, %gt3A_78, %gt3A_79 : vector<256x2048xf32>
    %eq3A_81 = vector.broadcast %abs3A : vector<1x2048xf32> to vector<256x2048xf32>
    %eq3A_82 = vector.broadcast %slice3A_72 : vector<256x1xf32> to vector<256x2048xf32>
    %eq3A_83 = arith.cmpf oeq, %eq3A_81, %eq3A_82 : vector<256x2048xf32>
    %lt3A_84 = arith.cmpi slt, %iota3A_77, %add3A_76 : vector<256x2048xi32>
    %and3A_85 = arith.andi %eq3A_83, %lt3A_84 : vector<256x2048xi1>
    %or3A_86 = arith.ori %gt3A_80, %and3A_85 : vector<256x2048xi1>
    %convert_element_type3A_87 = arith.extui %or3A_86 : vector<256x2048xi1> to vector<256x2048xi32>
    %reduce_sum3A_88 = arith.constant dense<0> : vector<256xi32>
    %reduce_sum3A_89 = vector.multi_reduction <add>, %convert_element_type3A_87, %reduce_sum3A_88 [1] : vector<256x2048xi32> to vector<256xi32>
    %broadcast_in_dim3A_90 = vector.shape_cast %reduce_sum3A_89 : vector<256xi32> to vector<256x1xi32>
    %lt3A_91 = arith.constant 1024 : i32
    %lt3A_92 = vector.broadcast %lt3A_91 : i32 to vector<256x1xi32>
    %lt3A_93 = arith.cmpi slt, %broadcast_in_dim3A_90, %lt3A_92 : vector<256x1xi32>
    %convert_element_type3A_94 = arith.extui %lt3A_93 : vector<256x1xi1> to vector<256x1xi32>
    %slice3A_95 = vector.extract_strided_slice %abs3A_5 {offsets = [1024, 0], sizes = [256, 1], strides = [1, 1]} : vector<2048x1xf32> to vector<256x1xf32>
    %iota3A_96 = tpu.iota {dimensions = array<i32: 0>} : vector<256x2048xi32>
    %add3A_97 = arith.constant 1024 : i32
    %add3A_98 = vector.broadcast %add3A_97 : i32 to vector<256x2048xi32>
    %add3A_99 = arith.addi %iota3A_96, %add3A_98 : vector<256x2048xi32>
    %iota3A_100 = tpu.iota {dimensions = array<i32: 1>} : vector<256x2048xi32>
    %gt3A_101 = vector.broadcast %abs3A : vector<1x2048xf32> to vector<256x2048xf32>
    %gt3A_102 = vector.broadcast %slice3A_95 : vector<256x1xf32> to vector<256x2048xf32>
    %gt3A_103 = arith.cmpf ogt, %gt3A_101, %gt3A_102 : vector<256x2048xf32>
    %eq3A_104 = vector.broadcast %abs3A : vector<1x2048xf32> to vector<256x2048xf32>
    %eq3A_105 = vector.broadcast %slice3A_95 : vector<256x1xf32> to vector<256x2048xf32>
    %eq3A_106 = arith.cmpf oeq, %eq3A_104, %eq3A_105 : vector<256x2048xf32>
    %lt3A_107 = arith.cmpi slt, %iota3A_100, %add3A_99 : vector<256x2048xi32>
    %and3A_108 = arith.andi %eq3A_106, %lt3A_107 : vector<256x2048xi1>
    %or3A_109 = arith.ori %gt3A_103, %and3A_108 : vector<256x2048xi1>
    %convert_element_type3A_110 = arith.extui %or3A_109 : vector<256x2048xi1> to vector<256x2048xi32>
    %reduce_sum3A_111 = arith.constant dense<0> : vector<256xi32>
    %reduce_sum3A_112 = vector.multi_reduction <add>, %convert_element_type3A_110, %reduce_sum3A_111 [1] : vector<256x2048xi32> to vector<256xi32>
    %broadcast_in_dim3A_113 = vector.shape_cast %reduce_sum3A_112 : vector<256xi32> to vector<256x1xi32>
    %lt3A_114 = arith.constant 1024 : i32
    %lt3A_115 = vector.broadcast %lt3A_114 : i32 to vector<256x1xi32>
    %lt3A_116 = arith.cmpi slt, %broadcast_in_dim3A_113, %lt3A_115 : vector<256x1xi32>
    %convert_element_type3A_117 = arith.extui %lt3A_116 : vector<256x1xi1> to vector<256x1xi32>
    %slice3A_118 = vector.extract_strided_slice %abs3A_5 {offsets = [1280, 0], sizes = [256, 1], strides = [1, 1]} : vector<2048x1xf32> to vector<256x1xf32>
    %iota3A_119 = tpu.iota {dimensions = array<i32: 0>} : vector<256x2048xi32>
    %add3A_120 = arith.constant 1280 : i32
    %add3A_121 = vector.broadcast %add3A_120 : i32 to vector<256x2048xi32>
    %add3A_122 = arith.addi %iota3A_119, %add3A_121 : vector<256x2048xi32>
    %iota3A_123 = tpu.iota {dimensions = array<i32: 1>} : vector<256x2048xi32>
    %gt3A_124 = vector.broadcast %abs3A : vector<1x2048xf32> to vector<256x2048xf32>
    %gt3A_125 = vector.broadcast %slice3A_118 : vector<256x1xf32> to vector<256x2048xf32>
    %gt3A_126 = arith.cmpf ogt, %gt3A_124, %gt3A_125 : vector<256x2048xf32>
    %eq3A_127 = vector.broadcast %abs3A : vector<1x2048xf32> to vector<256x2048xf32>
    %eq3A_128 = vector.broadcast %slice3A_118 : vector<256x1xf32> to vector<256x2048xf32>
    %eq3A_129 = arith.cmpf oeq, %eq3A_127, %eq3A_128 : vector<256x2048xf32>
    %lt3A_130 = arith.cmpi slt, %iota3A_123, %add3A_122 : vector<256x2048xi32>
    %and3A_131 = arith.andi %eq3A_129, %lt3A_130 : vector<256x2048xi1>
    %or3A_132 = arith.ori %gt3A_126, %and3A_131 : vector<256x2048xi1>
    %convert_element_type3A_133 = arith.extui %or3A_132 : vector<256x2048xi1> to vector<256x2048xi32>
    %reduce_sum3A_134 = arith.constant dense<0> : vector<256xi32>
    %reduce_sum3A_135 = vector.multi_reduction <add>, %convert_element_type3A_133, %reduce_sum3A_134 [1] : vector<256x2048xi32> to vector<256xi32>
    %broadcast_in_dim3A_136 = vector.shape_cast %reduce_sum3A_135 : vector<256xi32> to vector<256x1xi32>
    %lt3A_137 = arith.constant 1024 : i32
    %lt3A_138 = vector.broadcast %lt3A_137 : i32 to vector<256x1xi32>
    %lt3A_139 = arith.cmpi slt, %broadcast_in_dim3A_136, %lt3A_138 : vector<256x1xi32>
    %convert_element_type3A_140 = arith.extui %lt3A_139 : vector<256x1xi1> to vector<256x1xi32>
    %slice3A_141 = vector.extract_strided_slice %abs3A_5 {offsets = [1536, 0], sizes = [256, 1], strides = [1, 1]} : vector<2048x1xf32> to vector<256x1xf32>
    %iota3A_142 = tpu.iota {dimensions = array<i32: 0>} : vector<256x2048xi32>
    %add3A_143 = arith.constant 1536 : i32
    %add3A_144 = vector.broadcast %add3A_143 : i32 to vector<256x2048xi32>
    %add3A_145 = arith.addi %iota3A_142, %add3A_144 : vector<256x2048xi32>
    %iota3A_146 = tpu.iota {dimensions = array<i32: 1>} : vector<256x2048xi32>
    %gt3A_147 = vector.broadcast %abs3A : vector<1x2048xf32> to vector<256x2048xf32>
    %gt3A_148 = vector.broadcast %slice3A_141 : vector<256x1xf32> to vector<256x2048xf32>
    %gt3A_149 = arith.cmpf ogt, %gt3A_147, %gt3A_148 : vector<256x2048xf32>
    %eq3A_150 = vector.broadcast %abs3A : vector<1x2048xf32> to vector<256x2048xf32>
    %eq3A_151 = vector.broadcast %slice3A_141 : vector<256x1xf32> to vector<256x2048xf32>
    %eq3A_152 = arith.cmpf oeq, %eq3A_150, %eq3A_151 : vector<256x2048xf32>
    %lt3A_153 = arith.cmpi slt, %iota3A_146, %add3A_145 : vector<256x2048xi32>
    %and3A_154 = arith.andi %eq3A_152, %lt3A_153 : vector<256x2048xi1>
    %or3A_155 = arith.ori %gt3A_149, %and3A_154 : vector<256x2048xi1>
    %convert_element_type3A_156 = arith.extui %or3A_155 : vector<256x2048xi1> to vector<256x2048xi32>
    %reduce_sum3A_157 = arith.constant dense<0> : vector<256xi32>
    %reduce_sum3A_158 = vector.multi_reduction <add>, %convert_element_type3A_156, %reduce_sum3A_157 [1] : vector<256x2048xi32> to vector<256xi32>
    %broadcast_in_dim3A_159 = vector.shape_cast %reduce_sum3A_158 : vector<256xi32> to vector<256x1xi32>
    %lt3A_160 = arith.constant 1024 : i32
    %lt3A_161 = vector.broadcast %lt3A_160 : i32 to vector<256x1xi32>
    %lt3A_162 = arith.cmpi slt, %broadcast_in_dim3A_159, %lt3A_161 : vector<256x1xi32>
    %convert_element_type3A_163 = arith.extui %lt3A_162 : vector<256x1xi1> to vector<256x1xi32>
    %slice3A_164 = vector.extract_strided_slice %abs3A_5 {offsets = [1792, 0], sizes = [256, 1], strides = [1, 1]} : vector<2048x1xf32> to vector<256x1xf32>
    %iota3A_165 = tpu.iota {dimensions = array<i32: 0>} : vector<256x2048xi32>
    %add3A_166 = arith.constant 1792 : i32
    %add3A_167 = vector.broadcast %add3A_166 : i32 to vector<256x2048xi32>
    %add3A_168 = arith.addi %iota3A_165, %add3A_167 : vector<256x2048xi32>
    %iota3A_169 = tpu.iota {dimensions = array<i32: 1>} : vector<256x2048xi32>
    %gt3A_170 = vector.broadcast %abs3A : vector<1x2048xf32> to vector<256x2048xf32>
    %gt3A_171 = vector.broadcast %slice3A_164 : vector<256x1xf32> to vector<256x2048xf32>
    %gt3A_172 = arith.cmpf ogt, %gt3A_170, %gt3A_171 : vector<256x2048xf32>
    %eq3A_173 = vector.broadcast %abs3A : vector<1x2048xf32> to vector<256x2048xf32>
    %eq3A_174 = vector.broadcast %slice3A_164 : vector<256x1xf32> to vector<256x2048xf32>
    %eq3A_175 = arith.cmpf oeq, %eq3A_173, %eq3A_174 : vector<256x2048xf32>
    %lt3A_176 = arith.cmpi slt, %iota3A_169, %add3A_168 : vector<256x2048xi32>
    %and3A_177 = arith.andi %eq3A_175, %lt3A_176 : vector<256x2048xi1>
    %or3A_178 = arith.ori %gt3A_172, %and3A_177 : vector<256x2048xi1>
    %convert_element_type3A_179 = arith.extui %or3A_178 : vector<256x2048xi1> to vector<256x2048xi32>
    %reduce_sum3A_180 = arith.constant dense<0> : vector<256xi32>
    %reduce_sum3A_181 = vector.multi_reduction <add>, %convert_element_type3A_179, %reduce_sum3A_180 [1] : vector<256x2048xi32> to vector<256xi32>
    %broadcast_in_dim3A_182 = vector.shape_cast %reduce_sum3A_181 : vector<256xi32> to vector<256x1xi32>
    %lt3A_183 = arith.constant 1024 : i32
    %lt3A_184 = vector.broadcast %lt3A_183 : i32 to vector<256x1xi32>
    %lt3A_185 = arith.cmpi slt, %broadcast_in_dim3A_182, %lt3A_184 : vector<256x1xi32>
    %convert_element_type3A_186 = arith.extui %lt3A_185 : vector<256x1xi1> to vector<256x1xi32>
    %concatenate3A = tpu.concatenate %convert_element_type3A_25, %convert_element_type3A_48, %convert_element_type3A_71, %convert_element_type3A_94, %convert_element_type3A_117, %convert_element_type3A_140, %convert_element_type3A_163, %convert_element_type3A_186 in 0 : vector<256x1xi32>, vector<256x1xi32>, vector<256x1xi32>, vector<256x1xi32>, vector<256x1xi32>, vector<256x1xi32>, vector<256x1xi32>, vector<256x1xi32> -> vector<2048x1xi32>
    %slice3A_187 = vector.extract_strided_slice %abs3A_13 {offsets = [0, 0], sizes = [256, 1], strides = [1, 1]} : vector<2048x1xf32> to vector<256x1xf32>
    %iota3A_188 = tpu.iota {dimensions = array<i32: 0>} : vector<256x2048xi32>
    %add3A_189 = arith.constant 0 : i32
    %add3A_190 = vector.broadcast %add3A_189 : i32 to vector<256x2048xi32>
    %add3A_191 = arith.addi %iota3A_188, %add3A_190 : vector<256x2048xi32>
    %iota3A_192 = tpu.iota {dimensions = array<i32: 1>} : vector<256x2048xi32>
    %gt3A_193 = vector.broadcast %abs3A_9 : vector<1x2048xf32> to vector<256x2048xf32>
    %gt3A_194 = vector.broadcast %slice3A_187 : vector<256x1xf32> to vector<256x2048xf32>
    %gt3A_195 = arith.cmpf ogt, %gt3A_193, %gt3A_194 : vector<256x2048xf32>
    %eq3A_196 = vector.broadcast %abs3A_9 : vector<1x2048xf32> to vector<256x2048xf32>
    %eq3A_197 = vector.broadcast %slice3A_187 : vector<256x1xf32> to vector<256x2048xf32>
    %eq3A_198 = arith.cmpf oeq, %eq3A_196, %eq3A_197 : vector<256x2048xf32>
    %lt3A_199 = arith.cmpi slt, %iota3A_192, %add3A_191 : vector<256x2048xi32>
    %and3A_200 = arith.andi %eq3A_198, %lt3A_199 : vector<256x2048xi1>
    %or3A_201 = arith.ori %gt3A_195, %and3A_200 : vector<256x2048xi1>
    %convert_element_type3A_202 = arith.extui %or3A_201 : vector<256x2048xi1> to vector<256x2048xi32>
    %reduce_sum3A_203 = arith.constant dense<0> : vector<256xi32>
    %reduce_sum3A_204 = vector.multi_reduction <add>, %convert_element_type3A_202, %reduce_sum3A_203 [1] : vector<256x2048xi32> to vector<256xi32>
    %broadcast_in_dim3A_205 = vector.shape_cast %reduce_sum3A_204 : vector<256xi32> to vector<256x1xi32>
    %lt3A_206 = arith.constant 1024 : i32
    %lt3A_207 = vector.broadcast %lt3A_206 : i32 to vector<256x1xi32>
    %lt3A_208 = arith.cmpi slt, %broadcast_in_dim3A_205, %lt3A_207 : vector<256x1xi32>
    %convert_element_type3A_209 = arith.extui %lt3A_208 : vector<256x1xi1> to vector<256x1xi32>
    %slice3A_210 = vector.extract_strided_slice %abs3A_13 {offsets = [256, 0], sizes = [256, 1], strides = [1, 1]} : vector<2048x1xf32> to vector<256x1xf32>
    %iota3A_211 = tpu.iota {dimensions = array<i32: 0>} : vector<256x2048xi32>
    %add3A_212 = arith.constant 256 : i32
    %add3A_213 = vector.broadcast %add3A_212 : i32 to vector<256x2048xi32>
    %add3A_214 = arith.addi %iota3A_211, %add3A_213 : vector<256x2048xi32>
    %iota3A_215 = tpu.iota {dimensions = array<i32: 1>} : vector<256x2048xi32>
    %gt3A_216 = vector.broadcast %abs3A_9 : vector<1x2048xf32> to vector<256x2048xf32>
    %gt3A_217 = vector.broadcast %slice3A_210 : vector<256x1xf32> to vector<256x2048xf32>
    %gt3A_218 = arith.cmpf ogt, %gt3A_216, %gt3A_217 : vector<256x2048xf32>
    %eq3A_219 = vector.broadcast %abs3A_9 : vector<1x2048xf32> to vector<256x2048xf32>
    %eq3A_220 = vector.broadcast %slice3A_210 : vector<256x1xf32> to vector<256x2048xf32>
    %eq3A_221 = arith.cmpf oeq, %eq3A_219, %eq3A_220 : vector<256x2048xf32>
    %lt3A_222 = arith.cmpi slt, %iota3A_215, %add3A_214 : vector<256x2048xi32>
    %and3A_223 = arith.andi %eq3A_221, %lt3A_222 : vector<256x2048xi1>
    %or3A_224 = arith.ori %gt3A_218, %and3A_223 : vector<256x2048xi1>
    %convert_element_type3A_225 = arith.extui %or3A_224 : vector<256x2048xi1> to vector<256x2048xi32>
    %reduce_sum3A_226 = arith.constant dense<0> : vector<256xi32>
    %reduce_sum3A_227 = vector.multi_reduction <add>, %convert_element_type3A_225, %reduce_sum3A_226 [1] : vector<256x2048xi32> to vector<256xi32>
    %broadcast_in_dim3A_228 = vector.shape_cast %reduce_sum3A_227 : vector<256xi32> to vector<256x1xi32>
    %lt3A_229 = arith.constant 1024 : i32
    %lt3A_230 = vector.broadcast %lt3A_229 : i32 to vector<256x1xi32>
    %lt3A_231 = arith.cmpi slt, %broadcast_in_dim3A_228, %lt3A_230 : vector<256x1xi32>
    %convert_element_type3A_232 = arith.extui %lt3A_231 : vector<256x1xi1> to vector<256x1xi32>
    %slice3A_233 = vector.extract_strided_slice %abs3A_13 {offsets = [512, 0], sizes = [256, 1], strides = [1, 1]} : vector<2048x1xf32> to vector<256x1xf32>
    %iota3A_234 = tpu.iota {dimensions = array<i32: 0>} : vector<256x2048xi32>
    %add3A_235 = arith.constant 512 : i32
    %add3A_236 = vector.broadcast %add3A_235 : i32 to vector<256x2048xi32>
    %add3A_237 = arith.addi %iota3A_234, %add3A_236 : vector<256x2048xi32>
    %iota3A_238 = tpu.iota {dimensions = array<i32: 1>} : vector<256x2048xi32>
    %gt3A_239 = vector.broadcast %abs3A_9 : vector<1x2048xf32> to vector<256x2048xf32>
    %gt3A_240 = vector.broadcast %slice3A_233 : vector<256x1xf32> to vector<256x2048xf32>
    %gt3A_241 = arith.cmpf ogt, %gt3A_239, %gt3A_240 : vector<256x2048xf32>
    %eq3A_242 = vector.broadcast %abs3A_9 : vector<1x2048xf32> to vector<256x2048xf32>
    %eq3A_243 = vector.broadcast %slice3A_233 : vector<256x1xf32> to vector<256x2048xf32>
    %eq3A_244 = arith.cmpf oeq, %eq3A_242, %eq3A_243 : vector<256x2048xf32>
    %lt3A_245 = arith.cmpi slt, %iota3A_238, %add3A_237 : vector<256x2048xi32>
    %and3A_246 = arith.andi %eq3A_244, %lt3A_245 : vector<256x2048xi1>
    %or3A_247 = arith.ori %gt3A_241, %and3A_246 : vector<256x2048xi1>
    %convert_element_type3A_248 = arith.extui %or3A_247 : vector<256x2048xi1> to vector<256x2048xi32>
    %reduce_sum3A_249 = arith.constant dense<0> : vector<256xi32>
    %reduce_sum3A_250 = vector.multi_reduction <add>, %convert_element_type3A_248, %reduce_sum3A_249 [1] : vector<256x2048xi32> to vector<256xi32>
    %broadcast_in_dim3A_251 = vector.shape_cast %reduce_sum3A_250 : vector<256xi32> to vector<256x1xi32>
    %lt3A_252 = arith.constant 1024 : i32
    %lt3A_253 = vector.broadcast %lt3A_252 : i32 to vector<256x1xi32>
    %lt3A_254 = arith.cmpi slt, %broadcast_in_dim3A_251, %lt3A_253 : vector<256x1xi32>
    %convert_element_type3A_255 = arith.extui %lt3A_254 : vector<256x1xi1> to vector<256x1xi32>
    %slice3A_256 = vector.extract_strided_slice %abs3A_13 {offsets = [768, 0], sizes = [256, 1], strides = [1, 1]} : vector<2048x1xf32> to vector<256x1xf32>
    %iota3A_257 = tpu.iota {dimensions = array<i32: 0>} : vector<256x2048xi32>
    %add3A_258 = arith.constant 768 : i32
    %add3A_259 = vector.broadcast %add3A_258 : i32 to vector<256x2048xi32>
    %add3A_260 = arith.addi %iota3A_257, %add3A_259 : vector<256x2048xi32>
    %iota3A_261 = tpu.iota {dimensions = array<i32: 1>} : vector<256x2048xi32>
    %gt3A_262 = vector.broadcast %abs3A_9 : vector<1x2048xf32> to vector<256x2048xf32>
    %gt3A_263 = vector.broadcast %slice3A_256 : vector<256x1xf32> to vector<256x2048xf32>
    %gt3A_264 = arith.cmpf ogt, %gt3A_262, %gt3A_263 : vector<256x2048xf32>
    %eq3A_265 = vector.broadcast %abs3A_9 : vector<1x2048xf32> to vector<256x2048xf32>
    %eq3A_266 = vector.broadcast %slice3A_256 : vector<256x1xf32> to vector<256x2048xf32>
    %eq3A_267 = arith.cmpf oeq, %eq3A_265, %eq3A_266 : vector<256x2048xf32>
    %lt3A_268 = arith.cmpi slt, %iota3A_261, %add3A_260 : vector<256x2048xi32>
    %and3A_269 = arith.andi %eq3A_267, %lt3A_268 : vector<256x2048xi1>
    %or3A_270 = arith.ori %gt3A_264, %and3A_269 : vector<256x2048xi1>
    %convert_element_type3A_271 = arith.extui %or3A_270 : vector<256x2048xi1> to vector<256x2048xi32>
    %reduce_sum3A_272 = arith.constant dense<0> : vector<256xi32>
    %reduce_sum3A_273 = vector.multi_reduction <add>, %convert_element_type3A_271, %reduce_sum3A_272 [1] : vector<256x2048xi32> to vector<256xi32>
    %broadcast_in_dim3A_274 = vector.shape_cast %reduce_sum3A_273 : vector<256xi32> to vector<256x1xi32>
    %lt3A_275 = arith.constant 1024 : i32
    %lt3A_276 = vector.broadcast %lt3A_275 : i32 to vector<256x1xi32>
    %lt3A_277 = arith.cmpi slt, %broadcast_in_dim3A_274, %lt3A_276 : vector<256x1xi32>
    %convert_element_type3A_278 = arith.extui %lt3A_277 : vector<256x1xi1> to vector<256x1xi32>
    %slice3A_279 = vector.extract_strided_slice %abs3A_13 {offsets = [1024, 0], sizes = [256, 1], strides = [1, 1]} : vector<2048x1xf32> to vector<256x1xf32>
    %iota3A_280 = tpu.iota {dimensions = array<i32: 0>} : vector<256x2048xi32>
    %add3A_281 = arith.constant 1024 : i32
    %add3A_282 = vector.broadcast %add3A_281 : i32 to vector<256x2048xi32>
    %add3A_283 = arith.addi %iota3A_280, %add3A_282 : vector<256x2048xi32>
    %iota3A_284 = tpu.iota {dimensions = array<i32: 1>} : vector<256x2048xi32>
    %gt3A_285 = vector.broadcast %abs3A_9 : vector<1x2048xf32> to vector<256x2048xf32>
    %gt3A_286 = vector.broadcast %slice3A_279 : vector<256x1xf32> to vector<256x2048xf32>
    %gt3A_287 = arith.cmpf ogt, %gt3A_285, %gt3A_286 : vector<256x2048xf32>
    %eq3A_288 = vector.broadcast %abs3A_9 : vector<1x2048xf32> to vector<256x2048xf32>
    %eq3A_289 = vector.broadcast %slice3A_279 : vector<256x1xf32> to vector<256x2048xf32>
    %eq3A_290 = arith.cmpf oeq, %eq3A_288, %eq3A_289 : vector<256x2048xf32>
    %lt3A_291 = arith.cmpi slt, %iota3A_284, %add3A_283 : vector<256x2048xi32>
    %and3A_292 = arith.andi %eq3A_290, %lt3A_291 : vector<256x2048xi1>
    %or3A_293 = arith.ori %gt3A_287, %and3A_292 : vector<256x2048xi1>
    %convert_element_type3A_294 = arith.extui %or3A_293 : vector<256x2048xi1> to vector<256x2048xi32>
    %reduce_sum3A_295 = arith.constant dense<0> : vector<256xi32>
    %reduce_sum3A_296 = vector.multi_reduction <add>, %convert_element_type3A_294, %reduce_sum3A_295 [1] : vector<256x2048xi32> to vector<256xi32>
    %broadcast_in_dim3A_297 = vector.shape_cast %reduce_sum3A_296 : vector<256xi32> to vector<256x1xi32>
    %lt3A_298 = arith.constant 1024 : i32
    %lt3A_299 = vector.broadcast %lt3A_298 : i32 to vector<256x1xi32>
    %lt3A_300 = arith.cmpi slt, %broadcast_in_dim3A_297, %lt3A_299 : vector<256x1xi32>
    %convert_element_type3A_301 = arith.extui %lt3A_300 : vector<256x1xi1> to vector<256x1xi32>
    %slice3A_302 = vector.extract_strided_slice %abs3A_13 {offsets = [1280, 0], sizes = [256, 1], strides = [1, 1]} : vector<2048x1xf32> to vector<256x1xf32>
    %iota3A_303 = tpu.iota {dimensions = array<i32: 0>} : vector<256x2048xi32>
    %add3A_304 = arith.constant 1280 : i32
    %add3A_305 = vector.broadcast %add3A_304 : i32 to vector<256x2048xi32>
    %add3A_306 = arith.addi %iota3A_303, %add3A_305 : vector<256x2048xi32>
    %iota3A_307 = tpu.iota {dimensions = array<i32: 1>} : vector<256x2048xi32>
    %gt3A_308 = vector.broadcast %abs3A_9 : vector<1x2048xf32> to vector<256x2048xf32>
    %gt3A_309 = vector.broadcast %slice3A_302 : vector<256x1xf32> to vector<256x2048xf32>
    %gt3A_310 = arith.cmpf ogt, %gt3A_308, %gt3A_309 : vector<256x2048xf32>
    %eq3A_311 = vector.broadcast %abs3A_9 : vector<1x2048xf32> to vector<256x2048xf32>
    %eq3A_312 = vector.broadcast %slice3A_302 : vector<256x1xf32> to vector<256x2048xf32>
    %eq3A_313 = arith.cmpf oeq, %eq3A_311, %eq3A_312 : vector<256x2048xf32>
    %lt3A_314 = arith.cmpi slt, %iota3A_307, %add3A_306 : vector<256x2048xi32>
    %and3A_315 = arith.andi %eq3A_313, %lt3A_314 : vector<256x2048xi1>
    %or3A_316 = arith.ori %gt3A_310, %and3A_315 : vector<256x2048xi1>
    %convert_element_type3A_317 = arith.extui %or3A_316 : vector<256x2048xi1> to vector<256x2048xi32>
    %reduce_sum3A_318 = arith.constant dense<0> : vector<256xi32>
    %reduce_sum3A_319 = vector.multi_reduction <add>, %convert_element_type3A_317, %reduce_sum3A_318 [1] : vector<256x2048xi32> to vector<256xi32>
    %broadcast_in_dim3A_320 = vector.shape_cast %reduce_sum3A_319 : vector<256xi32> to vector<256x1xi32>
    %lt3A_321 = arith.constant 1024 : i32
    %lt3A_322 = vector.broadcast %lt3A_321 : i32 to vector<256x1xi32>
    %lt3A_323 = arith.cmpi slt, %broadcast_in_dim3A_320, %lt3A_322 : vector<256x1xi32>
    %convert_element_type3A_324 = arith.extui %lt3A_323 : vector<256x1xi1> to vector<256x1xi32>
    %slice3A_325 = vector.extract_strided_slice %abs3A_13 {offsets = [1536, 0], sizes = [256, 1], strides = [1, 1]} : vector<2048x1xf32> to vector<256x1xf32>
    %iota3A_326 = tpu.iota {dimensions = array<i32: 0>} : vector<256x2048xi32>
    %add3A_327 = arith.constant 1536 : i32
    %add3A_328 = vector.broadcast %add3A_327 : i32 to vector<256x2048xi32>
    %add3A_329 = arith.addi %iota3A_326, %add3A_328 : vector<256x2048xi32>
    %iota3A_330 = tpu.iota {dimensions = array<i32: 1>} : vector<256x2048xi32>
    %gt3A_331 = vector.broadcast %abs3A_9 : vector<1x2048xf32> to vector<256x2048xf32>
    %gt3A_332 = vector.broadcast %slice3A_325 : vector<256x1xf32> to vector<256x2048xf32>
    %gt3A_333 = arith.cmpf ogt, %gt3A_331, %gt3A_332 : vector<256x2048xf32>
    %eq3A_334 = vector.broadcast %abs3A_9 : vector<1x2048xf32> to vector<256x2048xf32>
    %eq3A_335 = vector.broadcast %slice3A_325 : vector<256x1xf32> to vector<256x2048xf32>
    %eq3A_336 = arith.cmpf oeq, %eq3A_334, %eq3A_335 : vector<256x2048xf32>
    %lt3A_337 = arith.cmpi slt, %iota3A_330, %add3A_329 : vector<256x2048xi32>
    %and3A_338 = arith.andi %eq3A_336, %lt3A_337 : vector<256x2048xi1>
    %or3A_339 = arith.ori %gt3A_333, %and3A_338 : vector<256x2048xi1>
    %convert_element_type3A_340 = arith.extui %or3A_339 : vector<256x2048xi1> to vector<256x2048xi32>
    %reduce_sum3A_341 = arith.constant dense<0> : vector<256xi32>
    %reduce_sum3A_342 = vector.multi_reduction <add>, %convert_element_type3A_340, %reduce_sum3A_341 [1] : vector<256x2048xi32> to vector<256xi32>
    %broadcast_in_dim3A_343 = vector.shape_cast %reduce_sum3A_342 : vector<256xi32> to vector<256x1xi32>
    %lt3A_344 = arith.constant 1024 : i32
    %lt3A_345 = vector.broadcast %lt3A_344 : i32 to vector<256x1xi32>
    %lt3A_346 = arith.cmpi slt, %broadcast_in_dim3A_343, %lt3A_345 : vector<256x1xi32>
    %convert_element_type3A_347 = arith.extui %lt3A_346 : vector<256x1xi1> to vector<256x1xi32>
    %slice3A_348 = vector.extract_strided_slice %abs3A_13 {offsets = [1792, 0], sizes = [256, 1], strides = [1, 1]} : vector<2048x1xf32> to vector<256x1xf32>
    %iota3A_349 = tpu.iota {dimensions = array<i32: 0>} : vector<256x2048xi32>
    %add3A_350 = arith.constant 1792 : i32
    %add3A_351 = vector.broadcast %add3A_350 : i32 to vector<256x2048xi32>
    %add3A_352 = arith.addi %iota3A_349, %add3A_351 : vector<256x2048xi32>
    %iota3A_353 = tpu.iota {dimensions = array<i32: 1>} : vector<256x2048xi32>
    %gt3A_354 = vector.broadcast %abs3A_9 : vector<1x2048xf32> to vector<256x2048xf32>
    %gt3A_355 = vector.broadcast %slice3A_348 : vector<256x1xf32> to vector<256x2048xf32>
    %gt3A_356 = arith.cmpf ogt, %gt3A_354, %gt3A_355 : vector<256x2048xf32>
    %eq3A_357 = vector.broadcast %abs3A_9 : vector<1x2048xf32> to vector<256x2048xf32>
    %eq3A_358 = vector.broadcast %slice3A_348 : vector<256x1xf32> to vector<256x2048xf32>
    %eq3A_359 = arith.cmpf oeq, %eq3A_357, %eq3A_358 : vector<256x2048xf32>
    %lt3A_360 = arith.cmpi slt, %iota3A_353, %add3A_352 : vector<256x2048xi32>
    %and3A_361 = arith.andi %eq3A_359, %lt3A_360 : vector<256x2048xi1>
    %or3A_362 = arith.ori %gt3A_356, %and3A_361 : vector<256x2048xi1>
    %convert_element_type3A_363 = arith.extui %or3A_362 : vector<256x2048xi1> to vector<256x2048xi32>
    %reduce_sum3A_364 = arith.constant dense<0> : vector<256xi32>
    %reduce_sum3A_365 = vector.multi_reduction <add>, %convert_element_type3A_363, %reduce_sum3A_364 [1] : vector<256x2048xi32> to vector<256xi32>
    %broadcast_in_dim3A_366 = vector.shape_cast %reduce_sum3A_365 : vector<256xi32> to vector<256x1xi32>
    %lt3A_367 = arith.constant 1024 : i32
    %lt3A_368 = vector.broadcast %lt3A_367 : i32 to vector<256x1xi32>
    %lt3A_369 = arith.cmpi slt, %broadcast_in_dim3A_366, %lt3A_368 : vector<256x1xi32>
    %convert_element_type3A_370 = arith.extui %lt3A_369 : vector<256x1xi1> to vector<256x1xi32>
    %concatenate3A_371 = tpu.concatenate %convert_element_type3A_209, %convert_element_type3A_232, %convert_element_type3A_255, %convert_element_type3A_278, %convert_element_type3A_301, %convert_element_type3A_324, %convert_element_type3A_347, %convert_element_type3A_370 in 0 : vector<256x1xi32>, vector<256x1xi32>, vector<256x1xi32>, vector<256x1xi32>, vector<256x1xi32>, vector<256x1xi32>, vector<256x1xi32>, vector<256x1xi32> -> vector<2048x1xi32>
    %transpose3A = tpu.transpose %concatenate3A, [1, 0] : vector<2048x1xi32> -> vector<1x2048xi32>
    %iota3A_372 = tpu.iota {dimensions = array<i32: 0>} : vector<256x2048xi32>
    %add3A_373 = arith.constant 0 : i32
    %add3A_374 = vector.broadcast %add3A_373 : i32 to vector<256x2048xi32>
    %add3A_375 = arith.addi %iota3A_372, %add3A_374 : vector<256x2048xi32>
    %iota3A_376 = tpu.iota {dimensions = array<i32: 1>} : vector<256x2048xi32>
    %le3A = arith.cmpi sle, %iota3A_376, %add3A_375 : vector<256x2048xi32>
    %convert_element_type3A_377 = arith.extui %le3A : vector<256x2048xi1> to vector<256x2048xi32>
    %mul3A = vector.broadcast %transpose3A : vector<1x2048xi32> to vector<256x2048xi32>
    %mul3A_378 = arith.muli %convert_element_type3A_377, %mul3A : vector<256x2048xi32>
    %reduce_sum3A_379 = arith.constant dense<0> : vector<256xi32>
    %reduce_sum3A_380 = vector.multi_reduction <add>, %mul3A_378, %reduce_sum3A_379 [1] : vector<256x2048xi32> to vector<256xi32>
    %broadcast_in_dim3A_381 = vector.shape_cast %reduce_sum3A_380 : vector<256xi32> to vector<256x1xi32>
    %iota3A_382 = tpu.iota {dimensions = array<i32: 0>} : vector<256x2048xi32>
    %add3A_383 = arith.constant 256 : i32
    %add3A_384 = vector.broadcast %add3A_383 : i32 to vector<256x2048xi32>
    %add3A_385 = arith.addi %iota3A_382, %add3A_384 : vector<256x2048xi32>
    %iota3A_386 = tpu.iota {dimensions = array<i32: 1>} : vector<256x2048xi32>
    %le3A_387 = arith.cmpi sle, %iota3A_386, %add3A_385 : vector<256x2048xi32>
    %convert_element_type3A_388 = arith.extui %le3A_387 : vector<256x2048xi1> to vector<256x2048xi32>
    %mul3A_389 = vector.broadcast %transpose3A : vector<1x2048xi32> to vector<256x2048xi32>
    %mul3A_390 = arith.muli %convert_element_type3A_388, %mul3A_389 : vector<256x2048xi32>
    %reduce_sum3A_391 = arith.constant dense<0> : vector<256xi32>
    %reduce_sum3A_392 = vector.multi_reduction <add>, %mul3A_390, %reduce_sum3A_391 [1] : vector<256x2048xi32> to vector<256xi32>
    %broadcast_in_dim3A_393 = vector.shape_cast %reduce_sum3A_392 : vector<256xi32> to vector<256x1xi32>
    %iota3A_394 = tpu.iota {dimensions = array<i32: 0>} : vector<256x2048xi32>
    %add3A_395 = arith.constant 512 : i32
    %add3A_396 = vector.broadcast %add3A_395 : i32 to vector<256x2048xi32>
    %add3A_397 = arith.addi %iota3A_394, %add3A_396 : vector<256x2048xi32>
    %iota3A_398 = tpu.iota {dimensions = array<i32: 1>} : vector<256x2048xi32>
    %le3A_399 = arith.cmpi sle, %iota3A_398, %add3A_397 : vector<256x2048xi32>
    %convert_element_type3A_400 = arith.extui %le3A_399 : vector<256x2048xi1> to vector<256x2048xi32>
    %mul3A_401 = vector.broadcast %transpose3A : vector<1x2048xi32> to vector<256x2048xi32>
    %mul3A_402 = arith.muli %convert_element_type3A_400, %mul3A_401 : vector<256x2048xi32>
    %reduce_sum3A_403 = arith.constant dense<0> : vector<256xi32>
    %reduce_sum3A_404 = vector.multi_reduction <add>, %mul3A_402, %reduce_sum3A_403 [1] : vector<256x2048xi32> to vector<256xi32>
    %broadcast_in_dim3A_405 = vector.shape_cast %reduce_sum3A_404 : vector<256xi32> to vector<256x1xi32>
    %iota3A_406 = tpu.iota {dimensions = array<i32: 0>} : vector<256x2048xi32>
    %add3A_407 = arith.constant 768 : i32
    %add3A_408 = vector.broadcast %add3A_407 : i32 to vector<256x2048xi32>
    %add3A_409 = arith.addi %iota3A_406, %add3A_408 : vector<256x2048xi32>
    %iota3A_410 = tpu.iota {dimensions = array<i32: 1>} : vector<256x2048xi32>
    %le3A_411 = arith.cmpi sle, %iota3A_410, %add3A_409 : vector<256x2048xi32>
    %convert_element_type3A_412 = arith.extui %le3A_411 : vector<256x2048xi1> to vector<256x2048xi32>
    %mul3A_413 = vector.broadcast %transpose3A : vector<1x2048xi32> to vector<256x2048xi32>
    %mul3A_414 = arith.muli %convert_element_type3A_412, %mul3A_413 : vector<256x2048xi32>
    %reduce_sum3A_415 = arith.constant dense<0> : vector<256xi32>
    %reduce_sum3A_416 = vector.multi_reduction <add>, %mul3A_414, %reduce_sum3A_415 [1] : vector<256x2048xi32> to vector<256xi32>
    %broadcast_in_dim3A_417 = vector.shape_cast %reduce_sum3A_416 : vector<256xi32> to vector<256x1xi32>
    %iota3A_418 = tpu.iota {dimensions = array<i32: 0>} : vector<256x2048xi32>
    %add3A_419 = arith.constant 1024 : i32
    %add3A_420 = vector.broadcast %add3A_419 : i32 to vector<256x2048xi32>
    %add3A_421 = arith.addi %iota3A_418, %add3A_420 : vector<256x2048xi32>
    %iota3A_422 = tpu.iota {dimensions = array<i32: 1>} : vector<256x2048xi32>
    %le3A_423 = arith.cmpi sle, %iota3A_422, %add3A_421 : vector<256x2048xi32>
    %convert_element_type3A_424 = arith.extui %le3A_423 : vector<256x2048xi1> to vector<256x2048xi32>
    %mul3A_425 = vector.broadcast %transpose3A : vector<1x2048xi32> to vector<256x2048xi32>
    %mul3A_426 = arith.muli %convert_element_type3A_424, %mul3A_425 : vector<256x2048xi32>
    %reduce_sum3A_427 = arith.constant dense<0> : vector<256xi32>
    %reduce_sum3A_428 = vector.multi_reduction <add>, %mul3A_426, %reduce_sum3A_427 [1] : vector<256x2048xi32> to vector<256xi32>
    %broadcast_in_dim3A_429 = vector.shape_cast %reduce_sum3A_428 : vector<256xi32> to vector<256x1xi32>
    %iota3A_430 = tpu.iota {dimensions = array<i32: 0>} : vector<256x2048xi32>
    %add3A_431 = arith.constant 1280 : i32
    %add3A_432 = vector.broadcast %add3A_431 : i32 to vector<256x2048xi32>
    %add3A_433 = arith.addi %iota3A_430, %add3A_432 : vector<256x2048xi32>
    %iota3A_434 = tpu.iota {dimensions = array<i32: 1>} : vector<256x2048xi32>
    %le3A_435 = arith.cmpi sle, %iota3A_434, %add3A_433 : vector<256x2048xi32>
    %convert_element_type3A_436 = arith.extui %le3A_435 : vector<256x2048xi1> to vector<256x2048xi32>
    %mul3A_437 = vector.broadcast %transpose3A : vector<1x2048xi32> to vector<256x2048xi32>
    %mul3A_438 = arith.muli %convert_element_type3A_436, %mul3A_437 : vector<256x2048xi32>
    %reduce_sum3A_439 = arith.constant dense<0> : vector<256xi32>
    %reduce_sum3A_440 = vector.multi_reduction <add>, %mul3A_438, %reduce_sum3A_439 [1] : vector<256x2048xi32> to vector<256xi32>
    %broadcast_in_dim3A_441 = vector.shape_cast %reduce_sum3A_440 : vector<256xi32> to vector<256x1xi32>
    %iota3A_442 = tpu.iota {dimensions = array<i32: 0>} : vector<256x2048xi32>
    %add3A_443 = arith.constant 1536 : i32
    %add3A_444 = vector.broadcast %add3A_443 : i32 to vector<256x2048xi32>
    %add3A_445 = arith.addi %iota3A_442, %add3A_444 : vector<256x2048xi32>
    %iota3A_446 = tpu.iota {dimensions = array<i32: 1>} : vector<256x2048xi32>
    %le3A_447 = arith.cmpi sle, %iota3A_446, %add3A_445 : vector<256x2048xi32>
    %convert_element_type3A_448 = arith.extui %le3A_447 : vector<256x2048xi1> to vector<256x2048xi32>
    %mul3A_449 = vector.broadcast %transpose3A : vector<1x2048xi32> to vector<256x2048xi32>
    %mul3A_450 = arith.muli %convert_element_type3A_448, %mul3A_449 : vector<256x2048xi32>
    %reduce_sum3A_451 = arith.constant dense<0> : vector<256xi32>
    %reduce_sum3A_452 = vector.multi_reduction <add>, %mul3A_450, %reduce_sum3A_451 [1] : vector<256x2048xi32> to vector<256xi32>
    %broadcast_in_dim3A_453 = vector.shape_cast %reduce_sum3A_452 : vector<256xi32> to vector<256x1xi32>
    %iota3A_454 = tpu.iota {dimensions = array<i32: 0>} : vector<256x2048xi32>
    %add3A_455 = arith.constant 1792 : i32
    %add3A_456 = vector.broadcast %add3A_455 : i32 to vector<256x2048xi32>
    %add3A_457 = arith.addi %iota3A_454, %add3A_456 : vector<256x2048xi32>
    %iota3A_458 = tpu.iota {dimensions = array<i32: 1>} : vector<256x2048xi32>
    %le3A_459 = arith.cmpi sle, %iota3A_458, %add3A_457 : vector<256x2048xi32>
    %convert_element_type3A_460 = arith.extui %le3A_459 : vector<256x2048xi1> to vector<256x2048xi32>
    %mul3A_461 = vector.broadcast %transpose3A : vector<1x2048xi32> to vector<256x2048xi32>
    %mul3A_462 = arith.muli %convert_element_type3A_460, %mul3A_461 : vector<256x2048xi32>
    %reduce_sum3A_463 = arith.constant dense<0> : vector<256xi32>
    %reduce_sum3A_464 = vector.multi_reduction <add>, %mul3A_462, %reduce_sum3A_463 [1] : vector<256x2048xi32> to vector<256xi32>
    %broadcast_in_dim3A_465 = vector.shape_cast %reduce_sum3A_464 : vector<256xi32> to vector<256x1xi32>
    %concatenate3A_466 = tpu.concatenate %broadcast_in_dim3A_381, %broadcast_in_dim3A_393, %broadcast_in_dim3A_405, %broadcast_in_dim3A_417, %broadcast_in_dim3A_429, %broadcast_in_dim3A_441, %broadcast_in_dim3A_453, %broadcast_in_dim3A_465 in 0 : vector<256x1xi32>, vector<256x1xi32>, vector<256x1xi32>, vector<256x1xi32>, vector<256x1xi32>, vector<256x1xi32>, vector<256x1xi32>, vector<256x1xi32> -> vector<2048x1xi32>
    %sub3A = arith.constant 1 : i32
    %sub3A_467 = vector.broadcast %sub3A : i32 to vector<2048x1xi32>
    %sub3A_468 = arith.subi %concatenate3A_466, %sub3A_467 : vector<2048x1xi32>
    %iota3A_469 = tpu.iota {dimensions = array<i32: 1>} : vector<2048x1024xi32>
    %iota3A_470 = tpu.iota {dimensions = array<i32: 0>} : vector<2048x1024xi32>
    %eq3A_471 = vector.broadcast %sub3A_468 : vector<2048x1xi32> to vector<2048x1024xi32>
    %eq3A_472 = arith.cmpi eq, %eq3A_471, %iota3A_469 : vector<2048x1024xi32>
    %eq3A_473 = arith.constant 1 : i32
    %eq3A_474 = vector.broadcast %eq3A_473 : i32 to vector<2048x1xi32>
    %eq3A_475 = arith.cmpi eq, %concatenate3A, %eq3A_474 : vector<2048x1xi32>
    %and3A_476 = vector.broadcast %eq3A_475 : vector<2048x1xi1> to vector<2048x1024xi1>
    %and3A_477 = arith.andi %eq3A_472, %and3A_476 : vector<2048x1024xi1>
    %jit3A = arith.constant 0 : i32
    %broadcast_in_dim3A_478 = vector.broadcast %jit3A : i32 to vector<2048x1024xi32>
    %select_n3A = arith.select %and3A_477, %iota3A_470, %broadcast_in_dim3A_478 : vector<2048x1024xi1>, vector<2048x1024xi32>
    %reduce_sum3A_479 = arith.constant dense<0> : vector<1024xi32>
    %reduce_sum3A_480 = vector.multi_reduction <add>, %select_n3A, %reduce_sum3A_479 [0] : vector<2048x1024xi32> to vector<1024xi32>
    %broadcast_in_dim3A_481 = vector.shape_cast %reduce_sum3A_480 : vector<1024xi32> to vector<1x1024xi32>
    %sub3A_482 = arith.constant 1 : i32
    %sub3A_483 = vector.broadcast %sub3A_482 : i32 to vector<2048x1xi32>
    %sub3A_484 = arith.subi %sub3A_483, %concatenate3A : vector<2048x1xi32>
    %transpose3A_485 = tpu.transpose %sub3A_484, [1, 0] : vector<2048x1xi32> -> vector<1x2048xi32>
    %iota3A_486 = tpu.iota {dimensions = array<i32: 0>} : vector<256x2048xi32>
    %add3A_487 = arith.constant 0 : i32
    %add3A_488 = vector.broadcast %add3A_487 : i32 to vector<256x2048xi32>
    %add3A_489 = arith.addi %iota3A_486, %add3A_488 : vector<256x2048xi32>
    %iota3A_490 = tpu.iota {dimensions = array<i32: 1>} : vector<256x2048xi32>
    %le3A_491 = arith.cmpi sle, %iota3A_490, %add3A_489 : vector<256x2048xi32>
    %convert_element_type3A_492 = arith.extui %le3A_491 : vector<256x2048xi1> to vector<256x2048xi32>
    %mul3A_493 = vector.broadcast %transpose3A_485 : vector<1x2048xi32> to vector<256x2048xi32>
    %mul3A_494 = arith.muli %convert_element_type3A_492, %mul3A_493 : vector<256x2048xi32>
    %reduce_sum3A_495 = arith.constant dense<0> : vector<256xi32>
    %reduce_sum3A_496 = vector.multi_reduction <add>, %mul3A_494, %reduce_sum3A_495 [1] : vector<256x2048xi32> to vector<256xi32>
    %broadcast_in_dim3A_497 = vector.shape_cast %reduce_sum3A_496 : vector<256xi32> to vector<256x1xi32>
    %iota3A_498 = tpu.iota {dimensions = array<i32: 0>} : vector<256x2048xi32>
    %add3A_499 = arith.constant 256 : i32
    %add3A_500 = vector.broadcast %add3A_499 : i32 to vector<256x2048xi32>
    %add3A_501 = arith.addi %iota3A_498, %add3A_500 : vector<256x2048xi32>
    %iota3A_502 = tpu.iota {dimensions = array<i32: 1>} : vector<256x2048xi32>
    %le3A_503 = arith.cmpi sle, %iota3A_502, %add3A_501 : vector<256x2048xi32>
    %convert_element_type3A_504 = arith.extui %le3A_503 : vector<256x2048xi1> to vector<256x2048xi32>
    %mul3A_505 = vector.broadcast %transpose3A_485 : vector<1x2048xi32> to vector<256x2048xi32>
    %mul3A_506 = arith.muli %convert_element_type3A_504, %mul3A_505 : vector<256x2048xi32>
    %reduce_sum3A_507 = arith.constant dense<0> : vector<256xi32>
    %reduce_sum3A_508 = vector.multi_reduction <add>, %mul3A_506, %reduce_sum3A_507 [1] : vector<256x2048xi32> to vector<256xi32>
    %broadcast_in_dim3A_509 = vector.shape_cast %reduce_sum3A_508 : vector<256xi32> to vector<256x1xi32>
    %iota3A_510 = tpu.iota {dimensions = array<i32: 0>} : vector<256x2048xi32>
    %add3A_511 = arith.constant 512 : i32
    %add3A_512 = vector.broadcast %add3A_511 : i32 to vector<256x2048xi32>
    %add3A_513 = arith.addi %iota3A_510, %add3A_512 : vector<256x2048xi32>
    %iota3A_514 = tpu.iota {dimensions = array<i32: 1>} : vector<256x2048xi32>
    %le3A_515 = arith.cmpi sle, %iota3A_514, %add3A_513 : vector<256x2048xi32>
    %convert_element_type3A_516 = arith.extui %le3A_515 : vector<256x2048xi1> to vector<256x2048xi32>
    %mul3A_517 = vector.broadcast %transpose3A_485 : vector<1x2048xi32> to vector<256x2048xi32>
    %mul3A_518 = arith.muli %convert_element_type3A_516, %mul3A_517 : vector<256x2048xi32>
    %reduce_sum3A_519 = arith.constant dense<0> : vector<256xi32>
    %reduce_sum3A_520 = vector.multi_reduction <add>, %mul3A_518, %reduce_sum3A_519 [1] : vector<256x2048xi32> to vector<256xi32>
    %broadcast_in_dim3A_521 = vector.shape_cast %reduce_sum3A_520 : vector<256xi32> to vector<256x1xi32>
    %iota3A_522 = tpu.iota {dimensions = array<i32: 0>} : vector<256x2048xi32>
    %add3A_523 = arith.constant 768 : i32
    %add3A_524 = vector.broadcast %add3A_523 : i32 to vector<256x2048xi32>
    %add3A_525 = arith.addi %iota3A_522, %add3A_524 : vector<256x2048xi32>
    %iota3A_526 = tpu.iota {dimensions = array<i32: 1>} : vector<256x2048xi32>
    %le3A_527 = arith.cmpi sle, %iota3A_526, %add3A_525 : vector<256x2048xi32>
    %convert_element_type3A_528 = arith.extui %le3A_527 : vector<256x2048xi1> to vector<256x2048xi32>
    %mul3A_529 = vector.broadcast %transpose3A_485 : vector<1x2048xi32> to vector<256x2048xi32>
    %mul3A_530 = arith.muli %convert_element_type3A_528, %mul3A_529 : vector<256x2048xi32>
    %reduce_sum3A_531 = arith.constant dense<0> : vector<256xi32>
    %reduce_sum3A_532 = vector.multi_reduction <add>, %mul3A_530, %reduce_sum3A_531 [1] : vector<256x2048xi32> to vector<256xi32>
    %broadcast_in_dim3A_533 = vector.shape_cast %reduce_sum3A_532 : vector<256xi32> to vector<256x1xi32>
    %iota3A_534 = tpu.iota {dimensions = array<i32: 0>} : vector<256x2048xi32>
    %add3A_535 = arith.constant 1024 : i32
    %add3A_536 = vector.broadcast %add3A_535 : i32 to vector<256x2048xi32>
    %add3A_537 = arith.addi %iota3A_534, %add3A_536 : vector<256x2048xi32>
    %iota3A_538 = tpu.iota {dimensions = array<i32: 1>} : vector<256x2048xi32>
    %le3A_539 = arith.cmpi sle, %iota3A_538, %add3A_537 : vector<256x2048xi32>
    %convert_element_type3A_540 = arith.extui %le3A_539 : vector<256x2048xi1> to vector<256x2048xi32>
    %mul3A_541 = vector.broadcast %transpose3A_485 : vector<1x2048xi32> to vector<256x2048xi32>
    %mul3A_542 = arith.muli %convert_element_type3A_540, %mul3A_541 : vector<256x2048xi32>
    %reduce_sum3A_543 = arith.constant dense<0> : vector<256xi32>
    %reduce_sum3A_544 = vector.multi_reduction <add>, %mul3A_542, %reduce_sum3A_543 [1] : vector<256x2048xi32> to vector<256xi32>
    %broadcast_in_dim3A_545 = vector.shape_cast %reduce_sum3A_544 : vector<256xi32> to vector<256x1xi32>
    %iota3A_546 = tpu.iota {dimensions = array<i32: 0>} : vector<256x2048xi32>
    %add3A_547 = arith.constant 1280 : i32
    %add3A_548 = vector.broadcast %add3A_547 : i32 to vector<256x2048xi32>
    %add3A_549 = arith.addi %iota3A_546, %add3A_548 : vector<256x2048xi32>
    %iota3A_550 = tpu.iota {dimensions = array<i32: 1>} : vector<256x2048xi32>
    %le3A_551 = arith.cmpi sle, %iota3A_550, %add3A_549 : vector<256x2048xi32>
    %convert_element_type3A_552 = arith.extui %le3A_551 : vector<256x2048xi1> to vector<256x2048xi32>
    %mul3A_553 = vector.broadcast %transpose3A_485 : vector<1x2048xi32> to vector<256x2048xi32>
    %mul3A_554 = arith.muli %convert_element_type3A_552, %mul3A_553 : vector<256x2048xi32>
    %reduce_sum3A_555 = arith.constant dense<0> : vector<256xi32>
    %reduce_sum3A_556 = vector.multi_reduction <add>, %mul3A_554, %reduce_sum3A_555 [1] : vector<256x2048xi32> to vector<256xi32>
    %broadcast_in_dim3A_557 = vector.shape_cast %reduce_sum3A_556 : vector<256xi32> to vector<256x1xi32>
    %iota3A_558 = tpu.iota {dimensions = array<i32: 0>} : vector<256x2048xi32>
    %add3A_559 = arith.constant 1536 : i32
    %add3A_560 = vector.broadcast %add3A_559 : i32 to vector<256x2048xi32>
    %add3A_561 = arith.addi %iota3A_558, %add3A_560 : vector<256x2048xi32>
    %iota3A_562 = tpu.iota {dimensions = array<i32: 1>} : vector<256x2048xi32>
    %le3A_563 = arith.cmpi sle, %iota3A_562, %add3A_561 : vector<256x2048xi32>
    %convert_element_type3A_564 = arith.extui %le3A_563 : vector<256x2048xi1> to vector<256x2048xi32>
    %mul3A_565 = vector.broadcast %transpose3A_485 : vector<1x2048xi32> to vector<256x2048xi32>
    %mul3A_566 = arith.muli %convert_element_type3A_564, %mul3A_565 : vector<256x2048xi32>
    %reduce_sum3A_567 = arith.constant dense<0> : vector<256xi32>
    %reduce_sum3A_568 = vector.multi_reduction <add>, %mul3A_566, %reduce_sum3A_567 [1] : vector<256x2048xi32> to vector<256xi32>
    %broadcast_in_dim3A_569 = vector.shape_cast %reduce_sum3A_568 : vector<256xi32> to vector<256x1xi32>
    %iota3A_570 = tpu.iota {dimensions = array<i32: 0>} : vector<256x2048xi32>
    %add3A_571 = arith.constant 1792 : i32
    %add3A_572 = vector.broadcast %add3A_571 : i32 to vector<256x2048xi32>
    %add3A_573 = arith.addi %iota3A_570, %add3A_572 : vector<256x2048xi32>
    %iota3A_574 = tpu.iota {dimensions = array<i32: 1>} : vector<256x2048xi32>
    %le3A_575 = arith.cmpi sle, %iota3A_574, %add3A_573 : vector<256x2048xi32>
    %convert_element_type3A_576 = arith.extui %le3A_575 : vector<256x2048xi1> to vector<256x2048xi32>
    %mul3A_577 = vector.broadcast %transpose3A_485 : vector<1x2048xi32> to vector<256x2048xi32>
    %mul3A_578 = arith.muli %convert_element_type3A_576, %mul3A_577 : vector<256x2048xi32>
    %reduce_sum3A_579 = arith.constant dense<0> : vector<256xi32>
    %reduce_sum3A_580 = vector.multi_reduction <add>, %mul3A_578, %reduce_sum3A_579 [1] : vector<256x2048xi32> to vector<256xi32>
    %broadcast_in_dim3A_581 = vector.shape_cast %reduce_sum3A_580 : vector<256xi32> to vector<256x1xi32>
    %concatenate3A_582 = tpu.concatenate %broadcast_in_dim3A_497, %broadcast_in_dim3A_509, %broadcast_in_dim3A_521, %broadcast_in_dim3A_533, %broadcast_in_dim3A_545, %broadcast_in_dim3A_557, %broadcast_in_dim3A_569, %broadcast_in_dim3A_581 in 0 : vector<256x1xi32>, vector<256x1xi32>, vector<256x1xi32>, vector<256x1xi32>, vector<256x1xi32>, vector<256x1xi32>, vector<256x1xi32>, vector<256x1xi32> -> vector<2048x1xi32>
    %sub3A_583 = arith.constant 1 : i32
    %sub3A_584 = vector.broadcast %sub3A_583 : i32 to vector<2048x1xi32>
    %sub3A_585 = arith.subi %concatenate3A_582, %sub3A_584 : vector<2048x1xi32>
    %iota3A_586 = tpu.iota {dimensions = array<i32: 1>} : vector<2048x1024xi32>
    %iota3A_587 = tpu.iota {dimensions = array<i32: 0>} : vector<2048x1024xi32>
    %eq3A_588 = vector.broadcast %sub3A_585 : vector<2048x1xi32> to vector<2048x1024xi32>
    %eq3A_589 = arith.cmpi eq, %eq3A_588, %iota3A_586 : vector<2048x1024xi32>
    %eq3A_590 = arith.constant 1 : i32
    %eq3A_591 = vector.broadcast %eq3A_590 : i32 to vector<2048x1xi32>
    %eq3A_592 = arith.cmpi eq, %sub3A_484, %eq3A_591 : vector<2048x1xi32>
    %and3A_593 = vector.broadcast %eq3A_592 : vector<2048x1xi1> to vector<2048x1024xi1>
    %and3A_594 = arith.andi %eq3A_589, %and3A_593 : vector<2048x1024xi1>
    %jit3A_595 = arith.constant 0 : i32
    %broadcast_in_dim3A_596 = vector.broadcast %jit3A_595 : i32 to vector<2048x1024xi32>
    %select_n3A_597 = arith.select %and3A_594, %iota3A_587, %broadcast_in_dim3A_596 : vector<2048x1024xi1>, vector<2048x1024xi32>
    %reduce_sum3A_598 = arith.constant dense<0> : vector<1024xi32>
    %reduce_sum3A_599 = vector.multi_reduction <add>, %select_n3A_597, %reduce_sum3A_598 [0] : vector<2048x1024xi32> to vector<1024xi32>
    %broadcast_in_dim3A_600 = vector.shape_cast %reduce_sum3A_599 : vector<1024xi32> to vector<1x1024xi32>
    %transpose3A_601 = tpu.transpose %concatenate3A_371, [1, 0] : vector<2048x1xi32> -> vector<1x2048xi32>
    %iota3A_602 = tpu.iota {dimensions = array<i32: 0>} : vector<256x2048xi32>
    %add3A_603 = arith.constant 0 : i32
    %add3A_604 = vector.broadcast %add3A_603 : i32 to vector<256x2048xi32>
    %add3A_605 = arith.addi %iota3A_602, %add3A_604 : vector<256x2048xi32>
    %iota3A_606 = tpu.iota {dimensions = array<i32: 1>} : vector<256x2048xi32>
    %le3A_607 = arith.cmpi sle, %iota3A_606, %add3A_605 : vector<256x2048xi32>
    %convert_element_type3A_608 = arith.extui %le3A_607 : vector<256x2048xi1> to vector<256x2048xi32>
    %mul3A_609 = vector.broadcast %transpose3A_601 : vector<1x2048xi32> to vector<256x2048xi32>
    %mul3A_610 = arith.muli %convert_element_type3A_608, %mul3A_609 : vector<256x2048xi32>
    %reduce_sum3A_611 = arith.constant dense<0> : vector<256xi32>
    %reduce_sum3A_612 = vector.multi_reduction <add>, %mul3A_610, %reduce_sum3A_611 [1] : vector<256x2048xi32> to vector<256xi32>
    %broadcast_in_dim3A_613 = vector.shape_cast %reduce_sum3A_612 : vector<256xi32> to vector<256x1xi32>
    %iota3A_614 = tpu.iota {dimensions = array<i32: 0>} : vector<256x2048xi32>
    %add3A_615 = arith.constant 256 : i32
    %add3A_616 = vector.broadcast %add3A_615 : i32 to vector<256x2048xi32>
    %add3A_617 = arith.addi %iota3A_614, %add3A_616 : vector<256x2048xi32>
    %iota3A_618 = tpu.iota {dimensions = array<i32: 1>} : vector<256x2048xi32>
    %le3A_619 = arith.cmpi sle, %iota3A_618, %add3A_617 : vector<256x2048xi32>
    %convert_element_type3A_620 = arith.extui %le3A_619 : vector<256x2048xi1> to vector<256x2048xi32>
    %mul3A_621 = vector.broadcast %transpose3A_601 : vector<1x2048xi32> to vector<256x2048xi32>
    %mul3A_622 = arith.muli %convert_element_type3A_620, %mul3A_621 : vector<256x2048xi32>
    %reduce_sum3A_623 = arith.constant dense<0> : vector<256xi32>
    %reduce_sum3A_624 = vector.multi_reduction <add>, %mul3A_622, %reduce_sum3A_623 [1] : vector<256x2048xi32> to vector<256xi32>
    %broadcast_in_dim3A_625 = vector.shape_cast %reduce_sum3A_624 : vector<256xi32> to vector<256x1xi32>
    %iota3A_626 = tpu.iota {dimensions = array<i32: 0>} : vector<256x2048xi32>
    %add3A_627 = arith.constant 512 : i32
    %add3A_628 = vector.broadcast %add3A_627 : i32 to vector<256x2048xi32>
    %add3A_629 = arith.addi %iota3A_626, %add3A_628 : vector<256x2048xi32>
    %iota3A_630 = tpu.iota {dimensions = array<i32: 1>} : vector<256x2048xi32>
    %le3A_631 = arith.cmpi sle, %iota3A_630, %add3A_629 : vector<256x2048xi32>
    %convert_element_type3A_632 = arith.extui %le3A_631 : vector<256x2048xi1> to vector<256x2048xi32>
    %mul3A_633 = vector.broadcast %transpose3A_601 : vector<1x2048xi32> to vector<256x2048xi32>
    %mul3A_634 = arith.muli %convert_element_type3A_632, %mul3A_633 : vector<256x2048xi32>
    %reduce_sum3A_635 = arith.constant dense<0> : vector<256xi32>
    %reduce_sum3A_636 = vector.multi_reduction <add>, %mul3A_634, %reduce_sum3A_635 [1] : vector<256x2048xi32> to vector<256xi32>
    %broadcast_in_dim3A_637 = vector.shape_cast %reduce_sum3A_636 : vector<256xi32> to vector<256x1xi32>
    %iota3A_638 = tpu.iota {dimensions = array<i32: 0>} : vector<256x2048xi32>
    %add3A_639 = arith.constant 768 : i32
    %add3A_640 = vector.broadcast %add3A_639 : i32 to vector<256x2048xi32>
    %add3A_641 = arith.addi %iota3A_638, %add3A_640 : vector<256x2048xi32>
    %iota3A_642 = tpu.iota {dimensions = array<i32: 1>} : vector<256x2048xi32>
    %le3A_643 = arith.cmpi sle, %iota3A_642, %add3A_641 : vector<256x2048xi32>
    %convert_element_type3A_644 = arith.extui %le3A_643 : vector<256x2048xi1> to vector<256x2048xi32>
    %mul3A_645 = vector.broadcast %transpose3A_601 : vector<1x2048xi32> to vector<256x2048xi32>
    %mul3A_646 = arith.muli %convert_element_type3A_644, %mul3A_645 : vector<256x2048xi32>
    %reduce_sum3A_647 = arith.constant dense<0> : vector<256xi32>
    %reduce_sum3A_648 = vector.multi_reduction <add>, %mul3A_646, %reduce_sum3A_647 [1] : vector<256x2048xi32> to vector<256xi32>
    %broadcast_in_dim3A_649 = vector.shape_cast %reduce_sum3A_648 : vector<256xi32> to vector<256x1xi32>
    %iota3A_650 = tpu.iota {dimensions = array<i32: 0>} : vector<256x2048xi32>
    %add3A_651 = arith.constant 1024 : i32
    %add3A_652 = vector.broadcast %add3A_651 : i32 to vector<256x2048xi32>
    %add3A_653 = arith.addi %iota3A_650, %add3A_652 : vector<256x2048xi32>
    %iota3A_654 = tpu.iota {dimensions = array<i32: 1>} : vector<256x2048xi32>
    %le3A_655 = arith.cmpi sle, %iota3A_654, %add3A_653 : vector<256x2048xi32>
    %convert_element_type3A_656 = arith.extui %le3A_655 : vector<256x2048xi1> to vector<256x2048xi32>
    %mul3A_657 = vector.broadcast %transpose3A_601 : vector<1x2048xi32> to vector<256x2048xi32>
    %mul3A_658 = arith.muli %convert_element_type3A_656, %mul3A_657 : vector<256x2048xi32>
    %reduce_sum3A_659 = arith.constant dense<0> : vector<256xi32>
    %reduce_sum3A_660 = vector.multi_reduction <add>, %mul3A_658, %reduce_sum3A_659 [1] : vector<256x2048xi32> to vector<256xi32>
    %broadcast_in_dim3A_661 = vector.shape_cast %reduce_sum3A_660 : vector<256xi32> to vector<256x1xi32>
    %iota3A_662 = tpu.iota {dimensions = array<i32: 0>} : vector<256x2048xi32>
    %add3A_663 = arith.constant 1280 : i32
    %add3A_664 = vector.broadcast %add3A_663 : i32 to vector<256x2048xi32>
    %add3A_665 = arith.addi %iota3A_662, %add3A_664 : vector<256x2048xi32>
    %iota3A_666 = tpu.iota {dimensions = array<i32: 1>} : vector<256x2048xi32>
    %le3A_667 = arith.cmpi sle, %iota3A_666, %add3A_665 : vector<256x2048xi32>
    %convert_element_type3A_668 = arith.extui %le3A_667 : vector<256x2048xi1> to vector<256x2048xi32>
    %mul3A_669 = vector.broadcast %transpose3A_601 : vector<1x2048xi32> to vector<256x2048xi32>
    %mul3A_670 = arith.muli %convert_element_type3A_668, %mul3A_669 : vector<256x2048xi32>
    %reduce_sum3A_671 = arith.constant dense<0> : vector<256xi32>
    %reduce_sum3A_672 = vector.multi_reduction <add>, %mul3A_670, %reduce_sum3A_671 [1] : vector<256x2048xi32> to vector<256xi32>
    %broadcast_in_dim3A_673 = vector.shape_cast %reduce_sum3A_672 : vector<256xi32> to vector<256x1xi32>
    %iota3A_674 = tpu.iota {dimensions = array<i32: 0>} : vector<256x2048xi32>
    %add3A_675 = arith.constant 1536 : i32
    %add3A_676 = vector.broadcast %add3A_675 : i32 to vector<256x2048xi32>
    %add3A_677 = arith.addi %iota3A_674, %add3A_676 : vector<256x2048xi32>
    %iota3A_678 = tpu.iota {dimensions = array<i32: 1>} : vector<256x2048xi32>
    %le3A_679 = arith.cmpi sle, %iota3A_678, %add3A_677 : vector<256x2048xi32>
    %convert_element_type3A_680 = arith.extui %le3A_679 : vector<256x2048xi1> to vector<256x2048xi32>
    %mul3A_681 = vector.broadcast %transpose3A_601 : vector<1x2048xi32> to vector<256x2048xi32>
    %mul3A_682 = arith.muli %convert_element_type3A_680, %mul3A_681 : vector<256x2048xi32>
    %reduce_sum3A_683 = arith.constant dense<0> : vector<256xi32>
    %reduce_sum3A_684 = vector.multi_reduction <add>, %mul3A_682, %reduce_sum3A_683 [1] : vector<256x2048xi32> to vector<256xi32>
    %broadcast_in_dim3A_685 = vector.shape_cast %reduce_sum3A_684 : vector<256xi32> to vector<256x1xi32>
    %iota3A_686 = tpu.iota {dimensions = array<i32: 0>} : vector<256x2048xi32>
    %add3A_687 = arith.constant 1792 : i32
    %add3A_688 = vector.broadcast %add3A_687 : i32 to vector<256x2048xi32>
    %add3A_689 = arith.addi %iota3A_686, %add3A_688 : vector<256x2048xi32>
    %iota3A_690 = tpu.iota {dimensions = array<i32: 1>} : vector<256x2048xi32>
    %le3A_691 = arith.cmpi sle, %iota3A_690, %add3A_689 : vector<256x2048xi32>
    %convert_element_type3A_692 = arith.extui %le3A_691 : vector<256x2048xi1> to vector<256x2048xi32>
    %mul3A_693 = vector.broadcast %transpose3A_601 : vector<1x2048xi32> to vector<256x2048xi32>
    %mul3A_694 = arith.muli %convert_element_type3A_692, %mul3A_693 : vector<256x2048xi32>
    %reduce_sum3A_695 = arith.constant dense<0> : vector<256xi32>
    %reduce_sum3A_696 = vector.multi_reduction <add>, %mul3A_694, %reduce_sum3A_695 [1] : vector<256x2048xi32> to vector<256xi32>
    %broadcast_in_dim3A_697 = vector.shape_cast %reduce_sum3A_696 : vector<256xi32> to vector<256x1xi32>
    %concatenate3A_698 = tpu.concatenate %broadcast_in_dim3A_613, %broadcast_in_dim3A_625, %broadcast_in_dim3A_637, %broadcast_in_dim3A_649, %broadcast_in_dim3A_661, %broadcast_in_dim3A_673, %broadcast_in_dim3A_685, %broadcast_in_dim3A_697 in 0 : vector<256x1xi32>, vector<256x1xi32>, vector<256x1xi32>, vector<256x1xi32>, vector<256x1xi32>, vector<256x1xi32>, vector<256x1xi32>, vector<256x1xi32> -> vector<2048x1xi32>
    %sub3A_699 = arith.constant 1 : i32
    %sub3A_700 = vector.broadcast %sub3A_699 : i32 to vector<2048x1xi32>
    %sub3A_701 = arith.subi %concatenate3A_698, %sub3A_700 : vector<2048x1xi32>
    %iota3A_702 = tpu.iota {dimensions = array<i32: 1>} : vector<2048x1024xi32>
    %iota3A_703 = tpu.iota {dimensions = array<i32: 0>} : vector<2048x1024xi32>
    %eq3A_704 = vector.broadcast %sub3A_701 : vector<2048x1xi32> to vector<2048x1024xi32>
    %eq3A_705 = arith.cmpi eq, %eq3A_704, %iota3A_702 : vector<2048x1024xi32>
    %eq3A_706 = arith.constant 1 : i32
    %eq3A_707 = vector.broadcast %eq3A_706 : i32 to vector<2048x1xi32>
    %eq3A_708 = arith.cmpi eq, %concatenate3A_371, %eq3A_707 : vector<2048x1xi32>
    %and3A_709 = vector.broadcast %eq3A_708 : vector<2048x1xi1> to vector<2048x1024xi1>
    %and3A_710 = arith.andi %eq3A_705, %and3A_709 : vector<2048x1024xi1>
    %jit3A_711 = arith.constant 0 : i32
    %broadcast_in_dim3A_712 = vector.broadcast %jit3A_711 : i32 to vector<2048x1024xi32>
    %select_n3A_713 = arith.select %and3A_710, %iota3A_703, %broadcast_in_dim3A_712 : vector<2048x1024xi1>, vector<2048x1024xi32>
    %reduce_sum3A_714 = arith.constant dense<0> : vector<1024xi32>
    %reduce_sum3A_715 = vector.multi_reduction <add>, %select_n3A_713, %reduce_sum3A_714 [0] : vector<2048x1024xi32> to vector<1024xi32>
    %broadcast_in_dim3A_716 = vector.shape_cast %reduce_sum3A_715 : vector<1024xi32> to vector<1x1024xi32>
    %sub3A_717 = arith.constant 1 : i32
    %sub3A_718 = vector.broadcast %sub3A_717 : i32 to vector<2048x1xi32>
    %sub3A_719 = arith.subi %sub3A_718, %concatenate3A_371 : vector<2048x1xi32>
    %transpose3A_720 = tpu.transpose %sub3A_719, [1, 0] : vector<2048x1xi32> -> vector<1x2048xi32>
    %iota3A_721 = tpu.iota {dimensions = array<i32: 0>} : vector<256x2048xi32>
    %add3A_722 = arith.constant 0 : i32
    %add3A_723 = vector.broadcast %add3A_722 : i32 to vector<256x2048xi32>
    %add3A_724 = arith.addi %iota3A_721, %add3A_723 : vector<256x2048xi32>
    %iota3A_725 = tpu.iota {dimensions = array<i32: 1>} : vector<256x2048xi32>
    %le3A_726 = arith.cmpi sle, %iota3A_725, %add3A_724 : vector<256x2048xi32>
    %convert_element_type3A_727 = arith.extui %le3A_726 : vector<256x2048xi1> to vector<256x2048xi32>
    %mul3A_728 = vector.broadcast %transpose3A_720 : vector<1x2048xi32> to vector<256x2048xi32>
    %mul3A_729 = arith.muli %convert_element_type3A_727, %mul3A_728 : vector<256x2048xi32>
    %reduce_sum3A_730 = arith.constant dense<0> : vector<256xi32>
    %reduce_sum3A_731 = vector.multi_reduction <add>, %mul3A_729, %reduce_sum3A_730 [1] : vector<256x2048xi32> to vector<256xi32>
    %broadcast_in_dim3A_732 = vector.shape_cast %reduce_sum3A_731 : vector<256xi32> to vector<256x1xi32>
    %iota3A_733 = tpu.iota {dimensions = array<i32: 0>} : vector<256x2048xi32>
    %add3A_734 = arith.constant 256 : i32
    %add3A_735 = vector.broadcast %add3A_734 : i32 to vector<256x2048xi32>
    %add3A_736 = arith.addi %iota3A_733, %add3A_735 : vector<256x2048xi32>
    %iota3A_737 = tpu.iota {dimensions = array<i32: 1>} : vector<256x2048xi32>
    %le3A_738 = arith.cmpi sle, %iota3A_737, %add3A_736 : vector<256x2048xi32>
    %convert_element_type3A_739 = arith.extui %le3A_738 : vector<256x2048xi1> to vector<256x2048xi32>
    %mul3A_740 = vector.broadcast %transpose3A_720 : vector<1x2048xi32> to vector<256x2048xi32>
    %mul3A_741 = arith.muli %convert_element_type3A_739, %mul3A_740 : vector<256x2048xi32>
    %reduce_sum3A_742 = arith.constant dense<0> : vector<256xi32>
    %reduce_sum3A_743 = vector.multi_reduction <add>, %mul3A_741, %reduce_sum3A_742 [1] : vector<256x2048xi32> to vector<256xi32>
    %broadcast_in_dim3A_744 = vector.shape_cast %reduce_sum3A_743 : vector<256xi32> to vector<256x1xi32>
    %iota3A_745 = tpu.iota {dimensions = array<i32: 0>} : vector<256x2048xi32>
    %add3A_746 = arith.constant 512 : i32
    %add3A_747 = vector.broadcast %add3A_746 : i32 to vector<256x2048xi32>
    %add3A_748 = arith.addi %iota3A_745, %add3A_747 : vector<256x2048xi32>
    %iota3A_749 = tpu.iota {dimensions = array<i32: 1>} : vector<256x2048xi32>
    %le3A_750 = arith.cmpi sle, %iota3A_749, %add3A_748 : vector<256x2048xi32>
    %convert_element_type3A_751 = arith.extui %le3A_750 : vector<256x2048xi1> to vector<256x2048xi32>
    %mul3A_752 = vector.broadcast %transpose3A_720 : vector<1x2048xi32> to vector<256x2048xi32>
    %mul3A_753 = arith.muli %convert_element_type3A_751, %mul3A_752 : vector<256x2048xi32>
    %reduce_sum3A_754 = arith.constant dense<0> : vector<256xi32>
    %reduce_sum3A_755 = vector.multi_reduction <add>, %mul3A_753, %reduce_sum3A_754 [1] : vector<256x2048xi32> to vector<256xi32>
    %broadcast_in_dim3A_756 = vector.shape_cast %reduce_sum3A_755 : vector<256xi32> to vector<256x1xi32>
    %iota3A_757 = tpu.iota {dimensions = array<i32: 0>} : vector<256x2048xi32>
    %add3A_758 = arith.constant 768 : i32
    %add3A_759 = vector.broadcast %add3A_758 : i32 to vector<256x2048xi32>
    %add3A_760 = arith.addi %iota3A_757, %add3A_759 : vector<256x2048xi32>
    %iota3A_761 = tpu.iota {dimensions = array<i32: 1>} : vector<256x2048xi32>
    %le3A_762 = arith.cmpi sle, %iota3A_761, %add3A_760 : vector<256x2048xi32>
    %convert_element_type3A_763 = arith.extui %le3A_762 : vector<256x2048xi1> to vector<256x2048xi32>
    %mul3A_764 = vector.broadcast %transpose3A_720 : vector<1x2048xi32> to vector<256x2048xi32>
    %mul3A_765 = arith.muli %convert_element_type3A_763, %mul3A_764 : vector<256x2048xi32>
    %reduce_sum3A_766 = arith.constant dense<0> : vector<256xi32>
    %reduce_sum3A_767 = vector.multi_reduction <add>, %mul3A_765, %reduce_sum3A_766 [1] : vector<256x2048xi32> to vector<256xi32>
    %broadcast_in_dim3A_768 = vector.shape_cast %reduce_sum3A_767 : vector<256xi32> to vector<256x1xi32>
    %iota3A_769 = tpu.iota {dimensions = array<i32: 0>} : vector<256x2048xi32>
    %add3A_770 = arith.constant 1024 : i32
    %add3A_771 = vector.broadcast %add3A_770 : i32 to vector<256x2048xi32>
    %add3A_772 = arith.addi %iota3A_769, %add3A_771 : vector<256x2048xi32>
    %iota3A_773 = tpu.iota {dimensions = array<i32: 1>} : vector<256x2048xi32>
    %le3A_774 = arith.cmpi sle, %iota3A_773, %add3A_772 : vector<256x2048xi32>
    %convert_element_type3A_775 = arith.extui %le3A_774 : vector<256x2048xi1> to vector<256x2048xi32>
    %mul3A_776 = vector.broadcast %transpose3A_720 : vector<1x2048xi32> to vector<256x2048xi32>
    %mul3A_777 = arith.muli %convert_element_type3A_775, %mul3A_776 : vector<256x2048xi32>
    %reduce_sum3A_778 = arith.constant dense<0> : vector<256xi32>
    %reduce_sum3A_779 = vector.multi_reduction <add>, %mul3A_777, %reduce_sum3A_778 [1] : vector<256x2048xi32> to vector<256xi32>
    %broadcast_in_dim3A_780 = vector.shape_cast %reduce_sum3A_779 : vector<256xi32> to vector<256x1xi32>
    %iota3A_781 = tpu.iota {dimensions = array<i32: 0>} : vector<256x2048xi32>
    %add3A_782 = arith.constant 1280 : i32
    %add3A_783 = vector.broadcast %add3A_782 : i32 to vector<256x2048xi32>
    %add3A_784 = arith.addi %iota3A_781, %add3A_783 : vector<256x2048xi32>
    %iota3A_785 = tpu.iota {dimensions = array<i32: 1>} : vector<256x2048xi32>
    %le3A_786 = arith.cmpi sle, %iota3A_785, %add3A_784 : vector<256x2048xi32>
    %convert_element_type3A_787 = arith.extui %le3A_786 : vector<256x2048xi1> to vector<256x2048xi32>
    %mul3A_788 = vector.broadcast %transpose3A_720 : vector<1x2048xi32> to vector<256x2048xi32>
    %mul3A_789 = arith.muli %convert_element_type3A_787, %mul3A_788 : vector<256x2048xi32>
    %reduce_sum3A_790 = arith.constant dense<0> : vector<256xi32>
    %reduce_sum3A_791 = vector.multi_reduction <add>, %mul3A_789, %reduce_sum3A_790 [1] : vector<256x2048xi32> to vector<256xi32>
    %broadcast_in_dim3A_792 = vector.shape_cast %reduce_sum3A_791 : vector<256xi32> to vector<256x1xi32>
    %iota3A_793 = tpu.iota {dimensions = array<i32: 0>} : vector<256x2048xi32>
    %add3A_794 = arith.constant 1536 : i32
    %add3A_795 = vector.broadcast %add3A_794 : i32 to vector<256x2048xi32>
    %add3A_796 = arith.addi %iota3A_793, %add3A_795 : vector<256x2048xi32>
    %iota3A_797 = tpu.iota {dimensions = array<i32: 1>} : vector<256x2048xi32>
    %le3A_798 = arith.cmpi sle, %iota3A_797, %add3A_796 : vector<256x2048xi32>
    %convert_element_type3A_799 = arith.extui %le3A_798 : vector<256x2048xi1> to vector<256x2048xi32>
    %mul3A_800 = vector.broadcast %transpose3A_720 : vector<1x2048xi32> to vector<256x2048xi32>
    %mul3A_801 = arith.muli %convert_element_type3A_799, %mul3A_800 : vector<256x2048xi32>
    %reduce_sum3A_802 = arith.constant dense<0> : vector<256xi32>
    %reduce_sum3A_803 = vector.multi_reduction <add>, %mul3A_801, %reduce_sum3A_802 [1] : vector<256x2048xi32> to vector<256xi32>
    %broadcast_in_dim3A_804 = vector.shape_cast %reduce_sum3A_803 : vector<256xi32> to vector<256x1xi32>
    %iota3A_805 = tpu.iota {dimensions = array<i32: 0>} : vector<256x2048xi32>
    %add3A_806 = arith.constant 1792 : i32
    %add3A_807 = vector.broadcast %add3A_806 : i32 to vector<256x2048xi32>
    %add3A_808 = arith.addi %iota3A_805, %add3A_807 : vector<256x2048xi32>
    %iota3A_809 = tpu.iota {dimensions = array<i32: 1>} : vector<256x2048xi32>
    %le3A_810 = arith.cmpi sle, %iota3A_809, %add3A_808 : vector<256x2048xi32>
    %convert_element_type3A_811 = arith.extui %le3A_810 : vector<256x2048xi1> to vector<256x2048xi32>
    %mul3A_812 = vector.broadcast %transpose3A_720 : vector<1x2048xi32> to vector<256x2048xi32>
    %mul3A_813 = arith.muli %convert_element_type3A_811, %mul3A_812 : vector<256x2048xi32>
    %reduce_sum3A_814 = arith.constant dense<0> : vector<256xi32>
    %reduce_sum3A_815 = vector.multi_reduction <add>, %mul3A_813, %reduce_sum3A_814 [1] : vector<256x2048xi32> to vector<256xi32>
    %broadcast_in_dim3A_816 = vector.shape_cast %reduce_sum3A_815 : vector<256xi32> to vector<256x1xi32>
    %concatenate3A_817 = tpu.concatenate %broadcast_in_dim3A_732, %broadcast_in_dim3A_744, %broadcast_in_dim3A_756, %broadcast_in_dim3A_768, %broadcast_in_dim3A_780, %broadcast_in_dim3A_792, %broadcast_in_dim3A_804, %broadcast_in_dim3A_816 in 0 : vector<256x1xi32>, vector<256x1xi32>, vector<256x1xi32>, vector<256x1xi32>, vector<256x1xi32>, vector<256x1xi32>, vector<256x1xi32>, vector<256x1xi32> -> vector<2048x1xi32>
    %sub3A_818 = arith.constant 1 : i32
    %sub3A_819 = vector.broadcast %sub3A_818 : i32 to vector<2048x1xi32>
    %sub3A_820 = arith.subi %concatenate3A_817, %sub3A_819 : vector<2048x1xi32>
    %iota3A_821 = tpu.iota {dimensions = array<i32: 1>} : vector<2048x1024xi32>
    %iota3A_822 = tpu.iota {dimensions = array<i32: 0>} : vector<2048x1024xi32>
    %eq3A_823 = vector.broadcast %sub3A_820 : vector<2048x1xi32> to vector<2048x1024xi32>
    %eq3A_824 = arith.cmpi eq, %eq3A_823, %iota3A_821 : vector<2048x1024xi32>
    %eq3A_825 = arith.constant 1 : i32
    %eq3A_826 = vector.broadcast %eq3A_825 : i32 to vector<2048x1xi32>
    %eq3A_827 = arith.cmpi eq, %sub3A_719, %eq3A_826 : vector<2048x1xi32>
    %and3A_828 = vector.broadcast %eq3A_827 : vector<2048x1xi1> to vector<2048x1024xi1>
    %and3A_829 = arith.andi %eq3A_824, %and3A_828 : vector<2048x1024xi1>
    %jit3A_830 = arith.constant 0 : i32
    %broadcast_in_dim3A_831 = vector.broadcast %jit3A_830 : i32 to vector<2048x1024xi32>
    %select_n3A_832 = arith.select %and3A_829, %iota3A_822, %broadcast_in_dim3A_831 : vector<2048x1024xi1>, vector<2048x1024xi32>
    %reduce_sum3A_833 = arith.constant dense<0> : vector<1024xi32>
    %reduce_sum3A_834 = vector.multi_reduction <add>, %select_n3A_832, %reduce_sum3A_833 [0] : vector<2048x1024xi32> to vector<1024xi32>
    %broadcast_in_dim3A_835 = vector.shape_cast %reduce_sum3A_834 : vector<1024xi32> to vector<1x1024xi32>
    %add3A_836 = arith.constant 2048 : i32
    %add3A_837 = vector.broadcast %add3A_836 : i32 to vector<1x1024xi32>
    %add3A_838 = arith.addi %broadcast_in_dim3A_481, %add3A_837 : vector<1x1024xi32>
    %add3A_839 = arith.constant 2048 : i32
    %add3A_840 = vector.broadcast %add3A_839 : i32 to vector<1x1024xi32>
    %add3A_841 = arith.addi %broadcast_in_dim3A_835, %add3A_840 : vector<1x1024xi32>
    %add3A_842 = arith.constant 2048 : i32
    %add3A_843 = vector.broadcast %add3A_842 : i32 to vector<1x1024xi32>
    %add3A_844 = arith.addi %broadcast_in_dim3A_716, %add3A_843 : vector<1x1024xi32>
    %add3A_845 = arith.constant 2048 : i32
    %add3A_846 = vector.broadcast %add3A_845 : i32 to vector<1x1024xi32>
    %add3A_847 = arith.addi %broadcast_in_dim3A_600, %add3A_846 : vector<1x1024xi32>
    %concatenate3A_848 = tpu.concatenate %broadcast_in_dim3A_481, %add3A_838, %broadcast_in_dim3A_835, %add3A_841, %broadcast_in_dim3A_716, %add3A_844, %broadcast_in_dim3A_600, %add3A_847 in 0 : vector<1x1024xi32>, vector<1x1024xi32>, vector<1x1024xi32>, vector<1x1024xi32>, vector<1x1024xi32>, vector<1x1024xi32>, vector<1x1024xi32>, vector<1x1024xi32> -> vector<8x1024xi32>
    %swap3A = arith.constant 0 : index
    %swap3A_849 = arith.constant 0 : index
    %swap3A_850 = vector.load %arg4[%swap3A, %swap3A_849] : memref<8x1024xi32, #tpu.memory_space<vmem>>, vector<8x1024xi32>
    tpu.vector_store %arg4[%swap3A, %swap3A_849], %concatenate3A_848 {strides = array<i32>} : memref<8x1024xi32, #tpu.memory_space<vmem>>, vector<8x1024xi32>,
    %add3A_851 = arith.constant 2048 : i32
    %add3A_852 = vector.broadcast %add3A_851 : i32 to vector<1x1024xi32>
    %add3A_853 = arith.addi %broadcast_in_dim3A_481, %add3A_852 : vector<1x1024xi32>
    %add3A_854 = arith.constant 2048 : i32
    %add3A_855 = vector.broadcast %add3A_854 : i32 to vector<1x1024xi32>
    %add3A_856 = arith.addi %broadcast_in_dim3A_600, %add3A_855 : vector<1x1024xi32>
    %add3A_857 = arith.constant 2048 : i32
    %add3A_858 = vector.broadcast %add3A_857 : i32 to vector<1x1024xi32>
    %add3A_859 = arith.addi %broadcast_in_dim3A_716, %add3A_858 : vector<1x1024xi32>
    %add3A_860 = arith.constant 2048 : i32
    %add3A_861 = vector.broadcast %add3A_860 : i32 to vector<1x1024xi32>
    %add3A_862 = arith.addi %broadcast_in_dim3A_835, %add3A_861 : vector<1x1024xi32>
    %concatenate3A_863 = tpu.concatenate %broadcast_in_dim3A_481, %add3A_853, %broadcast_in_dim3A_600, %add3A_856, %broadcast_in_dim3A_716, %add3A_859, %broadcast_in_dim3A_835, %add3A_862 in 0 : vector<1x1024xi32>, vector<1x1024xi32>, vector<1x1024xi32>, vector<1x1024xi32>, vector<1x1024xi32>, vector<1x1024xi32>, vector<1x1024xi32>, vector<1x1024xi32> -> vector<8x1024xi32>
    %swap3A_864 = arith.constant 0 : index
    %swap3A_865 = arith.constant 0 : index
    %swap3A_866 = vector.load %arg5[%swap3A_864, %swap3A_865] : memref<8x1024xi32, #tpu.memory_space<vmem>>, vector<8x1024xi32>
    tpu.vector_store %arg5[%swap3A_864, %swap3A_865], %concatenate3A_863 {strides = array<i32>} : memref<8x1024xi32, #tpu.memory_space<vmem>>, vector<8x1024xi32>,
    return
  }
}

</mosaic_0001>

<sc_bundles>
// kernel: kernel.4.cloned.1.call-start
scs
__scs_entry_jumppad:
0x0: {  	(pc) =	sbr.rel $0x88, $3  }
0x1: {  	(tag) =	ssettag $0x0;
	lr =	simm.s32 $0x1  }
0x2: {  	[smem:$0x3F9D] =	sst lr;
	_ =	strace $0xD0000000  }
0x3: {  	_ = 	snop  }
0x4: {  	_ = 	snop  }
0x5: {  	_ = 	snop  }
0x6: {  	_ = 	snop  }
0x7: {  	_ = 	snop  }
__scs_overlays_trampoline_lowered:
0x8: {  	[smem:$0x3FAC] =	sst s0  }
0x9: {  	[smem:$0x3FAD] =	sst s1  }
0xa: {  	[smem:$0x3FAE] =	sst s2  }
0xb: {  	[smem:$0x3FAF] =	sst s3  }
0xc: {  	[smem:$0x3FB0] =	sst s4  }
0xd: {  	[smem:$0x3FB1] =	sst s5  }
0xe: {  	[smem:$0x3FB2] =	sst s6  }
0xf: {  	[smem:$0x3FB3] =	sst s7  }
0x10: {  	[smem:$0x3FB4] =	sst s8  }
0x11: {  	[smem:$0x3FB5] =	sst s9;
	s0 =	simm.s32 @!p0 $0x0  }
0x12: {  	s1 =	sld [smem:$0x3F9B];
	s0 =	simm.s32 @p0 $0x1  }
0x13: {  	[smem:$0x3FB6] =	sst s0;
	s0 =	simm.s32 @!p1 $0x0  }
0x14: {  	s2 =	sld [smem:$0x3F9A];
	s0 =	simm.s32 @p1 $0x1  }
0x15: {  	[smem:$0x3FB7] =	sst s0;
	s0 =	simm.s32 @!p2 $0x0  }
0x16: {  	s3 =	sld [smem:$0x3FDB];
	s0 =	simm.s32 @p2 $0x1  }
0x17: {  	s4 =	simm.s32 $0x1BF5;
	[smem:$0x3FB9] =	sst s0  }
0x18: {  	s0 =	sld [smem:$0x3F9C];
	_ =	swait.ge [sflag:s4], $0x0  }
0x19: {  	s7 =	sld [smem:$0x3F9D]  }
0x1a: {  	s8 =	sadd.s32 $0xFFFFE003, lr  }
0x1b: {  	s9 =	sadd.s32 $0xFFFFFEF7, lr;
	s5 =	simm.s32 $0xFFFFFFFF;
	p2 =	slt.u32 s8, $0xFFFFF086  }
0x1c: {  	p1 =	slt.u32 s9, $0xF7A;
	s5 =	simm.s32 @!p2 $0x0  }
0x1d: {  	s5 =	simm.s32 @p1 $0x1;
	p0 =	seq.s32 s7, s2  }
0x1e: {  	s7 =	smul.u32 @!p0 $0xF7A, s2;
	p2 =	seq.s32 @!p0 s5, $0x0  }
0x1f: {  	s9 =	smul.u32 $0xF7A, s1;
	s8 =	simm.s32 @!p0 $0x1BF5;
	p2 =	por !p2, p0  }
0x20: {  	[sflag:s8] =	ssyncset.s32 @!p0 $0xFFFFF086;
	s6 =	sadd.s32 @!p0 s3, s7;
	s7 =	simm.s32 @!p0 $0x108  }
0x21: {  	s3 =	sadd.s32 s3, s9;
	s6 =	sadd.s32 @!p0 $0x88, s6;
	s7 =	simm.s32 @p2 $0x1082  }
0x22: {  	[simem:s7], [sflag:s8] =	dma.local @!p0 [hbm:s6], $0xF7A  }
0x23: {  	s9 =	sor.u32 $0xD0000000, s2;
	s6 =	simm.s32 $0x108;
	_ =	swait.ge @!p0 [sflag:s8], $0x0  }
0x24: {  	s3 =	sadd.s32 $0x88, s3;
	s6 =	simm.s32 @!p1 $0x1082;
	[sflag:s4] =	ssyncset.s32 $0xFFFFF086  }
0x25: {  	[simem:s6], [sflag:s4] =	dma.local [hbm:s3], $0xF7A  }
0x26: {  	[smem:$0x3F9D] =	sst s1;
	(tag) =	ssettag s2;
	_ =	strace s9  }
0x27: {  	s1 =	sld [smem:$0x3FAD]  }
0x28: {  	s2 =	sld [smem:$0x3FAE]  }
0x29: {  	s4 =	sld [smem:$0x3FB0]  }
0x2a: {  	p0 =	seq.s32 s5, $0x0;
	s5 =	sld [smem:$0x3FB1]  }
0x2b: {  	s6 =	sld [smem:$0x3FB2]  }
0x2c: {  	s7 =	sld [smem:$0x3FB3]  }
0x2d: {  	s3 =	simm.s32 $0x108;
	s8 =	sld [smem:$0x3FB4]  }
0x2e: {  	s3 =	simm.s32 @!p0 $0x1082;
	s9 =	sld [smem:$0x3FB5]  }
0x2f: {  	lr =	sadd.s32 s0, s3;
	s0 =	sld [smem:$0x3FAC]  }
0x30: {  	s3 =	sld [smem:$0x3FAF]  }
0x31: {  	[smem:$0x3FB8] =	sst s10  }
0x32: {  	s10 =	sld [smem:$0x3FB6];
	_ =	sdelay $0x3  }
0x33: {  	p0 =	seq.s32 s10, $0x1;
	s10 =	sld [smem:$0x3FB8];
	_ =	sdelay $0x3  }
0x34: {  	[smem:$0x3FB8] =	sst s10  }
0x35: {  	s10 =	sld [smem:$0x3FB7];
	_ =	sdelay $0x3  }
0x36: {  	p1 =	seq.s32 s10, $0x1;
	s10 =	sld [smem:$0x3FB8];
	_ =	sdelay $0x3  }
0x37: {  	[smem:$0x3FB8] =	sst s10  }
0x38: {  	s10 =	sld [smem:$0x3FB9]  }
0x39: {  	_ = 	snop;
	(pc) =	sbr.ind lr, $3  }
0x3a: {  	_ = 	snop  }
0x3b: {  	_ = 	snop  }
0x3c: {  	p2 =	seq.s32 s10, $0x1;
	s10 =	sld [smem:$0x3FB8]  }
0x3d: {  	_ =	shalt  }
0x3e: {  	_ =	shalt  }
0x3f: {  	_ =	shalt  }
0x40: {  	_ =	shalt  }
0x41: {  	_ =	shalt  }
0x42: {  	_ =	shalt  }
0x43: {  	_ =	shalt  }
0x44: {  	_ =	shalt  }
0x45: {  	_ =	shalt  }
0x46: {  	_ =	shalt  }
0x47: {  	_ =	shalt  }
0x48: {  	_ =	shalt  }
0x49: {  	_ =	shalt  }
0x4a: {  	_ =	shalt  }
0x4b: {  	_ =	shalt  }
0x4c: {  	_ =	shalt  }
0x4d: {  	_ =	shalt  }
0x4e: {  	_ =	shalt  }
0x4f: {  	_ =	shalt  }
0x50: {  	_ =	shalt  }
0x51: {  	_ =	shalt  }
0x52: {  	_ =	shalt  }
0x53: {  	_ =	shalt  }
0x54: {  	_ =	shalt  }
0x55: {  	_ =	shalt  }
0x56: {  	_ =	shalt  }
0x57: {  	_ =	shalt  }
0x58: {  	_ =	shalt  }
0x59: {  	_ =	shalt  }
0x5a: {  	_ =	shalt  }
0x5b: {  	_ =	shalt  }
0x5c: {  	_ =	shalt  }
0x5d: {  	_ =	shalt  }
0x5e: {  	_ =	shalt  }
0x5f: {  	_ =	shalt  }
0x60: {  	_ =	shalt  }
0x61: {  	_ =	shalt  }
0x62: {  	_ =	shalt  }
0x63: {  	_ =	shalt  }
0x64: {  	_ =	shalt  }
0x65: {  	_ =	shalt  }
0x66: {  	_ =	shalt  }
0x67: {  	_ =	shalt  }
0x68: {  	_ =	shalt  }
0x69: {  	_ =	shalt  }
0x6a: {  	_ =	shalt  }
0x6b: {  	_ =	shalt  }
0x6c: {  	_ =	shalt  }
0x6d: {  	_ =	shalt  }
0x6e: {  	_ =	shalt  }
0x6f: {  	_ =	shalt  }
0x70: {  	_ =	shalt  }
0x71: {  	_ =	shalt  }
0x72: {  	_ =	shalt  }
0x73: {  	_ =	shalt  }
0x74: {  	_ =	shalt  }
0x75: {  	_ =	shalt  }
0x76: {  	_ =	shalt  }
0x77: {  	_ =	shalt  }
0x78: {  	_ =	shalt  }
0x79: {  	_ =	shalt  }
0x7a: {  	_ =	shalt  }
0x7b: {  	_ =	shalt  }
0x7c: {  	_ =	shalt  }
0x7d: {  	_ =	shalt  }
0x7e: {  	_ =	shalt  }
0x7f: {  	_ =	shalt  }
0x80: {  	_ =	shalt  }
0x81: {  	_ =	shalt  }
0x82: {  	_ =	shalt  }
0x83: {  	_ =	shalt  }
0x84: {  	_ =	shalt  }
0x85: {  	_ =	shalt  }
0x86: {  	_ =	shalt  }
0x87: {  	_ =	shalt  }
.Lfunc_end0:
.L_simem_size_0:
called_computation_lowered:
.L_overlay_start_0:
0x88: {  	s2 =	sld [smem:$0x3FD9]  }
0x89: {  	s3 =	sld [smem:$0x3FFE];
	_ =	sdelay $0x1  }
0x8a: {  	s1 =	srdreg.scid  }
0x8b: {  	s0 =	sand.u32 $0x1, s1  }
0x8c: {  	s14 =	sshll.u32 s0, $0xA;
	s2 =	sadd.s32 s3, s2  }
0x8d: {  	s2 =	sadd.s32 s2, s14  }
0x8e: {  	[smem:$0x3FC4] =	sst s2  }
0x8f: {  	_ = 	snop  }
0x90: {  	s2 =	sld [smem:$0x3FD0];
	_ =	sdelay $0x1  }
0x91: {  	s15 =	sld [smem:$0x3FC9]  }
0x92: {  	s5 =	simm.s32 $0xA;
	s6 =	simm.s32 $0x10;
	s4 =	sld [smem:$0x3FC8]  }
0x93: {  	[smem:s6], [sflag:s5] =	dma.local [hbm:s2], $0x1  }
0x94: {  	_ =	swait.eq [sflag:s5], $0x1  }
0x95: {  	[sflag:s5] =	ssyncset.done $0x0  }
0x96: {  	s16 =	sld [smem:$0x10];
	[sflag:s5] =	ssyncadd.s32 $0xFFFFFFFF  }
0x97: {  	s17 =	sld [smem:$0x11];
	(tm) =	ssettm $0x1  }
0x98: {  	s18 =	sld [smem:$0x3FFB];
	_ =	sdelay $0x3  }
0x99: {  	_ =	strace s18  }
0x9a: {  	s6 =	sld [smem:$0x3FFC];
	_ =	sdelay $0x3  }
0x9b: {  	_ =	strace s6  }
0x9c: {  	s6 =	sld [smem:$0x3FFD];
	_ =	sdelay $0x3  }
0x9d: {  	_ =	strace s6  }
0x9e: {  	_ =	strace $0x8FFFFFFF  }
0x9f: {  	s19 =	sld [smem:$0x3FDB];
	_ =	sdelay $0x1  }
0xa0: {  	s7 =	simm.s32 $_scs_section_size  }
0xa1: {  	s8 =	simm.s32 $_size__tile_overlayer_lowered;
	s9 =	simm.s32 $_tile_overlayer_lowered  }
0xa2: {  	s22 =	simm.s32 $0x1BFF;
	s21 =	sshll.u32 s9, $0x1;
	s6 =	sadd.s32 s7, s19  }
0xa3: {  	s10 =	simm.s32 $0x0;
	s20 =	sshll.u32 s8, $0x1;
	s8 =	sadd.s32 s21, s6  }
0xa4: {  	[timem:s10], [sflag:s22] =	dma.local [hbm:s8], s20  }
0xa5: {  	_ =	swait.ge [sflag:s22], s20  }
0xa6: {  	s7 =	ssub.s32 $0x0, s20;
	[sflag:s22] =	ssyncset.done $0x0  }
0xa7: {  	[sflag:s22] =	ssyncadd.s32 s7;
	_ =	sdelay $0x1  }
0xa8: {  	s23 =	simm.s32 $0x1B8B  }
0xa9: {  	_ =	swait.ge [sflag:s23], $0x1  }
0xaa: {  	[sflag:s23] =	ssyncset.done $0x0  }
0xab: {  	s25 =	simm.s32 $0x1B8E;
	s24 =	sld [smem:$0x3FFE];
	[sflag:s23] =	ssyncadd.s32 $0xFFFFFFFF  }
0xac: {  	s26 =	simm.s32 $execute0_lowered;
	[smem:$0x3FD2] =	sst s25  }
0xad: {  	s8 =	sshll.u32 s26, $0x1;
	_ =	strace $0x80000046;
	[dreg:$0x1] =	wrdreg $0xFFFFFFFF  }
0xae: {  	s28 =	simm.s32 $_size_execute0_lowered;
	s6 =	sadd.s32 s6, s8;
	[dreg:$0x0] =	wrdreg $0x0  }
0xaf: {  	s8 =	sshll.u32 s28, $0x1;
	[dreg:$0x2] =	wrdreg s6  }
0xb0: {  	[dreg:$0x3] =	wrdreg s8  }
0xb1: {  	[dreg:$0x4] =	wrdreg $0xC0  }
0xb2: {  	_ =	task [dreg:s10], $0x5FFFF  }
0xb3: {  	[dreg:$0x1] =	wrdreg $0xFFFFFFFF  }
0xb4: {  	[dreg:$0x0] =	wrdreg $0x60  }
0xb5: {  	[dreg:$0x2] =	wrdreg s15  }
0xb6: {  	[dreg:$0x3] =	wrdreg s4  }
0xb7: {  	[dreg:$0x4] =	wrdreg s24  }
0xb8: {  	[dreg:$0x5] =	wrdreg s16  }
0xb9: {  	[dreg:$0x6] =	wrdreg s17  }
0xba: {  	[dreg:$0x7] =	wrdreg $0x9  }
0xbb: {  	_ =	task.clear_ibuf [dreg:s10], $0x8FFFF;
	_ =	strace $0x90000046  }
0xbc: {  	s29 =	simm.s32 $0x9;
	_ =	strace $0x80000048  }
0xbd: {  	_ =	swait.ge [sflag:s29], $0x1  }
0xbe: {  	[sflag:s29] =	ssyncadd.s32 $0xFFFFFFFF  }
0xbf: {  	_ =	strace $0x90000048  }
0xc0: {  	_ =	sfence  }
0xc1: {  	s30 =	sld [smem:$0x0];
	_ =	sdelay $0x2  }
0xc2: {  	s31 =	sshll.u32 s1, $0xD;
	s1 =	sshrl.u32 s1, $0x2  }
0xc3: {  	s3 =	sand.u32 $0x4000, s31;
	s1 =	sadd.s32 s1, s30  }
0xc4: {  	s0 =	sor.u32 s3, s0;
	s1 =	sshll.u32 s1, $0x11  }
0xc5: {  	s0 =	sor.u32 s1, s0  }
0xc6: {  	s0 =	sadd.s32 $0x8F2B, s0  }
0xc7: {  	[sflag:s0] =	ssyncadd.remote.s32 $0x1  }
0xc8: {  	_ =	sfence.sel $0xFFFF  }
0xc9: {  	[dreg:$0x0] =	wrdreg $0xFFFFFFFF;
	(pc) =	sbr.abs _section_cstart, $3  }
0xca: {  	[dreg:$0x1] =	wrdreg $0xFFFFFFFF  }
0xcb: {  	_ =	task.clear_ibuf [dreg:s10], $0x2FFFF;
	_ =	strace $0x9FFFFFFF  }
0xcc: {  	(tm) =	ssettm $0x7FFFFFFF  }
0xcd: {  	_ =	shalt  }
tec
execute0_lowered:
.L_overlay_start_1:
0x0: {  	(tag) =	ssettag $0x1  }
0x1: {  	s8 =	rddreg [dreg:$0x0]  }
0x2: {  	s7 =	rddreg [dreg:$0x1]  }
0x3: {  	s0 =	rddreg [dreg:$0x2]  }
0x4: {  	s11 =	rddreg [dreg:$0x3]  }
0x5: {  	s9 =	rddreg [dreg:$0x4];
	s6 =	simm.s32 $0x0  }
0x6: {  	[smem:$0x7FF] =	sst s6;
	s20 =	sadd.s32 $0x200, s8  }
0x7: {  	s21 =	sadd.s32 $0x400, s8;
	_ =	strace $0x80000047;
	[dreg:$0xf] =	wrdreg s20  }
0x8: {  	s22 =	sadd.s32 $0x500, s8;
	[dreg:$0x11] =	wrdreg s21  }
0x9: {  	s23 =	sadd.s32 $0x600, s8;
	[dreg:$0x12] =	wrdreg s22  }
0xa: {  	s24 =	sadd.s32 $0x700, s8;
	[dreg:$0x13] =	wrdreg s23  }
0xb: {  	s5 =	stileid.u32;
	s25 =	sadd.s32 $0x900, s8;
	[dreg:$0x14] =	wrdreg s24  }
0xc: {  	s2 =	sshll.u32 s5, $0x1;
	s26 =	sadd.s32 $0xA00, s8;
	[dreg:$0x16] =	wrdreg s25  }
0xd: {  	s12 =	sshll.u32 s5, $0x8;
	s5 =	sadd.s32 $0xE00, s8;
	[dreg:$0x17] =	wrdreg s26  }
0xe: {  	s10 =	sadd.s32 $0xF00, s8;
	[dreg:$0x1c] =	wrdreg s5  }
0xf: {  	[dreg:$0x1d] =	wrdreg s10;
	s20 =	sadd.s32 $0x900, s11  }
0x10: {  	s21 =	sadd.s32 $0xA00, s11;
	[smem:$0x7D9] =	sst s20  }
0x11: {  	s22 =	sadd.s32 $0xB00, s11;
	[smem:$0x7DA] =	sst s21  }
0x12: {  	s23 =	sadd.s32 $0xC00, s11;
	[smem:$0x7DB] =	sst s22  }
0x13: {  	s1 =	srdreg.scid;
	s24 =	sadd.s32 $0xD00, s11;
	[smem:$0x7DC] =	sst s23  }
0x14: {  	s1 =	sand.u32 $0x1, s1;
	s25 =	sadd.s32 $0xE00, s11;
	[smem:$0x7DD] =	sst s24  }
0x15: {  	s2 =	sand.u32 $0xE, s2;
	s26 =	sadd.s32 $0xF00, s11;
	[smem:$0x7DE] =	sst s25  }
0x16: {  	s4 =	ssub.s32 $0x2, s1;
	s5 =	sadd.s32 $0x300, s7;
	[smem:$0x7DF] =	sst s26  }
0x17: {  	s10 =	sadd.s32 $0x500, s7;
	s1 =	sor.u32 s1, s2;
	[smem:$0x7E2] =	sst s5  }
0x18: {  	s2 =	sand.u32 $0x800, s12;
	s12 =	sadd.s32 $0x200, s11;
	[smem:$0x7E4] =	sst s10  }
0x19: {  	s20 =	sadd.s32 $0xE00, s7;
	[dreg:$0x1f] =	wrdreg s12  }
0x1a: {  	s21 =	sadd.s32 $0xF00, s7;
	[smem:$0x7ED] =	sst s20  }
0x1b: {  	s22 =	sadd.s32 $0x100, s9;
	[smem:$0x7EE] =	sst s21  }
0x1c: {  	s23 =	sadd.s32 $0x200, s9;
	[smem:$0x7EF] =	sst s22  }
0x1d: {  	s24 =	sadd.s32 $0x300, s9;
	[smem:$0x7F0] =	sst s23  }
0x1e: {  	s25 =	sadd.s32 $0x400, s9;
	[smem:$0x7F1] =	sst s24  }
0x1f: {  	s26 =	sadd.s32 $0x500, s9;
	[smem:$0x7F2] =	sst s25  }
0x20: {  	s13 =	sshrl.u32 s4, $0x1;
	s10 =	sadd.s32 $0xB00, s9;
	[smem:$0x7F3] =	sst s26  }
0x21: {  	s4 =	ssub.s32 s4, s13;
	s13 =	sadd.s32 $0x300, s11;
	[smem:$0x7FC] =	sst s10  }
0x22: {  	s12 =	sadd.s32 $0x700, s7;
	[smem:$0x7D3] =	sst s13  }
0x23: {  	s25 =	sadd.s32 $0xD00, s9;
	[smem:$0x7E6] =	sst s12  }
0x24: {  	s26 =	sadd.s32 $0xE00, s9;
	[smem:$0x7F5] =	sst s25  }
0x25: {  	s21 =	sadd.s32 $0x900, s9;
	[smem:$0x7F6] =	sst s26  }
0x26: {  	s22 =	sadd.s32 $0xA00, s9;
	[smem:$0x7FA] =	sst s21  }
0x27: {  	s3 =	sadd.s32 $0xE00, s0;
	s31 =	smax.u32 s4, $0x1;
	[smem:$0x7FB] =	sst s22  }
0x28: {  	s1 =	sshll.u32 s1, $0x7;
	s4 =	sadd.s32 $0xD00, s8;
	[dreg:$0x18] =	wrdreg s31  }
0x29: {  	s1 =	sor.u32 s2, s1;
	s13 =	sadd.s32 $0x800, s7;
	[dreg:$0x1b] =	wrdreg s4  }
0x2a: {  	s0 =	sadd.s32 $0x4E00, s0;
	s2 =	sadd.s32 s3, s1;
	[smem:$0x7E7] =	sst s13  }
0x2b: {  	s14 =	sadd.s32 s0, s1;
	[dreg:$0x6] =	wrdreg s2  }
0x2c: {  	s15 =	sor.u32 $0x1000, s1;
	s31 =	sadd.s32 $0x100, s7;
	[dreg:$0x7] =	wrdreg s14  }
0x2d: {  	s16 =	sadd.s32 s3, s15;
	[smem:$0x7E0] =	sst s31  }
0x2e: {  	s17 =	sor.u32 $0x2000, s1;
	s2 =	sadd.s32 s0, s15;
	[dreg:$0x8] =	wrdreg s16  }
0x2f: {  	s1 =	sor.u32 $0x3000, s1;
	s18 =	sadd.s32 s3, s17;
	[dreg:$0x9] =	wrdreg s2  }
0x30: {  	s19 =	sadd.s32 s3, s1;
	[dreg:$0xa] =	wrdreg s18  }
0x31: {  	s15 =	sadd.s32 $0x400, s11;
	[dreg:$0xc] =	wrdreg s19  }
0x32: {  	s31 =	sadd.s32 $0x600, s9;
	[smem:$0x7D4] =	sst s15  }
0x33: {  	s14 =	sadd.s32 $0x800, s8;
	[smem:$0x7F4] =	sst s31  }
0x34: {  	s2 =	sadd.s32 s0, s17;
	[dreg:$0x15] =	wrdreg s14  }
0x35: {  	s0 =	sadd.s32 s0, s1;
	[dreg:$0xb] =	wrdreg s2  }
0x36: {  	s1 =	sadd.s32 $0xC00, s8;
	[dreg:$0xd] =	wrdreg s0  }
0x37: {  	s16 =	sadd.s32 $0x500, s11;
	[dreg:$0x1a] =	wrdreg s1  }
0x38: {  	s17 =	sadd.s32 $0x600, s11;
	[smem:$0x7D5] =	sst s16  }
0x39: {  	s28 =	simm.s32 $0x10800;
	s18 =	sadd.s32 $0x700, s11;
	[smem:$0x7D6] =	sst s17  }
0x3a: {  	s29 =	simm.s32 $0x11000;
	s19 =	sadd.s32 $0x800, s11;
	[smem:$0x7D7] =	sst s18  }
0x3b: {  	s4 =	sadd.s32 $0x100, s11;
	s11 =	sadd.s32 $0x600, s7;
	[smem:$0x7D8] =	sst s19  }
0x3c: {  	s30 =	simm.s32 $0x11800;
	s15 =	sadd.s32 $0x900, s7;
	[smem:$0x7E5] =	sst s11  }
0x3d: {  	s5 =	simm.s32 $0xA000;
	s31 =	sadd.s32 $0xF00, s9;
	[smem:$0x7E8] =	sst s15  }
0x3e: {  	s3 =	sadd.s32 $0x300, s8;
	s0 =	sadd.s32 $0xB00, s8;
	[smem:$0x7F7] =	sst s31  }
0x3f: {  	s2 =	sadd.s32 $0x100, s8;
	s8 =	sadd.s32 $0x400, s7;
	[dreg:$0x19] =	wrdreg s0  }
0x40: {  	s24 =	simm.s32 $0xE000;
	s16 =	sadd.s32 $0xA00, s7;
	[smem:$0x7E3] =	sst s8  }
0x41: {  	s20 =	simm.s32 $0xE800;
	s17 =	sadd.s32 $0xB00, s7;
	[smem:$0x7E9] =	sst s16  }
0x42: {  	s23 =	simm.s32 $0xF800;
	s18 =	sadd.s32 $0xC00, s7;
	[smem:$0x7EA] =	sst s17  }
0x43: {  	s12 =	simm.s32 $0xB800;
	s19 =	sadd.s32 $0xD00, s7;
	[smem:$0x7EB] =	sst s18  }
0x44: {  	s25 =	simm.s32 $0xF000;
	s1 =	smov.u32 s4;
	[smem:$0x7EC] =	sst s19  }
0x45: {  	s26 =	simm.s32 $0x10000;
	s15 =	sadd.s32 $0x700, s9;
	[dreg:$0x1e] =	wrdreg s1  }
0x46: {  	s13 =	simm.s32 $0xC000;
	s0 =	sadd.s32 $0x200, s7;
	[smem:$0x7F8] =	sst s15  }
0x47: {  	s11 =	simm.s32 $0xB000;
	s7 =	smov.u32 s2;
	[smem:$0x7E1] =	sst s0  }
0x48: {  	s2 =	smov.u32 s3;
	s8 =	sadd.s32 $0x800, s9;
	[dreg:$0xe] =	wrdreg s7  }
0x49: {  	v0 =	vlaneseq.u32;
	s3 =	sadd.s32 $0xC00, s9;
	s16 =	simm.s32 $0xA800;
	[dreg:$0x10] =	wrdreg s2  }
0x4a: {  	v1 =	vshrl.u32 v0, $0x3;
	s19 =	simm.s32 $0xC800;
	s18 =	simm.s32 $0xD000;
	[smem:$0x7F9] =	sst s8  }
0x4b: {  	vm0 =	vmmov $0xffff;
	v0 =	vand.u32 $0x7, v0;
	v1 =	vmul.u32 $0x8, v1;
	s17 =	simm.s32 $0xD800;
	s9 =	simm.s32 $0x0;
	[smem:$0x7FD] =	sst s3  }
.LBB2_1:
0x4c: {  	s3 =	rddreg [dreg:$0x13]  }
0x4d: {  	s4 =	rddreg [dreg:$0x12]  }
0x4e: {  	s31 =	rddreg [dreg:$0x11]  }
0x4f: {  	[smem:$0x7D2] =	sst s9  }
0x50: {  	s22 =	rddreg [dreg:$0x6]  }
0x51: {  	[tilespmem:s6], [sflag:$0x5] =	stream.linear.gather [hbm4b:s22+s6], $0x400, $0x38;
	[tilespmem:$0x12000] =	vst v63  }
0x52: {  	s0 =	rddreg [dreg:$0x7];
	s1 =	simm.s32 $0x1000  }
0x53: {  	[tilespmem:s1], [sflag:$0x5] =	stream.linear.gather [hbm4b:s0+s6], $0x400, $0x38;
	[tilespmem:$0x12000] =	vst v63  }
0x54: {  	s8 =	rddreg [dreg:$0x8];
	s9 =	simm.s32 $0x400  }
0x55: {  	[tilespmem:s9], [sflag:$0x5] =	stream.linear.gather [hbm4b:s8+s6], $0x400, $0x38;
	[tilespmem:$0x12000] =	vst v63  }
0x56: {  	s10 =	rddreg [dreg:$0x9];
	s15 =	simm.s32 $0x1400  }
0x57: {  	[tilespmem:s15], [sflag:$0x5] =	stream.linear.gather [hbm4b:s10+s6], $0x400, $0x38;
	[tilespmem:$0x12000] =	vst v63  }
0x58: {  	s21 =	rddreg [dreg:$0xa];
	s0 =	simm.s32 $0x800  }
0x59: {  	[tilespmem:s0], [sflag:$0x5] =	stream.linear.gather [hbm4b:s21+s6], $0x400, $0x38;
	[tilespmem:$0x12000] =	vst v63  }
0x5a: {  	s1 =	rddreg [dreg:$0xb];
	s8 =	simm.s32 $0x1800  }
0x5b: {  	[tilespmem:s8], [sflag:$0x5] =	stream.linear.gather [hbm4b:s1+s6], $0x400, $0x38;
	[tilespmem:$0x12000] =	vst v63  }
0x5c: {  	s9 =	rddreg [dreg:$0xc];
	s10 =	simm.s32 $0xC00  }
0x5d: {  	[tilespmem:s10], [sflag:$0x5] =	stream.linear.gather [hbm4b:s9+s6], $0x400, $0x38;
	[tilespmem:$0x12000] =	vst v63  }
0x5e: {  	s15 =	rddreg [dreg:$0xd];
	s21 =	simm.s32 $0x1C00;
	s0 =	simm.s32 $0x5  }
0x5f: {  	[tilespmem:s21], [sflag:$0x5] =	stream.linear.gather [hbm4b:s15+s6], $0x400, $0x38;
	[tilespmem:$0x12000] =	vst v63  }
0x60: {  	s14 =	rddreg [dreg:$0xf];
	_ =	swait.ge [sflag:s0], $0x400  }
0x61: {  	[sflag:s0] =	ssyncset.done $0x0  }
0x62: {  	[sflag:s0] =	ssyncadd.s32 $0xFFFFFC00  }
0x63: {  	_ =	swait.ge [sflag:s0], $0x400  }
0x64: {  	[sflag:s0] =	ssyncset.done $0x0  }
0x65: {  	[sflag:s0] =	ssyncadd.s32 $0xFFFFFC00  }
0x66: {  	_ =	swait.ge [sflag:s0], $0x400  }
0x67: {  	[sflag:s0] =	ssyncset.done $0x0  }
0x68: {  	[sflag:s0] =	ssyncadd.s32 $0xFFFFFC00  }
0x69: {  	_ =	swait.ge [sflag:s0], $0x400  }
0x6a: {  	[sflag:s0] =	ssyncset.done $0x0  }
0x6b: {  	[sflag:s0] =	ssyncadd.s32 $0xFFFFFC00  }
0x6c: {  	_ =	swait.ge [sflag:s0], $0x400  }
0x6d: {  	[sflag:s0] =	ssyncset.done $0x0  }
0x6e: {  	[sflag:s0] =	ssyncadd.s32 $0xFFFFFC00  }
0x6f: {  	_ =	swait.ge [sflag:s0], $0x400  }
0x70: {  	[sflag:s0] =	ssyncset.done $0x0  }
0x71: {  	[sflag:s0] =	ssyncadd.s32 $0xFFFFFC00  }
0x72: {  	_ =	swait.ge [sflag:s0], $0x400  }
0x73: {  	[sflag:s0] =	ssyncset.done $0x0  }
0x74: {  	[sflag:s0] =	ssyncadd.s32 $0xFFFFFC00  }
0x75: {  	_ =	swait.ge [sflag:s0], $0x400  }
0x76: {  	[sflag:s0] =	ssyncset.done $0x0  }
0x77: {  	[sflag:s0] =	ssyncadd.s32 $0xFFFFFC00  }
0x78: {  	v2 =	vld.msk [tilespmem:$0x0], $0xff;
	_ =	sdelay $0x4  }
0x79: {  	v3 =	vshll.u32 v2, $0x5  }
0x7a: {  	v2 =	vand.u32 $0x7, v2;
	v3 =	vand.u32 $0xFFFFFF00, v3  }
0x7b: {  	v2 =	vor.u32 v2, v3  }
0x7c: {  	v2 =	vperm.xlane v2, v0;
	_ =	sdelay $0x1  }
0x7d: {  	v2 =	vadd.s32 v1, v2;
	_ =	sdelay $0x3  }
0x7e: {  	s8 =	simm.s32 $0x2000;
	s15 =	rddreg [dreg:$0x0]  }
0x7f: {  	[tilespmem:s8], [sflag:$0x1] =	stream.indirect_vreg.gather [hbm4b:s15+s6], $0x80, v2, vm0, $0xb8;
	[tilespmem:$0x12000] =	vst v63  }
0x80: {  	s9 =	simm.s32 $0x2800  }
0x81: {  	[tilespmem:s9], [sflag:$0x1] =	stream.indirect_vreg.gather [hbm4b:s7+s6], $0x80, v2, vm0, $0xb8;
	[tilespmem:$0x12000] =	vst v63  }
0x82: {  	s10 =	simm.s32 $0x3000  }
0x83: {  	[tilespmem:s10], [sflag:$0x1] =	stream.indirect_vreg.gather [hbm4b:s14+s6], $0x80, v2, vm0, $0xb8;
	[tilespmem:$0x12000] =	vst v63  }
0x84: {  	s21 =	simm.s32 $0x3800  }
0x85: {  	[tilespmem:s21], [sflag:$0x1] =	stream.indirect_vreg.gather [hbm4b:s2+s6], $0x80, v2, vm0, $0xb8;
	[tilespmem:$0x12000] =	vst v63  }
0x86: {  	s22 =	simm.s32 $0x4000  }
0x87: {  	[tilespmem:s22], [sflag:$0x1] =	stream.indirect_vreg.gather [hbm4b:s31+s6], $0x80, v2, vm0, $0xb8;
	[tilespmem:$0x12000] =	vst v63  }
0x88: {  	s31 =	simm.s32 $0x4800  }
0x89: {  	[tilespmem:s31], [sflag:$0x1] =	stream.indirect_vreg.gather [hbm4b:s4+s6], $0x80, v2, vm0, $0xb8;
	[tilespmem:$0x12000] =	vst v63  }
0x8a: {  	s0 =	simm.s32 $0x5000  }
0x8b: {  	[tilespmem:s0], [sflag:$0x1] =	stream.indirect_vreg.gather [hbm4b:s3+s6], $0x80, v2, vm0, $0xb8;
	[tilespmem:$0x12000] =	vst v63  }
0x8c: {  	s22 =	rddreg [dreg:$0x14];
	s4 =	simm.s32 $0x5800  }
0x8d: {  	[tilespmem:s4], [sflag:$0x1] =	stream.indirect_vreg.gather [hbm4b:s22+s6], $0x80, v2, vm0, $0xb8;
	[tilespmem:$0x12000] =	vst v63  }
0x8e: {  	s8 =	simm.s32 $0x6000;
	s21 =	rddreg [dreg:$0x15]  }
0x8f: {  	[tilespmem:s8], [sflag:$0x1] =	stream.indirect_vreg.gather [hbm4b:s21+s6], $0x80, v2, vm0, $0xb8;
	[tilespmem:$0x12000] =	vst v63  }
0x90: {  	s1 =	rddreg [dreg:$0x16];
	s0 =	simm.s32 $0x6800  }
0x91: {  	[tilespmem:s0], [sflag:$0x1] =	stream.indirect_vreg.gather [hbm4b:s1+s6], $0x80, v2, vm0, $0xb8;
	[tilespmem:$0x12000] =	vst v63  }
0x92: {  	s9 =	simm.s32 $0x7000;
	s8 =	rddreg [dreg:$0x17]  }
0x93: {  	[tilespmem:s9], [sflag:$0x1] =	stream.indirect_vreg.gather [hbm4b:s8+s6], $0x80, v2, vm0, $0xb8;
	[tilespmem:$0x12000] =	vst v63  }
0x94: {  	s10 =	simm.s32 $0x7800;
	s0 =	rddreg [dreg:$0x19]  }
0x95: {  	[tilespmem:s10], [sflag:$0x1] =	stream.indirect_vreg.gather [hbm4b:s0+s6], $0x80, v2, vm0, $0xb8;
	[tilespmem:$0x12000] =	vst v63  }
0x96: {  	s31 =	rddreg [dreg:$0x1a];
	s4 =	simm.s32 $0x8000  }
0x97: {  	[tilespmem:s4], [sflag:$0x1] =	stream.indirect_vreg.gather [hbm4b:s31+s6], $0x80, v2, vm0, $0xb8;
	[tilespmem:$0x12000] =	vst v63  }
0x98: {  	s14 =	smov.u32 s3;
	s9 =	simm.s32 $0x8800;
	s4 =	rddreg [dreg:$0x1b]  }
0x99: {  	[tilespmem:s9], [sflag:$0x1] =	stream.indirect_vreg.gather [hbm4b:s4+s6], $0x80, v2, vm0, $0xb8;
	[tilespmem:$0x12000] =	vst v63  }
0x9a: {  	s3 =	rddreg [dreg:$0x1c];
	s10 =	simm.s32 $0x9000;
	s9 =	smov.u32 s7  }
0x9b: {  	[tilespmem:s10], [sflag:$0x1] =	stream.indirect_vreg.gather [hbm4b:s3+s6], $0x80, v2, vm0, $0xb8;
	[tilespmem:$0x12000] =	vst v63  }
0x9c: {  	s7 =	rddreg [dreg:$0x1d];
	s10 =	smov.u32 s2;
	s2 =	simm.s32 $0x9800  }
0x9d: {  	[tilespmem:s2], [sflag:$0x1] =	stream.indirect_vreg.gather [hbm4b:s7+s6], $0x80, v2, vm0, $0xb8;
	[tilespmem:$0x12000] =	vst v63  }
0x9e: {  	v2 =	vld.msk [tilespmem:$0x80], $0xff;
	_ =	sdelay $0x4  }
0x9f: {  	v3 =	vshll.u32 v2, $0x5  }
0xa0: {  	v2 =	vand.u32 $0x7, v2;
	v3 =	vand.u32 $0xFFFFFF00, v3  }
0xa1: {  	v2 =	vor.u32 v2, v3  }
0xa2: {  	v2 =	vperm.xlane v2, v0;
	_ =	sdelay $0x1  }
0xa3: {  	v2 =	vadd.s32 v1, v2;
	_ =	sdelay $0x4  }
0xa4: {  	[tilespmem:s5], [sflag:$0x2] =	stream.indirect_vreg.gather [hbm4b:s15+s6], $0x80, v2, vm0, $0xb8;
	[tilespmem:$0x12000] =	vst v63  }
0xa5: {  	_ = 	snop  }
0xa6: {  	[tilespmem:s16], [sflag:$0x2] =	stream.indirect_vreg.gather [hbm4b:s9+s6], $0x80, v2, vm0, $0xb8;
	[tilespmem:$0x12000] =	vst v63  }
0xa7: {  	s9 =	rddreg [dreg:$0xf]  }
0xa8: {  	[tilespmem:s11], [sflag:$0x2] =	stream.indirect_vreg.gather [hbm4b:s9+s6], $0x80, v2, vm0, $0xb8;
	[tilespmem:$0x12000] =	vst v63  }
0xa9: {  	_ = 	snop  }
0xaa: {  	[tilespmem:s12], [sflag:$0x2] =	stream.indirect_vreg.gather [hbm4b:s10+s6], $0x80, v2, vm0, $0xb8;
	[tilespmem:$0x12000] =	vst v63  }
0xab: {  	s15 =	rddreg [dreg:$0x11]  }
0xac: {  	[tilespmem:s13], [sflag:$0x2] =	stream.indirect_vreg.gather [hbm4b:s15+s6], $0x80, v2, vm0, $0xb8;
	[tilespmem:$0x12000] =	vst v63  }
0xad: {  	s16 =	rddreg [dreg:$0x12]  }
0xae: {  	[tilespmem:s19], [sflag:$0x2] =	stream.indirect_vreg.gather [hbm4b:s16+s6], $0x80, v2, vm0, $0xb8;
	[tilespmem:$0x12000] =	vst v63  }
0xaf: {  	_ = 	snop  }
0xb0: {  	[tilespmem:s18], [sflag:$0x2] =	stream.indirect_vreg.gather [hbm4b:s14+s6], $0x80, v2, vm0, $0xb8;
	[tilespmem:$0x12000] =	vst v63  }
0xb1: {  	_ = 	snop  }
0xb2: {  	[tilespmem:s17], [sflag:$0x2] =	stream.indirect_vreg.gather [hbm4b:s22+s6], $0x80, v2, vm0, $0xb8;
	[tilespmem:$0x12000] =	vst v63  }
0xb3: {  	_ = 	snop  }
0xb4: {  	[tilespmem:s24], [sflag:$0x2] =	stream.indirect_vreg.gather [hbm4b:s21+s6], $0x80, v2, vm0, $0xb8;
	[tilespmem:$0x12000] =	vst v63  }
0xb5: {  	_ = 	snop  }
0xb6: {  	[tilespmem:s20], [sflag:$0x2] =	stream.indirect_vreg.gather [hbm4b:s1+s6], $0x80, v2, vm0, $0xb8;
	[tilespmem:$0x12000] =	vst v63  }
0xb7: {  	_ = 	snop  }
0xb8: {  	[tilespmem:s25], [sflag:$0x2] =	stream.indirect_vreg.gather [hbm4b:s8+s6], $0x80, v2, vm0, $0xb8;
	[tilespmem:$0x12000] =	vst v63  }
0xb9: {  	_ = 	snop  }
0xba: {  	[tilespmem:s23], [sflag:$0x2] =	stream.indirect_vreg.gather [hbm4b:s0+s6], $0x80, v2, vm0, $0xb8;
	[tilespmem:$0x12000] =	vst v63  }
0xbb: {  	_ = 	snop  }
0xbc: {  	[tilespmem:s26], [sflag:$0x2] =	stream.indirect_vreg.gather [hbm4b:s31+s6], $0x80, v2, vm0, $0xb8;
	[tilespmem:$0x12000] =	vst v63  }
0xbd: {  	_ = 	snop  }
0xbe: {  	[tilespmem:s28], [sflag:$0x2] =	stream.indirect_vreg.gather [hbm4b:s4+s6], $0x80, v2, vm0, $0xb8;
	[tilespmem:$0x12000] =	vst v63  }
0xbf: {  	_ = 	snop  }
0xc0: {  	[tilespmem:s29], [sflag:$0x2] =	stream.indirect_vreg.gather [hbm4b:s3+s6], $0x80, v2, vm0, $0xb8;
	[tilespmem:$0x12000] =	vst v63  }
0xc1: {  	s16 =	smov.u32 s31;
	s21 =	simm.s32 $0x0  }
0xc2: {  	[tilespmem:s30], [sflag:$0x2] =	stream.indirect_vreg.gather [hbm4b:s7+s6], $0x80, v2, vm0, $0xb8;
	[tilespmem:$0x12000] =	vst v63  }
.LBB2_2:
0xc3: {  	s1 =	simm.s32 $0x1  }
0xc4: {  	_ =	swait.ge [sflag:s1], $0x8000  }
0xc5: {  	[sflag:s1] =	ssyncset.done $0x0  }
0xc6: {  	s22 =	sshra.s32 s21, $0x2;
	[sflag:s1] =	ssyncadd.s32 $0xFFFF8000  }
0xc7: {  	v2 =	vld.msk [tilespmem:s22+$0x1000], $0xff;
	_ =	sdelay $0x4  }
0xc8: {  	v3 =	vshll.u32 v2, $0x5  }
0xc9: {  	v2 =	vand.u32 $0x7, v2;
	v3 =	vand.u32 $0xFFFFFF00, v3  }
0xca: {  	v2 =	vor.u32 v2, v3  }
0xcb: {  	v2 =	vperm.xlane v2, v0;
	_ =	sdelay $0x1  }
0xcc: {  	v2 =	vadd.s32 v1, v2;
	_ =	sdelay $0x2  }
0xcd: {  	s9 =	rddreg [dreg:$0x1e]  }
0xce: {  	s8 =	simm.s32 $0x2000;
	s1 =	rddreg [dreg:$0x3]  }
0xcf: {  	[hbm4b:s1+s6] =	stream.indirect_vreg.scatter [tilespmem:s8], [sflag:$0x3], $0x80, v2, vm0, $0xb8;
	[tilespmem:$0x12000] =	vst v63  }
0xd0: {  	s14 =	simm.s32 $0x2800;
	s0 =	rddreg [dreg:$0x1f]  }
0xd1: {  	[hbm4b:s9+s6] =	stream.indirect_vreg.scatter [tilespmem:s14], [sflag:$0x3], $0x80, v2, vm0, $0xb8;
	[tilespmem:$0x12000] =	vst v63  }
0xd2: {  	s19 =	simm.s32 $0x3000;
	s24 =	sld [smem:$0x7D3]  }
0xd3: {  	[hbm4b:s0+s6] =	stream.indirect_vreg.scatter [tilespmem:s19], [sflag:$0x3], $0x80, v2, vm0, $0xb8;
	[tilespmem:$0x12000] =	vst v63  }
0xd4: {  	s20 =	simm.s32 $0x3800;
	s4 =	sld [smem:$0x7D4]  }
0xd5: {  	[hbm4b:s24+s6] =	stream.indirect_vreg.scatter [tilespmem:s20], [sflag:$0x3], $0x80, v2, vm0, $0xb8;
	[tilespmem:$0x12000] =	vst v63  }
0xd6: {  	s30 =	sld [smem:$0x7D5];
	s1 =	simm.s32 $0x4000  }
0xd7: {  	[hbm4b:s4+s6] =	stream.indirect_vreg.scatter [tilespmem:s1], [sflag:$0x3], $0x80, v2, vm0, $0xb8;
	[tilespmem:$0x12000] =	vst v63  }
0xd8: {  	s3 =	simm.s32 $0x4800;
	s7 =	sld [smem:$0x7D6]  }
0xd9: {  	[hbm4b:s30+s6] =	stream.indirect_vreg.scatter [tilespmem:s3], [sflag:$0x3], $0x80, v2, vm0, $0xb8;
	[tilespmem:$0x12000] =	vst v63  }
0xda: {  	s10 =	simm.s32 $0x5000;
	s31 =	sld [smem:$0x7D7]  }
0xdb: {  	[hbm4b:s7+s6] =	stream.indirect_vreg.scatter [tilespmem:s10], [sflag:$0x3], $0x80, v2, vm0, $0xb8;
	[tilespmem:$0x12000] =	vst v63  }
0xdc: {  	s12 =	simm.s32 $0x5800;
	s23 =	sld [smem:$0x7D8]  }
0xdd: {  	[hbm4b:s31+s6] =	stream.indirect_vreg.scatter [tilespmem:s12], [sflag:$0x3], $0x80, v2, vm0, $0xb8;
	[tilespmem:$0x12000] =	vst v63  }
0xde: {  	s15 =	simm.s32 $0x6000;
	s2 =	sld [smem:$0x7D9]  }
0xdf: {  	[hbm4b:s23+s6] =	stream.indirect_vreg.scatter [tilespmem:s15], [sflag:$0x3], $0x80, v2, vm0, $0xb8;
	[tilespmem:$0x12000] =	vst v63  }
0xe0: {  	s17 =	simm.s32 $0x6800;
	s26 =	sld [smem:$0x7DA]  }
0xe1: {  	[hbm4b:s2+s6] =	stream.indirect_vreg.scatter [tilespmem:s17], [sflag:$0x3], $0x80, v2, vm0, $0xb8;
	[tilespmem:$0x12000] =	vst v63  }
0xe2: {  	s5 =	sld [smem:$0x7DB];
	s24 =	simm.s32 $0x7000  }
0xe3: {  	[hbm4b:s26+s6] =	stream.indirect_vreg.scatter [tilespmem:s24], [sflag:$0x3], $0x80, v2, vm0, $0xb8;
	[tilespmem:$0x12000] =	vst v63  }
0xe4: {  	s28 =	sld [smem:$0x7DC];
	s2 =	simm.s32 $0x7800  }
0xe5: {  	[hbm4b:s5+s6] =	stream.indirect_vreg.scatter [tilespmem:s2], [sflag:$0x3], $0x80, v2, vm0, $0xb8;
	[tilespmem:$0x12000] =	vst v63  }
0xe6: {  	s13 =	sld [smem:$0x7DD];
	s5 =	simm.s32 $0x8000  }
0xe7: {  	[hbm4b:s28+s6] =	stream.indirect_vreg.scatter [tilespmem:s5], [sflag:$0x3], $0x80, v2, vm0, $0xb8;
	[tilespmem:$0x12000] =	vst v63  }
0xe8: {  	s11 =	simm.s32 $0x8800;
	s29 =	sld [smem:$0x7DE]  }
0xe9: {  	[hbm4b:s13+s6] =	stream.indirect_vreg.scatter [tilespmem:s11], [sflag:$0x3], $0x80, v2, vm0, $0xb8;
	[tilespmem:$0x12000] =	vst v63  }
0xea: {  	s25 =	sld [smem:$0x7DF];
	s13 =	simm.s32 $0x9000  }
0xeb: {  	[hbm4b:s29+s6] =	stream.indirect_vreg.scatter [tilespmem:s13], [sflag:$0x3], $0x80, v2, vm0, $0xb8;
	[tilespmem:$0x12000] =	vst v63  }
0xec: {  	s18 =	simm.s32 $0x9800  }
0xed: {  	[hbm4b:s25+s6] =	stream.indirect_vreg.scatter [tilespmem:s18], [sflag:$0x3], $0x80, v2, vm0, $0xb8;
	[tilespmem:$0x12000] =	vst v63  }
0xee: {  	s25 =	simm.s32 $0x3  }
0xef: {  	_ =	swait.ge [sflag:s25], $0x8000  }
0xf0: {  	[sflag:s25] =	ssyncset.done $0x0  }
0xf1: {  	[sflag:s25] =	ssyncadd.s32 $0xFFFF8000  }
0xf2: {  	v2 =	vld.msk [tilespmem:s22+$0x100], $0xff;
	_ =	sdelay $0x4  }
0xf3: {  	v3 =	vshll.u32 v2, $0x5  }
0xf4: {  	v2 =	vand.u32 $0x7, v2;
	v3 =	vand.u32 $0xFFFFFF00, v3  }
0xf5: {  	v2 =	vor.u32 v2, v3  }
0xf6: {  	v2 =	vperm.xlane v2, v0;
	_ =	sdelay $0x1  }
0xf7: {  	v2 =	vadd.s32 v1, v2;
	_ =	sdelay $0x3  }
0xf8: {  	s25 =	rddreg [dreg:$0x0]  }
0xf9: {  	[tilespmem:s8], [sflag:$0x1] =	stream.indirect_vreg.gather [hbm4b:s25+s6], $0x80, v2, vm0, $0xb8;
	[tilespmem:$0x12000] =	vst v63  }
0xfa: {  	s25 =	rddreg [dreg:$0xe]  }
0xfb: {  	[tilespmem:s14], [sflag:$0x1] =	stream.indirect_vreg.gather [hbm4b:s25+s6], $0x80, v2, vm0, $0xb8;
	[tilespmem:$0x12000] =	vst v63  }
0xfc: {  	s14 =	rddreg [dreg:$0xf]  }
0xfd: {  	[tilespmem:s19], [sflag:$0x1] =	stream.indirect_vreg.gather [hbm4b:s14+s6], $0x80, v2, vm0, $0xb8;
	[tilespmem:$0x12000] =	vst v63  }
0xfe: {  	s19 =	rddreg [dreg:$0x10]  }
0xff: {  	[tilespmem:s20], [sflag:$0x1] =	stream.indirect_vreg.gather [hbm4b:s19+s6], $0x80, v2, vm0, $0xb8;
	[tilespmem:$0x12000] =	vst v63  }
0x100: {  	s20 =	rddreg [dreg:$0x11]  }
0x101: {  	[tilespmem:s1], [sflag:$0x1] =	stream.indirect_vreg.gather [hbm4b:s20+s6], $0x80, v2, vm0, $0xb8;
	[tilespmem:$0x12000] =	vst v63  }
0x102: {  	s25 =	rddreg [dreg:$0x12]  }
0x103: {  	[tilespmem:s3], [sflag:$0x1] =	stream.indirect_vreg.gather [hbm4b:s25+s6], $0x80, v2, vm0, $0xb8;
	[tilespmem:$0x12000] =	vst v63  }
0x104: {  	s8 =	rddreg [dreg:$0x13]  }
0x105: {  	[tilespmem:s10], [sflag:$0x1] =	stream.indirect_vreg.gather [hbm4b:s8+s6], $0x80, v2, vm0, $0xb8;
	[tilespmem:$0x12000] =	vst v63  }
0x106: {  	s10 =	rddreg [dreg:$0x14]  }
0x107: {  	[tilespmem:s12], [sflag:$0x1] =	stream.indirect_vreg.gather [hbm4b:s10+s6], $0x80, v2, vm0, $0xb8;
	[tilespmem:$0x12000] =	vst v63  }
0x108: {  	s14 =	rddreg [dreg:$0x15]  }
0x109: {  	[tilespmem:s15], [sflag:$0x1] =	stream.indirect_vreg.gather [hbm4b:s14+s6], $0x80, v2, vm0, $0xb8;
	[tilespmem:$0x12000] =	vst v63  }
0x10a: {  	s15 =	rddreg [dreg:$0x16]  }
0x10b: {  	[tilespmem:s17], [sflag:$0x1] =	stream.indirect_vreg.gather [hbm4b:s15+s6], $0x80, v2, vm0, $0xb8;
	[tilespmem:$0x12000] =	vst v63  }
0x10c: {  	s19 =	rddreg [dreg:$0x17]  }
0x10d: {  	[tilespmem:s24], [sflag:$0x1] =	stream.indirect_vreg.gather [hbm4b:s19+s6], $0x80, v2, vm0, $0xb8;
	[tilespmem:$0x12000] =	vst v63  }
0x10e: {  	s20 =	rddreg [dreg:$0x19]  }
0x10f: {  	[tilespmem:s2], [sflag:$0x1] =	stream.indirect_vreg.gather [hbm4b:s20+s6], $0x80, v2, vm0, $0xb8;
	[tilespmem:$0x12000] =	vst v63  }
0x110: {  	_ = 	snop  }
0x111: {  	[tilespmem:s5], [sflag:$0x1] =	stream.indirect_vreg.gather [hbm4b:s16+s6], $0x80, v2, vm0, $0xb8;
	[tilespmem:$0x12000] =	vst v63  }
0x112: {  	s25 =	rddreg [dreg:$0x1b]  }
0x113: {  	[tilespmem:s11], [sflag:$0x1] =	stream.indirect_vreg.gather [hbm4b:s25+s6], $0x80, v2, vm0, $0xb8;
	[tilespmem:$0x12000] =	vst v63  }
0x114: {  	s24 =	rddreg [dreg:$0x1c]  }
0x115: {  	[tilespmem:s13], [sflag:$0x1] =	stream.indirect_vreg.gather [hbm4b:s24+s6], $0x80, v2, vm0, $0xb8;
	[tilespmem:$0x12000] =	vst v63  }
0x116: {  	s3 =	simm.s32 $0x2;
	s2 =	rddreg [dreg:$0x1d]  }
0x117: {  	[tilespmem:s18], [sflag:$0x1] =	stream.indirect_vreg.gather [hbm4b:s2+s6], $0x80, v2, vm0, $0xb8;
	[tilespmem:$0x12000] =	vst v63  }
0x118: {  	_ =	swait.ge [sflag:s3], $0x8000  }
0x119: {  	[sflag:s3] =	ssyncset.done $0x0  }
0x11a: {  	[sflag:s3] =	ssyncadd.s32 $0xFFFF8000  }
0x11b: {  	v2 =	vld.msk [tilespmem:s22+$0x1080], $0xff;
	_ =	sdelay $0x4  }
0x11c: {  	v3 =	vshll.u32 v2, $0x5  }
0x11d: {  	v2 =	vand.u32 $0x7, v2;
	v3 =	vand.u32 $0xFFFFFF00, v3  }
0x11e: {  	v2 =	vor.u32 v2, v3  }
0x11f: {  	v2 =	vperm.xlane v2, v0;
	_ =	sdelay $0x1  }
0x120: {  	v2 =	vadd.s32 v1, v2;
	_ =	sdelay $0x3  }
0x121: {  	s1 =	simm.s32 $0xA000;
	s5 =	rddreg [dreg:$0x3]  }
0x122: {  	[hbm4b:s5+s6] =	stream.indirect_vreg.scatter [tilespmem:s1], [sflag:$0x4], $0x80, v2, vm0, $0xb8;
	[tilespmem:$0x12000] =	vst v63  }
0x123: {  	s2 =	simm.s32 $0xA800  }
0x124: {  	[hbm4b:s9+s6] =	stream.indirect_vreg.scatter [tilespmem:s2], [sflag:$0x4], $0x80, v2, vm0, $0xb8;
	[tilespmem:$0x12000] =	vst v63  }
0x125: {  	s8 =	sld [smem:$0x7D3];
	s3 =	simm.s32 $0xB000  }
0x126: {  	[hbm4b:s0+s6] =	stream.indirect_vreg.scatter [tilespmem:s3], [sflag:$0x4], $0x80, v2, vm0, $0xb8;
	[tilespmem:$0x12000] =	vst v63  }
0x127: {  	s5 =	simm.s32 $0xB800  }
0x128: {  	[hbm4b:s8+s6] =	stream.indirect_vreg.scatter [tilespmem:s5], [sflag:$0x4], $0x80, v2, vm0, $0xb8;
	[tilespmem:$0x12000] =	vst v63  }
0x129: {  	s9 =	simm.s32 $0xC000  }
0x12a: {  	[hbm4b:s4+s6] =	stream.indirect_vreg.scatter [tilespmem:s9], [sflag:$0x4], $0x80, v2, vm0, $0xb8;
	[tilespmem:$0x12000] =	vst v63  }
0x12b: {  	s10 =	simm.s32 $0xC800  }
0x12c: {  	[hbm4b:s30+s6] =	stream.indirect_vreg.scatter [tilespmem:s10], [sflag:$0x4], $0x80, v2, vm0, $0xb8;
	[tilespmem:$0x12000] =	vst v63  }
0x12d: {  	s11 =	simm.s32 $0xD000  }
0x12e: {  	[hbm4b:s7+s6] =	stream.indirect_vreg.scatter [tilespmem:s11], [sflag:$0x4], $0x80, v2, vm0, $0xb8;
	[tilespmem:$0x12000] =	vst v63  }
0x12f: {  	s12 =	simm.s32 $0xD800  }
0x130: {  	[hbm4b:s31+s6] =	stream.indirect_vreg.scatter [tilespmem:s12], [sflag:$0x4], $0x80, v2, vm0, $0xb8;
	[tilespmem:$0x12000] =	vst v63  }
0x131: {  	s13 =	simm.s32 $0xE000;
	s24 =	sld [smem:$0x7D9]  }
0x132: {  	[hbm4b:s23+s6] =	stream.indirect_vreg.scatter [tilespmem:s13], [sflag:$0x4], $0x80, v2, vm0, $0xb8;
	[tilespmem:$0x12000] =	vst v63  }
0x133: {  	s14 =	simm.s32 $0xE800  }
0x134: {  	[hbm4b:s24+s6] =	stream.indirect_vreg.scatter [tilespmem:s14], [sflag:$0x4], $0x80, v2, vm0, $0xb8;
	[tilespmem:$0x12000] =	vst v63  }
0x135: {  	s15 =	simm.s32 $0xF000  }
0x136: {  	[hbm4b:s26+s6] =	stream.indirect_vreg.scatter [tilespmem:s15], [sflag:$0x4], $0x80, v2, vm0, $0xb8;
	[tilespmem:$0x12000] =	vst v63  }
0x137: {  	s26 =	sld [smem:$0x7DB];
	_ =	sdelay $0x1  }
0x138: {  	s17 =	simm.s32 $0xF800  }
0x139: {  	[hbm4b:s26+s6] =	stream.indirect_vreg.scatter [tilespmem:s17], [sflag:$0x4], $0x80, v2, vm0, $0xb8;
	[tilespmem:$0x12000] =	vst v63  }
0x13a: {  	s18 =	simm.s32 $0x10000  }
0x13b: {  	[hbm4b:s28+s6] =	stream.indirect_vreg.scatter [tilespmem:s18], [sflag:$0x4], $0x80, v2, vm0, $0xb8;
	[tilespmem:$0x12000] =	vst v63  }
0x13c: {  	s28 =	sld [smem:$0x7DD];
	_ =	sdelay $0x1  }
0x13d: {  	s19 =	simm.s32 $0x10800  }
0x13e: {  	[hbm4b:s28+s6] =	stream.indirect_vreg.scatter [tilespmem:s19], [sflag:$0x4], $0x80, v2, vm0, $0xb8;
	[tilespmem:$0x12000] =	vst v63  }
0x13f: {  	s20 =	simm.s32 $0x11000  }
0x140: {  	[hbm4b:s29+s6] =	stream.indirect_vreg.scatter [tilespmem:s20], [sflag:$0x4], $0x80, v2, vm0, $0xb8;
	[tilespmem:$0x12000] =	vst v63  }
0x141: {  	s29 =	sld [smem:$0x7DF];
	_ =	sdelay $0x1  }
0x142: {  	s30 =	simm.s32 $0x4;
	s24 =	simm.s32 $0x11800  }
0x143: {  	[hbm4b:s29+s6] =	stream.indirect_vreg.scatter [tilespmem:s24], [sflag:$0x4], $0x80, v2, vm0, $0xb8;
	[tilespmem:$0x12000] =	vst v63  }
0x144: {  	_ =	swait.ge [sflag:s30], $0x8000  }
0x145: {  	[sflag:s30] =	ssyncset.done $0x0  }
0x146: {  	[sflag:s30] =	ssyncadd.s32 $0xFFFF8000  }
0x147: {  	v2 =	vld.msk [tilespmem:s22+$0x180], $0xff;
	_ =	sdelay $0x4  }
0x148: {  	v3 =	vshll.u32 v2, $0x5  }
0x149: {  	v2 =	vand.u32 $0x7, v2;
	v3 =	vand.u32 $0xFFFFFF00, v3  }
0x14a: {  	v2 =	vor.u32 v2, v3  }
0x14b: {  	v2 =	vperm.xlane v2, v0;
	_ =	sdelay $0x1  }
0x14c: {  	v2 =	vadd.s32 v1, v2;
	_ =	sdelay $0x3  }
0x14d: {  	s31 =	rddreg [dreg:$0x0]  }
0x14e: {  	[tilespmem:s1], [sflag:$0x2] =	stream.indirect_vreg.gather [hbm4b:s31+s6], $0x80, v2, vm0, $0xb8;
	[tilespmem:$0x12000] =	vst v63  }
0x14f: {  	s1 =	rddreg [dreg:$0xe]  }
0x150: {  	[tilespmem:s2], [sflag:$0x2] =	stream.indirect_vreg.gather [hbm4b:s1+s6], $0x80, v2, vm0, $0xb8;
	[tilespmem:$0x12000] =	vst v63  }
0x151: {  	s2 =	rddreg [dreg:$0xf]  }
0x152: {  	[tilespmem:s3], [sflag:$0x2] =	stream.indirect_vreg.gather [hbm4b:s2+s6], $0x80, v2, vm0, $0xb8;
	[tilespmem:$0x12000] =	vst v63  }
0x153: {  	s4 =	rddreg [dreg:$0x10]  }
0x154: {  	[tilespmem:s5], [sflag:$0x2] =	stream.indirect_vreg.gather [hbm4b:s4+s6], $0x80, v2, vm0, $0xb8;
	[tilespmem:$0x12000] =	vst v63  }
0x155: {  	s7 =	rddreg [dreg:$0x11]  }
0x156: {  	[tilespmem:s9], [sflag:$0x2] =	stream.indirect_vreg.gather [hbm4b:s7+s6], $0x80, v2, vm0, $0xb8;
	[tilespmem:$0x12000] =	vst v63  }
0x157: {  	s9 =	rddreg [dreg:$0x12]  }
0x158: {  	[tilespmem:s10], [sflag:$0x2] =	stream.indirect_vreg.gather [hbm4b:s9+s6], $0x80, v2, vm0, $0xb8;
	[tilespmem:$0x12000] =	vst v63  }
0x159: {  	s10 =	rddreg [dreg:$0x13]  }
0x15a: {  	[tilespmem:s11], [sflag:$0x2] =	stream.indirect_vreg.gather [hbm4b:s10+s6], $0x80, v2, vm0, $0xb8;
	[tilespmem:$0x12000] =	vst v63  }
0x15b: {  	s22 =	rddreg [dreg:$0x14]  }
0x15c: {  	[tilespmem:s12], [sflag:$0x2] =	stream.indirect_vreg.gather [hbm4b:s22+s6], $0x80, v2, vm0, $0xb8;
	[tilespmem:$0x12000] =	vst v63  }
0x15d: {  	s23 =	rddreg [dreg:$0x15]  }
0x15e: {  	[tilespmem:s13], [sflag:$0x2] =	stream.indirect_vreg.gather [hbm4b:s23+s6], $0x80, v2, vm0, $0xb8;
	[tilespmem:$0x12000] =	vst v63  }
0x15f: {  	s26 =	rddreg [dreg:$0x16]  }
0x160: {  	[tilespmem:s14], [sflag:$0x2] =	stream.indirect_vreg.gather [hbm4b:s26+s6], $0x80, v2, vm0, $0xb8;
	[tilespmem:$0x12000] =	vst v63  }
0x161: {  	s28 =	rddreg [dreg:$0x17]  }
0x162: {  	[tilespmem:s15], [sflag:$0x2] =	stream.indirect_vreg.gather [hbm4b:s28+s6], $0x80, v2, vm0, $0xb8;
	[tilespmem:$0x12000] =	vst v63  }
0x163: {  	s29 =	rddreg [dreg:$0x19]  }
0x164: {  	[tilespmem:s17], [sflag:$0x2] =	stream.indirect_vreg.gather [hbm4b:s29+s6], $0x80, v2, vm0, $0xb8;
	[tilespmem:$0x12000] =	vst v63  }
0x165: {  	s16 =	rddreg [dreg:$0x1a]  }
0x166: {  	[tilespmem:s18], [sflag:$0x2] =	stream.indirect_vreg.gather [hbm4b:s16+s6], $0x80, v2, vm0, $0xb8;
	[tilespmem:$0x12000] =	vst v63  }
0x167: {  	p0 =	sne.s32 s21, $0x800  }
0x168: {  	[tilespmem:s19], [sflag:$0x2] =	stream.indirect_vreg.gather [hbm4b:s25+s6], $0x80, v2, vm0, $0xb8;
	[tilespmem:$0x12000] =	vst v63  }
.Ltmp0:
0x169: {  	_ = 	snop;
	(pc) =	sbr.rel @p0 .LBB2_2-.Ltmp0, $4  }
0x16a: {  	s30 =	rddreg [dreg:$0x1c]  }
0x16b: {  	[tilespmem:s20], [sflag:$0x2] =	stream.indirect_vreg.gather [hbm4b:s30+s6], $0x80, v2, vm0, $0xb8;
	[tilespmem:$0x12000] =	vst v63  }
0x16c: {  	s21 =	sadd.s32 $0x400, s21;
	s31 =	rddreg [dreg:$0x1d]  }
0x16d: {  	[tilespmem:s24], [sflag:$0x2] =	stream.indirect_vreg.gather [hbm4b:s31+s6], $0x80, v2, vm0, $0xb8;
	[tilespmem:$0x12000] =	vst v63  }
0x16e: {  	s0 =	simm.s32 $0x1  }
0x16f: {  	_ =	swait.ge [sflag:s0], $0x8000  }
0x170: {  	[sflag:s0] =	ssyncset.done $0x0  }
0x171: {  	[sflag:s0] =	ssyncadd.s32 $0xFFFF8000  }
0x172: {  	v2 =	vld.msk [tilespmem:$0x1300], $0xff;
	_ =	sdelay $0x4  }
0x173: {  	v3 =	vshll.u32 v2, $0x5  }
0x174: {  	v2 =	vand.u32 $0x7, v2;
	v3 =	vand.u32 $0xFFFFFF00, v3  }
0x175: {  	v2 =	vor.u32 v2, v3  }
0x176: {  	v2 =	vperm.xlane v2, v0;
	_ =	sdelay $0x1  }
0x177: {  	v2 =	vadd.s32 v1, v2;
	_ =	sdelay $0x2  }
0x178: {  	s11 =	rddreg [dreg:$0x1f]  }
0x179: {  	s21 =	simm.s32 $0x0;
	s2 =	simm.s32 $0x2000;
	s1 =	rddreg [dreg:$0x3]  }
0x17a: {  	[hbm4b:s1+s21] =	stream.indirect_vreg.scatter [tilespmem:s2], [sflag:$0x3], $0x80, v2, vm0, $0xb8;
	[tilespmem:$0x12000] =	vst v63  }
0x17b: {  	s10 =	simm.s32 $0x2800;
	s0 =	rddreg [dreg:$0x1e]  }
0x17c: {  	[hbm4b:s0+s21] =	stream.indirect_vreg.scatter [tilespmem:s10], [sflag:$0x3], $0x80, v2, vm0, $0xb8;
	[tilespmem:$0x12000] =	vst v63  }
0x17d: {  	s3 =	simm.s32 $0x3000;
	s31 =	sld [smem:$0x7D3]  }
0x17e: {  	[hbm4b:s11+s21] =	stream.indirect_vreg.scatter [tilespmem:s3], [sflag:$0x3], $0x80, v2, vm0, $0xb8;
	[tilespmem:$0x12000] =	vst v63  }
0x17f: {  	s15 =	simm.s32 $0x3800;
	s30 =	sld [smem:$0x7D4]  }
0x180: {  	[hbm4b:s31+s21] =	stream.indirect_vreg.scatter [tilespmem:s15], [sflag:$0x3], $0x80, v2, vm0, $0xb8;
	[tilespmem:$0x12000] =	vst v63  }
0x181: {  	s16 =	simm.s32 $0x4000;
	s29 =	sld [smem:$0x7D5]  }
0x182: {  	[hbm4b:s30+s21] =	stream.indirect_vreg.scatter [tilespmem:s16], [sflag:$0x3], $0x80, v2, vm0, $0xb8;
	[tilespmem:$0x12000] =	vst v63  }
0x183: {  	s17 =	simm.s32 $0x4800;
	s28 =	sld [smem:$0x7D6]  }
0x184: {  	[hbm4b:s29+s21] =	stream.indirect_vreg.scatter [tilespmem:s17], [sflag:$0x3], $0x80, v2, vm0, $0xb8;
	[tilespmem:$0x12000] =	vst v63  }
0x185: {  	s18 =	simm.s32 $0x5000;
	s26 =	sld [smem:$0x7D7]  }
0x186: {  	[hbm4b:s28+s21] =	stream.indirect_vreg.scatter [tilespmem:s18], [sflag:$0x3], $0x80, v2, vm0, $0xb8;
	[tilespmem:$0x12000] =	vst v63  }
0x187: {  	s19 =	simm.s32 $0x5800;
	s24 =	sld [smem:$0x7D8]  }
0x188: {  	[hbm4b:s26+s21] =	stream.indirect_vreg.scatter [tilespmem:s19], [sflag:$0x3], $0x80, v2, vm0, $0xb8;
	[tilespmem:$0x12000] =	vst v63  }
0x189: {  	s14 =	simm.s32 $0x6000;
	s12 =	smov.u32 s11;
	s11 =	sld [smem:$0x7D9]  }
0x18a: {  	[hbm4b:s24+s21] =	stream.indirect_vreg.scatter [tilespmem:s14], [sflag:$0x3], $0x80, v2, vm0, $0xb8;
	[tilespmem:$0x12000] =	vst v63  }
0x18b: {  	s25 =	simm.s32 $0x6800;
	s10 =	sld [smem:$0x7DA]  }
0x18c: {  	[hbm4b:s11+s21] =	stream.indirect_vreg.scatter [tilespmem:s25], [sflag:$0x3], $0x80, v2, vm0, $0xb8;
	[tilespmem:$0x12000] =	vst v63  }
0x18d: {  	s9 =	sld [smem:$0x7DB];
	s15 =	simm.s32 $0x7000  }
0x18e: {  	[hbm4b:s10+s21] =	stream.indirect_vreg.scatter [tilespmem:s15], [sflag:$0x3], $0x80, v2, vm0, $0xb8;
	[tilespmem:$0x12000] =	vst v63  }
0x18f: {  	s20 =	simm.s32 $0x7800;
	s8 =	sld [smem:$0x7DC]  }
0x190: {  	[hbm4b:s9+s21] =	stream.indirect_vreg.scatter [tilespmem:s20], [sflag:$0x3], $0x80, v2, vm0, $0xb8;
	[tilespmem:$0x12000] =	vst v63  }
0x191: {  	s22 =	simm.s32 $0x8000;
	s7 =	sld [smem:$0x7DD]  }
0x192: {  	[hbm4b:s8+s21] =	stream.indirect_vreg.scatter [tilespmem:s22], [sflag:$0x3], $0x80, v2, vm0, $0xb8;
	[tilespmem:$0x12000] =	vst v63  }
0x193: {  	s5 =	sld [smem:$0x7DE];
	s19 =	simm.s32 $0x8800  }
0x194: {  	[hbm4b:s7+s21] =	stream.indirect_vreg.scatter [tilespmem:s19], [sflag:$0x3], $0x80, v2, vm0, $0xb8;
	[tilespmem:$0x12000] =	vst v63  }
0x195: {  	s4 =	sld [smem:$0x7DF];
	s17 =	simm.s32 $0x9000  }
0x196: {  	[hbm4b:s5+s21] =	stream.indirect_vreg.scatter [tilespmem:s17], [sflag:$0x3], $0x80, v2, vm0, $0xb8;
	[tilespmem:$0x12000] =	vst v63  }
0x197: {  	s13 =	simm.s32 $0x9800;
	s23 =	simm.s32 $0x2  }
0x198: {  	[hbm4b:s4+s21] =	stream.indirect_vreg.scatter [tilespmem:s13], [sflag:$0x3], $0x80, v2, vm0, $0xb8;
	[tilespmem:$0x12000] =	vst v63  }
0x199: {  	_ =	swait.ge [sflag:s23], $0x8000  }
0x19a: {  	[sflag:s23] =	ssyncset.done $0x0  }
0x19b: {  	[sflag:s23] =	ssyncadd.s32 $0xFFFF8000  }
0x19c: {  	v2 =	vld.msk [tilespmem:$0x1380], $0xff;
	_ =	sdelay $0x4  }
0x19d: {  	v3 =	vshll.u32 v2, $0x5  }
0x19e: {  	v2 =	vand.u32 $0x7, v2;
	v3 =	vand.u32 $0xFFFFFF00, v3  }
0x19f: {  	v2 =	vor.u32 v2, v3  }
0x1a0: {  	v2 =	vperm.xlane v2, v0;
	_ =	sdelay $0x1  }
0x1a1: {  	v2 =	vadd.s32 v1, v2;
	_ =	sdelay $0x3  }
0x1a2: {  	s20 =	simm.s32 $0xA000  }
0x1a3: {  	[hbm4b:s1+s21] =	stream.indirect_vreg.scatter [tilespmem:s20], [sflag:$0x4], $0x80, v2, vm0, $0xb8;
	[tilespmem:$0x12000] =	vst v63  }
0x1a4: {  	s18 =	simm.s32 $0xA800  }
0x1a5: {  	[hbm4b:s0+s21] =	stream.indirect_vreg.scatter [tilespmem:s18], [sflag:$0x4], $0x80, v2, vm0, $0xb8;
	[tilespmem:$0x12000] =	vst v63  }
0x1a6: {  	s22 =	simm.s32 $0xB000  }
0x1a7: {  	[hbm4b:s12+s21] =	stream.indirect_vreg.scatter [tilespmem:s22], [sflag:$0x4], $0x80, v2, vm0, $0xb8;
	[tilespmem:$0x12000] =	vst v63  }
0x1a8: {  	s3 =	simm.s32 $0xB800  }
0x1a9: {  	[hbm4b:s31+s21] =	stream.indirect_vreg.scatter [tilespmem:s3], [sflag:$0x4], $0x80, v2, vm0, $0xb8;
	[tilespmem:$0x12000] =	vst v63  }
0x1aa: {  	s12 =	simm.s32 $0xC000  }
0x1ab: {  	[hbm4b:s30+s21] =	stream.indirect_vreg.scatter [tilespmem:s12], [sflag:$0x4], $0x80, v2, vm0, $0xb8;
	[tilespmem:$0x12000] =	vst v63  }
0x1ac: {  	s16 =	simm.s32 $0xC800  }
0x1ad: {  	[hbm4b:s29+s21] =	stream.indirect_vreg.scatter [tilespmem:s16], [sflag:$0x4], $0x80, v2, vm0, $0xb8;
	[tilespmem:$0x12000] =	vst v63  }
0x1ae: {  	s23 =	simm.s32 $0xD000  }
0x1af: {  	[hbm4b:s28+s21] =	stream.indirect_vreg.scatter [tilespmem:s23], [sflag:$0x4], $0x80, v2, vm0, $0xb8;
	[tilespmem:$0x12000] =	vst v63  }
0x1b0: {  	s28 =	simm.s32 $0xD800  }
0x1b1: {  	[hbm4b:s26+s21] =	stream.indirect_vreg.scatter [tilespmem:s28], [sflag:$0x4], $0x80, v2, vm0, $0xb8;
	[tilespmem:$0x12000] =	vst v63  }
0x1b2: {  	s29 =	simm.s32 $0xE000  }
0x1b3: {  	[hbm4b:s24+s21] =	stream.indirect_vreg.scatter [tilespmem:s29], [sflag:$0x4], $0x80, v2, vm0, $0xb8;
	[tilespmem:$0x12000] =	vst v63  }
0x1b4: {  	s30 =	simm.s32 $0xE800  }
0x1b5: {  	[hbm4b:s11+s21] =	stream.indirect_vreg.scatter [tilespmem:s30], [sflag:$0x4], $0x80, v2, vm0, $0xb8;
	[tilespmem:$0x12000] =	vst v63  }
0x1b6: {  	s31 =	simm.s32 $0xF000  }
0x1b7: {  	[hbm4b:s10+s21] =	stream.indirect_vreg.scatter [tilespmem:s31], [sflag:$0x4], $0x80, v2, vm0, $0xb8;
	[tilespmem:$0x12000] =	vst v63  }
0x1b8: {  	s1 =	simm.s32 $0xF800  }
0x1b9: {  	[hbm4b:s9+s21] =	stream.indirect_vreg.scatter [tilespmem:s1], [sflag:$0x4], $0x80, v2, vm0, $0xb8;
	[tilespmem:$0x12000] =	vst v63  }
0x1ba: {  	s2 =	simm.s32 $0x10000  }
0x1bb: {  	[hbm4b:s8+s21] =	stream.indirect_vreg.scatter [tilespmem:s2], [sflag:$0x4], $0x80, v2, vm0, $0xb8;
	[tilespmem:$0x12000] =	vst v63  }
0x1bc: {  	s3 =	simm.s32 $0x10800  }
0x1bd: {  	[hbm4b:s7+s21] =	stream.indirect_vreg.scatter [tilespmem:s3], [sflag:$0x4], $0x80, v2, vm0, $0xb8;
	[tilespmem:$0x12000] =	vst v63  }
0x1be: {  	s7 =	simm.s32 $0x11000  }
0x1bf: {  	[hbm4b:s5+s21] =	stream.indirect_vreg.scatter [tilespmem:s7], [sflag:$0x4], $0x80, v2, vm0, $0xb8;
	[tilespmem:$0x12000] =	vst v63  }
0x1c0: {  	s16 =	simm.s32 $0x3;
	s8 =	simm.s32 $0x11800  }
0x1c1: {  	[hbm4b:s4+s21] =	stream.indirect_vreg.scatter [tilespmem:s8], [sflag:$0x4], $0x80, v2, vm0, $0xb8;
	[tilespmem:$0x12000] =	vst v63  }
0x1c2: {  	_ =	swait.ge [sflag:s16], $0x8000  }
0x1c3: {  	[sflag:s16] =	ssyncset.done $0x0  }
0x1c4: {  	s9 =	simm.s32 $0x4;
	[sflag:s16] =	ssyncadd.s32 $0xFFFF8000  }
0x1c5: {  	_ =	swait.ge [sflag:s9], $0x8000  }
0x1c6: {  	[sflag:s9] =	ssyncset.done $0x0  }
0x1c7: {  	[sflag:s9] =	ssyncadd.s32 $0xFFFF8000  }
0x1c8: {  	v2 =	vld.msk [tilespmem:$0x400], $0xff;
	_ =	sdelay $0x4  }
0x1c9: {  	v3 =	vshll.u32 v2, $0x5  }
0x1ca: {  	v2 =	vand.u32 $0x7, v2;
	v3 =	vand.u32 $0xFFFFFF00, v3  }
0x1cb: {  	v2 =	vor.u32 v2, v3  }
0x1cc: {  	v2 =	vperm.xlane v2, v0;
	_ =	sdelay $0x1  }
0x1cd: {  	v2 =	vadd.s32 v1, v2;
	_ =	sdelay $0x2  }
0x1ce: {  	s11 =	sld [smem:$0x7E0]  }
0x1cf: {  	s10 =	simm.s32 $0x2000;
	s23 =	rddreg [dreg:$0x1]  }
0x1d0: {  	[tilespmem:s10], [sflag:$0x1] =	stream.indirect_vreg.gather [hbm4b:s23+s21], $0x80, v2, vm0, $0xb8;
	[tilespmem:$0x12000] =	vst v63  }
0x1d1: {  	s9 =	simm.s32 $0x2800;
	s10 =	sld [smem:$0x7E1]  }
0x1d2: {  	[tilespmem:s9], [sflag:$0x1] =	stream.indirect_vreg.gather [hbm4b:s11+s21], $0x80, v2, vm0, $0xb8;
	[tilespmem:$0x12000] =	vst v63  }
0x1d3: {  	s8 =	simm.s32 $0x3000;
	s9 =	sld [smem:$0x7E2]  }
0x1d4: {  	[tilespmem:s8], [sflag:$0x1] =	stream.indirect_vreg.gather [hbm4b:s10+s21], $0x80, v2, vm0, $0xb8;
	[tilespmem:$0x12000] =	vst v63  }
0x1d5: {  	s7 =	simm.s32 $0x3800;
	s8 =	sld [smem:$0x7E3]  }
0x1d6: {  	[tilespmem:s7], [sflag:$0x1] =	stream.indirect_vreg.gather [hbm4b:s9+s21], $0x80, v2, vm0, $0xb8;
	[tilespmem:$0x12000] =	vst v63  }
0x1d7: {  	s5 =	simm.s32 $0x4000;
	s7 =	sld [smem:$0x7E4]  }
0x1d8: {  	[tilespmem:s5], [sflag:$0x1] =	stream.indirect_vreg.gather [hbm4b:s8+s21], $0x80, v2, vm0, $0xb8;
	[tilespmem:$0x12000] =	vst v63  }
0x1d9: {  	s4 =	simm.s32 $0x4800;
	s5 =	sld [smem:$0x7E5]  }
0x1da: {  	[tilespmem:s4], [sflag:$0x1] =	stream.indirect_vreg.gather [hbm4b:s7+s21], $0x80, v2, vm0, $0xb8;
	[tilespmem:$0x12000] =	vst v63  }
0x1db: {  	s3 =	simm.s32 $0x5000;
	s4 =	sld [smem:$0x7E6]  }
0x1dc: {  	[tilespmem:s3], [sflag:$0x1] =	stream.indirect_vreg.gather [hbm4b:s5+s21], $0x80, v2, vm0, $0xb8;
	[tilespmem:$0x12000] =	vst v63  }
0x1dd: {  	s24 =	simm.s32 $0x5800;
	s26 =	sld [smem:$0x7E7]  }
0x1de: {  	[tilespmem:s24], [sflag:$0x1] =	stream.indirect_vreg.gather [hbm4b:s4+s21], $0x80, v2, vm0, $0xb8;
	[tilespmem:$0x12000] =	vst v63  }
0x1df: {  	s1 =	sld [smem:$0x7E8]  }
0x1e0: {  	[tilespmem:s14], [sflag:$0x1] =	stream.indirect_vreg.gather [hbm4b:s26+s21], $0x80, v2, vm0, $0xb8;
	[tilespmem:$0x12000] =	vst v63  }
0x1e1: {  	s2 =	sld [smem:$0x7E9]  }
0x1e2: {  	[tilespmem:s25], [sflag:$0x1] =	stream.indirect_vreg.gather [hbm4b:s1+s21], $0x80, v2, vm0, $0xb8;
	[tilespmem:$0x12000] =	vst v63  }
0x1e3: {  	s3 =	sld [smem:$0x7EA]  }
0x1e4: {  	[tilespmem:s15], [sflag:$0x1] =	stream.indirect_vreg.gather [hbm4b:s2+s21], $0x80, v2, vm0, $0xb8;
	[tilespmem:$0x12000] =	vst v63  }
0x1e5: {  	s28 =	simm.s32 $0x7800;
	s29 =	sld [smem:$0x7EB]  }
0x1e6: {  	[tilespmem:s28], [sflag:$0x1] =	stream.indirect_vreg.gather [hbm4b:s3+s21], $0x80, v2, vm0, $0xb8;
	[tilespmem:$0x12000] =	vst v63  }
0x1e7: {  	s30 =	simm.s32 $0x8000;
	s31 =	sld [smem:$0x7EC]  }
0x1e8: {  	[tilespmem:s30], [sflag:$0x1] =	stream.indirect_vreg.gather [hbm4b:s29+s21], $0x80, v2, vm0, $0xb8;
	[tilespmem:$0x12000] =	vst v63  }
0x1e9: {  	s0 =	sld [smem:$0x7ED]  }
0x1ea: {  	[tilespmem:s19], [sflag:$0x1] =	stream.indirect_vreg.gather [hbm4b:s31+s21], $0x80, v2, vm0, $0xb8;
	[tilespmem:$0x12000] =	vst v63  }
0x1eb: {  	s12 =	sld [smem:$0x7EE]  }
0x1ec: {  	[tilespmem:s17], [sflag:$0x1] =	stream.indirect_vreg.gather [hbm4b:s0+s21], $0x80, v2, vm0, $0xb8;
	[tilespmem:$0x12000] =	vst v63  }
0x1ed: {  	_ = 	snop  }
0x1ee: {  	[tilespmem:s13], [sflag:$0x1] =	stream.indirect_vreg.gather [hbm4b:s12+s21], $0x80, v2, vm0, $0xb8;
	[tilespmem:$0x12000] =	vst v63  }
0x1ef: {  	v2 =	vld.msk [tilespmem:$0x480], $0xff;
	_ =	sdelay $0x4  }
0x1f0: {  	v3 =	vshll.u32 v2, $0x5  }
0x1f1: {  	v2 =	vand.u32 $0x7, v2;
	v3 =	vand.u32 $0xFFFFFF00, v3  }
0x1f2: {  	v2 =	vor.u32 v2, v3  }
0x1f3: {  	v2 =	vperm.xlane v2, v0;
	_ =	sdelay $0x1  }
0x1f4: {  	v2 =	vadd.s32 v1, v2;
	_ =	sdelay $0x4  }
0x1f5: {  	[tilespmem:s20], [sflag:$0x2] =	stream.indirect_vreg.gather [hbm4b:s23+s21], $0x80, v2, vm0, $0xb8;
	[tilespmem:$0x12000] =	vst v63  }
0x1f6: {  	_ = 	snop  }
0x1f7: {  	[tilespmem:s18], [sflag:$0x2] =	stream.indirect_vreg.gather [hbm4b:s11+s21], $0x80, v2, vm0, $0xb8;
	[tilespmem:$0x12000] =	vst v63  }
0x1f8: {  	_ = 	snop  }
0x1f9: {  	[tilespmem:s22], [sflag:$0x2] =	stream.indirect_vreg.gather [hbm4b:s10+s21], $0x80, v2, vm0, $0xb8;
	[tilespmem:$0x12000] =	vst v63  }
0x1fa: {  	s16 =	simm.s32 $0xB800  }
0x1fb: {  	[tilespmem:s16], [sflag:$0x2] =	stream.indirect_vreg.gather [hbm4b:s9+s21], $0x80, v2, vm0, $0xb8;
	[tilespmem:$0x12000] =	vst v63  }
0x1fc: {  	s17 =	simm.s32 $0xC000  }
0x1fd: {  	[tilespmem:s17], [sflag:$0x2] =	stream.indirect_vreg.gather [hbm4b:s8+s21], $0x80, v2, vm0, $0xb8;
	[tilespmem:$0x12000] =	vst v63  }
0x1fe: {  	s18 =	simm.s32 $0xC800  }
0x1ff: {  	[tilespmem:s18], [sflag:$0x2] =	stream.indirect_vreg.gather [hbm4b:s7+s21], $0x80, v2, vm0, $0xb8;
	[tilespmem:$0x12000] =	vst v63  }
0x200: {  	s19 =	simm.s32 $0xD000  }
0x201: {  	[tilespmem:s19], [sflag:$0x2] =	stream.indirect_vreg.gather [hbm4b:s5+s21], $0x80, v2, vm0, $0xb8;
	[tilespmem:$0x12000] =	vst v63  }
0x202: {  	s20 =	simm.s32 $0xD800  }
0x203: {  	[tilespmem:s20], [sflag:$0x2] =	stream.indirect_vreg.gather [hbm4b:s4+s21], $0x80, v2, vm0, $0xb8;
	[tilespmem:$0x12000] =	vst v63  }
0x204: {  	s22 =	simm.s32 $0xE000  }
0x205: {  	[tilespmem:s22], [sflag:$0x2] =	stream.indirect_vreg.gather [hbm4b:s26+s21], $0x80, v2, vm0, $0xb8;
	[tilespmem:$0x12000] =	vst v63  }
0x206: {  	s23 =	simm.s32 $0xE800  }
0x207: {  	[tilespmem:s23], [sflag:$0x2] =	stream.indirect_vreg.gather [hbm4b:s1+s21], $0x80, v2, vm0, $0xb8;
	[tilespmem:$0x12000] =	vst v63  }
0x208: {  	s24 =	simm.s32 $0xF000  }
0x209: {  	[tilespmem:s24], [sflag:$0x2] =	stream.indirect_vreg.gather [hbm4b:s2+s21], $0x80, v2, vm0, $0xb8;
	[tilespmem:$0x12000] =	vst v63  }
0x20a: {  	s26 =	simm.s32 $0xF800  }
0x20b: {  	[tilespmem:s26], [sflag:$0x2] =	stream.indirect_vreg.gather [hbm4b:s3+s21], $0x80, v2, vm0, $0xb8;
	[tilespmem:$0x12000] =	vst v63  }
0x20c: {  	s28 =	simm.s32 $0x10000  }
0x20d: {  	[tilespmem:s28], [sflag:$0x2] =	stream.indirect_vreg.gather [hbm4b:s29+s21], $0x80, v2, vm0, $0xb8;
	[tilespmem:$0x12000] =	vst v63  }
0x20e: {  	s29 =	simm.s32 $0x10800  }
0x20f: {  	[tilespmem:s29], [sflag:$0x2] =	stream.indirect_vreg.gather [hbm4b:s31+s21], $0x80, v2, vm0, $0xb8;
	[tilespmem:$0x12000] =	vst v63  }
0x210: {  	s30 =	simm.s32 $0x11000  }
0x211: {  	[tilespmem:s30], [sflag:$0x2] =	stream.indirect_vreg.gather [hbm4b:s0+s21], $0x80, v2, vm0, $0xb8;
	[tilespmem:$0x12000] =	vst v63  }
0x212: {  	s31 =	simm.s32 $0x11800  }
0x213: {  	[tilespmem:s31], [sflag:$0x2] =	stream.indirect_vreg.gather [hbm4b:s12+s21], $0x80, v2, vm0, $0xb8;
	[tilespmem:$0x12000] =	vst v63  }
.LBB2_4:
0x214: {  	s0 =	simm.s32 $0x1  }
0x215: {  	_ =	swait.ge [sflag:s0], $0x8000  }
0x216: {  	[sflag:s0] =	ssyncset.done $0x0  }
0x217: {  	s22 =	sshra.s32 s21, $0x2;
	[sflag:s0] =	ssyncadd.s32 $0xFFFF8000  }
0x218: {  	v2 =	vld.msk [tilespmem:s22+$0x1400], $0xff;
	_ =	sdelay $0x4  }
0x219: {  	v3 =	vshll.u32 v2, $0x5  }
0x21a: {  	v2 =	vand.u32 $0x7, v2;
	v3 =	vand.u32 $0xFFFFFF00, v3  }
0x21b: {  	v2 =	vor.u32 v2, v3  }
0x21c: {  	v2 =	vperm.xlane v2, v0;
	_ =	sdelay $0x1  }
0x21d: {  	v2 =	vadd.s32 v1, v2;
	_ =	sdelay $0x2  }
0x21e: {  	s16 =	rddreg [dreg:$0x1e]  }
0x21f: {  	s19 =	simm.s32 $0x2000;
	s3 =	rddreg [dreg:$0x3]  }
0x220: {  	[hbm4b:s3+s6] =	stream.indirect_vreg.scatter [tilespmem:s19], [sflag:$0x3], $0x80, v2, vm0, $0xb8;
	[tilespmem:$0x12000] =	vst v63  }
0x221: {  	s20 =	simm.s32 $0x2800;
	s1 =	rddreg [dreg:$0x1f]  }
0x222: {  	[hbm4b:s16+s6] =	stream.indirect_vreg.scatter [tilespmem:s20], [sflag:$0x3], $0x80, v2, vm0, $0xb8;
	[tilespmem:$0x12000] =	vst v63  }
0x223: {  	s14 =	simm.s32 $0x3000;
	s2 =	sld [smem:$0x7D3]  }
0x224: {  	[hbm4b:s1+s6] =	stream.indirect_vreg.scatter [tilespmem:s14], [sflag:$0x3], $0x80, v2, vm0, $0xb8;
	[tilespmem:$0x12000] =	vst v63  }
0x225: {  	s23 =	simm.s32 $0x3800;
	s1 =	sld [smem:$0x7D4]  }
0x226: {  	[hbm4b:s2+s6] =	stream.indirect_vreg.scatter [tilespmem:s23], [sflag:$0x3], $0x80, v2, vm0, $0xb8;
	[tilespmem:$0x12000] =	vst v63  }
0x227: {  	s8 =	sld [smem:$0x7D5];
	s3 =	simm.s32 $0x4000  }
0x228: {  	[hbm4b:s1+s6] =	stream.indirect_vreg.scatter [tilespmem:s3], [sflag:$0x3], $0x80, v2, vm0, $0xb8;
	[tilespmem:$0x12000] =	vst v63  }
0x229: {  	s4 =	simm.s32 $0x4800;
	s9 =	sld [smem:$0x7D6]  }
0x22a: {  	[hbm4b:s8+s6] =	stream.indirect_vreg.scatter [tilespmem:s4], [sflag:$0x3], $0x80, v2, vm0, $0xb8;
	[tilespmem:$0x12000] =	vst v63  }
0x22b: {  	s7 =	simm.s32 $0x5000;
	s10 =	sld [smem:$0x7D7]  }
0x22c: {  	[hbm4b:s9+s6] =	stream.indirect_vreg.scatter [tilespmem:s7], [sflag:$0x3], $0x80, v2, vm0, $0xb8;
	[tilespmem:$0x12000] =	vst v63  }
0x22d: {  	s11 =	sld [smem:$0x7D8];
	s8 =	simm.s32 $0x5800  }
0x22e: {  	[hbm4b:s10+s6] =	stream.indirect_vreg.scatter [tilespmem:s8], [sflag:$0x3], $0x80, v2, vm0, $0xb8;
	[tilespmem:$0x12000] =	vst v63  }
0x22f: {  	s12 =	sld [smem:$0x7D9];
	s9 =	simm.s32 $0x6000  }
0x230: {  	[hbm4b:s11+s6] =	stream.indirect_vreg.scatter [tilespmem:s9], [sflag:$0x3], $0x80, v2, vm0, $0xb8;
	[tilespmem:$0x12000] =	vst v63  }
0x231: {  	s26 =	simm.s32 $0x6800;
	s13 =	sld [smem:$0x7DA]  }
0x232: {  	[hbm4b:s12+s6] =	stream.indirect_vreg.scatter [tilespmem:s26], [sflag:$0x3], $0x80, v2, vm0, $0xb8;
	[tilespmem:$0x12000] =	vst v63  }
0x233: {  	s28 =	simm.s32 $0x7000;
	s15 =	sld [smem:$0x7DB]  }
0x234: {  	[hbm4b:s13+s6] =	stream.indirect_vreg.scatter [tilespmem:s28], [sflag:$0x3], $0x80, v2, vm0, $0xb8;
	[tilespmem:$0x12000] =	vst v63  }
0x235: {  	s29 =	simm.s32 $0x7800;
	s17 =	sld [smem:$0x7DC]  }
0x236: {  	[hbm4b:s15+s6] =	stream.indirect_vreg.scatter [tilespmem:s29], [sflag:$0x3], $0x80, v2, vm0, $0xb8;
	[tilespmem:$0x12000] =	vst v63  }
0x237: {  	s30 =	simm.s32 $0x8000;
	s18 =	sld [smem:$0x7DD]  }
0x238: {  	[hbm4b:s17+s6] =	stream.indirect_vreg.scatter [tilespmem:s30], [sflag:$0x3], $0x80, v2, vm0, $0xb8;
	[tilespmem:$0x12000] =	vst v63  }
0x239: {  	s31 =	simm.s32 $0x8800;
	s24 =	sld [smem:$0x7DE]  }
0x23a: {  	[hbm4b:s18+s6] =	stream.indirect_vreg.scatter [tilespmem:s31], [sflag:$0x3], $0x80, v2, vm0, $0xb8;
	[tilespmem:$0x12000] =	vst v63  }
0x23b: {  	s25 =	sld [smem:$0x7DF];
	s17 =	simm.s32 $0x9000  }
0x23c: {  	[hbm4b:s24+s6] =	stream.indirect_vreg.scatter [tilespmem:s17], [sflag:$0x3], $0x80, v2, vm0, $0xb8;
	[tilespmem:$0x12000] =	vst v63  }
0x23d: {  	s13 =	simm.s32 $0x3;
	s18 =	simm.s32 $0x9800  }
0x23e: {  	[hbm4b:s25+s6] =	stream.indirect_vreg.scatter [tilespmem:s18], [sflag:$0x3], $0x80, v2, vm0, $0xb8;
	[tilespmem:$0x12000] =	vst v63  }
0x23f: {  	_ =	swait.ge [sflag:s13], $0x8000  }
0x240: {  	[sflag:s13] =	ssyncset.done $0x0  }
0x241: {  	[sflag:s13] =	ssyncadd.s32 $0xFFFF8000  }
0x242: {  	v2 =	vld.msk [tilespmem:s22+$0x500], $0xff;
	_ =	sdelay $0x4  }
0x243: {  	v3 =	vshll.u32 v2, $0x5  }
0x244: {  	v2 =	vand.u32 $0x7, v2;
	v3 =	vand.u32 $0xFFFFFF00, v3  }
0x245: {  	v2 =	vor.u32 v2, v3  }
0x246: {  	v2 =	vperm.xlane v2, v0;
	_ =	sdelay $0x1  }
0x247: {  	v2 =	vadd.s32 v1, v2;
	_ =	sdelay $0x2  }
0x248: {  	s24 =	sld [smem:$0x7E0]  }
0x249: {  	s13 =	rddreg [dreg:$0x1]  }
0x24a: {  	[tilespmem:s19], [sflag:$0x1] =	stream.indirect_vreg.gather [hbm4b:s13+s6], $0x80, v2, vm0, $0xb8;
	[tilespmem:$0x12000] =	vst v63  }
0x24b: {  	s15 =	sld [smem:$0x7E1]  }
0x24c: {  	[tilespmem:s20], [sflag:$0x1] =	stream.indirect_vreg.gather [hbm4b:s24+s6], $0x80, v2, vm0, $0xb8;
	[tilespmem:$0x12000] =	vst v63  }
0x24d: {  	s5 =	sld [smem:$0x7E2]  }
0x24e: {  	[tilespmem:s14], [sflag:$0x1] =	stream.indirect_vreg.gather [hbm4b:s15+s6], $0x80, v2, vm0, $0xb8;
	[tilespmem:$0x12000] =	vst v63  }
0x24f: {  	s2 =	sld [smem:$0x7E3]  }
0x250: {  	[tilespmem:s23], [sflag:$0x1] =	stream.indirect_vreg.gather [hbm4b:s5+s6], $0x80, v2, vm0, $0xb8;
	[tilespmem:$0x12000] =	vst v63  }
0x251: {  	s1 =	sld [smem:$0x7E4]  }
0x252: {  	[tilespmem:s3], [sflag:$0x1] =	stream.indirect_vreg.gather [hbm4b:s2+s6], $0x80, v2, vm0, $0xb8;
	[tilespmem:$0x12000] =	vst v63  }
0x253: {  	s12 =	sld [smem:$0x7E5]  }
0x254: {  	[tilespmem:s4], [sflag:$0x1] =	stream.indirect_vreg.gather [hbm4b:s1+s6], $0x80, v2, vm0, $0xb8;
	[tilespmem:$0x12000] =	vst v63  }
0x255: {  	s10 =	sld [smem:$0x7E6]  }
0x256: {  	[tilespmem:s7], [sflag:$0x1] =	stream.indirect_vreg.gather [hbm4b:s12+s6], $0x80, v2, vm0, $0xb8;
	[tilespmem:$0x12000] =	vst v63  }
0x257: {  	s3 =	sld [smem:$0x7E7]  }
0x258: {  	[tilespmem:s8], [sflag:$0x1] =	stream.indirect_vreg.gather [hbm4b:s10+s6], $0x80, v2, vm0, $0xb8;
	[tilespmem:$0x12000] =	vst v63  }
0x259: {  	s25 =	sld [smem:$0x7E8]  }
0x25a: {  	[tilespmem:s9], [sflag:$0x1] =	stream.indirect_vreg.gather [hbm4b:s3+s6], $0x80, v2, vm0, $0xb8;
	[tilespmem:$0x12000] =	vst v63  }
0x25b: {  	s11 =	sld [smem:$0x7E9]  }
0x25c: {  	[tilespmem:s26], [sflag:$0x1] =	stream.indirect_vreg.gather [hbm4b:s25+s6], $0x80, v2, vm0, $0xb8;
	[tilespmem:$0x12000] =	vst v63  }
0x25d: {  	_ = 	snop  }
0x25e: {  	[tilespmem:s28], [sflag:$0x1] =	stream.indirect_vreg.gather [hbm4b:s11+s6], $0x80, v2, vm0, $0xb8;
	[tilespmem:$0x12000] =	vst v63  }
0x25f: {  	s28 =	sld [smem:$0x7EA];
	_ =	sdelay $0x2  }
0x260: {  	[tilespmem:s29], [sflag:$0x1] =	stream.indirect_vreg.gather [hbm4b:s28+s6], $0x80, v2, vm0, $0xb8;
	[tilespmem:$0x12000] =	vst v63  }
0x261: {  	s29 =	sld [smem:$0x7EB];
	_ =	sdelay $0x2  }
0x262: {  	[tilespmem:s30], [sflag:$0x1] =	stream.indirect_vreg.gather [hbm4b:s29+s6], $0x80, v2, vm0, $0xb8;
	[tilespmem:$0x12000] =	vst v63  }
0x263: {  	s30 =	sld [smem:$0x7EC];
	_ =	sdelay $0x1  }
0x264: {  	s4 =	sld [smem:$0x7ED]  }
0x265: {  	[tilespmem:s31], [sflag:$0x1] =	stream.indirect_vreg.gather [hbm4b:s30+s6], $0x80, v2, vm0, $0xb8;
	[tilespmem:$0x12000] =	vst v63  }
0x266: {  	s7 =	sld [smem:$0x7EE]  }
0x267: {  	[tilespmem:s17], [sflag:$0x1] =	stream.indirect_vreg.gather [hbm4b:s4+s6], $0x80, v2, vm0, $0xb8;
	[tilespmem:$0x12000] =	vst v63  }
0x268: {  	s8 =	simm.s32 $0x2  }
0x269: {  	[tilespmem:s18], [sflag:$0x1] =	stream.indirect_vreg.gather [hbm4b:s7+s6], $0x80, v2, vm0, $0xb8;
	[tilespmem:$0x12000] =	vst v63  }
0x26a: {  	_ =	swait.ge [sflag:s8], $0x8000  }
0x26b: {  	[sflag:s8] =	ssyncset.done $0x0  }
0x26c: {  	[sflag:s8] =	ssyncadd.s32 $0xFFFF8000  }
0x26d: {  	v2 =	vld.msk [tilespmem:s22+$0x1480], $0xff;
	_ =	sdelay $0x4  }
0x26e: {  	v3 =	vshll.u32 v2, $0x5  }
0x26f: {  	v2 =	vand.u32 $0x7, v2;
	v3 =	vand.u32 $0xFFFFFF00, v3  }
0x270: {  	v2 =	vor.u32 v2, v3  }
0x271: {  	v2 =	vperm.xlane v2, v0;
	_ =	sdelay $0x1  }
0x272: {  	v2 =	vadd.s32 v1, v2;
	_ =	sdelay $0x3  }
0x273: {  	s0 =	simm.s32 $0xA000;
	s9 =	rddreg [dreg:$0x3]  }
0x274: {  	[hbm4b:s9+s6] =	stream.indirect_vreg.scatter [tilespmem:s0], [sflag:$0x4], $0x80, v2, vm0, $0xb8;
	[tilespmem:$0x12000] =	vst v63  }
0x275: {  	s4 =	simm.s32 $0xA800;
	s13 =	rddreg [dreg:$0x1f]  }
0x276: {  	[hbm4b:s16+s6] =	stream.indirect_vreg.scatter [tilespmem:s4], [sflag:$0x4], $0x80, v2, vm0, $0xb8;
	[tilespmem:$0x12000] =	vst v63  }
0x277: {  	s7 =	simm.s32 $0xB000;
	s14 =	sld [smem:$0x7D3]  }
0x278: {  	[hbm4b:s13+s6] =	stream.indirect_vreg.scatter [tilespmem:s7], [sflag:$0x4], $0x80, v2, vm0, $0xb8;
	[tilespmem:$0x12000] =	vst v63  }
0x279: {  	s8 =	simm.s32 $0xB800;
	s16 =	sld [smem:$0x7D4]  }
0x27a: {  	[hbm4b:s14+s6] =	stream.indirect_vreg.scatter [tilespmem:s8], [sflag:$0x4], $0x80, v2, vm0, $0xb8;
	[tilespmem:$0x12000] =	vst v63  }
0x27b: {  	s17 =	sld [smem:$0x7D5];
	s9 =	simm.s32 $0xC000  }
0x27c: {  	[hbm4b:s16+s6] =	stream.indirect_vreg.scatter [tilespmem:s9], [sflag:$0x4], $0x80, v2, vm0, $0xb8;
	[tilespmem:$0x12000] =	vst v63  }
0x27d: {  	s18 =	sld [smem:$0x7D6];
	s14 =	simm.s32 $0xC800  }
0x27e: {  	[hbm4b:s17+s6] =	stream.indirect_vreg.scatter [tilespmem:s14], [sflag:$0x4], $0x80, v2, vm0, $0xb8;
	[tilespmem:$0x12000] =	vst v63  }
0x27f: {  	s19 =	sld [smem:$0x7D7];
	s17 =	simm.s32 $0xD000  }
0x280: {  	[hbm4b:s18+s6] =	stream.indirect_vreg.scatter [tilespmem:s17], [sflag:$0x4], $0x80, v2, vm0, $0xb8;
	[tilespmem:$0x12000] =	vst v63  }
0x281: {  	s20 =	sld [smem:$0x7D8];
	s18 =	simm.s32 $0xD800  }
0x282: {  	[hbm4b:s19+s6] =	stream.indirect_vreg.scatter [tilespmem:s18], [sflag:$0x4], $0x80, v2, vm0, $0xb8;
	[tilespmem:$0x12000] =	vst v63  }
0x283: {  	s23 =	sld [smem:$0x7D9];
	s19 =	simm.s32 $0xE000  }
0x284: {  	[hbm4b:s20+s6] =	stream.indirect_vreg.scatter [tilespmem:s19], [sflag:$0x4], $0x80, v2, vm0, $0xb8;
	[tilespmem:$0x12000] =	vst v63  }
0x285: {  	s26 =	sld [smem:$0x7DA];
	s20 =	simm.s32 $0xE800  }
0x286: {  	[hbm4b:s23+s6] =	stream.indirect_vreg.scatter [tilespmem:s20], [sflag:$0x4], $0x80, v2, vm0, $0xb8;
	[tilespmem:$0x12000] =	vst v63  }
0x287: {  	s28 =	sld [smem:$0x7DB];
	s23 =	simm.s32 $0xF000  }
0x288: {  	[hbm4b:s26+s6] =	stream.indirect_vreg.scatter [tilespmem:s23], [sflag:$0x4], $0x80, v2, vm0, $0xb8;
	[tilespmem:$0x12000] =	vst v63  }
0x289: {  	s29 =	sld [smem:$0x7DC];
	s26 =	simm.s32 $0xF800  }
0x28a: {  	[hbm4b:s28+s6] =	stream.indirect_vreg.scatter [tilespmem:s26], [sflag:$0x4], $0x80, v2, vm0, $0xb8;
	[tilespmem:$0x12000] =	vst v63  }
0x28b: {  	s30 =	sld [smem:$0x7DD];
	s28 =	simm.s32 $0x10000  }
0x28c: {  	[hbm4b:s29+s6] =	stream.indirect_vreg.scatter [tilespmem:s28], [sflag:$0x4], $0x80, v2, vm0, $0xb8;
	[tilespmem:$0x12000] =	vst v63  }
0x28d: {  	s31 =	sld [smem:$0x7DE];
	s29 =	simm.s32 $0x10800  }
0x28e: {  	[hbm4b:s30+s6] =	stream.indirect_vreg.scatter [tilespmem:s29], [sflag:$0x4], $0x80, v2, vm0, $0xb8;
	[tilespmem:$0x12000] =	vst v63  }
0x28f: {  	s16 =	sld [smem:$0x7DF];
	s30 =	simm.s32 $0x11000  }
0x290: {  	[hbm4b:s31+s6] =	stream.indirect_vreg.scatter [tilespmem:s30], [sflag:$0x4], $0x80, v2, vm0, $0xb8;
	[tilespmem:$0x12000] =	vst v63  }
0x291: {  	s31 =	simm.s32 $0x11800  }
0x292: {  	[hbm4b:s16+s6] =	stream.indirect_vreg.scatter [tilespmem:s31], [sflag:$0x4], $0x80, v2, vm0, $0xb8;
	[tilespmem:$0x12000] =	vst v63  }
0x293: {  	s16 =	simm.s32 $0x4  }
0x294: {  	_ =	swait.ge [sflag:s16], $0x8000  }
0x295: {  	[sflag:s16] =	ssyncset.done $0x0  }
0x296: {  	[sflag:s16] =	ssyncadd.s32 $0xFFFF8000  }
0x297: {  	v2 =	vld.msk [tilespmem:s22+$0x580], $0xff;
	_ =	sdelay $0x4  }
0x298: {  	v3 =	vshll.u32 v2, $0x5  }
0x299: {  	v2 =	vand.u32 $0x7, v2;
	v3 =	vand.u32 $0xFFFFFF00, v3  }
0x29a: {  	v2 =	vor.u32 v2, v3  }
0x29b: {  	v2 =	vperm.xlane v2, v0;
	_ =	sdelay $0x1  }
0x29c: {  	v2 =	vadd.s32 v1, v2;
	_ =	sdelay $0x3  }
0x29d: {  	s13 =	rddreg [dreg:$0x1]  }
0x29e: {  	[tilespmem:s0], [sflag:$0x2] =	stream.indirect_vreg.gather [hbm4b:s13+s6], $0x80, v2, vm0, $0xb8;
	[tilespmem:$0x12000] =	vst v63  }
0x29f: {  	_ = 	snop  }
0x2a0: {  	[tilespmem:s4], [sflag:$0x2] =	stream.indirect_vreg.gather [hbm4b:s24+s6], $0x80, v2, vm0, $0xb8;
	[tilespmem:$0x12000] =	vst v63  }
0x2a1: {  	_ = 	snop  }
0x2a2: {  	[tilespmem:s7], [sflag:$0x2] =	stream.indirect_vreg.gather [hbm4b:s15+s6], $0x80, v2, vm0, $0xb8;
	[tilespmem:$0x12000] =	vst v63  }
0x2a3: {  	_ = 	snop  }
0x2a4: {  	[tilespmem:s8], [sflag:$0x2] =	stream.indirect_vreg.gather [hbm4b:s5+s6], $0x80, v2, vm0, $0xb8;
	[tilespmem:$0x12000] =	vst v63  }
0x2a5: {  	_ = 	snop  }
0x2a6: {  	[tilespmem:s9], [sflag:$0x2] =	stream.indirect_vreg.gather [hbm4b:s2+s6], $0x80, v2, vm0, $0xb8;
	[tilespmem:$0x12000] =	vst v63  }
0x2a7: {  	_ = 	snop  }
0x2a8: {  	[tilespmem:s14], [sflag:$0x2] =	stream.indirect_vreg.gather [hbm4b:s1+s6], $0x80, v2, vm0, $0xb8;
	[tilespmem:$0x12000] =	vst v63  }
0x2a9: {  	_ = 	snop  }
0x2aa: {  	[tilespmem:s17], [sflag:$0x2] =	stream.indirect_vreg.gather [hbm4b:s12+s6], $0x80, v2, vm0, $0xb8;
	[tilespmem:$0x12000] =	vst v63  }
0x2ab: {  	_ = 	snop  }
0x2ac: {  	[tilespmem:s18], [sflag:$0x2] =	stream.indirect_vreg.gather [hbm4b:s10+s6], $0x80, v2, vm0, $0xb8;
	[tilespmem:$0x12000] =	vst v63  }
0x2ad: {  	_ = 	snop  }
0x2ae: {  	[tilespmem:s19], [sflag:$0x2] =	stream.indirect_vreg.gather [hbm4b:s3+s6], $0x80, v2, vm0, $0xb8;
	[tilespmem:$0x12000] =	vst v63  }
0x2af: {  	_ = 	snop  }
0x2b0: {  	[tilespmem:s20], [sflag:$0x2] =	stream.indirect_vreg.gather [hbm4b:s25+s6], $0x80, v2, vm0, $0xb8;
	[tilespmem:$0x12000] =	vst v63  }
0x2b1: {  	s25 =	sld [smem:$0x7EA]  }
0x2b2: {  	[tilespmem:s23], [sflag:$0x2] =	stream.indirect_vreg.gather [hbm4b:s11+s6], $0x80, v2, vm0, $0xb8;
	[tilespmem:$0x12000] =	vst v63  }
0x2b3: {  	_ = 	snop  }
0x2b4: {  	[tilespmem:s26], [sflag:$0x2] =	stream.indirect_vreg.gather [hbm4b:s25+s6], $0x80, v2, vm0, $0xb8;
	[tilespmem:$0x12000] =	vst v63  }
0x2b5: {  	s26 =	sld [smem:$0x7EB];
	_ =	sdelay $0x2  }
0x2b6: {  	[tilespmem:s28], [sflag:$0x2] =	stream.indirect_vreg.gather [hbm4b:s26+s6], $0x80, v2, vm0, $0xb8;
	[tilespmem:$0x12000] =	vst v63  }
0x2b7: {  	s28 =	sld [smem:$0x7EC];
	_ =	sdelay $0x2  }
0x2b8: {  	[tilespmem:s29], [sflag:$0x2] =	stream.indirect_vreg.gather [hbm4b:s28+s6], $0x80, v2, vm0, $0xb8;
	[tilespmem:$0x12000] =	vst v63  }
0x2b9: {  	s29 =	sld [smem:$0x7ED];
	_ =	sdelay $0x1  }
0x2ba: {  	p0 =	sne.s32 s21, $0x800  }
0x2bb: {  	[tilespmem:s30], [sflag:$0x2] =	stream.indirect_vreg.gather [hbm4b:s29+s6], $0x80, v2, vm0, $0xb8;
	[tilespmem:$0x12000] =	vst v63  }
.Ltmp1:
0x2bc: {  	_ = 	snop;
	(pc) =	sbr.rel @p0 .LBB2_4-.Ltmp1, $3  }
0x2bd: {  	s30 =	sld [smem:$0x7EE];
	_ =	sdelay $0x1  }
0x2be: {  	s21 =	sadd.s32 $0x400, s21  }
0x2bf: {  	[tilespmem:s31], [sflag:$0x2] =	stream.indirect_vreg.gather [hbm4b:s30+s6], $0x80, v2, vm0, $0xb8;
	[tilespmem:$0x12000] =	vst v63  }
0x2c0: {  	s0 =	simm.s32 $0x1  }
0x2c1: {  	_ =	swait.ge [sflag:s0], $0x8000  }
0x2c2: {  	[sflag:s0] =	ssyncset.done $0x0  }
0x2c3: {  	[sflag:s0] =	ssyncadd.s32 $0xFFFF8000  }
0x2c4: {  	v2 =	vld.msk [tilespmem:$0x1700], $0xff;
	_ =	sdelay $0x4  }
0x2c5: {  	v3 =	vshll.u32 v2, $0x5  }
0x2c6: {  	v2 =	vand.u32 $0x7, v2;
	v3 =	vand.u32 $0xFFFFFF00, v3  }
0x2c7: {  	v2 =	vor.u32 v2, v3  }
0x2c8: {  	v2 =	vperm.xlane v2, v0;
	_ =	sdelay $0x1  }
0x2c9: {  	v2 =	vadd.s32 v1, v2;
	_ =	sdelay $0x2  }
0x2ca: {  	s10 =	rddreg [dreg:$0x1f]  }
0x2cb: {  	s21 =	simm.s32 $0x0;
	s19 =	simm.s32 $0x2000;
	s3 =	rddreg [dreg:$0x3]  }
0x2cc: {  	[hbm4b:s3+s21] =	stream.indirect_vreg.scatter [tilespmem:s19], [sflag:$0x3], $0x80, v2, vm0, $0xb8;
	[tilespmem:$0x12000] =	vst v63  }
0x2cd: {  	s20 =	simm.s32 $0x2800;
	s0 =	rddreg [dreg:$0x1e]  }
0x2ce: {  	[hbm4b:s0+s21] =	stream.indirect_vreg.scatter [tilespmem:s20], [sflag:$0x3], $0x80, v2, vm0, $0xb8;
	[tilespmem:$0x12000] =	vst v63  }
0x2cf: {  	s14 =	simm.s32 $0x3000;
	s11 =	sld [smem:$0x7D3]  }
0x2d0: {  	[hbm4b:s10+s21] =	stream.indirect_vreg.scatter [tilespmem:s14], [sflag:$0x3], $0x80, v2, vm0, $0xb8;
	[tilespmem:$0x12000] =	vst v63  }
0x2d1: {  	s22 =	simm.s32 $0x3800;
	s9 =	sld [smem:$0x7D4]  }
0x2d2: {  	[hbm4b:s11+s21] =	stream.indirect_vreg.scatter [tilespmem:s22], [sflag:$0x3], $0x80, v2, vm0, $0xb8;
	[tilespmem:$0x12000] =	vst v63  }
0x2d3: {  	s1 =	simm.s32 $0x4000;
	s7 =	sld [smem:$0x7D5]  }
0x2d4: {  	[hbm4b:s9+s21] =	stream.indirect_vreg.scatter [tilespmem:s1], [sflag:$0x3], $0x80, v2, vm0, $0xb8;
	[tilespmem:$0x12000] =	vst v63  }
0x2d5: {  	s26 =	simm.s32 $0x4800;
	s5 =	sld [smem:$0x7D6]  }
0x2d6: {  	[hbm4b:s7+s21] =	stream.indirect_vreg.scatter [tilespmem:s26], [sflag:$0x3], $0x80, v2, vm0, $0xb8;
	[tilespmem:$0x12000] =	vst v63  }
0x2d7: {  	s28 =	simm.s32 $0x5000;
	s4 =	sld [smem:$0x7D7]  }
0x2d8: {  	[hbm4b:s5+s21] =	stream.indirect_vreg.scatter [tilespmem:s28], [sflag:$0x3], $0x80, v2, vm0, $0xb8;
	[tilespmem:$0x12000] =	vst v63  }
0x2d9: {  	s29 =	simm.s32 $0x5800;
	s2 =	sld [smem:$0x7D8]  }
0x2da: {  	[hbm4b:s4+s21] =	stream.indirect_vreg.scatter [tilespmem:s29], [sflag:$0x3], $0x80, v2, vm0, $0xb8;
	[tilespmem:$0x12000] =	vst v63  }
0x2db: {  	s30 =	simm.s32 $0x6000;
	s16 =	sld [smem:$0x7D9]  }
0x2dc: {  	[hbm4b:s2+s21] =	stream.indirect_vreg.scatter [tilespmem:s30], [sflag:$0x3], $0x80, v2, vm0, $0xb8;
	[tilespmem:$0x12000] =	vst v63  }
0x2dd: {  	s8 =	simm.s32 $0x6800;
	s24 =	sld [smem:$0x7DA]  }
0x2de: {  	[hbm4b:s16+s21] =	stream.indirect_vreg.scatter [tilespmem:s8], [sflag:$0x3], $0x80, v2, vm0, $0xb8;
	[tilespmem:$0x12000] =	vst v63  }
0x2df: {  	s12 =	simm.s32 $0x7000;
	s31 =	sld [smem:$0x7DB]  }
0x2e0: {  	[hbm4b:s24+s21] =	stream.indirect_vreg.scatter [tilespmem:s12], [sflag:$0x3], $0x80, v2, vm0, $0xb8;
	[tilespmem:$0x12000] =	vst v63  }
0x2e1: {  	s13 =	simm.s32 $0x7800;
	s12 =	sld [smem:$0x7DC]  }
0x2e2: {  	[hbm4b:s31+s21] =	stream.indirect_vreg.scatter [tilespmem:s13], [sflag:$0x3], $0x80, v2, vm0, $0xb8;
	[tilespmem:$0x12000] =	vst v63  }
0x2e3: {  	s15 =	simm.s32 $0x8000;
	s13 =	sld [smem:$0x7DD]  }
0x2e4: {  	[hbm4b:s12+s21] =	stream.indirect_vreg.scatter [tilespmem:s15], [sflag:$0x3], $0x80, v2, vm0, $0xb8;
	[tilespmem:$0x12000] =	vst v63  }
0x2e5: {  	s17 =	simm.s32 $0x8800;
	s28 =	sld [smem:$0x7DE]  }
0x2e6: {  	[hbm4b:s13+s21] =	stream.indirect_vreg.scatter [tilespmem:s17], [sflag:$0x3], $0x80, v2, vm0, $0xb8;
	[tilespmem:$0x12000] =	vst v63  }
0x2e7: {  	s18 =	simm.s32 $0x9000;
	s8 =	sld [smem:$0x7DF]  }
0x2e8: {  	[hbm4b:s28+s21] =	stream.indirect_vreg.scatter [tilespmem:s18], [sflag:$0x3], $0x80, v2, vm0, $0xb8;
	[tilespmem:$0x12000] =	vst v63  }
0x2e9: {  	s23 =	simm.s32 $0x9800;
	s25 =	simm.s32 $0x2  }
0x2ea: {  	[hbm4b:s8+s21] =	stream.indirect_vreg.scatter [tilespmem:s23], [sflag:$0x3], $0x80, v2, vm0, $0xb8;
	[tilespmem:$0x12000] =	vst v63  }
0x2eb: {  	_ =	swait.ge [sflag:s25], $0x8000  }
0x2ec: {  	[sflag:s25] =	ssyncset.done $0x0  }
0x2ed: {  	[sflag:s25] =	ssyncadd.s32 $0xFFFF8000  }
0x2ee: {  	v2 =	vld.msk [tilespmem:$0x1780], $0xff;
	_ =	sdelay $0x4  }
0x2ef: {  	v3 =	vshll.u32 v2, $0x5  }
0x2f0: {  	v2 =	vand.u32 $0x7, v2;
	v3 =	vand.u32 $0xFFFFFF00, v3  }
0x2f1: {  	v2 =	vor.u32 v2, v3  }
0x2f2: {  	v2 =	vperm.xlane v2, v0;
	_ =	sdelay $0x1  }
0x2f3: {  	v2 =	vadd.s32 v1, v2;
	_ =	sdelay $0x3  }
0x2f4: {  	s29 =	simm.s32 $0xA000  }
0x2f5: {  	[hbm4b:s3+s21] =	stream.indirect_vreg.scatter [tilespmem:s29], [sflag:$0x4], $0x80, v2, vm0, $0xb8;
	[tilespmem:$0x12000] =	vst v63  }
0x2f6: {  	s30 =	simm.s32 $0xA800  }
0x2f7: {  	[hbm4b:s0+s21] =	stream.indirect_vreg.scatter [tilespmem:s30], [sflag:$0x4], $0x80, v2, vm0, $0xb8;
	[tilespmem:$0x12000] =	vst v63  }
0x2f8: {  	s23 =	simm.s32 $0xB000  }
0x2f9: {  	[hbm4b:s10+s21] =	stream.indirect_vreg.scatter [tilespmem:s23], [sflag:$0x4], $0x80, v2, vm0, $0xb8;
	[tilespmem:$0x12000] =	vst v63  }
0x2fa: {  	s26 =	simm.s32 $0xB800  }
0x2fb: {  	[hbm4b:s11+s21] =	stream.indirect_vreg.scatter [tilespmem:s26], [sflag:$0x4], $0x80, v2, vm0, $0xb8;
	[tilespmem:$0x12000] =	vst v63  }
0x2fc: {  	s25 =	simm.s32 $0xC000  }
0x2fd: {  	[hbm4b:s9+s21] =	stream.indirect_vreg.scatter [tilespmem:s25], [sflag:$0x4], $0x80, v2, vm0, $0xb8;
	[tilespmem:$0x12000] =	vst v63  }
0x2fe: {  	s1 =	simm.s32 $0xC800  }
0x2ff: {  	[hbm4b:s7+s21] =	stream.indirect_vreg.scatter [tilespmem:s1], [sflag:$0x4], $0x80, v2, vm0, $0xb8;
	[tilespmem:$0x12000] =	vst v63  }
0x300: {  	s17 =	simm.s32 $0xD000  }
0x301: {  	[hbm4b:s5+s21] =	stream.indirect_vreg.scatter [tilespmem:s17], [sflag:$0x4], $0x80, v2, vm0, $0xb8;
	[tilespmem:$0x12000] =	vst v63  }
0x302: {  	s18 =	simm.s32 $0xD800  }
0x303: {  	[hbm4b:s4+s21] =	stream.indirect_vreg.scatter [tilespmem:s18], [sflag:$0x4], $0x80, v2, vm0, $0xb8;
	[tilespmem:$0x12000] =	vst v63  }
0x304: {  	s26 =	simm.s32 $0xE000  }
0x305: {  	[hbm4b:s2+s21] =	stream.indirect_vreg.scatter [tilespmem:s26], [sflag:$0x4], $0x80, v2, vm0, $0xb8;
	[tilespmem:$0x12000] =	vst v63  }
0x306: {  	s15 =	simm.s32 $0xE800  }
0x307: {  	[hbm4b:s16+s21] =	stream.indirect_vreg.scatter [tilespmem:s15], [sflag:$0x4], $0x80, v2, vm0, $0xb8;
	[tilespmem:$0x12000] =	vst v63  }
0x308: {  	s16 =	simm.s32 $0xF000  }
0x309: {  	[hbm4b:s24+s21] =	stream.indirect_vreg.scatter [tilespmem:s16], [sflag:$0x4], $0x80, v2, vm0, $0xb8;
	[tilespmem:$0x12000] =	vst v63  }
0x30a: {  	s24 =	simm.s32 $0xF800  }
0x30b: {  	[hbm4b:s31+s21] =	stream.indirect_vreg.scatter [tilespmem:s24], [sflag:$0x4], $0x80, v2, vm0, $0xb8;
	[tilespmem:$0x12000] =	vst v63  }
0x30c: {  	s2 =	simm.s32 $0x10000  }
0x30d: {  	[hbm4b:s12+s21] =	stream.indirect_vreg.scatter [tilespmem:s2], [sflag:$0x4], $0x80, v2, vm0, $0xb8;
	[tilespmem:$0x12000] =	vst v63  }
0x30e: {  	s3 =	simm.s32 $0x10800  }
0x30f: {  	[hbm4b:s13+s21] =	stream.indirect_vreg.scatter [tilespmem:s3], [sflag:$0x4], $0x80, v2, vm0, $0xb8;
	[tilespmem:$0x12000] =	vst v63  }
0x310: {  	s13 =	simm.s32 $0x11000  }
0x311: {  	[hbm4b:s28+s21] =	stream.indirect_vreg.scatter [tilespmem:s13], [sflag:$0x4], $0x80, v2, vm0, $0xb8;
	[tilespmem:$0x12000] =	vst v63  }
0x312: {  	s4 =	simm.s32 $0x3;
	s28 =	simm.s32 $0x11800  }
0x313: {  	[hbm4b:s8+s21] =	stream.indirect_vreg.scatter [tilespmem:s28], [sflag:$0x4], $0x80, v2, vm0, $0xb8;
	[tilespmem:$0x12000] =	vst v63  }
0x314: {  	_ =	swait.ge [sflag:s4], $0x8000  }
0x315: {  	[sflag:s4] =	ssyncset.done $0x0  }
0x316: {  	s5 =	simm.s32 $0x4;
	[sflag:s4] =	ssyncadd.s32 $0xFFFF8000  }
0x317: {  	_ =	swait.ge [sflag:s5], $0x8000  }
0x318: {  	[sflag:s5] =	ssyncset.done $0x0  }
0x319: {  	[sflag:s5] =	ssyncadd.s32 $0xFFFF8000  }
0x31a: {  	v2 =	vld.msk [tilespmem:$0x800], $0xff;
	_ =	sdelay $0x4  }
0x31b: {  	v3 =	vshll.u32 v2, $0x5  }
0x31c: {  	v2 =	vand.u32 $0x7, v2;
	v3 =	vand.u32 $0xFFFFFF00, v3  }
0x31d: {  	v2 =	vor.u32 v2, v3  }
0x31e: {  	v2 =	vperm.xlane v2, v0;
	_ =	sdelay $0x1  }
0x31f: {  	v2 =	vadd.s32 v1, v2;
	_ =	sdelay $0x3  }
0x320: {  	s11 =	rddreg [dreg:$0x1]  }
0x321: {  	[tilespmem:s19], [sflag:$0x1] =	stream.indirect_vreg.gather [hbm4b:s11+s21], $0x80, v2, vm0, $0xb8;
	[tilespmem:$0x12000] =	vst v63  }
0x322: {  	s19 =	sld [smem:$0x7E0];
	_ =	sdelay $0x2  }
0x323: {  	[tilespmem:s20], [sflag:$0x1] =	stream.indirect_vreg.gather [hbm4b:s19+s21], $0x80, v2, vm0, $0xb8;
	[tilespmem:$0x12000] =	vst v63  }
0x324: {  	s20 =	sld [smem:$0x7E1];
	_ =	sdelay $0x2  }
0x325: {  	[tilespmem:s14], [sflag:$0x1] =	stream.indirect_vreg.gather [hbm4b:s20+s21], $0x80, v2, vm0, $0xb8;
	[tilespmem:$0x12000] =	vst v63  }
0x326: {  	s14 =	sld [smem:$0x7E2];
	_ =	sdelay $0x2  }
0x327: {  	[tilespmem:s22], [sflag:$0x1] =	stream.indirect_vreg.gather [hbm4b:s14+s21], $0x80, v2, vm0, $0xb8;
	[tilespmem:$0x12000] =	vst v63  }
0x328: {  	s22 =	sld [smem:$0x7E3];
	_ =	sdelay $0x1  }
0x329: {  	s7 =	simm.s32 $0x4000  }
0x32a: {  	[tilespmem:s7], [sflag:$0x1] =	stream.indirect_vreg.gather [hbm4b:s22+s21], $0x80, v2, vm0, $0xb8;
	[tilespmem:$0x12000] =	vst v63  }
0x32b: {  	s7 =	sld [smem:$0x7E4];
	_ =	sdelay $0x1  }
0x32c: {  	s8 =	simm.s32 $0x4800  }
0x32d: {  	[tilespmem:s8], [sflag:$0x1] =	stream.indirect_vreg.gather [hbm4b:s7+s21], $0x80, v2, vm0, $0xb8;
	[tilespmem:$0x12000] =	vst v63  }
0x32e: {  	s8 =	sld [smem:$0x7E5];
	_ =	sdelay $0x1  }
0x32f: {  	s9 =	simm.s32 $0x5000  }
0x330: {  	[tilespmem:s9], [sflag:$0x1] =	stream.indirect_vreg.gather [hbm4b:s8+s21], $0x80, v2, vm0, $0xb8;
	[tilespmem:$0x12000] =	vst v63  }
0x331: {  	s9 =	sld [smem:$0x7E6];
	_ =	sdelay $0x1  }
0x332: {  	s10 =	simm.s32 $0x5800  }
0x333: {  	[tilespmem:s10], [sflag:$0x1] =	stream.indirect_vreg.gather [hbm4b:s9+s21], $0x80, v2, vm0, $0xb8;
	[tilespmem:$0x12000] =	vst v63  }
0x334: {  	s10 =	sld [smem:$0x7E7];
	_ =	sdelay $0x1  }
0x335: {  	s12 =	simm.s32 $0x6000;
	s4 =	sld [smem:$0x7E8]  }
0x336: {  	[tilespmem:s12], [sflag:$0x1] =	stream.indirect_vreg.gather [hbm4b:s10+s21], $0x80, v2, vm0, $0xb8;
	[tilespmem:$0x12000] =	vst v63  }
0x337: {  	s1 =	simm.s32 $0x6800;
	s5 =	sld [smem:$0x7E9]  }
0x338: {  	[tilespmem:s1], [sflag:$0x1] =	stream.indirect_vreg.gather [hbm4b:s4+s21], $0x80, v2, vm0, $0xb8;
	[tilespmem:$0x12000] =	vst v63  }
0x339: {  	s2 =	simm.s32 $0x7000;
	s31 =	sld [smem:$0x7EA]  }
0x33a: {  	[tilespmem:s2], [sflag:$0x1] =	stream.indirect_vreg.gather [hbm4b:s5+s21], $0x80, v2, vm0, $0xb8;
	[tilespmem:$0x12000] =	vst v63  }
0x33b: {  	s3 =	simm.s32 $0x7800  }
0x33c: {  	[tilespmem:s3], [sflag:$0x1] =	stream.indirect_vreg.gather [hbm4b:s31+s21], $0x80, v2, vm0, $0xb8;
	[tilespmem:$0x12000] =	vst v63  }
0x33d: {  	s3 =	sld [smem:$0x7EB];
	_ =	sdelay $0x1  }
0x33e: {  	s12 =	simm.s32 $0x8000;
	s2 =	sld [smem:$0x7EC]  }
0x33f: {  	[tilespmem:s12], [sflag:$0x1] =	stream.indirect_vreg.gather [hbm4b:s3+s21], $0x80, v2, vm0, $0xb8;
	[tilespmem:$0x12000] =	vst v63  }
0x340: {  	s1 =	simm.s32 $0x8800  }
0x341: {  	[tilespmem:s1], [sflag:$0x1] =	stream.indirect_vreg.gather [hbm4b:s2+s21], $0x80, v2, vm0, $0xb8;
	[tilespmem:$0x12000] =	vst v63  }
0x342: {  	s1 =	sld [smem:$0x7ED];
	_ =	sdelay $0x1  }
0x343: {  	s0 =	sld [smem:$0x7EE];
	s12 =	simm.s32 $0x9000  }
0x344: {  	[tilespmem:s12], [sflag:$0x1] =	stream.indirect_vreg.gather [hbm4b:s1+s21], $0x80, v2, vm0, $0xb8;
	[tilespmem:$0x12000] =	vst v63  }
0x345: {  	s12 =	simm.s32 $0x9800  }
0x346: {  	[tilespmem:s12], [sflag:$0x1] =	stream.indirect_vreg.gather [hbm4b:s0+s21], $0x80, v2, vm0, $0xb8;
	[tilespmem:$0x12000] =	vst v63  }
0x347: {  	v2 =	vld.msk [tilespmem:$0x880], $0xff;
	_ =	sdelay $0x4  }
0x348: {  	v3 =	vshll.u32 v2, $0x5  }
0x349: {  	v2 =	vand.u32 $0x7, v2;
	v3 =	vand.u32 $0xFFFFFF00, v3  }
0x34a: {  	v2 =	vor.u32 v2, v3  }
0x34b: {  	v2 =	vperm.xlane v2, v0;
	_ =	sdelay $0x1  }
0x34c: {  	v2 =	vadd.s32 v1, v2;
	_ =	sdelay $0x4  }
0x34d: {  	[tilespmem:s29], [sflag:$0x2] =	stream.indirect_vreg.gather [hbm4b:s11+s21], $0x80, v2, vm0, $0xb8;
	[tilespmem:$0x12000] =	vst v63  }
0x34e: {  	_ = 	snop  }
0x34f: {  	[tilespmem:s30], [sflag:$0x2] =	stream.indirect_vreg.gather [hbm4b:s19+s21], $0x80, v2, vm0, $0xb8;
	[tilespmem:$0x12000] =	vst v63  }
0x350: {  	_ = 	snop  }
0x351: {  	[tilespmem:s23], [sflag:$0x2] =	stream.indirect_vreg.gather [hbm4b:s20+s21], $0x80, v2, vm0, $0xb8;
	[tilespmem:$0x12000] =	vst v63  }
0x352: {  	s23 =	simm.s32 $0xB800  }
0x353: {  	[tilespmem:s23], [sflag:$0x2] =	stream.indirect_vreg.gather [hbm4b:s14+s21], $0x80, v2, vm0, $0xb8;
	[tilespmem:$0x12000] =	vst v63  }
0x354: {  	_ = 	snop  }
0x355: {  	[tilespmem:s25], [sflag:$0x2] =	stream.indirect_vreg.gather [hbm4b:s22+s21], $0x80, v2, vm0, $0xb8;
	[tilespmem:$0x12000] =	vst v63  }
0x356: {  	s25 =	simm.s32 $0xC800  }
0x357: {  	[tilespmem:s25], [sflag:$0x2] =	stream.indirect_vreg.gather [hbm4b:s7+s21], $0x80, v2, vm0, $0xb8;
	[tilespmem:$0x12000] =	vst v63  }
0x358: {  	_ = 	snop  }
0x359: {  	[tilespmem:s17], [sflag:$0x2] =	stream.indirect_vreg.gather [hbm4b:s8+s21], $0x80, v2, vm0, $0xb8;
	[tilespmem:$0x12000] =	vst v63  }
0x35a: {  	_ = 	snop  }
0x35b: {  	[tilespmem:s18], [sflag:$0x2] =	stream.indirect_vreg.gather [hbm4b:s9+s21], $0x80, v2, vm0, $0xb8;
	[tilespmem:$0x12000] =	vst v63  }
0x35c: {  	_ = 	snop  }
0x35d: {  	[tilespmem:s26], [sflag:$0x2] =	stream.indirect_vreg.gather [hbm4b:s10+s21], $0x80, v2, vm0, $0xb8;
	[tilespmem:$0x12000] =	vst v63  }
0x35e: {  	_ = 	snop  }
0x35f: {  	[tilespmem:s15], [sflag:$0x2] =	stream.indirect_vreg.gather [hbm4b:s4+s21], $0x80, v2, vm0, $0xb8;
	[tilespmem:$0x12000] =	vst v63  }
0x360: {  	_ = 	snop  }
0x361: {  	[tilespmem:s16], [sflag:$0x2] =	stream.indirect_vreg.gather [hbm4b:s5+s21], $0x80, v2, vm0, $0xb8;
	[tilespmem:$0x12000] =	vst v63  }
0x362: {  	_ = 	snop  }
0x363: {  	[tilespmem:s24], [sflag:$0x2] =	stream.indirect_vreg.gather [hbm4b:s31+s21], $0x80, v2, vm0, $0xb8;
	[tilespmem:$0x12000] =	vst v63  }
0x364: {  	s29 =	simm.s32 $0x10000  }
0x365: {  	[tilespmem:s29], [sflag:$0x2] =	stream.indirect_vreg.gather [hbm4b:s3+s21], $0x80, v2, vm0, $0xb8;
	[tilespmem:$0x12000] =	vst v63  }
0x366: {  	s30 =	simm.s32 $0x10800  }
0x367: {  	[tilespmem:s30], [sflag:$0x2] =	stream.indirect_vreg.gather [hbm4b:s2+s21], $0x80, v2, vm0, $0xb8;
	[tilespmem:$0x12000] =	vst v63  }
0x368: {  	_ = 	snop  }
0x369: {  	[tilespmem:s13], [sflag:$0x2] =	stream.indirect_vreg.gather [hbm4b:s1+s21], $0x80, v2, vm0, $0xb8;
	[tilespmem:$0x12000] =	vst v63  }
0x36a: {  	_ = 	snop  }
0x36b: {  	[tilespmem:s28], [sflag:$0x2] =	stream.indirect_vreg.gather [hbm4b:s0+s21], $0x80, v2, vm0, $0xb8;
	[tilespmem:$0x12000] =	vst v63  }
.LBB2_6:
0x36c: {  	s0 =	simm.s32 $0x1  }
0x36d: {  	_ =	swait.ge [sflag:s0], $0x8000  }
0x36e: {  	[sflag:s0] =	ssyncset.done $0x0  }
0x36f: {  	s22 =	sshra.s32 s21, $0x2;
	[sflag:s0] =	ssyncadd.s32 $0xFFFF8000  }
0x370: {  	v2 =	vld.msk [tilespmem:s22+$0x1800], $0xff;
	_ =	sdelay $0x4  }
0x371: {  	v3 =	vshll.u32 v2, $0x5  }
0x372: {  	v2 =	vand.u32 $0x7, v2;
	v3 =	vand.u32 $0xFFFFFF00, v3  }
0x373: {  	v2 =	vor.u32 v2, v3  }
0x374: {  	v2 =	vperm.xlane v2, v0;
	_ =	sdelay $0x1  }
0x375: {  	v2 =	vadd.s32 v1, v2;
	_ =	sdelay $0x2  }
0x376: {  	s1 =	sld [smem:$0x7EF]  }
0x377: {  	s10 =	simm.s32 $0x2000;
	s0 =	rddreg [dreg:$0x4]  }
0x378: {  	[hbm4b:s0+s6] =	stream.indirect_vreg.scatter [tilespmem:s10], [sflag:$0x3], $0x80, v2, vm0, $0xb8;
	[tilespmem:$0x12000] =	vst v63  }
0x379: {  	s11 =	simm.s32 $0x2800;
	s3 =	sld [smem:$0x7F0]  }
0x37a: {  	[hbm4b:s1+s6] =	stream.indirect_vreg.scatter [tilespmem:s11], [sflag:$0x3], $0x80, v2, vm0, $0xb8;
	[tilespmem:$0x12000] =	vst v63  }
0x37b: {  	s12 =	simm.s32 $0x3000;
	s15 =	sld [smem:$0x7F1]  }
0x37c: {  	[hbm4b:s3+s6] =	stream.indirect_vreg.scatter [tilespmem:s12], [sflag:$0x3], $0x80, v2, vm0, $0xb8;
	[tilespmem:$0x12000] =	vst v63  }
0x37d: {  	s13 =	simm.s32 $0x3800;
	s18 =	sld [smem:$0x7F2]  }
0x37e: {  	[hbm4b:s15+s6] =	stream.indirect_vreg.scatter [tilespmem:s13], [sflag:$0x3], $0x80, v2, vm0, $0xb8;
	[tilespmem:$0x12000] =	vst v63  }
0x37f: {  	s24 =	sld [smem:$0x7F3];
	s0 =	simm.s32 $0x4000  }
0x380: {  	[hbm4b:s18+s6] =	stream.indirect_vreg.scatter [tilespmem:s0], [sflag:$0x3], $0x80, v2, vm0, $0xb8;
	[tilespmem:$0x12000] =	vst v63  }
0x381: {  	s4 =	simm.s32 $0x4800;
	s29 =	sld [smem:$0x7F4]  }
0x382: {  	[hbm4b:s24+s6] =	stream.indirect_vreg.scatter [tilespmem:s4], [sflag:$0x3], $0x80, v2, vm0, $0xb8;
	[tilespmem:$0x12000] =	vst v63  }
0x383: {  	s7 =	simm.s32 $0x5000;
	s2 =	sld [smem:$0x7F8]  }
0x384: {  	[hbm4b:s29+s6] =	stream.indirect_vreg.scatter [tilespmem:s7], [sflag:$0x3], $0x80, v2, vm0, $0xb8;
	[tilespmem:$0x12000] =	vst v63  }
0x385: {  	s8 =	simm.s32 $0x5800;
	s5 =	sld [smem:$0x7F9]  }
0x386: {  	[hbm4b:s2+s6] =	stream.indirect_vreg.scatter [tilespmem:s8], [sflag:$0x3], $0x80, v2, vm0, $0xb8;
	[tilespmem:$0x12000] =	vst v63  }
0x387: {  	s9 =	simm.s32 $0x6000;
	s23 =	sld [smem:$0x7FA]  }
0x388: {  	[hbm4b:s5+s6] =	stream.indirect_vreg.scatter [tilespmem:s9], [sflag:$0x3], $0x80, v2, vm0, $0xb8;
	[tilespmem:$0x12000] =	vst v63  }
0x389: {  	s14 =	simm.s32 $0x6800;
	s16 =	sld [smem:$0x7FB]  }
0x38a: {  	[hbm4b:s23+s6] =	stream.indirect_vreg.scatter [tilespmem:s14], [sflag:$0x3], $0x80, v2, vm0, $0xb8;
	[tilespmem:$0x12000] =	vst v63  }
0x38b: {  	s19 =	simm.s32 $0x7000;
	s25 =	sld [smem:$0x7FC]  }
0x38c: {  	[hbm4b:s16+s6] =	stream.indirect_vreg.scatter [tilespmem:s19], [sflag:$0x3], $0x80, v2, vm0, $0xb8;
	[tilespmem:$0x12000] =	vst v63  }
0x38d: {  	s20 =	simm.s32 $0x7800;
	s17 =	sld [smem:$0x7FD]  }
0x38e: {  	[hbm4b:s25+s6] =	stream.indirect_vreg.scatter [tilespmem:s20], [sflag:$0x3], $0x80, v2, vm0, $0xb8;
	[tilespmem:$0x12000] =	vst v63  }
0x38f: {  	s26 =	sld [smem:$0x7F5];
	s23 =	simm.s32 $0x8000  }
0x390: {  	[hbm4b:s17+s6] =	stream.indirect_vreg.scatter [tilespmem:s23], [sflag:$0x3], $0x80, v2, vm0, $0xb8;
	[tilespmem:$0x12000] =	vst v63  }
0x391: {  	s28 =	sld [smem:$0x7F6];
	s25 =	simm.s32 $0x8800  }
0x392: {  	[hbm4b:s26+s6] =	stream.indirect_vreg.scatter [tilespmem:s25], [sflag:$0x3], $0x80, v2, vm0, $0xb8;
	[tilespmem:$0x12000] =	vst v63  }
0x393: {  	s30 =	sld [smem:$0x7F7];
	s26 =	simm.s32 $0x9000  }
0x394: {  	[hbm4b:s28+s6] =	stream.indirect_vreg.scatter [tilespmem:s26], [sflag:$0x3], $0x80, v2, vm0, $0xb8;
	[tilespmem:$0x12000] =	vst v63  }
0x395: {  	s28 =	simm.s32 $0x9800  }
0x396: {  	[hbm4b:s30+s6] =	stream.indirect_vreg.scatter [tilespmem:s28], [sflag:$0x3], $0x80, v2, vm0, $0xb8;
	[tilespmem:$0x12000] =	vst v63  }
0x397: {  	s30 =	simm.s32 $0x3  }
0x398: {  	_ =	swait.ge [sflag:s30], $0x8000  }
0x399: {  	[sflag:s30] =	ssyncset.done $0x0  }
0x39a: {  	[sflag:s30] =	ssyncadd.s32 $0xFFFF8000  }
0x39b: {  	v2 =	vld.msk [tilespmem:s22+$0x900], $0xff;
	_ =	sdelay $0x4  }
0x39c: {  	v3 =	vshll.u32 v2, $0x5  }
0x39d: {  	v2 =	vand.u32 $0x7, v2;
	v3 =	vand.u32 $0xFFFFFF00, v3  }
0x39e: {  	v2 =	vor.u32 v2, v3  }
0x39f: {  	v2 =	vperm.xlane v2, v0;
	_ =	sdelay $0x1  }
0x3a0: {  	v2 =	vadd.s32 v1, v2;
	_ =	sdelay $0x2  }
0x3a1: {  	s2 =	sld [smem:$0x7E0]  }
0x3a2: {  	s30 =	rddreg [dreg:$0x1]  }
0x3a3: {  	[tilespmem:s10], [sflag:$0x1] =	stream.indirect_vreg.gather [hbm4b:s30+s6], $0x80, v2, vm0, $0xb8;
	[tilespmem:$0x12000] =	vst v63  }
0x3a4: {  	_ = 	snop  }
0x3a5: {  	[tilespmem:s11], [sflag:$0x1] =	stream.indirect_vreg.gather [hbm4b:s2+s6], $0x80, v2, vm0, $0xb8;
	[tilespmem:$0x12000] =	vst v63  }
0x3a6: {  	s11 =	sld [smem:$0x7E1];
	_ =	sdelay $0x2  }
0x3a7: {  	[tilespmem:s12], [sflag:$0x1] =	stream.indirect_vreg.gather [hbm4b:s11+s6], $0x80, v2, vm0, $0xb8;
	[tilespmem:$0x12000] =	vst v63  }
0x3a8: {  	s12 =	sld [smem:$0x7E2];
	_ =	sdelay $0x1  }
0x3a9: {  	s30 =	sld [smem:$0x7E3]  }
0x3aa: {  	[tilespmem:s13], [sflag:$0x1] =	stream.indirect_vreg.gather [hbm4b:s12+s6], $0x80, v2, vm0, $0xb8;
	[tilespmem:$0x12000] =	vst v63  }
0x3ab: {  	_ = 	snop  }
0x3ac: {  	[tilespmem:s0], [sflag:$0x1] =	stream.indirect_vreg.gather [hbm4b:s30+s6], $0x80, v2, vm0, $0xb8;
	[tilespmem:$0x12000] =	vst v63  }
0x3ad: {  	s30 =	sld [smem:$0x7E4];
	_ =	sdelay $0x1  }
0x3ae: {  	s10 =	sld [smem:$0x7E5]  }
0x3af: {  	[tilespmem:s4], [sflag:$0x1] =	stream.indirect_vreg.gather [hbm4b:s30+s6], $0x80, v2, vm0, $0xb8;
	[tilespmem:$0x12000] =	vst v63  }
0x3b0: {  	s11 =	sld [smem:$0x7E6]  }
0x3b1: {  	[tilespmem:s7], [sflag:$0x1] =	stream.indirect_vreg.gather [hbm4b:s10+s6], $0x80, v2, vm0, $0xb8;
	[tilespmem:$0x12000] =	vst v63  }
0x3b2: {  	s12 =	sld [smem:$0x7E7]  }
0x3b3: {  	[tilespmem:s8], [sflag:$0x1] =	stream.indirect_vreg.gather [hbm4b:s11+s6], $0x80, v2, vm0, $0xb8;
	[tilespmem:$0x12000] =	vst v63  }
0x3b4: {  	s13 =	sld [smem:$0x7E8]  }
0x3b5: {  	[tilespmem:s9], [sflag:$0x1] =	stream.indirect_vreg.gather [hbm4b:s12+s6], $0x80, v2, vm0, $0xb8;
	[tilespmem:$0x12000] =	vst v63  }
0x3b6: {  	_ = 	snop  }
0x3b7: {  	[tilespmem:s14], [sflag:$0x1] =	stream.indirect_vreg.gather [hbm4b:s13+s6], $0x80, v2, vm0, $0xb8;
	[tilespmem:$0x12000] =	vst v63  }
0x3b8: {  	s14 =	sld [smem:$0x7E9];
	_ =	sdelay $0x2  }
0x3b9: {  	[tilespmem:s19], [sflag:$0x1] =	stream.indirect_vreg.gather [hbm4b:s14+s6], $0x80, v2, vm0, $0xb8;
	[tilespmem:$0x12000] =	vst v63  }
0x3ba: {  	s19 =	sld [smem:$0x7EB]  }
0x3bb: {  	[tilespmem:s20], [sflag:$0x1] =	stream.indirect_vreg.gather [hbm4b:s31+s6], $0x80, v2, vm0, $0xb8;
	[tilespmem:$0x12000] =	vst v63  }
0x3bc: {  	s20 =	sld [smem:$0x7EC]  }
0x3bd: {  	[tilespmem:s23], [sflag:$0x1] =	stream.indirect_vreg.gather [hbm4b:s19+s6], $0x80, v2, vm0, $0xb8;
	[tilespmem:$0x12000] =	vst v63  }
0x3be: {  	s23 =	sld [smem:$0x7ED]  }
0x3bf: {  	[tilespmem:s25], [sflag:$0x1] =	stream.indirect_vreg.gather [hbm4b:s20+s6], $0x80, v2, vm0, $0xb8;
	[tilespmem:$0x12000] =	vst v63  }
0x3c0: {  	s25 =	sld [smem:$0x7EE]  }
0x3c1: {  	[tilespmem:s26], [sflag:$0x1] =	stream.indirect_vreg.gather [hbm4b:s23+s6], $0x80, v2, vm0, $0xb8;
	[tilespmem:$0x12000] =	vst v63  }
0x3c2: {  	s26 =	simm.s32 $0x2  }
0x3c3: {  	[tilespmem:s28], [sflag:$0x1] =	stream.indirect_vreg.gather [hbm4b:s25+s6], $0x80, v2, vm0, $0xb8;
	[tilespmem:$0x12000] =	vst v63  }
0x3c4: {  	_ =	swait.ge [sflag:s26], $0x8000  }
0x3c5: {  	[sflag:s26] =	ssyncset.done $0x0  }
0x3c6: {  	[sflag:s26] =	ssyncadd.s32 $0xFFFF8000  }
0x3c7: {  	v2 =	vld.msk [tilespmem:s22+$0x1880], $0xff;
	_ =	sdelay $0x4  }
0x3c8: {  	v3 =	vshll.u32 v2, $0x5  }
0x3c9: {  	v2 =	vand.u32 $0x7, v2;
	v3 =	vand.u32 $0xFFFFFF00, v3  }
0x3ca: {  	v2 =	vor.u32 v2, v3  }
0x3cb: {  	v2 =	vperm.xlane v2, v0;
	_ =	sdelay $0x1  }
0x3cc: {  	v2 =	vadd.s32 v1, v2;
	_ =	sdelay $0x3  }
0x3cd: {  	s0 =	simm.s32 $0xA000;
	s28 =	rddreg [dreg:$0x4]  }
0x3ce: {  	[hbm4b:s28+s6] =	stream.indirect_vreg.scatter [tilespmem:s0], [sflag:$0x4], $0x80, v2, vm0, $0xb8;
	[tilespmem:$0x12000] =	vst v63  }
0x3cf: {  	s7 =	simm.s32 $0xA800  }
0x3d0: {  	[hbm4b:s1+s6] =	stream.indirect_vreg.scatter [tilespmem:s7], [sflag:$0x4], $0x80, v2, vm0, $0xb8;
	[tilespmem:$0x12000] =	vst v63  }
0x3d1: {  	s8 =	simm.s32 $0xB000  }
0x3d2: {  	[hbm4b:s3+s6] =	stream.indirect_vreg.scatter [tilespmem:s8], [sflag:$0x4], $0x80, v2, vm0, $0xb8;
	[tilespmem:$0x12000] =	vst v63  }
0x3d3: {  	s9 =	simm.s32 $0xB800  }
0x3d4: {  	[hbm4b:s15+s6] =	stream.indirect_vreg.scatter [tilespmem:s9], [sflag:$0x4], $0x80, v2, vm0, $0xb8;
	[tilespmem:$0x12000] =	vst v63  }
0x3d5: {  	s10 =	simm.s32 $0xC000  }
0x3d6: {  	[hbm4b:s18+s6] =	stream.indirect_vreg.scatter [tilespmem:s10], [sflag:$0x4], $0x80, v2, vm0, $0xb8;
	[tilespmem:$0x12000] =	vst v63  }
0x3d7: {  	s11 =	simm.s32 $0xC800  }
0x3d8: {  	[hbm4b:s24+s6] =	stream.indirect_vreg.scatter [tilespmem:s11], [sflag:$0x4], $0x80, v2, vm0, $0xb8;
	[tilespmem:$0x12000] =	vst v63  }
0x3d9: {  	s13 =	sld [smem:$0x7F8];
	s15 =	simm.s32 $0xD000  }
0x3da: {  	[hbm4b:s29+s6] =	stream.indirect_vreg.scatter [tilespmem:s15], [sflag:$0x4], $0x80, v2, vm0, $0xb8;
	[tilespmem:$0x12000] =	vst v63  }
0x3db: {  	s12 =	simm.s32 $0xD800  }
0x3dc: {  	[hbm4b:s13+s6] =	stream.indirect_vreg.scatter [tilespmem:s12], [sflag:$0x4], $0x80, v2, vm0, $0xb8;
	[tilespmem:$0x12000] =	vst v63  }
0x3dd: {  	s14 =	simm.s32 $0xE000;
	s20 =	sld [smem:$0x7FA]  }
0x3de: {  	[hbm4b:s5+s6] =	stream.indirect_vreg.scatter [tilespmem:s14], [sflag:$0x4], $0x80, v2, vm0, $0xb8;
	[tilespmem:$0x12000] =	vst v63  }
0x3df: {  	s18 =	simm.s32 $0xE800  }
0x3e0: {  	[hbm4b:s20+s6] =	stream.indirect_vreg.scatter [tilespmem:s18], [sflag:$0x4], $0x80, v2, vm0, $0xb8;
	[tilespmem:$0x12000] =	vst v63  }
0x3e1: {  	s19 =	simm.s32 $0xF000;
	s23 =	sld [smem:$0x7FC]  }
0x3e2: {  	[hbm4b:s16+s6] =	stream.indirect_vreg.scatter [tilespmem:s19], [sflag:$0x4], $0x80, v2, vm0, $0xb8;
	[tilespmem:$0x12000] =	vst v63  }
0x3e3: {  	s20 =	simm.s32 $0xF800  }
0x3e4: {  	[hbm4b:s23+s6] =	stream.indirect_vreg.scatter [tilespmem:s20], [sflag:$0x4], $0x80, v2, vm0, $0xb8;
	[tilespmem:$0x12000] =	vst v63  }
0x3e5: {  	s26 =	sld [smem:$0x7F5];
	s24 =	simm.s32 $0x10000  }
0x3e6: {  	[hbm4b:s17+s6] =	stream.indirect_vreg.scatter [tilespmem:s24], [sflag:$0x4], $0x80, v2, vm0, $0xb8;
	[tilespmem:$0x12000] =	vst v63  }
0x3e7: {  	s25 =	simm.s32 $0x10800;
	s28 =	sld [smem:$0x7F6]  }
0x3e8: {  	[hbm4b:s26+s6] =	stream.indirect_vreg.scatter [tilespmem:s25], [sflag:$0x4], $0x80, v2, vm0, $0xb8;
	[tilespmem:$0x12000] =	vst v63  }
0x3e9: {  	s29 =	sld [smem:$0x7F7];
	s26 =	simm.s32 $0x11000  }
0x3ea: {  	[hbm4b:s28+s6] =	stream.indirect_vreg.scatter [tilespmem:s26], [sflag:$0x4], $0x80, v2, vm0, $0xb8;
	[tilespmem:$0x12000] =	vst v63  }
0x3eb: {  	s31 =	simm.s32 $0x4;
	s28 =	simm.s32 $0x11800  }
0x3ec: {  	[hbm4b:s29+s6] =	stream.indirect_vreg.scatter [tilespmem:s28], [sflag:$0x4], $0x80, v2, vm0, $0xb8;
	[tilespmem:$0x12000] =	vst v63  }
0x3ed: {  	_ =	swait.ge [sflag:s31], $0x8000  }
0x3ee: {  	[sflag:s31] =	ssyncset.done $0x0  }
0x3ef: {  	[sflag:s31] =	ssyncadd.s32 $0xFFFF8000  }
0x3f0: {  	v2 =	vld.msk [tilespmem:s22+$0x980], $0xff;
	_ =	sdelay $0x4  }
0x3f1: {  	v3 =	vshll.u32 v2, $0x5  }
0x3f2: {  	v2 =	vand.u32 $0x7, v2;
	v3 =	vand.u32 $0xFFFFFF00, v3  }
0x3f3: {  	v2 =	vor.u32 v2, v3  }
0x3f4: {  	v2 =	vperm.xlane v2, v0;
	_ =	sdelay $0x1  }
0x3f5: {  	v2 =	vadd.s32 v1, v2;
	_ =	sdelay $0x3  }
0x3f6: {  	s3 =	rddreg [dreg:$0x1]  }
0x3f7: {  	[tilespmem:s0], [sflag:$0x2] =	stream.indirect_vreg.gather [hbm4b:s3+s6], $0x80, v2, vm0, $0xb8;
	[tilespmem:$0x12000] =	vst v63  }
0x3f8: {  	s5 =	sld [smem:$0x7E1]  }
0x3f9: {  	[tilespmem:s7], [sflag:$0x2] =	stream.indirect_vreg.gather [hbm4b:s2+s6], $0x80, v2, vm0, $0xb8;
	[tilespmem:$0x12000] =	vst v63  }
0x3fa: {  	s7 =	sld [smem:$0x7E2]  }
0x3fb: {  	[tilespmem:s8], [sflag:$0x2] =	stream.indirect_vreg.gather [hbm4b:s5+s6], $0x80, v2, vm0, $0xb8;
	[tilespmem:$0x12000] =	vst v63  }
0x3fc: {  	s8 =	sld [smem:$0x7E3]  }
0x3fd: {  	[tilespmem:s9], [sflag:$0x2] =	stream.indirect_vreg.gather [hbm4b:s7+s6], $0x80, v2, vm0, $0xb8;
	[tilespmem:$0x12000] =	vst v63  }
0x3fe: {  	_ = 	snop  }
0x3ff: {  	[tilespmem:s10], [sflag:$0x2] =	stream.indirect_vreg.gather [hbm4b:s8+s6], $0x80, v2, vm0, $0xb8;
	[tilespmem:$0x12000] =	vst v63  }
0x400: {  	s10 =	sld [smem:$0x7E5]  }
0x401: {  	[tilespmem:s11], [sflag:$0x2] =	stream.indirect_vreg.gather [hbm4b:s30+s6], $0x80, v2, vm0, $0xb8;
	[tilespmem:$0x12000] =	vst v63  }
0x402: {  	_ = 	snop  }
0x403: {  	[tilespmem:s15], [sflag:$0x2] =	stream.indirect_vreg.gather [hbm4b:s10+s6], $0x80, v2, vm0, $0xb8;
	[tilespmem:$0x12000] =	vst v63  }
0x404: {  	s15 =	sld [smem:$0x7E6];
	_ =	sdelay $0x1  }
0x405: {  	s16 =	sld [smem:$0x7E7]  }
0x406: {  	[tilespmem:s12], [sflag:$0x2] =	stream.indirect_vreg.gather [hbm4b:s15+s6], $0x80, v2, vm0, $0xb8;
	[tilespmem:$0x12000] =	vst v63  }
0x407: {  	s17 =	sld [smem:$0x7E8]  }
0x408: {  	[tilespmem:s14], [sflag:$0x2] =	stream.indirect_vreg.gather [hbm4b:s16+s6], $0x80, v2, vm0, $0xb8;
	[tilespmem:$0x12000] =	vst v63  }
0x409: {  	_ = 	snop  }
0x40a: {  	[tilespmem:s18], [sflag:$0x2] =	stream.indirect_vreg.gather [hbm4b:s17+s6], $0x80, v2, vm0, $0xb8;
	[tilespmem:$0x12000] =	vst v63  }
0x40b: {  	s18 =	sld [smem:$0x7E9];
	_ =	sdelay $0x1  }
0x40c: {  	s31 =	sld [smem:$0x7EA]  }
0x40d: {  	[tilespmem:s19], [sflag:$0x2] =	stream.indirect_vreg.gather [hbm4b:s18+s6], $0x80, v2, vm0, $0xb8;
	[tilespmem:$0x12000] =	vst v63  }
0x40e: {  	s22 =	sld [smem:$0x7EB]  }
0x40f: {  	[tilespmem:s20], [sflag:$0x2] =	stream.indirect_vreg.gather [hbm4b:s31+s6], $0x80, v2, vm0, $0xb8;
	[tilespmem:$0x12000] =	vst v63  }
0x410: {  	_ = 	snop  }
0x411: {  	[tilespmem:s24], [sflag:$0x2] =	stream.indirect_vreg.gather [hbm4b:s22+s6], $0x80, v2, vm0, $0xb8;
	[tilespmem:$0x12000] =	vst v63  }
0x412: {  	s24 =	sld [smem:$0x7EC];
	_ =	sdelay $0x1  }
0x413: {  	p0 =	sne.s32 s21, $0x800;
	s29 =	sld [smem:$0x7ED]  }
0x414: {  	[tilespmem:s25], [sflag:$0x2] =	stream.indirect_vreg.gather [hbm4b:s24+s6], $0x80, v2, vm0, $0xb8;
	[tilespmem:$0x12000] =	vst v63  }
.Ltmp2:
0x415: {  	_ = 	snop;
	(pc) =	sbr.rel @p0 .LBB2_6-.Ltmp2, $4  }
0x416: {  	s30 =	sld [smem:$0x7EE]  }
0x417: {  	[tilespmem:s26], [sflag:$0x2] =	stream.indirect_vreg.gather [hbm4b:s29+s6], $0x80, v2, vm0, $0xb8;
	[tilespmem:$0x12000] =	vst v63  }
0x418: {  	s21 =	sadd.s32 $0x400, s21  }
0x419: {  	[tilespmem:s28], [sflag:$0x2] =	stream.indirect_vreg.gather [hbm4b:s30+s6], $0x80, v2, vm0, $0xb8;
	[tilespmem:$0x12000] =	vst v63  }
0x41a: {  	s0 =	simm.s32 $0x1  }
0x41b: {  	_ =	swait.ge [sflag:s0], $0x8000  }
0x41c: {  	[sflag:s0] =	ssyncset.done $0x0  }
0x41d: {  	[sflag:s0] =	ssyncadd.s32 $0xFFFF8000  }
0x41e: {  	v2 =	vld.msk [tilespmem:$0x1B00], $0xff;
	_ =	sdelay $0x4  }
0x41f: {  	v3 =	vshll.u32 v2, $0x5  }
0x420: {  	v2 =	vand.u32 $0x7, v2;
	v3 =	vand.u32 $0xFFFFFF00, v3  }
0x421: {  	v2 =	vor.u32 v2, v3  }
0x422: {  	v2 =	vperm.xlane v2, v0;
	_ =	sdelay $0x1  }
0x423: {  	v2 =	vadd.s32 v1, v2;
	_ =	sdelay $0x2  }
0x424: {  	s0 =	sld [smem:$0x7EF]  }
0x425: {  	s21 =	simm.s32 $0x0;
	s16 =	simm.s32 $0x2000;
	s4 =	rddreg [dreg:$0x4]  }
0x426: {  	[hbm4b:s4+s21] =	stream.indirect_vreg.scatter [tilespmem:s16], [sflag:$0x3], $0x80, v2, vm0, $0xb8;
	[tilespmem:$0x12000] =	vst v63  }
0x427: {  	s17 =	simm.s32 $0x2800;
	s1 =	sld [smem:$0x7F0]  }
0x428: {  	[hbm4b:s0+s21] =	stream.indirect_vreg.scatter [tilespmem:s17], [sflag:$0x3], $0x80, v2, vm0, $0xb8;
	[tilespmem:$0x12000] =	vst v63  }
0x429: {  	s2 =	simm.s32 $0x3000  }
0x42a: {  	[hbm4b:s1+s21] =	stream.indirect_vreg.scatter [tilespmem:s2], [sflag:$0x3], $0x80, v2, vm0, $0xb8;
	[tilespmem:$0x12000] =	vst v63  }
0x42b: {  	s2 =	sld [smem:$0x7F1];
	_ =	sdelay $0x1  }
0x42c: {  	s8 =	simm.s32 $0x3800;
	s3 =	sld [smem:$0x7F2]  }
0x42d: {  	[hbm4b:s2+s21] =	stream.indirect_vreg.scatter [tilespmem:s8], [sflag:$0x3], $0x80, v2, vm0, $0xb8;
	[tilespmem:$0x12000] =	vst v63  }
0x42e: {  	s9 =	simm.s32 $0x4000;
	s5 =	sld [smem:$0x7F3]  }
0x42f: {  	[hbm4b:s3+s21] =	stream.indirect_vreg.scatter [tilespmem:s9], [sflag:$0x3], $0x80, v2, vm0, $0xb8;
	[tilespmem:$0x12000] =	vst v63  }
0x430: {  	s10 =	simm.s32 $0x4800;
	s12 =	sld [smem:$0x7F4]  }
0x431: {  	[hbm4b:s5+s21] =	stream.indirect_vreg.scatter [tilespmem:s10], [sflag:$0x3], $0x80, v2, vm0, $0xb8;
	[tilespmem:$0x12000] =	vst v63  }
0x432: {  	s7 =	simm.s32 $0x5000;
	s25 =	sld [smem:$0x7F8]  }
0x433: {  	[hbm4b:s12+s21] =	stream.indirect_vreg.scatter [tilespmem:s7], [sflag:$0x3], $0x80, v2, vm0, $0xb8;
	[tilespmem:$0x12000] =	vst v63  }
0x434: {  	s14 =	simm.s32 $0x5800;
	s22 =	sld [smem:$0x7F9]  }
0x435: {  	[hbm4b:s25+s21] =	stream.indirect_vreg.scatter [tilespmem:s14], [sflag:$0x3], $0x80, v2, vm0, $0xb8;
	[tilespmem:$0x12000] =	vst v63  }
0x436: {  	s15 =	simm.s32 $0x6000;
	s20 =	sld [smem:$0x7FA]  }
0x437: {  	[hbm4b:s22+s21] =	stream.indirect_vreg.scatter [tilespmem:s15], [sflag:$0x3], $0x80, v2, vm0, $0xb8;
	[tilespmem:$0x12000] =	vst v63  }
0x438: {  	s18 =	simm.s32 $0x6800;
	s24 =	sld [smem:$0x7FB]  }
0x439: {  	[hbm4b:s20+s21] =	stream.indirect_vreg.scatter [tilespmem:s18], [sflag:$0x3], $0x80, v2, vm0, $0xb8;
	[tilespmem:$0x12000] =	vst v63  }
0x43a: {  	s19 =	simm.s32 $0x7000  }
0x43b: {  	[hbm4b:s24+s21] =	stream.indirect_vreg.scatter [tilespmem:s19], [sflag:$0x3], $0x80, v2, vm0, $0xb8;
	[tilespmem:$0x12000] =	vst v63  }
0x43c: {  	s19 =	sld [smem:$0x7FC];
	_ =	sdelay $0x1  }
0x43d: {  	s23 =	simm.s32 $0x7800;
	s18 =	sld [smem:$0x7FD]  }
0x43e: {  	[hbm4b:s19+s21] =	stream.indirect_vreg.scatter [tilespmem:s23], [sflag:$0x3], $0x80, v2, vm0, $0xb8;
	[tilespmem:$0x12000] =	vst v63  }
0x43f: {  	s26 =	simm.s32 $0x8000;
	s14 =	sld [smem:$0x7F5]  }
0x440: {  	[hbm4b:s18+s21] =	stream.indirect_vreg.scatter [tilespmem:s26], [sflag:$0x3], $0x80, v2, vm0, $0xb8;
	[tilespmem:$0x12000] =	vst v63  }
0x441: {  	s28 =	simm.s32 $0x8800;
	s13 =	sld [smem:$0x7F6]  }
0x442: {  	[hbm4b:s14+s21] =	stream.indirect_vreg.scatter [tilespmem:s28], [sflag:$0x3], $0x80, v2, vm0, $0xb8;
	[tilespmem:$0x12000] =	vst v63  }
0x443: {  	s29 =	simm.s32 $0x9000;
	s11 =	sld [smem:$0x7F7]  }
0x444: {  	[hbm4b:s13+s21] =	stream.indirect_vreg.scatter [tilespmem:s29], [sflag:$0x3], $0x80, v2, vm0, $0xb8;
	[tilespmem:$0x12000] =	vst v63  }
0x445: {  	s30 =	simm.s32 $0x9800;
	s31 =	simm.s32 $0x2  }
0x446: {  	[hbm4b:s11+s21] =	stream.indirect_vreg.scatter [tilespmem:s30], [sflag:$0x3], $0x80, v2, vm0, $0xb8;
	[tilespmem:$0x12000] =	vst v63  }
0x447: {  	_ =	swait.ge [sflag:s31], $0x8000  }
0x448: {  	[sflag:s31] =	ssyncset.done $0x0  }
0x449: {  	[sflag:s31] =	ssyncadd.s32 $0xFFFF8000  }
0x44a: {  	v2 =	vld.msk [tilespmem:$0x1B80], $0xff;
	_ =	sdelay $0x4  }
0x44b: {  	v3 =	vshll.u32 v2, $0x5  }
0x44c: {  	v2 =	vand.u32 $0x7, v2;
	v3 =	vand.u32 $0xFFFFFF00, v3  }
0x44d: {  	v2 =	vor.u32 v2, v3  }
0x44e: {  	v2 =	vperm.xlane v2, v0;
	_ =	sdelay $0x1  }
0x44f: {  	v2 =	vadd.s32 v1, v2;
	_ =	sdelay $0x3  }
0x450: {  	s29 =	simm.s32 $0xA000  }
0x451: {  	[hbm4b:s4+s21] =	stream.indirect_vreg.scatter [tilespmem:s29], [sflag:$0x4], $0x80, v2, vm0, $0xb8;
	[tilespmem:$0x12000] =	vst v63  }
0x452: {  	s30 =	simm.s32 $0xA800  }
0x453: {  	[hbm4b:s0+s21] =	stream.indirect_vreg.scatter [tilespmem:s30], [sflag:$0x4], $0x80, v2, vm0, $0xb8;
	[tilespmem:$0x12000] =	vst v63  }
0x454: {  	s31 =	simm.s32 $0xB000  }
0x455: {  	[hbm4b:s1+s21] =	stream.indirect_vreg.scatter [tilespmem:s31], [sflag:$0x4], $0x80, v2, vm0, $0xb8;
	[tilespmem:$0x12000] =	vst v63  }
0x456: {  	s1 =	simm.s32 $0xB800  }
0x457: {  	[hbm4b:s2+s21] =	stream.indirect_vreg.scatter [tilespmem:s1], [sflag:$0x4], $0x80, v2, vm0, $0xb8;
	[tilespmem:$0x12000] =	vst v63  }
0x458: {  	s4 =	simm.s32 $0xC000  }
0x459: {  	[hbm4b:s3+s21] =	stream.indirect_vreg.scatter [tilespmem:s4], [sflag:$0x4], $0x80, v2, vm0, $0xb8;
	[tilespmem:$0x12000] =	vst v63  }
0x45a: {  	s7 =	simm.s32 $0xC800  }
0x45b: {  	[hbm4b:s5+s21] =	stream.indirect_vreg.scatter [tilespmem:s7], [sflag:$0x4], $0x80, v2, vm0, $0xb8;
	[tilespmem:$0x12000] =	vst v63  }
0x45c: {  	s23 =	simm.s32 $0xD000  }
0x45d: {  	[hbm4b:s12+s21] =	stream.indirect_vreg.scatter [tilespmem:s23], [sflag:$0x4], $0x80, v2, vm0, $0xb8;
	[tilespmem:$0x12000] =	vst v63  }
0x45e: {  	s12 =	simm.s32 $0xD800  }
0x45f: {  	[hbm4b:s25+s21] =	stream.indirect_vreg.scatter [tilespmem:s12], [sflag:$0x4], $0x80, v2, vm0, $0xb8;
	[tilespmem:$0x12000] =	vst v63  }
0x460: {  	s25 =	simm.s32 $0xE000  }
0x461: {  	[hbm4b:s22+s21] =	stream.indirect_vreg.scatter [tilespmem:s25], [sflag:$0x4], $0x80, v2, vm0, $0xb8;
	[tilespmem:$0x12000] =	vst v63  }
0x462: {  	s26 =	simm.s32 $0xE800  }
0x463: {  	[hbm4b:s20+s21] =	stream.indirect_vreg.scatter [tilespmem:s26], [sflag:$0x4], $0x80, v2, vm0, $0xb8;
	[tilespmem:$0x12000] =	vst v63  }
0x464: {  	s28 =	simm.s32 $0xF000  }
0x465: {  	[hbm4b:s24+s21] =	stream.indirect_vreg.scatter [tilespmem:s28], [sflag:$0x4], $0x80, v2, vm0, $0xb8;
	[tilespmem:$0x12000] =	vst v63  }
0x466: {  	s1 =	simm.s32 $0xF800  }
0x467: {  	[hbm4b:s19+s21] =	stream.indirect_vreg.scatter [tilespmem:s1], [sflag:$0x4], $0x80, v2, vm0, $0xb8;
	[tilespmem:$0x12000] =	vst v63  }
0x468: {  	s2 =	simm.s32 $0x10000  }
0x469: {  	[hbm4b:s18+s21] =	stream.indirect_vreg.scatter [tilespmem:s2], [sflag:$0x4], $0x80, v2, vm0, $0xb8;
	[tilespmem:$0x12000] =	vst v63  }
0x46a: {  	s3 =	simm.s32 $0x10800  }
0x46b: {  	[hbm4b:s14+s21] =	stream.indirect_vreg.scatter [tilespmem:s3], [sflag:$0x4], $0x80, v2, vm0, $0xb8;
	[tilespmem:$0x12000] =	vst v63  }
0x46c: {  	s26 =	simm.s32 $0x11000  }
0x46d: {  	[hbm4b:s13+s21] =	stream.indirect_vreg.scatter [tilespmem:s26], [sflag:$0x4], $0x80, v2, vm0, $0xb8;
	[tilespmem:$0x12000] =	vst v63  }
0x46e: {  	s15 =	simm.s32 $0x3;
	s28 =	simm.s32 $0x11800  }
0x46f: {  	[hbm4b:s11+s21] =	stream.indirect_vreg.scatter [tilespmem:s28], [sflag:$0x4], $0x80, v2, vm0, $0xb8;
	[tilespmem:$0x12000] =	vst v63  }
0x470: {  	_ =	swait.ge [sflag:s15], $0x8000  }
0x471: {  	[sflag:s15] =	ssyncset.done $0x0  }
0x472: {  	s23 =	simm.s32 $0x4;
	[sflag:s15] =	ssyncadd.s32 $0xFFFF8000  }
0x473: {  	_ =	swait.ge [sflag:s23], $0x8000  }
0x474: {  	[sflag:s23] =	ssyncset.done $0x0  }
0x475: {  	[sflag:s23] =	ssyncadd.s32 $0xFFFF8000  }
0x476: {  	v2 =	vld.msk [tilespmem:$0xC00], $0xff;
	_ =	sdelay $0x4  }
0x477: {  	v3 =	vshll.u32 v2, $0x5  }
0x478: {  	v2 =	vand.u32 $0x7, v2;
	v3 =	vand.u32 $0xFFFFFF00, v3  }
0x479: {  	v2 =	vor.u32 v2, v3  }
0x47a: {  	v2 =	vperm.xlane v2, v0;
	_ =	sdelay $0x1  }
0x47b: {  	v2 =	vadd.s32 v1, v2;
	_ =	sdelay $0x3  }
0x47c: {  	s23 =	rddreg [dreg:$0x0]  }
0x47d: {  	[tilespmem:s16], [sflag:$0x1] =	stream.indirect_vreg.gather [hbm4b:s23+s21], $0x80, v2, vm0, $0xb8;
	[tilespmem:$0x12000] =	vst v63  }
0x47e: {  	s4 =	rddreg [dreg:$0xe]  }
0x47f: {  	[tilespmem:s17], [sflag:$0x1] =	stream.indirect_vreg.gather [hbm4b:s4+s21], $0x80, v2, vm0, $0xb8;
	[tilespmem:$0x12000] =	vst v63  }
0x480: {  	s14 =	rddreg [dreg:$0xf];
	s16 =	simm.s32 $0x3000  }
0x481: {  	[tilespmem:s16], [sflag:$0x1] =	stream.indirect_vreg.gather [hbm4b:s14+s21], $0x80, v2, vm0, $0xb8;
	[tilespmem:$0x12000] =	vst v63  }
0x482: {  	s15 =	rddreg [dreg:$0x10]  }
0x483: {  	[tilespmem:s8], [sflag:$0x1] =	stream.indirect_vreg.gather [hbm4b:s15+s21], $0x80, v2, vm0, $0xb8;
	[tilespmem:$0x12000] =	vst v63  }
0x484: {  	s8 =	rddreg [dreg:$0x11]  }
0x485: {  	[tilespmem:s9], [sflag:$0x1] =	stream.indirect_vreg.gather [hbm4b:s8+s21], $0x80, v2, vm0, $0xb8;
	[tilespmem:$0x12000] =	vst v63  }
0x486: {  	s9 =	rddreg [dreg:$0x12]  }
0x487: {  	[tilespmem:s10], [sflag:$0x1] =	stream.indirect_vreg.gather [hbm4b:s9+s21], $0x80, v2, vm0, $0xb8;
	[tilespmem:$0x12000] =	vst v63  }
0x488: {  	s17 =	simm.s32 $0x5000;
	s10 =	rddreg [dreg:$0x13]  }
0x489: {  	[tilespmem:s17], [sflag:$0x1] =	stream.indirect_vreg.gather [hbm4b:s10+s21], $0x80, v2, vm0, $0xb8;
	[tilespmem:$0x12000] =	vst v63  }
0x48a: {  	s18 =	simm.s32 $0x5800;
	s16 =	rddreg [dreg:$0x14]  }
0x48b: {  	[tilespmem:s18], [sflag:$0x1] =	stream.indirect_vreg.gather [hbm4b:s16+s21], $0x80, v2, vm0, $0xb8;
	[tilespmem:$0x12000] =	vst v63  }
0x48c: {  	s19 =	simm.s32 $0x6000;
	s17 =	rddreg [dreg:$0x15]  }
0x48d: {  	[tilespmem:s19], [sflag:$0x1] =	stream.indirect_vreg.gather [hbm4b:s17+s21], $0x80, v2, vm0, $0xb8;
	[tilespmem:$0x12000] =	vst v63  }
0x48e: {  	s20 =	simm.s32 $0x6800;
	s3 =	rddreg [dreg:$0x16]  }
0x48f: {  	[tilespmem:s20], [sflag:$0x1] =	stream.indirect_vreg.gather [hbm4b:s3+s21], $0x80, v2, vm0, $0xb8;
	[tilespmem:$0x12000] =	vst v63  }
0x490: {  	s22 =	simm.s32 $0x7000;
	s2 =	rddreg [dreg:$0x17]  }
0x491: {  	[tilespmem:s22], [sflag:$0x1] =	stream.indirect_vreg.gather [hbm4b:s2+s21], $0x80, v2, vm0, $0xb8;
	[tilespmem:$0x12000] =	vst v63  }
0x492: {  	s24 =	simm.s32 $0x7800;
	s5 =	rddreg [dreg:$0x19]  }
0x493: {  	[tilespmem:s24], [sflag:$0x1] =	stream.indirect_vreg.gather [hbm4b:s5+s21], $0x80, v2, vm0, $0xb8;
	[tilespmem:$0x12000] =	vst v63  }
0x494: {  	s25 =	simm.s32 $0x8000;
	s18 =	rddreg [dreg:$0x1a]  }
0x495: {  	[tilespmem:s25], [sflag:$0x1] =	stream.indirect_vreg.gather [hbm4b:s18+s21], $0x80, v2, vm0, $0xb8;
	[tilespmem:$0x12000] =	vst v63  }
0x496: {  	s1 =	simm.s32 $0x8800;
	s24 =	rddreg [dreg:$0x1b]  }
0x497: {  	[tilespmem:s1], [sflag:$0x1] =	stream.indirect_vreg.gather [hbm4b:s24+s21], $0x80, v2, vm0, $0xb8;
	[tilespmem:$0x12000] =	vst v63  }
0x498: {  	s11 =	simm.s32 $0x9000;
	s1 =	rddreg [dreg:$0x1c]  }
0x499: {  	[tilespmem:s11], [sflag:$0x1] =	stream.indirect_vreg.gather [hbm4b:s1+s21], $0x80, v2, vm0, $0xb8;
	[tilespmem:$0x12000] =	vst v63  }
0x49a: {  	s13 =	simm.s32 $0x9800;
	s0 =	rddreg [dreg:$0x1d]  }
0x49b: {  	[tilespmem:s13], [sflag:$0x1] =	stream.indirect_vreg.gather [hbm4b:s0+s21], $0x80, v2, vm0, $0xb8;
	[tilespmem:$0x12000] =	vst v63  }
0x49c: {  	v2 =	vld.msk [tilespmem:$0xC80], $0xff;
	_ =	sdelay $0x4  }
0x49d: {  	v3 =	vshll.u32 v2, $0x5  }
0x49e: {  	v2 =	vand.u32 $0x7, v2;
	v3 =	vand.u32 $0xFFFFFF00, v3  }
0x49f: {  	v2 =	vor.u32 v2, v3  }
0x4a0: {  	v2 =	vperm.xlane v2, v0;
	_ =	sdelay $0x1  }
0x4a1: {  	v2 =	vadd.s32 v1, v2;
	_ =	sdelay $0x4  }
0x4a2: {  	[tilespmem:s29], [sflag:$0x2] =	stream.indirect_vreg.gather [hbm4b:s23+s21], $0x80, v2, vm0, $0xb8;
	[tilespmem:$0x12000] =	vst v63  }
0x4a3: {  	_ = 	snop  }
0x4a4: {  	[tilespmem:s30], [sflag:$0x2] =	stream.indirect_vreg.gather [hbm4b:s4+s21], $0x80, v2, vm0, $0xb8;
	[tilespmem:$0x12000] =	vst v63  }
0x4a5: {  	_ = 	snop  }
0x4a6: {  	[tilespmem:s31], [sflag:$0x2] =	stream.indirect_vreg.gather [hbm4b:s14+s21], $0x80, v2, vm0, $0xb8;
	[tilespmem:$0x12000] =	vst v63  }
0x4a7: {  	s14 =	simm.s32 $0xB800  }
0x4a8: {  	[tilespmem:s14], [sflag:$0x2] =	stream.indirect_vreg.gather [hbm4b:s15+s21], $0x80, v2, vm0, $0xb8;
	[tilespmem:$0x12000] =	vst v63  }
0x4a9: {  	s15 =	simm.s32 $0xC000  }
0x4aa: {  	[tilespmem:s15], [sflag:$0x2] =	stream.indirect_vreg.gather [hbm4b:s8+s21], $0x80, v2, vm0, $0xb8;
	[tilespmem:$0x12000] =	vst v63  }
0x4ab: {  	s19 =	simm.s32 $0xC800  }
0x4ac: {  	[tilespmem:s19], [sflag:$0x2] =	stream.indirect_vreg.gather [hbm4b:s9+s21], $0x80, v2, vm0, $0xb8;
	[tilespmem:$0x12000] =	vst v63  }
0x4ad: {  	s20 =	simm.s32 $0xD000  }
0x4ae: {  	[tilespmem:s20], [sflag:$0x2] =	stream.indirect_vreg.gather [hbm4b:s10+s21], $0x80, v2, vm0, $0xb8;
	[tilespmem:$0x12000] =	vst v63  }
0x4af: {  	_ = 	snop  }
0x4b0: {  	[tilespmem:s12], [sflag:$0x2] =	stream.indirect_vreg.gather [hbm4b:s16+s21], $0x80, v2, vm0, $0xb8;
	[tilespmem:$0x12000] =	vst v63  }
0x4b1: {  	s22 =	simm.s32 $0xE000  }
0x4b2: {  	[tilespmem:s22], [sflag:$0x2] =	stream.indirect_vreg.gather [hbm4b:s17+s21], $0x80, v2, vm0, $0xb8;
	[tilespmem:$0x12000] =	vst v63  }
0x4b3: {  	s23 =	simm.s32 $0xE800  }
0x4b4: {  	[tilespmem:s23], [sflag:$0x2] =	stream.indirect_vreg.gather [hbm4b:s3+s21], $0x80, v2, vm0, $0xb8;
	[tilespmem:$0x12000] =	vst v63  }
0x4b5: {  	s25 =	simm.s32 $0xF000  }
0x4b6: {  	[tilespmem:s25], [sflag:$0x2] =	stream.indirect_vreg.gather [hbm4b:s2+s21], $0x80, v2, vm0, $0xb8;
	[tilespmem:$0x12000] =	vst v63  }
0x4b7: {  	s29 =	simm.s32 $0xF800  }
0x4b8: {  	[tilespmem:s29], [sflag:$0x2] =	stream.indirect_vreg.gather [hbm4b:s5+s21], $0x80, v2, vm0, $0xb8;
	[tilespmem:$0x12000] =	vst v63  }
0x4b9: {  	s30 =	simm.s32 $0x10000  }
0x4ba: {  	[tilespmem:s30], [sflag:$0x2] =	stream.indirect_vreg.gather [hbm4b:s18+s21], $0x80, v2, vm0, $0xb8;
	[tilespmem:$0x12000] =	vst v63  }
0x4bb: {  	s31 =	simm.s32 $0x10800  }
0x4bc: {  	[tilespmem:s31], [sflag:$0x2] =	stream.indirect_vreg.gather [hbm4b:s24+s21], $0x80, v2, vm0, $0xb8;
	[tilespmem:$0x12000] =	vst v63  }
0x4bd: {  	_ = 	snop  }
0x4be: {  	[tilespmem:s26], [sflag:$0x2] =	stream.indirect_vreg.gather [hbm4b:s1+s21], $0x80, v2, vm0, $0xb8;
	[tilespmem:$0x12000] =	vst v63  }
0x4bf: {  	_ = 	snop  }
0x4c0: {  	[tilespmem:s28], [sflag:$0x2] =	stream.indirect_vreg.gather [hbm4b:s0+s21], $0x80, v2, vm0, $0xb8;
	[tilespmem:$0x12000] =	vst v63  }
.LBB2_8:
0x4c1: {  	s0 =	simm.s32 $0x1  }
0x4c2: {  	_ =	swait.ge [sflag:s0], $0x8000  }
0x4c3: {  	[sflag:s0] =	ssyncset.done $0x0  }
0x4c4: {  	s22 =	sshra.s32 s21, $0x2;
	[sflag:s0] =	ssyncadd.s32 $0xFFFF8000  }
0x4c5: {  	v2 =	vld.msk [tilespmem:s22+$0x1C00], $0xff;
	_ =	sdelay $0x4  }
0x4c6: {  	v3 =	vshll.u32 v2, $0x5  }
0x4c7: {  	v2 =	vand.u32 $0x7, v2;
	v3 =	vand.u32 $0xFFFFFF00, v3  }
0x4c8: {  	v2 =	vor.u32 v2, v3  }
0x4c9: {  	v2 =	vperm.xlane v2, v0;
	_ =	sdelay $0x1  }
0x4ca: {  	v2 =	vadd.s32 v1, v2;
	_ =	sdelay $0x2  }
0x4cb: {  	s12 =	sld [smem:$0x7EF]  }
0x4cc: {  	s20 =	simm.s32 $0x2000;
	s11 =	rddreg [dreg:$0x4]  }
0x4cd: {  	[hbm4b:s11+s6] =	stream.indirect_vreg.scatter [tilespmem:s20], [sflag:$0x3], $0x80, v2, vm0, $0xb8;
	[tilespmem:$0x12000] =	vst v63  }
0x4ce: {  	s25 =	simm.s32 $0x2800;
	s13 =	sld [smem:$0x7F0]  }
0x4cf: {  	[hbm4b:s12+s6] =	stream.indirect_vreg.scatter [tilespmem:s25], [sflag:$0x3], $0x80, v2, vm0, $0xb8;
	[tilespmem:$0x12000] =	vst v63  }
0x4d0: {  	s23 =	simm.s32 $0x3000;
	s16 =	sld [smem:$0x7F1]  }
0x4d1: {  	[hbm4b:s13+s6] =	stream.indirect_vreg.scatter [tilespmem:s23], [sflag:$0x3], $0x80, v2, vm0, $0xb8;
	[tilespmem:$0x12000] =	vst v63  }
0x4d2: {  	s26 =	simm.s32 $0x3800;
	s17 =	sld [smem:$0x7F2]  }
0x4d3: {  	[hbm4b:s16+s6] =	stream.indirect_vreg.scatter [tilespmem:s26], [sflag:$0x3], $0x80, v2, vm0, $0xb8;
	[tilespmem:$0x12000] =	vst v63  }
0x4d4: {  	s28 =	simm.s32 $0x4000;
	s24 =	sld [smem:$0x7F3]  }
0x4d5: {  	[hbm4b:s17+s6] =	stream.indirect_vreg.scatter [tilespmem:s28], [sflag:$0x3], $0x80, v2, vm0, $0xb8;
	[tilespmem:$0x12000] =	vst v63  }
0x4d6: {  	s29 =	simm.s32 $0x4800;
	s8 =	sld [smem:$0x7F4]  }
0x4d7: {  	[hbm4b:s24+s6] =	stream.indirect_vreg.scatter [tilespmem:s29], [sflag:$0x3], $0x80, v2, vm0, $0xb8;
	[tilespmem:$0x12000] =	vst v63  }
0x4d8: {  	s30 =	simm.s32 $0x5000;
	s9 =	sld [smem:$0x7F8]  }
0x4d9: {  	[hbm4b:s8+s6] =	stream.indirect_vreg.scatter [tilespmem:s30], [sflag:$0x3], $0x80, v2, vm0, $0xb8;
	[tilespmem:$0x12000] =	vst v63  }
0x4da: {  	s31 =	simm.s32 $0x5800;
	s1 =	sld [smem:$0x7F9]  }
0x4db: {  	[hbm4b:s9+s6] =	stream.indirect_vreg.scatter [tilespmem:s31], [sflag:$0x3], $0x80, v2, vm0, $0xb8;
	[tilespmem:$0x12000] =	vst v63  }
0x4dc: {  	s10 =	sld [smem:$0x7FA];
	s0 =	simm.s32 $0x6000  }
0x4dd: {  	[hbm4b:s1+s6] =	stream.indirect_vreg.scatter [tilespmem:s0], [sflag:$0x3], $0x80, v2, vm0, $0xb8;
	[tilespmem:$0x12000] =	vst v63  }
0x4de: {  	s4 =	simm.s32 $0x6800;
	s2 =	sld [smem:$0x7FB]  }
0x4df: {  	[hbm4b:s10+s6] =	stream.indirect_vreg.scatter [tilespmem:s4], [sflag:$0x3], $0x80, v2, vm0, $0xb8;
	[tilespmem:$0x12000] =	vst v63  }
0x4e0: {  	s7 =	simm.s32 $0x7000;
	s3 =	sld [smem:$0x7FC]  }
0x4e1: {  	[hbm4b:s2+s6] =	stream.indirect_vreg.scatter [tilespmem:s7], [sflag:$0x3], $0x80, v2, vm0, $0xb8;
	[tilespmem:$0x12000] =	vst v63  }
0x4e2: {  	s14 =	simm.s32 $0x7800;
	s2 =	sld [smem:$0x7FD]  }
0x4e3: {  	[hbm4b:s3+s6] =	stream.indirect_vreg.scatter [tilespmem:s14], [sflag:$0x3], $0x80, v2, vm0, $0xb8;
	[tilespmem:$0x12000] =	vst v63  }
0x4e4: {  	s5 =	sld [smem:$0x7F5];
	s1 =	simm.s32 $0x8000  }
0x4e5: {  	[hbm4b:s2+s6] =	stream.indirect_vreg.scatter [tilespmem:s1], [sflag:$0x3], $0x80, v2, vm0, $0xb8;
	[tilespmem:$0x12000] =	vst v63  }
0x4e6: {  	s15 =	simm.s32 $0x8800;
	s3 =	sld [smem:$0x7F6]  }
0x4e7: {  	[hbm4b:s5+s6] =	stream.indirect_vreg.scatter [tilespmem:s15], [sflag:$0x3], $0x80, v2, vm0, $0xb8;
	[tilespmem:$0x12000] =	vst v63  }
0x4e8: {  	s18 =	sld [smem:$0x7F7];
	s2 =	simm.s32 $0x9000  }
0x4e9: {  	[hbm4b:s3+s6] =	stream.indirect_vreg.scatter [tilespmem:s2], [sflag:$0x3], $0x80, v2, vm0, $0xb8;
	[tilespmem:$0x12000] =	vst v63  }
0x4ea: {  	s19 =	simm.s32 $0x3;
	s5 =	simm.s32 $0x9800  }
0x4eb: {  	[hbm4b:s18+s6] =	stream.indirect_vreg.scatter [tilespmem:s5], [sflag:$0x3], $0x80, v2, vm0, $0xb8;
	[tilespmem:$0x12000] =	vst v63  }
0x4ec: {  	_ =	swait.ge [sflag:s19], $0x8000  }
0x4ed: {  	[sflag:s19] =	ssyncset.done $0x0  }
0x4ee: {  	[sflag:s19] =	ssyncadd.s32 $0xFFFF8000  }
0x4ef: {  	v2 =	vld.msk [tilespmem:s22+$0xD00], $0xff;
	_ =	sdelay $0x4  }
0x4f0: {  	v3 =	vshll.u32 v2, $0x5  }
0x4f1: {  	v2 =	vand.u32 $0x7, v2;
	v3 =	vand.u32 $0xFFFFFF00, v3  }
0x4f2: {  	v2 =	vor.u32 v2, v3  }
0x4f3: {  	v2 =	vperm.xlane v2, v0;
	_ =	sdelay $0x1  }
0x4f4: {  	v2 =	vadd.s32 v1, v2;
	_ =	sdelay $0x3  }
0x4f5: {  	s3 =	rddreg [dreg:$0x0]  }
0x4f6: {  	[tilespmem:s20], [sflag:$0x1] =	stream.indirect_vreg.gather [hbm4b:s3+s6], $0x80, v2, vm0, $0xb8;
	[tilespmem:$0x12000] =	vst v63  }
0x4f7: {  	s18 =	rddreg [dreg:$0xe]  }
0x4f8: {  	[tilespmem:s25], [sflag:$0x1] =	stream.indirect_vreg.gather [hbm4b:s18+s6], $0x80, v2, vm0, $0xb8;
	[tilespmem:$0x12000] =	vst v63  }
0x4f9: {  	s19 =	rddreg [dreg:$0xf]  }
0x4fa: {  	[tilespmem:s23], [sflag:$0x1] =	stream.indirect_vreg.gather [hbm4b:s19+s6], $0x80, v2, vm0, $0xb8;
	[tilespmem:$0x12000] =	vst v63  }
0x4fb: {  	s3 =	rddreg [dreg:$0x10]  }
0x4fc: {  	[tilespmem:s26], [sflag:$0x1] =	stream.indirect_vreg.gather [hbm4b:s3+s6], $0x80, v2, vm0, $0xb8;
	[tilespmem:$0x12000] =	vst v63  }
0x4fd: {  	s18 =	rddreg [dreg:$0x11]  }
0x4fe: {  	[tilespmem:s28], [sflag:$0x1] =	stream.indirect_vreg.gather [hbm4b:s18+s6], $0x80, v2, vm0, $0xb8;
	[tilespmem:$0x12000] =	vst v63  }
0x4ff: {  	s20 =	rddreg [dreg:$0x12]  }
0x500: {  	[tilespmem:s29], [sflag:$0x1] =	stream.indirect_vreg.gather [hbm4b:s20+s6], $0x80, v2, vm0, $0xb8;
	[tilespmem:$0x12000] =	vst v63  }
0x501: {  	s23 =	rddreg [dreg:$0x13]  }
0x502: {  	[tilespmem:s30], [sflag:$0x1] =	stream.indirect_vreg.gather [hbm4b:s23+s6], $0x80, v2, vm0, $0xb8;
	[tilespmem:$0x12000] =	vst v63  }
0x503: {  	s25 =	rddreg [dreg:$0x14]  }
0x504: {  	[tilespmem:s31], [sflag:$0x1] =	stream.indirect_vreg.gather [hbm4b:s25+s6], $0x80, v2, vm0, $0xb8;
	[tilespmem:$0x12000] =	vst v63  }
0x505: {  	s26 =	rddreg [dreg:$0x15]  }
0x506: {  	[tilespmem:s0], [sflag:$0x1] =	stream.indirect_vreg.gather [hbm4b:s26+s6], $0x80, v2, vm0, $0xb8;
	[tilespmem:$0x12000] =	vst v63  }
0x507: {  	s31 =	rddreg [dreg:$0x16]  }
0x508: {  	[tilespmem:s4], [sflag:$0x1] =	stream.indirect_vreg.gather [hbm4b:s31+s6], $0x80, v2, vm0, $0xb8;
	[tilespmem:$0x12000] =	vst v63  }
0x509: {  	s0 =	rddreg [dreg:$0x17]  }
0x50a: {  	[tilespmem:s7], [sflag:$0x1] =	stream.indirect_vreg.gather [hbm4b:s0+s6], $0x80, v2, vm0, $0xb8;
	[tilespmem:$0x12000] =	vst v63  }
0x50b: {  	s4 =	rddreg [dreg:$0x19]  }
0x50c: {  	[tilespmem:s14], [sflag:$0x1] =	stream.indirect_vreg.gather [hbm4b:s4+s6], $0x80, v2, vm0, $0xb8;
	[tilespmem:$0x12000] =	vst v63  }
0x50d: {  	s14 =	rddreg [dreg:$0x1a]  }
0x50e: {  	[tilespmem:s1], [sflag:$0x1] =	stream.indirect_vreg.gather [hbm4b:s14+s6], $0x80, v2, vm0, $0xb8;
	[tilespmem:$0x12000] =	vst v63  }
0x50f: {  	s7 =	rddreg [dreg:$0x1b]  }
0x510: {  	[tilespmem:s15], [sflag:$0x1] =	stream.indirect_vreg.gather [hbm4b:s7+s6], $0x80, v2, vm0, $0xb8;
	[tilespmem:$0x12000] =	vst v63  }
0x511: {  	s15 =	rddreg [dreg:$0x1c]  }
0x512: {  	[tilespmem:s2], [sflag:$0x1] =	stream.indirect_vreg.gather [hbm4b:s15+s6], $0x80, v2, vm0, $0xb8;
	[tilespmem:$0x12000] =	vst v63  }
0x513: {  	s2 =	rddreg [dreg:$0x1d]  }
0x514: {  	[tilespmem:s5], [sflag:$0x1] =	stream.indirect_vreg.gather [hbm4b:s2+s6], $0x80, v2, vm0, $0xb8;
	[tilespmem:$0x12000] =	vst v63  }
0x515: {  	s5 =	simm.s32 $0x2  }
0x516: {  	_ =	swait.ge [sflag:s5], $0x8000  }
0x517: {  	[sflag:s5] =	ssyncset.done $0x0  }
0x518: {  	[sflag:s5] =	ssyncadd.s32 $0xFFFF8000  }
0x519: {  	v2 =	vld.msk [tilespmem:s22+$0x1C80], $0xff;
	_ =	sdelay $0x4  }
0x51a: {  	v3 =	vshll.u32 v2, $0x5  }
0x51b: {  	v2 =	vand.u32 $0x7, v2;
	v3 =	vand.u32 $0xFFFFFF00, v3  }
0x51c: {  	v2 =	vor.u32 v2, v3  }
0x51d: {  	v2 =	vperm.xlane v2, v0;
	_ =	sdelay $0x1  }
0x51e: {  	v2 =	vadd.s32 v1, v2;
	_ =	sdelay $0x3  }
0x51f: {  	s1 =	simm.s32 $0xA000  }
0x520: {  	[hbm4b:s11+s6] =	stream.indirect_vreg.scatter [tilespmem:s1], [sflag:$0x4], $0x80, v2, vm0, $0xb8;
	[tilespmem:$0x12000] =	vst v63  }
0x521: {  	s11 =	simm.s32 $0xA800  }
0x522: {  	[hbm4b:s12+s6] =	stream.indirect_vreg.scatter [tilespmem:s11], [sflag:$0x4], $0x80, v2, vm0, $0xb8;
	[tilespmem:$0x12000] =	vst v63  }
0x523: {  	s12 =	simm.s32 $0xB000  }
0x524: {  	[hbm4b:s13+s6] =	stream.indirect_vreg.scatter [tilespmem:s12], [sflag:$0x4], $0x80, v2, vm0, $0xb8;
	[tilespmem:$0x12000] =	vst v63  }
0x525: {  	s13 =	simm.s32 $0xB800  }
0x526: {  	[hbm4b:s16+s6] =	stream.indirect_vreg.scatter [tilespmem:s13], [sflag:$0x4], $0x80, v2, vm0, $0xb8;
	[tilespmem:$0x12000] =	vst v63  }
0x527: {  	s19 =	simm.s32 $0xC000  }
0x528: {  	[hbm4b:s17+s6] =	stream.indirect_vreg.scatter [tilespmem:s19], [sflag:$0x4], $0x80, v2, vm0, $0xb8;
	[tilespmem:$0x12000] =	vst v63  }
0x529: {  	s18 =	simm.s32 $0xC800  }
0x52a: {  	[hbm4b:s24+s6] =	stream.indirect_vreg.scatter [tilespmem:s18], [sflag:$0x4], $0x80, v2, vm0, $0xb8;
	[tilespmem:$0x12000] =	vst v63  }
0x52b: {  	s17 =	simm.s32 $0xD000  }
0x52c: {  	[hbm4b:s8+s6] =	stream.indirect_vreg.scatter [tilespmem:s17], [sflag:$0x4], $0x80, v2, vm0, $0xb8;
	[tilespmem:$0x12000] =	vst v63  }
0x52d: {  	s24 =	simm.s32 $0xD800  }
0x52e: {  	[hbm4b:s9+s6] =	stream.indirect_vreg.scatter [tilespmem:s24], [sflag:$0x4], $0x80, v2, vm0, $0xb8;
	[tilespmem:$0x12000] =	vst v63  }
0x52f: {  	s9 =	sld [smem:$0x7F9];
	_ =	sdelay $0x1  }
0x530: {  	s20 =	simm.s32 $0xE000  }
0x531: {  	[hbm4b:s9+s6] =	stream.indirect_vreg.scatter [tilespmem:s20], [sflag:$0x4], $0x80, v2, vm0, $0xb8;
	[tilespmem:$0x12000] =	vst v63  }
0x532: {  	s25 =	simm.s32 $0xE800  }
0x533: {  	[hbm4b:s10+s6] =	stream.indirect_vreg.scatter [tilespmem:s25], [sflag:$0x4], $0x80, v2, vm0, $0xb8;
	[tilespmem:$0x12000] =	vst v63  }
0x534: {  	s10 =	sld [smem:$0x7FB];
	_ =	sdelay $0x1  }
0x535: {  	s23 =	simm.s32 $0xF000;
	s16 =	sld [smem:$0x7FC]  }
0x536: {  	[hbm4b:s10+s6] =	stream.indirect_vreg.scatter [tilespmem:s23], [sflag:$0x4], $0x80, v2, vm0, $0xb8;
	[tilespmem:$0x12000] =	vst v63  }
0x537: {  	s26 =	simm.s32 $0xF800;
	s31 =	sld [smem:$0x7FD]  }
0x538: {  	[hbm4b:s16+s6] =	stream.indirect_vreg.scatter [tilespmem:s26], [sflag:$0x4], $0x80, v2, vm0, $0xb8;
	[tilespmem:$0x12000] =	vst v63  }
0x539: {  	s28 =	simm.s32 $0x10000;
	s8 =	sld [smem:$0x7F5]  }
0x53a: {  	[hbm4b:s31+s6] =	stream.indirect_vreg.scatter [tilespmem:s28], [sflag:$0x4], $0x80, v2, vm0, $0xb8;
	[tilespmem:$0x12000] =	vst v63  }
0x53b: {  	s29 =	simm.s32 $0x10800;
	s9 =	sld [smem:$0x7F6]  }
0x53c: {  	[hbm4b:s8+s6] =	stream.indirect_vreg.scatter [tilespmem:s29], [sflag:$0x4], $0x80, v2, vm0, $0xb8;
	[tilespmem:$0x12000] =	vst v63  }
0x53d: {  	s30 =	simm.s32 $0x11000;
	s10 =	sld [smem:$0x7F7]  }
0x53e: {  	[hbm4b:s9+s6] =	stream.indirect_vreg.scatter [tilespmem:s30], [sflag:$0x4], $0x80, v2, vm0, $0xb8;
	[tilespmem:$0x12000] =	vst v63  }
0x53f: {  	s16 =	simm.s32 $0x4;
	s31 =	simm.s32 $0x11800  }
0x540: {  	[hbm4b:s10+s6] =	stream.indirect_vreg.scatter [tilespmem:s31], [sflag:$0x4], $0x80, v2, vm0, $0xb8;
	[tilespmem:$0x12000] =	vst v63  }
0x541: {  	_ =	swait.ge [sflag:s16], $0x8000  }
0x542: {  	[sflag:s16] =	ssyncset.done $0x0  }
0x543: {  	[sflag:s16] =	ssyncadd.s32 $0xFFFF8000  }
0x544: {  	v2 =	vld.msk [tilespmem:s22+$0xD80], $0xff;
	_ =	sdelay $0x4  }
0x545: {  	v3 =	vshll.u32 v2, $0x5  }
0x546: {  	v2 =	vand.u32 $0x7, v2;
	v3 =	vand.u32 $0xFFFFFF00, v3  }
0x547: {  	v2 =	vor.u32 v2, v3  }
0x548: {  	v2 =	vperm.xlane v2, v0;
	_ =	sdelay $0x1  }
0x549: {  	v2 =	vadd.s32 v1, v2;
	_ =	sdelay $0x3  }
0x54a: {  	s22 =	rddreg [dreg:$0x0]  }
0x54b: {  	[tilespmem:s1], [sflag:$0x2] =	stream.indirect_vreg.gather [hbm4b:s22+s6], $0x80, v2, vm0, $0xb8;
	[tilespmem:$0x12000] =	vst v63  }
0x54c: {  	s9 =	rddreg [dreg:$0xe]  }
0x54d: {  	[tilespmem:s11], [sflag:$0x2] =	stream.indirect_vreg.gather [hbm4b:s9+s6], $0x80, v2, vm0, $0xb8;
	[tilespmem:$0x12000] =	vst v63  }
0x54e: {  	s10 =	rddreg [dreg:$0xf]  }
0x54f: {  	[tilespmem:s12], [sflag:$0x2] =	stream.indirect_vreg.gather [hbm4b:s10+s6], $0x80, v2, vm0, $0xb8;
	[tilespmem:$0x12000] =	vst v63  }
0x550: {  	_ = 	snop  }
0x551: {  	[tilespmem:s13], [sflag:$0x2] =	stream.indirect_vreg.gather [hbm4b:s3+s6], $0x80, v2, vm0, $0xb8;
	[tilespmem:$0x12000] =	vst v63  }
0x552: {  	s22 =	rddreg [dreg:$0x11]  }
0x553: {  	[tilespmem:s19], [sflag:$0x2] =	stream.indirect_vreg.gather [hbm4b:s22+s6], $0x80, v2, vm0, $0xb8;
	[tilespmem:$0x12000] =	vst v63  }
0x554: {  	s3 =	rddreg [dreg:$0x12]  }
0x555: {  	[tilespmem:s18], [sflag:$0x2] =	stream.indirect_vreg.gather [hbm4b:s3+s6], $0x80, v2, vm0, $0xb8;
	[tilespmem:$0x12000] =	vst v63  }
0x556: {  	s8 =	rddreg [dreg:$0x13]  }
0x557: {  	[tilespmem:s17], [sflag:$0x2] =	stream.indirect_vreg.gather [hbm4b:s8+s6], $0x80, v2, vm0, $0xb8;
	[tilespmem:$0x12000] =	vst v63  }
0x558: {  	s9 =	rddreg [dreg:$0x14]  }
0x559: {  	[tilespmem:s24], [sflag:$0x2] =	stream.indirect_vreg.gather [hbm4b:s9+s6], $0x80, v2, vm0, $0xb8;
	[tilespmem:$0x12000] =	vst v63  }
0x55a: {  	s10 =	rddreg [dreg:$0x15]  }
0x55b: {  	[tilespmem:s20], [sflag:$0x2] =	stream.indirect_vreg.gather [hbm4b:s10+s6], $0x80, v2, vm0, $0xb8;
	[tilespmem:$0x12000] =	vst v63  }
0x55c: {  	s22 =	rddreg [dreg:$0x16]  }
0x55d: {  	[tilespmem:s25], [sflag:$0x2] =	stream.indirect_vreg.gather [hbm4b:s22+s6], $0x80, v2, vm0, $0xb8;
	[tilespmem:$0x12000] =	vst v63  }
0x55e: {  	p0 =	sne.s32 s21, $0x800  }
0x55f: {  	[tilespmem:s23], [sflag:$0x2] =	stream.indirect_vreg.gather [hbm4b:s0+s6], $0x80, v2, vm0, $0xb8;
	[tilespmem:$0x12000] =	vst v63  }
0x560: {  	s21 =	sadd.s32 $0x400, s21;
	s5 =	simm.s32 $0xA000;
	s16 =	simm.s32 $0xA800  }
0x561: {  	[tilespmem:s26], [sflag:$0x2] =	stream.indirect_vreg.gather [hbm4b:s4+s6], $0x80, v2, vm0, $0xb8;
	[tilespmem:$0x12000] =	vst v63  }
0x562: {  	s11 =	simm.s32 $0xB000;
	s12 =	simm.s32 $0xB800;
	s13 =	simm.s32 $0xC000  }
0x563: {  	[tilespmem:s28], [sflag:$0x2] =	stream.indirect_vreg.gather [hbm4b:s14+s6], $0x80, v2, vm0, $0xb8;
	[tilespmem:$0x12000] =	vst v63  }
0x564: {  	s19 =	simm.s32 $0xC800;
	s18 =	simm.s32 $0xD000;
	s17 =	simm.s32 $0xD800  }
0x565: {  	[tilespmem:s29], [sflag:$0x2] =	stream.indirect_vreg.gather [hbm4b:s7+s6], $0x80, v2, vm0, $0xb8;
	[tilespmem:$0x12000] =	vst v63  }
.Ltmp3:
0x566: {  	s24 =	simm.s32 $0xE000;
	s20 =	simm.s32 $0xE800;
	(pc) =	sbr.rel @p0 .LBB2_8-.Ltmp3, $4  }
0x567: {  	s25 =	simm.s32 $0xF000;
	s23 =	simm.s32 $0xF800;
	s26 =	simm.s32 $0x10000  }
0x568: {  	[tilespmem:s30], [sflag:$0x2] =	stream.indirect_vreg.gather [hbm4b:s15+s6], $0x80, v2, vm0, $0xb8;
	[tilespmem:$0x12000] =	vst v63  }
0x569: {  	s28 =	simm.s32 $0x10800;
	s29 =	simm.s32 $0x11000;
	s30 =	simm.s32 $0x11800  }
0x56a: {  	[tilespmem:s31], [sflag:$0x2] =	stream.indirect_vreg.gather [hbm4b:s2+s6], $0x80, v2, vm0, $0xb8;
	[tilespmem:$0x12000] =	vst v63  }
0x56b: {  	s0 =	simm.s32 $0x1  }
0x56c: {  	_ =	swait.ge [sflag:s0], $0x8000  }
0x56d: {  	[sflag:s0] =	ssyncset.done $0x0  }
0x56e: {  	[sflag:s0] =	ssyncadd.s32 $0xFFFF8000  }
0x56f: {  	v2 =	vld.msk [tilespmem:$0x1F00], $0xff;
	_ =	sdelay $0x4  }
0x570: {  	v3 =	vshll.u32 v2, $0x5  }
0x571: {  	v2 =	vand.u32 $0x7, v2;
	v3 =	vand.u32 $0xFFFFFF00, v3  }
0x572: {  	v2 =	vor.u32 v2, v3  }
0x573: {  	v2 =	vperm.xlane v2, v0;
	_ =	sdelay $0x1  }
0x574: {  	v2 =	vadd.s32 v1, v2;
	_ =	sdelay $0x3  }
0x575: {  	s1 =	simm.s32 $0x2000;
	s8 =	rddreg [dreg:$0x4]  }
0x576: {  	[hbm4b:s8+s6] =	stream.indirect_vreg.scatter [tilespmem:s1], [sflag:$0x3], $0x80, v2, vm0, $0xb8;
	[tilespmem:$0x12000] =	vst v63  }
0x577: {  	s8 =	sld [smem:$0x7EF];
	_ =	sdelay $0x1  }
0x578: {  	s21 =	simm.s32 $0x2800;
	s9 =	sld [smem:$0x7F0]  }
0x579: {  	[hbm4b:s8+s6] =	stream.indirect_vreg.scatter [tilespmem:s21], [sflag:$0x3], $0x80, v2, vm0, $0xb8;
	[tilespmem:$0x12000] =	vst v63  }
0x57a: {  	s22 =	simm.s32 $0x3000;
	s10 =	sld [smem:$0x7F1]  }
0x57b: {  	[hbm4b:s9+s6] =	stream.indirect_vreg.scatter [tilespmem:s22], [sflag:$0x3], $0x80, v2, vm0, $0xb8;
	[tilespmem:$0x12000] =	vst v63  }
0x57c: {  	s31 =	simm.s32 $0x3800;
	s21 =	sld [smem:$0x7F2]  }
0x57d: {  	[hbm4b:s10+s6] =	stream.indirect_vreg.scatter [tilespmem:s31], [sflag:$0x3], $0x80, v2, vm0, $0xb8;
	[tilespmem:$0x12000] =	vst v63  }
0x57e: {  	s0 =	simm.s32 $0x4000;
	s22 =	sld [smem:$0x7F3]  }
0x57f: {  	[hbm4b:s21+s6] =	stream.indirect_vreg.scatter [tilespmem:s0], [sflag:$0x3], $0x80, v2, vm0, $0xb8;
	[tilespmem:$0x12000] =	vst v63  }
0x580: {  	s2 =	simm.s32 $0x4800;
	s31 =	sld [smem:$0x7F4]  }
0x581: {  	[hbm4b:s22+s6] =	stream.indirect_vreg.scatter [tilespmem:s2], [sflag:$0x3], $0x80, v2, vm0, $0xb8;
	[tilespmem:$0x12000] =	vst v63  }
0x582: {  	s3 =	simm.s32 $0x5000;
	s15 =	sld [smem:$0x7F8]  }
0x583: {  	[hbm4b:s31+s6] =	stream.indirect_vreg.scatter [tilespmem:s3], [sflag:$0x3], $0x80, v2, vm0, $0xb8;
	[tilespmem:$0x12000] =	vst v63  }
0x584: {  	s4 =	simm.s32 $0x5800;
	s14 =	sld [smem:$0x7F9]  }
0x585: {  	[hbm4b:s15+s6] =	stream.indirect_vreg.scatter [tilespmem:s4], [sflag:$0x3], $0x80, v2, vm0, $0xb8;
	[tilespmem:$0x12000] =	vst v63  }
0x586: {  	s7 =	simm.s32 $0x6000;
	s4 =	sld [smem:$0x7FA]  }
0x587: {  	[hbm4b:s14+s6] =	stream.indirect_vreg.scatter [tilespmem:s7], [sflag:$0x3], $0x80, v2, vm0, $0xb8;
	[tilespmem:$0x12000] =	vst v63  }
0x588: {  	s2 =	simm.s32 $0x6800;
	s7 =	sld [smem:$0x7FB]  }
0x589: {  	[hbm4b:s4+s6] =	stream.indirect_vreg.scatter [tilespmem:s2], [sflag:$0x3], $0x80, v2, vm0, $0xb8;
	[tilespmem:$0x12000] =	vst v63  }
0x58a: {  	s3 =	simm.s32 $0x7000  }
0x58b: {  	[hbm4b:s7+s6] =	stream.indirect_vreg.scatter [tilespmem:s3], [sflag:$0x3], $0x80, v2, vm0, $0xb8;
	[tilespmem:$0x12000] =	vst v63  }
0x58c: {  	s3 =	sld [smem:$0x7FC];
	_ =	sdelay $0x1  }
0x58d: {  	s14 =	simm.s32 $0x7800  }
0x58e: {  	[hbm4b:s3+s6] =	stream.indirect_vreg.scatter [tilespmem:s14], [sflag:$0x3], $0x80, v2, vm0, $0xb8;
	[tilespmem:$0x12000] =	vst v63  }
0x58f: {  	s14 =	sld [smem:$0x7FD];
	_ =	sdelay $0x1  }
0x590: {  	s1 =	simm.s32 $0x8000;
	s7 =	sld [smem:$0x7F5]  }
0x591: {  	[hbm4b:s14+s6] =	stream.indirect_vreg.scatter [tilespmem:s1], [sflag:$0x3], $0x80, v2, vm0, $0xb8;
	[tilespmem:$0x12000] =	vst v63  }
0x592: {  	s2 =	simm.s32 $0x8800  }
0x593: {  	[hbm4b:s7+s6] =	stream.indirect_vreg.scatter [tilespmem:s2], [sflag:$0x3], $0x80, v2, vm0, $0xb8;
	[tilespmem:$0x12000] =	vst v63  }
0x594: {  	s2 =	sld [smem:$0x7F6];
	_ =	sdelay $0x1  }
0x595: {  	s1 =	simm.s32 $0x9000  }
0x596: {  	[hbm4b:s2+s6] =	stream.indirect_vreg.scatter [tilespmem:s1], [sflag:$0x3], $0x80, v2, vm0, $0xb8;
	[tilespmem:$0x12000] =	vst v63  }
0x597: {  	s1 =	sld [smem:$0x7F7];
	_ =	sdelay $0x1  }
0x598: {  	s0 =	simm.s32 $0x9800  }
0x599: {  	[hbm4b:s1+s6] =	stream.indirect_vreg.scatter [tilespmem:s0], [sflag:$0x3], $0x80, v2, vm0, $0xb8;
	[tilespmem:$0x12000] =	vst v63  }
0x59a: {  	s0 =	simm.s32 $0x2  }
0x59b: {  	_ =	swait.ge [sflag:s0], $0x8000  }
0x59c: {  	[sflag:s0] =	ssyncset.done $0x0  }
0x59d: {  	[sflag:s0] =	ssyncadd.s32 $0xFFFF8000  }
0x59e: {  	v2 =	vld.msk [tilespmem:$0x1F80], $0xff;
	_ =	sdelay $0x4  }
0x59f: {  	v3 =	vshll.u32 v2, $0x5  }
0x5a0: {  	v2 =	vand.u32 $0x7, v2;
	v3 =	vand.u32 $0xFFFFFF00, v3  }
0x5a1: {  	v2 =	vor.u32 v2, v3  }
0x5a2: {  	v2 =	vperm.xlane v2, v0;
	_ =	sdelay $0x1  }
0x5a3: {  	v2 =	vadd.s32 v1, v2;
	_ =	sdelay $0x3  }
0x5a4: {  	s0 =	rddreg [dreg:$0x4]  }
0x5a5: {  	[hbm4b:s0+s6] =	stream.indirect_vreg.scatter [tilespmem:s5], [sflag:$0x4], $0x80, v2, vm0, $0xb8;
	[tilespmem:$0x12000] =	vst v63  }
0x5a6: {  	_ = 	snop  }
0x5a7: {  	[hbm4b:s8+s6] =	stream.indirect_vreg.scatter [tilespmem:s16], [sflag:$0x4], $0x80, v2, vm0, $0xb8;
	[tilespmem:$0x12000] =	vst v63  }
0x5a8: {  	_ = 	snop  }
0x5a9: {  	[hbm4b:s9+s6] =	stream.indirect_vreg.scatter [tilespmem:s11], [sflag:$0x4], $0x80, v2, vm0, $0xb8;
	[tilespmem:$0x12000] =	vst v63  }
0x5aa: {  	_ = 	snop  }
0x5ab: {  	[hbm4b:s10+s6] =	stream.indirect_vreg.scatter [tilespmem:s12], [sflag:$0x4], $0x80, v2, vm0, $0xb8;
	[tilespmem:$0x12000] =	vst v63  }
0x5ac: {  	_ = 	snop  }
0x5ad: {  	[hbm4b:s21+s6] =	stream.indirect_vreg.scatter [tilespmem:s13], [sflag:$0x4], $0x80, v2, vm0, $0xb8;
	[tilespmem:$0x12000] =	vst v63  }
0x5ae: {  	_ = 	snop  }
0x5af: {  	[hbm4b:s22+s6] =	stream.indirect_vreg.scatter [tilespmem:s19], [sflag:$0x4], $0x80, v2, vm0, $0xb8;
	[tilespmem:$0x12000] =	vst v63  }
0x5b0: {  	_ = 	snop  }
0x5b1: {  	[hbm4b:s31+s6] =	stream.indirect_vreg.scatter [tilespmem:s18], [sflag:$0x4], $0x80, v2, vm0, $0xb8;
	[tilespmem:$0x12000] =	vst v63  }
0x5b2: {  	s9 =	sld [smem:$0x7F9]  }
0x5b3: {  	[hbm4b:s15+s6] =	stream.indirect_vreg.scatter [tilespmem:s17], [sflag:$0x4], $0x80, v2, vm0, $0xb8;
	[tilespmem:$0x12000] =	vst v63  }
0x5b4: {  	_ = 	snop  }
0x5b5: {  	[hbm4b:s9+s6] =	stream.indirect_vreg.scatter [tilespmem:s24], [sflag:$0x4], $0x80, v2, vm0, $0xb8;
	[tilespmem:$0x12000] =	vst v63  }
0x5b6: {  	s10 =	sld [smem:$0x7FB]  }
0x5b7: {  	[hbm4b:s4+s6] =	stream.indirect_vreg.scatter [tilespmem:s20], [sflag:$0x4], $0x80, v2, vm0, $0xb8;
	[tilespmem:$0x12000] =	vst v63  }
0x5b8: {  	_ = 	snop  }
0x5b9: {  	[hbm4b:s10+s6] =	stream.indirect_vreg.scatter [tilespmem:s25], [sflag:$0x4], $0x80, v2, vm0, $0xb8;
	[tilespmem:$0x12000] =	vst v63  }
0x5ba: {  	_ = 	snop  }
0x5bb: {  	[hbm4b:s3+s6] =	stream.indirect_vreg.scatter [tilespmem:s23], [sflag:$0x4], $0x80, v2, vm0, $0xb8;
	[tilespmem:$0x12000] =	vst v63  }
0x5bc: {  	_ = 	snop  }
0x5bd: {  	[hbm4b:s14+s6] =	stream.indirect_vreg.scatter [tilespmem:s26], [sflag:$0x4], $0x80, v2, vm0, $0xb8;
	[tilespmem:$0x12000] =	vst v63  }
0x5be: {  	_ = 	snop  }
0x5bf: {  	[hbm4b:s7+s6] =	stream.indirect_vreg.scatter [tilespmem:s28], [sflag:$0x4], $0x80, v2, vm0, $0xb8;
	[tilespmem:$0x12000] =	vst v63  }
0x5c0: {  	_ = 	snop  }
0x5c1: {  	[hbm4b:s2+s6] =	stream.indirect_vreg.scatter [tilespmem:s29], [sflag:$0x4], $0x80, v2, vm0, $0xb8;
	[tilespmem:$0x12000] =	vst v63  }
0x5c2: {  	s15 =	simm.s32 $0x3  }
0x5c3: {  	[hbm4b:s1+s6] =	stream.indirect_vreg.scatter [tilespmem:s30], [sflag:$0x4], $0x80, v2, vm0, $0xb8;
	[tilespmem:$0x12000] =	vst v63  }
0x5c4: {  	_ =	swait.ge [sflag:s15], $0x8000  }
0x5c5: {  	[sflag:s15] =	ssyncset.done $0x0  }
0x5c6: {  	s21 =	simm.s32 $0x4;
	[sflag:s15] =	ssyncadd.s32 $0xFFFF8000  }
0x5c7: {  	_ =	swait.ge [sflag:s21], $0x8000  }
0x5c8: {  	s22 =	sld [smem:$0x7D2];
	_ =	sdelay $0x2  }
0x5c9: {  	s31 =	rddreg [dreg:$0x18];
	s9 =	sadd.s32 $0x1, s22  }
0x5ca: {  	p0 =	sne.s32 s9, s31  }
.Ltmp4:
0x5cb: {  	_ = 	snop;
	(pc) =	sbr.rel @p0 .LBB2_1-.Ltmp4, $3  }
0x5cc: {  	_ =	sdelay $0x1  }
0x5cd: {  	[sflag:s21] =	ssyncset.done $0x0;
	s7 =	rddreg [dreg:$0xe]  }
0x5ce: {  	s2 =	rddreg [dreg:$0x10];
	[sflag:s21] =	ssyncadd.s32 $0xFFFF8000  }
0x5cf: {  	_ =	sfence.sel $0x180000  }
0x5d0: {  	[bflag:$0x0] =	sbarrier.arrive $0xFFFF  }
0x5d1: {  	_ =	strace $0x90000047  }
0x5d2: {  	s0 =	stileid.u32;
	[bflag:$0x2] =	sbarrier.arrive $0xFFFF  }
0x5d3: {  	p0 =	sne.s32 s0, $0x0;
	s0 =	rddreg [dreg:$0x5]  }
0x5d4: {  	s0 =	sadd.s32 @!p0 $0x100000, s0  }
0x5d5: {  	[sflag:s0] =	ssyncadd.tile.s32 @!p0 $0x1;
	_ =	shalt  }
.Lfunc_end2:
_tile_overlayer_lowered:
.L_overlay_start_2:
0x5d6: {  	(tag) =	ssettag $0x2  }
0x5d7: {  	s0 =	rddreg [dreg:$0x0];
	s2 =	stileid.u32  }
0x5d8: {  	s1 =	rddreg [dreg:$0x1];
	p0 =	sne.s32 s2, $0x0  }
0x5d9: {  	s3 =	rddreg [dreg:$0x2];
	[bflag:$0x3] =	sbarrier.arrive $0xFFFF;
	s2 =	simm.s32 @!p0 $0x1C06  }
0x5da: {  	[timem:s3], [sflag:s2] =	dma.local @!p0 [hbm:s0], s1  }
0x5db: {  	s0 =	simm.s32 @!p0 $0x6  }
0x5dc: {  	_ =	swait.ge @!p0 [sflag:s0], s1  }
0x5dd: {  	s1 =	ssub.s32 @!p0 $0x0, s1;
	[sflag:s0] =	ssyncset.done @!p0 $0x0  }
0x5de: {  	[sflag:s0] =	ssyncadd.s32 @!p0 s1  }
0x5df: {  	[bflag:$0x3] =	sbarrier.arrive $0xFFFF  }
0x5e0: {  	_ =	shalt  }

</sc_bundles>
